<compile_context>
chip_gen: v7x
topology: tpu7x:2x2x1
jax: 0.10.2.dev20260603
libtpu: 0.0.44.dev20260713+nightly
codegen_flags: <defaults>
</compile_context>

<pallas_src>
import functools

import jax
import jax.numpy as jnp
from jax import lax
from jax.experimental import pallas as pl
from jax.experimental.pallas import tpu as pltpu
from jax.experimental.pallas import tpu_sc as plsc

_N = 50000
_E = 800000
_D = 128
_G = 64
_H = 64
_HALF = 32

_NC = 2
_NS = 16
_CHUNK = 128
_SB = 28
_NBUF = 4
_CPT = 392
_NSB = _CPT // _SB
_EPT = _CPT * _CHUNK
_EPAD = _NS * _EPT


_NP = 50048
_RPT8 = _NP // _NS

_BLK = 2000
_NBLK = _N // _BLK

_BN_S = 1.0 / (1.0 + 1e-5) ** 0.5


@functools.cache
def _make_sc_gin_agg():
    mesh = plsc.VectorSubcoreMesh(
        core_axis_name="c", subcore_axis_name="s",
        num_cores=_NC, num_subcores=_NS)
    return pl.kernel(
        _sc_gin_agg_body,
        out_type=jax.ShapeDtypeStruct((_NC, _NP, _HALF), jnp.float32),
        mesh=mesh,
        scratch_types=[
            pltpu.VMEM((2, _SB, 2, _CHUNK), jnp.int32),
            pltpu.VMEM((_NBUF, _CHUNK, _HALF), jnp.float32),
            pltpu.SemaphoreType.DMA,
            pltpu.SemaphoreType.DMA,
            pltpu.SemaphoreType.DMA,
            pltpu.SemaphoreType.DMA,
            pltpu.SemaphoreType.DMA,
            pltpu.VMEM_SHARED((_NP + 8, _HALF), jnp.float32),
        ],
        compiler_params=pltpu.CompilerParams(use_tc_tiling_on_sc=False),
    )


def _sc_gin_agg(htab, srcdst):
    return _make_sc_gin_agg()(htab, srcdst)


def _sc_gin_agg_body(htab, srcdst, out, idx2, rows, sidx,
                     sr0, sr1, sr2, sr3, acc):
    c = lax.axis_index("c")
    s = lax.axis_index("s")
    rsems = (sr0, sr1, sr2, sr3)
    base = s * _CPT

    pltpu.sync_copy(htab.at[pl.ds(c * _NP + s * _RPT8, _RPT8)],
                    acc.at[pl.ds(s * _RPT8, _RPT8)])
    plsc.subcore_barrier()

    pltpu.sync_copy(srcdst.at[c, pl.ds(base, _SB)], idx2.at[0])
    for b in range(_NBUF):
        pltpu.async_copy(htab.at[idx2.at[0, b, 0]], rows.at[b], rsems[b])

    def sb_body(sb, carry):
        cur = lax.rem(sb, 2)
        nxt = 1 - cur

        @pl.when(sb < _NSB - 1)
        def _():
            pltpu.async_copy(srcdst.at[c, pl.ds(base + (sb + 1) * _SB, _SB)],
                             idx2.at[nxt], sidx)

        for j in range(_SB // _NBUF):
            if j == _SB // _NBUF - 1:
                @pl.when(sb < _NSB - 1)
                def _():
                    pltpu.make_async_copy(srcdst.at[c, pl.ds(base, _SB)],
                                          idx2.at[nxt], sidx).wait()
            for b in range(_NBUF):
                i = j * _NBUF + b
                pltpu.make_async_copy(htab.at[idx2.at[cur, i, 0]],
                                      rows.at[b], rsems[b]).wait()
                pltpu.sync_copy(rows.at[b], acc.at[idx2.at[cur, i, 1]],
                                add=True)
                if i + _NBUF < _SB:
                    pltpu.async_copy(htab.at[idx2.at[cur, i + _NBUF, 0]],
                                     rows.at[b], rsems[b])
                else:
                    @pl.when(sb < _NSB - 1)
                    def _(b=b, i=i):
                        pltpu.async_copy(
                            htab.at[idx2.at[nxt, i + _NBUF - _SB, 0]],
                            rows.at[b], rsems[b])
        return carry

    lax.fori_loop(0, _NSB, sb_body, 0)
    plsc.subcore_barrier()
    pltpu.sync_copy(acc.at[pl.ds(s * _RPT8, _RPT8)],
                    out.at[c, pl.ds(s * _RPT8, _RPT8)])


def _full(shape):
    return pl.BlockSpec(shape, lambda i: tuple(0 for _ in shape))


def _pre_body(x_ref, w1, b1, w2, b2, w3, b3, w4, b4, newx_ref, h2_ref):
    xb = x_ref[...]
    hs = jnp.maximum(jnp.dot(xb, w1[...], preferred_element_type=jnp.float32)
                     + b1[...], 0.0)
    hs = jnp.maximum(jnp.dot(hs, w2[...], preferred_element_type=jnp.float32)
                     + b2[...], 0.0)
    hi = jnp.maximum(jnp.dot(xb, w3[...], preferred_element_type=jnp.float32)
                     + b3[...], 0.0)
    hi = jnp.maximum(jnp.dot(hi, w4[...], preferred_element_type=jnp.float32)
                     + b4[...], 0.0)
    newx_ref[...] = jnp.concatenate([hi, hs], axis=1)
    h2_ref[0] = hi
    h2_ref[1] = hs


def _gin_mlp0_body(z2_ref, newx_ref, wa, ba, wb, bb, sc, btc, sbn, btbn,
                   g0_ref, h2_ref):
    zb = jnp.concatenate([z2_ref[0], z2_ref[1]], axis=1)
    t = jnp.dot(zb, wa[...], preferred_element_type=jnp.float32) + ba[...]
    t = jnp.maximum(t * sc[...] + btc[...], 0.0)
    u = jnp.dot(t, wb[...], preferred_element_type=jnp.float32) + bb[...]
    g0 = u * sbn[...] + btbn[...] + newx_ref[...]
    g0_ref[...] = g0
    h2_ref[0] = g0[:, :_HALF]
    h2_ref[1] = g0[:, _HALF:]


def _gin_mlp1_body(z2_ref, g0_ref, newx_ref, batch_ref, wa, ba, wb, bb,
                   sc, btc, sbn, btbn, sums_ref, cnt_ref):
    i = pl.program_id(0)
    zb = jnp.concatenate([z2_ref[0], z2_ref[1]], axis=1)
    t = jnp.dot(zb, wa[...], preferred_element_type=jnp.float32) + ba[...]
    t = jnp.maximum(t * sc[...] + btc[...], 0.0)
    u = jnp.dot(t, wb[...], preferred_element_type=jnp.float32) + bb[...]
    g1 = u * sbn[...] + btbn[...] + g0_ref[...] + newx_ref[...]
    bids = batch_ref[0, 0, :]
    oh = (bids[None, :] == lax.broadcasted_iota(jnp.int32, (_G, _BLK), 0)
          ).astype(jnp.float32)
    part_sums = jnp.dot(oh, g1, preferred_element_type=jnp.float32)
    part_cnt = jnp.broadcast_to(jnp.sum(oh, axis=1, keepdims=True), (_G, _H))

    @pl.when(i == 0)
    def _():
        sums_ref[...] = jnp.zeros_like(sums_ref)
        cnt_ref[...] = jnp.zeros_like(cnt_ref)

    sums_ref[...] += part_sums
    cnt_ref[...] += part_cnt


def _post_body(sums_ref, cnt_ref, w1, b1, w2, b2, out_ref):
    pooled = sums_ref[...] / jnp.maximum(cnt_ref[...], 1.0)
    h = jnp.maximum(jnp.dot(pooled, w1[...], preferred_element_type=jnp.float32)
                    + b1[...], 0.0)
    logits = jnp.dot(h, w2[...], preferred_element_type=jnp.float32) + b2[...]
    m = jnp.max(logits, axis=1, keepdims=True)
    z = logits - m
    out_ref[...] = z - jnp.log(jnp.sum(jnp.exp(z), axis=1, keepdims=True))


def kernel(x, edge_index, batch, params):
    p = params
    f32 = jnp.float32

    w1t = jnp.zeros((_D, 16), f32).at[_D - 2:, :].set(p['w_pre1'].T)
    w3t = jnp.zeros((_D, 16), f32).at[:_D - 2, :].set(p['w_pre3'].T)
    row = lambda v: v.reshape(1, -1)
    pre_ws = (w1t, row(p['b_pre1']), p['w_pre2'].T, row(p['b_pre2']),
              w3t, row(p['b_pre3']), p['w_pre4'].T, row(p['b_pre4']))

    def mlp_ws(i):
        return (p['w_c%da' % i].T, row(p['b_c%da' % i]),
                p['w_c%db' % i].T, row(p['b_c%db' % i]),
                row(p['g_c%d' % i]) * _BN_S, row(p['bt_c%d' % i]),
                row(p['g_bn%d' % i]) * _BN_S, row(p['bt_bn%d' % i]))

    src = edge_index[0]
    dst = edge_index[1]
    npad = _EPAD - _E
    srcp = jnp.concatenate([src, jnp.zeros((npad,), jnp.int32)]
                           ).reshape(_NS * _CPT, 1, _CHUNK)
    dstp = jnp.concatenate([dst, jnp.full((npad,), _NP, jnp.int32)]
                           ).reshape(_NS * _CPT, 1, _CHUNK)
    srcdst = jnp.stack([
        jnp.concatenate([srcp, dstp], axis=1),
        jnp.concatenate([srcp + _NP, dstp], axis=1)])
    batch3 = batch.reshape(_NBLK, 1, _BLK)

    row_spec = pl.BlockSpec((_BLK, _D), lambda i: (i, 0))
    h64_spec = pl.BlockSpec((_BLK, _H), lambda i: (i, 0))
    h2_spec = pl.BlockSpec((_NC, _BLK, _HALF), lambda i: (0, i, 0))
    w_specs = lambda ws: [_full(w.shape) for w in ws]

    new_x, h2 = pl.pallas_call(
        _pre_body,
        grid=(_NBLK,),
        in_specs=[row_spec] + w_specs(pre_ws),
        out_specs=[h64_spec, h2_spec],
        out_shape=[jax.ShapeDtypeStruct((_N, _H), f32),
                   jax.ShapeDtypeStruct((_NC, _NP, _HALF), f32)],
    )(x, *pre_ws)

    z0_2 = _sc_gin_agg(h2.reshape(_NC * _NP, _HALF), srcdst)

    ws0 = mlp_ws(0)
    g0, g0h2 = pl.pallas_call(
        _gin_mlp0_body,
        grid=(_NBLK,),
        in_specs=[h2_spec, h64_spec] + w_specs(ws0),
        out_specs=[h64_spec, h2_spec],
        out_shape=[jax.ShapeDtypeStruct((_N, _H), f32),
                   jax.ShapeDtypeStruct((_NC, _NP, _HALF), f32)],
    )(z0_2, new_x, *ws0)

    z1_2 = _sc_gin_agg(g0h2.reshape(_NC * _NP, _HALF), srcdst)

    ws1 = mlp_ws(1)
    acc_spec = pl.BlockSpec((_G, _H), lambda i: (0, 0))
    batch_spec = pl.BlockSpec((1, 1, _BLK), lambda i: (i, 0, 0))
    sums, cnt = pl.pallas_call(
        _gin_mlp1_body,
        grid=(_NBLK,),
        in_specs=[h2_spec, h64_spec, h64_spec, batch_spec] + w_specs(ws1),
        out_specs=[acc_spec, acc_spec],
        out_shape=[jax.ShapeDtypeStruct((_G, _H), f32),
                   jax.ShapeDtypeStruct((_G, _H), f32)],
    )(z1_2, g0, new_x, batch3, *ws1)

    post_ws = (p['w_post1'].T, row(p['b_post1']),
               p['w_post2'].T, row(p['b_post2']))
    out = pl.pallas_call(
        _post_body,
        out_shape=jax.ShapeDtypeStruct((_G, 7), f32),
    )(sums, cnt, *post_ws)
    return out

# --- scband reference (transcript-rebuilt; emitter-appended) ---
"""Pipeline reference for scband-struc-fea-gnn-58480274702513 (READ-ONLY COPY).

The authoritative reference and input builder live on the scoring server;
editing this copy changes nothing except your own understanding.
"""

import jax, jax.numpy as jnp
import numpy as np

N = 50000
E = 800000
D = 128
G = 64

def _linear(x, W, b):
    return x @ W.T + b

def _bn(x, g, b):
    # eval-mode BatchNorm1d with running_mean=0, running_var=1
    return x / jnp.sqrt(1.0 + 1e-5) * g + b

def setup_inputs(seed: int = 0) -> dict:
    key = jax.random.key(seed)
    ks = iter(jax.random.split(key, 60))
    x = jax.random.normal(next(ks), (N, D), dtype=jnp.float32)
    edge_index = jax.random.randint(next(ks), (2, E), 0, N, dtype=jnp.int32)
    batch = jnp.sort(jax.random.randint(next(ks), (N,), 0, G, dtype=jnp.int32))
    def w(shape):
        return jax.random.normal(next(ks), shape, dtype=jnp.float32) * 0.1
    params = {
        'w_pre1': w((16, 2)), 'b_pre1': w((16,)),
        'w_pre2': w((32, 16)), 'b_pre2': w((32,)),
        'w_pre3': w((16, D - 2)), 'b_pre3': w((16,)),
        'w_pre4': w((32, 16)), 'b_pre4': w((32,)),
        'w_post1': w((16, 64)), 'b_post1': w((16,)),
        'w_post2': w((7, 16)), 'b_post2': w((7,)),
    }
    for i in range(2):
        params['w_c%da' % i] = w((64, 64)); params['b_c%da' % i] = w((64,))
        params['g_c%d' % i] = jnp.ones((64,), jnp.float32); params['bt_c%d' % i] = jnp.zeros((64,), jnp.float32)
        params['w_c%db' % i] = w((64, 64)); params['b_c%db' % i] = w((64,))
        params['g_bn%d' % i] = jnp.ones((64,), jnp.float32); params['bt_bn%d' % i] = jnp.zeros((64,), jnp.float32)
    return {'x': x, 'edge_index': edge_index, 'batch': batch, 'params': params}

def _forward(x, params, edge_index, batch):
    p = params
    ident = x[:, :D - 2]
    struc = x[:, D - 2:]
    hs = jax.nn.relu(_linear(struc, p['w_pre1'], p['b_pre1']))
    hs = jax.nn.relu(_linear(hs, p['w_pre2'], p['b_pre2']))
    hi = jax.nn.relu(_linear(ident, p['w_pre3'], p['b_pre3']))
    hi = jax.nn.relu(_linear(hi, p['w_pre4'], p['b_pre4']))
    new_x = jnp.concatenate([hi, hs], axis=1)  # [N, 64]
    src = edge_index[0]
    dst = edge_index[1]
    def gin(h, i):
        # GINConv, eps=0: mlp((1+eps)*h + sum_{j in N(i)} h_j)
        agg = jnp.zeros_like(h).at[dst].add(h[src])
        z = agg + h
        z = _linear(z, p['w_c%da' % i], p['b_c%da' % i])
        z = jax.nn.relu(_bn(z, p['g_c%d' % i], p['bt_c%d' % i]))
        return _linear(z, p['w_c%db' % i], p['b_c%db' % i])
    # dropout p=0.5 is identity in eval mode
    g0 = _bn(gin(new_x, 0), p['g_bn0'], p['bt_bn0']) + new_x
    g1 = _bn(gin(g0, 1), p['g_bn1'], p['bt_bn1']) + g0 + new_x
    sums = jax.ops.segment_sum(g1, batch, num_segments=G)
    cnt = jax.ops.segment_sum(jnp.ones((N,), jnp.float32), batch, num_segments=G)
    pooled = sums / jnp.maximum(cnt, 1.0)[:, None]
    out = jax.nn.relu(_linear(pooled, p['w_post1'], p['b_post1']))
    out = _linear(out, p['w_post2'], p['b_post2'])
    return jax.nn.log_softmax(out, axis=1)

def reference(x, edge_index, batch, params):
    return _forward(x, params, edge_index, batch)

if __name__ == "__main__":
    import jax
    _d = setup_inputs()
    print(jax.jit(kernel)(*tuple(_d.values())))

</pallas_src>

<mosaic_0001>
#map = affine_map<(d0, d1) -> (0, 0)>
#map1 = affine_map<(d0, d1) -> (0, 0, 0, 0)>
#map2 = affine_map<(d0, d1) -> (0, 0, 0)>
module attributes {stable_mosaic.version = 14 : i64} {
  func.func @_sc_gin_agg_body(%arg0: i32, %arg1: i32, %arg2: memref<100096x32xf32, #tpu.memory_space<hbm>>, %arg3: memref<2x6272x2x128xi32, #tpu.memory_space<hbm>>, %arg4: memref<2x50048x32xf32, #tpu.memory_space<hbm>>, %arg5: memref<2x28x2x128xi32, #tpu.memory_space<vmem>>, %arg6: memref<4x128x32xf32, #tpu.memory_space<vmem>>, %arg7: memref<!tpu.dma_semaphore, #tpu.memory_space<semaphore_mem>>, %arg8: memref<!tpu.dma_semaphore, #tpu.memory_space<semaphore_mem>>, %arg9: memref<!tpu.dma_semaphore, #tpu.memory_space<semaphore_mem>>, %arg10: memref<!tpu.dma_semaphore, #tpu.memory_space<semaphore_mem>>, %arg11: memref<!tpu.dma_semaphore, #tpu.memory_space<semaphore_mem>>, %arg12: memref<50056x32xf32, #tpu.memory_space<vmem_shared>>) attributes {dimension_semantics = [#tpu.dimension_semantics<core_parallel>, #tpu.dimension_semantics<subcore_parallel>], iteration_bounds = array<i64: 2, 16>, scalar_prefetch = 0 : i64, scratch_operands = 8 : i64, tpu.core_type = #tpu.core_type<sc_vector_subcore>, window_params = [{transform_indices = #map}, {transform_indices = #map1}, {transform_indices = #map2}]} {
    %mul3A = arith.constant 392 : i32
    %mul3A_0 = arith.muli %arg1, %mul3A : i32
    %mul3A_1 = arith.constant 50048 : i32
    %mul3A_2 = arith.muli %arg0, %mul3A_1 : i32
    %mul3A_3 = arith.constant 3128 : i32
    %mul3A_4 = arith.muli %arg1, %mul3A_3 : i32
    %add3A = arith.addi %mul3A_2, %mul3A_4 : i32
    %mul3A_5 = arith.constant 3128 : i32
    %mul3A_6 = arith.muli %arg1, %mul3A_5 : i32
    "tpu.region"() ({
      %run_scoped3A_72 = tpu.sem_alloc : memref<!tpu.dma_semaphore, #tpu.memory_space<semaphore_mem>>
      %dma_start3A_73 = arith.constant 0 : i32
      %dma_start3A_74 = tpu.memref_slice %arg12[%mul3A_6, %dma_start3A_73] : memref<50056x32xf32, #tpu.memory_space<vmem_shared>> -> memref<3128x32xf32, #tpu.memory_space<vmem_shared>>
      %dma_start3A_75 = arith.constant 0 : i32
      %dma_start3A_76 = tpu.memref_slice %arg2[%add3A, %dma_start3A_75] : memref<100096x32xf32, #tpu.memory_space<hbm>> -> memref<3128x32xf32, #tpu.memory_space<hbm>>
      tpu.enqueue_dma source(%dma_start3A_76 : memref<3128x32xf32, #tpu.memory_space<hbm>>) target(%dma_start3A_74 : memref<3128x32xf32, #tpu.memory_space<vmem_shared>>) target_semaphore(%run_scoped3A_72 : memref<!tpu.dma_semaphore, #tpu.memory_space<semaphore_mem>>)
      %dma_wait3A = arith.constant 0 : i32
      %dma_wait3A_77 = tpu.memref_slice %arg12[%mul3A_6, %dma_wait3A] : memref<50056x32xf32, #tpu.memory_space<vmem_shared>> -> memref<3128x32xf32, #tpu.memory_space<vmem_shared>>
      %dma_wait3A_78 = arith.constant 0 : i32
      %dma_wait3A_79 = tpu.memref_slice %arg2[%add3A, %dma_wait3A_78] : memref<100096x32xf32, #tpu.memory_space<hbm>> -> memref<3128x32xf32, #tpu.memory_space<hbm>>
      tpu.wait_dma2 semaphore(%run_scoped3A_72 : memref<!tpu.dma_semaphore, #tpu.memory_space<semaphore_mem>>) src(%dma_wait3A_79 : memref<3128x32xf32, #tpu.memory_space<hbm>>) dst(%dma_wait3A_77 : memref<3128x32xf32, #tpu.memory_space<vmem_shared>>)
      tpu.yield
    }) : () -> ()
    %barrier3A = arith.constant 0 : index
    tpu.barrier barrier_id(%barrier3A)
    %run_scoped3A = arith.constant 0 : i32
    "tpu.region"() ({
      %run_scoped3A_72 = tpu.sem_alloc : memref<!tpu.dma_semaphore, #tpu.memory_space<semaphore_mem>>
      %dma_start3A_73 = arith.constant 0 : i32
      %dma_start3A_74 = arith.constant 0 : i32
      %dma_start3A_75 = arith.constant 0 : i32
      %dma_start3A_76 = tpu.memref_slice %arg5[%run_scoped3A, %dma_start3A_73, %dma_start3A_74, %dma_start3A_75] : memref<2x28x2x128xi32, #tpu.memory_space<vmem>> -> memref<1x28x2x128xi32, #tpu.memory_space<vmem>>
      %dma_start3A_77 = tpu.memref_squeeze %dma_start3A_76 : memref<1x28x2x128xi32, #tpu.memory_space<vmem>> -> memref<28x2x128xi32, #tpu.memory_space<vmem>>
      %dma_start3A_78 = arith.constant 0 : i32
      %dma_start3A_79 = arith.constant 0 : i32
      %dma_start3A_80 = tpu.memref_slice %arg3[%arg0, %mul3A_0, %dma_start3A_78, %dma_start3A_79] : memref<2x6272x2x128xi32, #tpu.memory_space<hbm>> -> memref<1x28x2x128xi32, #tpu.memory_space<hbm>>
      %dma_start3A_81 = tpu.memref_squeeze %dma_start3A_80 : memref<1x28x2x128xi32, #tpu.memory_space<hbm>> -> memref<28x2x128xi32, #tpu.memory_space<hbm>>
      %dma_start3A_82 = arith.constant 0 : i32
      %dma_start3A_83 = arith.constant 0 : i32
      %dma_start3A_84 = arith.constant 0 : i32
      %dma_start3A_85 = tpu.memref_slice %arg5[%run_scoped3A, %dma_start3A_82, %dma_start3A_83, %dma_start3A_84] : memref<2x28x2x128xi32, #tpu.memory_space<vmem>> -> memref<1x28x2x128xi32, #tpu.memory_space<vmem>>
      %dma_start3A_86 = tpu.memref_squeeze %dma_start3A_85 : memref<1x28x2x128xi32, #tpu.memory_space<vmem>> -> memref<28x2x128xi32, #tpu.memory_space<vmem>>
      %dma_start3A_87 = arith.constant 0 : i32
      %dma_start3A_88 = arith.constant 0 : i32
      %dma_start3A_89 = tpu.memref_slice %arg3[%arg0, %mul3A_0, %dma_start3A_87, %dma_start3A_88] : memref<2x6272x2x128xi32, #tpu.memory_space<hbm>> -> memref<1x28x2x128xi32, #tpu.memory_space<hbm>>
      %dma_start3A_90 = tpu.memref_squeeze %dma_start3A_89 : memref<1x28x2x128xi32, #tpu.memory_space<hbm>> -> memref<28x2x128xi32, #tpu.memory_space<hbm>>
      tpu.enqueue_dma source(%dma_start3A_90 : memref<28x2x128xi32, #tpu.memory_space<hbm>>) target(%dma_start3A_86 : memref<28x2x128xi32, #tpu.memory_space<vmem>>) target_semaphore(%run_scoped3A_72 : memref<!tpu.dma_semaphore, #tpu.memory_space<semaphore_mem>>)
      %dma_wait3A = arith.constant 0 : i32
      %dma_wait3A_91 = arith.constant 0 : i32
      %dma_wait3A_92 = arith.constant 0 : i32
      %dma_wait3A_93 = tpu.memref_slice %arg5[%run_scoped3A, %dma_wait3A, %dma_wait3A_91, %dma_wait3A_92] : memref<2x28x2x128xi32, #tpu.memory_space<vmem>> -> memref<1x28x2x128xi32, #tpu.memory_space<vmem>>
      %dma_wait3A_94 = tpu.memref_squeeze %dma_wait3A_93 : memref<1x28x2x128xi32, #tpu.memory_space<vmem>> -> memref<28x2x128xi32, #tpu.memory_space<vmem>>
      %dma_wait3A_95 = arith.constant 0 : i32
      %dma_wait3A_96 = arith.constant 0 : i32
      %dma_wait3A_97 = tpu.memref_slice %arg3[%arg0, %mul3A_0, %dma_wait3A_95, %dma_wait3A_96] : memref<2x6272x2x128xi32, #tpu.memory_space<hbm>> -> memref<1x28x2x128xi32, #tpu.memory_space<hbm>>
      %dma_wait3A_98 = tpu.memref_squeeze %dma_wait3A_97 : memref<1x28x2x128xi32, #tpu.memory_space<hbm>> -> memref<28x2x128xi32, #tpu.memory_space<hbm>>
      %dma_wait3A_99 = arith.constant 0 : i32
      %dma_wait3A_100 = arith.constant 0 : i32
      %dma_wait3A_101 = arith.constant 0 : i32
      %dma_wait3A_102 = tpu.memref_slice %arg5[%run_scoped3A, %dma_wait3A_99, %dma_wait3A_100, %dma_wait3A_101] : memref<2x28x2x128xi32, #tpu.memory_space<vmem>> -> memref<1x28x2x128xi32, #tpu.memory_space<vmem>>
      %dma_wait3A_103 = tpu.memref_squeeze %dma_wait3A_102 : memref<1x28x2x128xi32, #tpu.memory_space<vmem>> -> memref<28x2x128xi32, #tpu.memory_space<vmem>>
      %dma_wait3A_104 = arith.constant 0 : i32
      %dma_wait3A_105 = arith.constant 0 : i32
      %dma_wait3A_106 = tpu.memref_slice %arg3[%arg0, %mul3A_0, %dma_wait3A_104, %dma_wait3A_105] : memref<2x6272x2x128xi32, #tpu.memory_space<hbm>> -> memref<1x28x2x128xi32, #tpu.memory_space<hbm>>
      %dma_wait3A_107 = tpu.memref_squeeze %dma_wait3A_106 : memref<1x28x2x128xi32, #tpu.memory_space<hbm>> -> memref<28x2x128xi32, #tpu.memory_space<hbm>>
      tpu.wait_dma2 semaphore(%run_scoped3A_72 : memref<!tpu.dma_semaphore, #tpu.memory_space<semaphore_mem>>) src(%dma_wait3A_107 : memref<28x2x128xi32, #tpu.memory_space<hbm>>) dst(%dma_wait3A_103 : memref<28x2x128xi32, #tpu.memory_space<vmem>>)
      tpu.yield
    }) : () -> ()
    %dma_start3A = arith.constant 0 : i32
    %dma_start3A_7 = arith.constant 0 : i32
    %dma_start3A_8 = arith.constant 0 : i32
    %dma_start3A_9 = arith.constant 0 : i32
    %dma_start3A_10 = arith.constant 0 : i32
    %dma_start3A_11 = arith.constant 0 : i32
    %dma_start3A_12 = tpu.memref_slice %arg6[%dma_start3A_9, %dma_start3A_10, %dma_start3A_11] : memref<4x128x32xf32, #tpu.memory_space<vmem>> -> memref<1x128x32xf32, #tpu.memory_space<vmem>>
    %dma_start3A_13 = tpu.memref_squeeze %dma_start3A_12 : memref<1x128x32xf32, #tpu.memory_space<vmem>> -> memref<128x32xf32, #tpu.memory_space<vmem>>
    %dma_start3A_14 = arith.constant 0 : i32
    %dma_start3A_15 = tpu.memref_slice %arg5[%dma_start3A, %dma_start3A_7, %dma_start3A_8, %dma_start3A_14] : memref<2x28x2x128xi32, #tpu.memory_space<vmem>> -> memref<1x1x1x128xi32, #tpu.memory_space<vmem>>
    %dma_start3A_16 = tpu.memref_squeeze %dma_start3A_15 : memref<1x1x1x128xi32, #tpu.memory_space<vmem>> -> memref<128xi32, #tpu.memory_space<vmem>>
    %dma_start3A_17 = arith.constant 0 : i32
    %dma_start3A_18 = arith.constant 0 : i32
    %dma_start3A_19 = tpu.memref_slice %arg2[%dma_start3A_17, %dma_start3A_18] : memref<100096x32xf32, #tpu.memory_space<hbm>> -> memref<100096x32xf32, #tpu.memory_space<hbm>>
    tpu.enqueue_indirect_dma source(%dma_start3A_19 : memref<100096x32xf32, #tpu.memory_space<hbm>>) target(%dma_start3A_13 : memref<128x32xf32, #tpu.memory_space<vmem>>) offsets(%dma_start3A_16 : memref<128xi32, #tpu.memory_space<vmem>>) semaphore(%arg8 : memref<!tpu.dma_semaphore, #tpu.memory_space<semaphore_mem>>)
    %dma_start3A_20 = arith.constant 0 : i32
    %dma_start3A_21 = arith.constant 1 : i32
    %dma_start3A_22 = arith.constant 0 : i32
    %dma_start3A_23 = arith.constant 1 : i32
    %dma_start3A_24 = arith.constant 0 : i32
    %dma_start3A_25 = arith.constant 0 : i32
    %dma_start3A_26 = tpu.memref_slice %arg6[%dma_start3A_23, %dma_start3A_24, %dma_start3A_25] : memref<4x128x32xf32, #tpu.memory_space<vmem>> -> memref<1x128x32xf32, #tpu.memory_space<vmem>>
    %dma_start3A_27 = tpu.memref_squeeze %dma_start3A_26 : memref<1x128x32xf32, #tpu.memory_space<vmem>> -> memref<128x32xf32, #tpu.memory_space<vmem>>
    %dma_start3A_28 = arith.constant 0 : i32
    %dma_start3A_29 = tpu.memref_slice %arg5[%dma_start3A_20, %dma_start3A_21, %dma_start3A_22, %dma_start3A_28] : memref<2x28x2x128xi32, #tpu.memory_space<vmem>> -> memref<1x1x1x128xi32, #tpu.memory_space<vmem>>
    %dma_start3A_30 = tpu.memref_squeeze %dma_start3A_29 : memref<1x1x1x128xi32, #tpu.memory_space<vmem>> -> memref<128xi32, #tpu.memory_space<vmem>>
    %dma_start3A_31 = arith.constant 0 : i32
    %dma_start3A_32 = arith.constant 0 : i32
    %dma_start3A_33 = tpu.memref_slice %arg2[%dma_start3A_31, %dma_start3A_32] : memref<100096x32xf32, #tpu.memory_space<hbm>> -> memref<100096x32xf32, #tpu.memory_space<hbm>>
    tpu.enqueue_indirect_dma source(%dma_start3A_33 : memref<100096x32xf32, #tpu.memory_space<hbm>>) target(%dma_start3A_27 : memref<128x32xf32, #tpu.memory_space<vmem>>) offsets(%dma_start3A_30 : memref<128xi32, #tpu.memory_space<vmem>>) semaphore(%arg9 : memref<!tpu.dma_semaphore, #tpu.memory_space<semaphore_mem>>)
    %dma_start3A_34 = arith.constant 0 : i32
    %dma_start3A_35 = arith.constant 2 : i32
    %dma_start3A_36 = arith.constant 0 : i32
    %dma_start3A_37 = arith.constant 2 : i32
    %dma_start3A_38 = arith.constant 0 : i32
    %dma_start3A_39 = arith.constant 0 : i32
    %dma_start3A_40 = tpu.memref_slice %arg6[%dma_start3A_37, %dma_start3A_38, %dma_start3A_39] : memref<4x128x32xf32, #tpu.memory_space<vmem>> -> memref<1x128x32xf32, #tpu.memory_space<vmem>>
    %dma_start3A_41 = tpu.memref_squeeze %dma_start3A_40 : memref<1x128x32xf32, #tpu.memory_space<vmem>> -> memref<128x32xf32, #tpu.memory_space<vmem>>
    %dma_start3A_42 = arith.constant 0 : i32
    %dma_start3A_43 = tpu.memref_slice %arg5[%dma_start3A_34, %dma_start3A_35, %dma_start3A_36, %dma_start3A_42] : memref<2x28x2x128xi32, #tpu.memory_space<vmem>> -> memref<1x1x1x128xi32, #tpu.memory_space<vmem>>
    %dma_start3A_44 = tpu.memref_squeeze %dma_start3A_43 : memref<1x1x1x128xi32, #tpu.memory_space<vmem>> -> memref<128xi32, #tpu.memory_space<vmem>>
    %dma_start3A_45 = arith.constant 0 : i32
    %dma_start3A_46 = arith.constant 0 : i32
    %dma_start3A_47 = tpu.memref_slice %arg2[%dma_start3A_45, %dma_start3A_46] : memref<100096x32xf32, #tpu.memory_space<hbm>> -> memref<100096x32xf32, #tpu.memory_space<hbm>>
    tpu.enqueue_indirect_dma source(%dma_start3A_47 : memref<100096x32xf32, #tpu.memory_space<hbm>>) target(%dma_start3A_41 : memref<128x32xf32, #tpu.memory_space<vmem>>) offsets(%dma_start3A_44 : memref<128xi32, #tpu.memory_space<vmem>>) semaphore(%arg10 : memref<!tpu.dma_semaphore, #tpu.memory_space<semaphore_mem>>)
    %dma_start3A_48 = arith.constant 0 : i32
    %dma_start3A_49 = arith.constant 3 : i32
    %dma_start3A_50 = arith.constant 0 : i32
    %dma_start3A_51 = arith.constant 3 : i32
    %dma_start3A_52 = arith.constant 0 : i32
    %dma_start3A_53 = arith.constant 0 : i32
    %dma_start3A_54 = tpu.memref_slice %arg6[%dma_start3A_51, %dma_start3A_52, %dma_start3A_53] : memref<4x128x32xf32, #tpu.memory_space<vmem>> -> memref<1x128x32xf32, #tpu.memory_space<vmem>>
    %dma_start3A_55 = tpu.memref_squeeze %dma_start3A_54 : memref<1x128x32xf32, #tpu.memory_space<vmem>> -> memref<128x32xf32, #tpu.memory_space<vmem>>
    %dma_start3A_56 = arith.constant 0 : i32
    %dma_start3A_57 = tpu.memref_slice %arg5[%dma_start3A_48, %dma_start3A_49, %dma_start3A_50, %dma_start3A_56] : memref<2x28x2x128xi32, #tpu.memory_space<vmem>> -> memref<1x1x1x128xi32, #tpu.memory_space<vmem>>
    %dma_start3A_58 = tpu.memref_squeeze %dma_start3A_57 : memref<1x1x1x128xi32, #tpu.memory_space<vmem>> -> memref<128xi32, #tpu.memory_space<vmem>>
    %dma_start3A_59 = arith.constant 0 : i32
    %dma_start3A_60 = arith.constant 0 : i32
    %dma_start3A_61 = tpu.memref_slice %arg2[%dma_start3A_59, %dma_start3A_60] : memref<100096x32xf32, #tpu.memory_space<hbm>> -> memref<100096x32xf32, #tpu.memory_space<hbm>>
    tpu.enqueue_indirect_dma source(%dma_start3A_61 : memref<100096x32xf32, #tpu.memory_space<hbm>>) target(%dma_start3A_55 : memref<128x32xf32, #tpu.memory_space<vmem>>) offsets(%dma_start3A_58 : memref<128xi32, #tpu.memory_space<vmem>>) semaphore(%arg11 : memref<!tpu.dma_semaphore, #tpu.memory_space<semaphore_mem>>)
    %scan3A = arith.constant 0 : i32
    %scan3A_62 = arith.constant 0 : i32
    %scan3A_63 = arith.constant 14 : i32
    %scan3A_64 = arith.addi %scan3A_62, %scan3A_63 : i32
    %scan3A_65 = arith.constant 1 : i32
    scf.for %scan3A_72 = %scan3A_62 to %scan3A_64 step %scan3A_65  : i32 {
      %rem3A = arith.constant 2 : i32
      %rem3A_73 = arith.remsi %scan3A_72, %rem3A : i32
      %sub3A = arith.constant 1 : i32
      %sub3A_74 = arith.subi %sub3A, %rem3A_73 : i32
      %lt3A = arith.constant 13 : i32
      %lt3A_75 = arith.cmpi slt, %scan3A_72, %lt3A : i32
      %convert_element_type3A = arith.extui %lt3A_75 : i1 to i32
      %cond3A = arith.constant 0 : i32
      %cond3A_76 = arith.cmpi ne, %convert_element_type3A, %cond3A : i32
      scf.if %cond3A_76 {
        %add3A_861 = arith.constant 1 : i32
        %add3A_862 = arith.addi %scan3A_72, %add3A_861 : i32
        %mul3A_863 = arith.constant 28 : i32
        %mul3A_864 = arith.muli %add3A_862, %mul3A_863 : i32
        %add3A_865 = arith.addi %mul3A_0, %mul3A_864 : i32
        %dma_start3A_866 = arith.constant 0 : i32
        %dma_start3A_867 = arith.constant 0 : i32
        %dma_start3A_868 = arith.constant 0 : i32
        %dma_start3A_869 = tpu.memref_slice %arg5[%sub3A_74, %dma_start3A_866, %dma_start3A_867, %dma_start3A_868] : memref<2x28x2x128xi32, #tpu.memory_space<vmem>> -> memref<1x28x2x128xi32, #tpu.memory_space<vmem>>
        %dma_start3A_870 = tpu.memref_squeeze %dma_start3A_869 : memref<1x28x2x128xi32, #tpu.memory_space<vmem>> -> memref<28x2x128xi32, #tpu.memory_space<vmem>>
        %dma_start3A_871 = arith.constant 0 : i32
        %dma_start3A_872 = arith.constant 0 : i32
        %dma_start3A_873 = tpu.memref_slice %arg3[%arg0, %add3A_865, %dma_start3A_871, %dma_start3A_872] : memref<2x6272x2x128xi32, #tpu.memory_space<hbm>> -> memref<1x28x2x128xi32, #tpu.memory_space<hbm>>
        %dma_start3A_874 = tpu.memref_squeeze %dma_start3A_873 : memref<1x28x2x128xi32, #tpu.memory_space<hbm>> -> memref<28x2x128xi32, #tpu.memory_space<hbm>>
        %dma_start3A_875 = arith.constant 0 : i32
        %dma_start3A_876 = arith.constant 0 : i32
        %dma_start3A_877 = arith.constant 0 : i32
        %dma_start3A_878 = tpu.memref_slice %arg5[%sub3A_74, %dma_start3A_875, %dma_start3A_876, %dma_start3A_877] : memref<2x28x2x128xi32, #tpu.memory_space<vmem>> -> memref<1x28x2x128xi32, #tpu.memory_space<vmem>>
        %dma_start3A_879 = tpu.memref_squeeze %dma_start3A_878 : memref<1x28x2x128xi32, #tpu.memory_space<vmem>> -> memref<28x2x128xi32, #tpu.memory_space<vmem>>
        %dma_start3A_880 = arith.constant 0 : i32
        %dma_start3A_881 = arith.constant 0 : i32
        %dma_start3A_882 = tpu.memref_slice %arg3[%arg0, %add3A_865, %dma_start3A_880, %dma_start3A_881] : memref<2x6272x2x128xi32, #tpu.memory_space<hbm>> -> memref<1x28x2x128xi32, #tpu.memory_space<hbm>>
        %dma_start3A_883 = tpu.memref_squeeze %dma_start3A_882 : memref<1x28x2x128xi32, #tpu.memory_space<hbm>> -> memref<28x2x128xi32, #tpu.memory_space<hbm>>
        tpu.enqueue_dma source(%dma_start3A_883 : memref<28x2x128xi32, #tpu.memory_space<hbm>>) target(%dma_start3A_879 : memref<28x2x128xi32, #tpu.memory_space<vmem>>) target_semaphore(%arg7 : memref<!tpu.dma_semaphore, #tpu.memory_space<semaphore_mem>>)
      } else {
      }
      %dma_wait3A = arith.constant 0 : i32
      %dma_wait3A_77 = arith.constant 0 : i32
      %dma_wait3A_78 = arith.constant 0 : i32
      %dma_wait3A_79 = arith.constant 0 : i32
      %dma_wait3A_80 = arith.constant 0 : i32
      %dma_wait3A_81 = tpu.memref_slice %arg6[%dma_wait3A_78, %dma_wait3A_79, %dma_wait3A_80] : memref<4x128x32xf32, #tpu.memory_space<vmem>> -> memref<1x128x32xf32, #tpu.memory_space<vmem>>
      %dma_wait3A_82 = tpu.memref_squeeze %dma_wait3A_81 : memref<1x128x32xf32, #tpu.memory_space<vmem>> -> memref<128x32xf32, #tpu.memory_space<vmem>>
      %dma_wait3A_83 = arith.constant 0 : i32
      %dma_wait3A_84 = tpu.memref_slice %arg5[%rem3A_73, %dma_wait3A, %dma_wait3A_77, %dma_wait3A_83] : memref<2x28x2x128xi32, #tpu.memory_space<vmem>> -> memref<1x1x1x128xi32, #tpu.memory_space<vmem>>
      %dma_wait3A_85 = tpu.memref_squeeze %dma_wait3A_84 : memref<1x1x1x128xi32, #tpu.memory_space<vmem>> -> memref<128xi32, #tpu.memory_space<vmem>>
      %dma_wait3A_86 = arith.constant 0 : i32
      %dma_wait3A_87 = arith.constant 0 : i32
      %dma_wait3A_88 = tpu.memref_slice %arg2[%dma_wait3A_86, %dma_wait3A_87] : memref<100096x32xf32, #tpu.memory_space<hbm>> -> memref<100096x32xf32, #tpu.memory_space<hbm>>
      tpu.wait_indirect_dma semaphore(%arg8 : memref<!tpu.dma_semaphore, #tpu.memory_space<semaphore_mem>>) src(%dma_wait3A_88 : memref<100096x32xf32, #tpu.memory_space<hbm>>) dst(%dma_wait3A_82 : memref<128x32xf32, #tpu.memory_space<vmem>>)
      %run_scoped3A_89 = arith.constant 0 : i32
      %run_scoped3A_90 = arith.constant 0 : i32
      %run_scoped3A_91 = arith.constant 1 : i32
      "tpu.region"() ({
        %run_scoped3A_861 = tpu.sem_alloc : memref<!tpu.dma_semaphore, #tpu.memory_space<semaphore_mem>>
        %dma_start3A_862 = arith.constant 0 : i32
        %dma_start3A_863 = arith.constant 0 : i32
        %dma_start3A_864 = tpu.memref_slice %arg6[%run_scoped3A_89, %dma_start3A_862, %dma_start3A_863] : memref<4x128x32xf32, #tpu.memory_space<vmem>> -> memref<1x128x32xf32, #tpu.memory_space<vmem>>
        %dma_start3A_865 = tpu.memref_squeeze %dma_start3A_864 : memref<1x128x32xf32, #tpu.memory_space<vmem>> -> memref<128x32xf32, #tpu.memory_space<vmem>>
        %dma_start3A_866 = arith.constant 0 : i32
        %dma_start3A_867 = tpu.memref_slice %arg5[%rem3A_73, %run_scoped3A_90, %run_scoped3A_91, %dma_start3A_866] : memref<2x28x2x128xi32, #tpu.memory_space<vmem>> -> memref<1x1x1x128xi32, #tpu.memory_space<vmem>>
        %dma_start3A_868 = tpu.memref_squeeze %dma_start3A_867 : memref<1x1x1x128xi32, #tpu.memory_space<vmem>> -> memref<128xi32, #tpu.memory_space<vmem>>
        %dma_start3A_869 = arith.constant 0 : i32
        %dma_start3A_870 = arith.constant 0 : i32
        %dma_start3A_871 = tpu.memref_slice %arg12[%dma_start3A_869, %dma_start3A_870] : memref<50056x32xf32, #tpu.memory_space<vmem_shared>> -> memref<50056x32xf32, #tpu.memory_space<vmem_shared>>
        tpu.enqueue_indirect_dma source(%dma_start3A_865 : memref<128x32xf32, #tpu.memory_space<vmem>>) target(%dma_start3A_871 : memref<50056x32xf32, #tpu.memory_space<vmem_shared>>) offsets(%dma_start3A_868 : memref<128xi32, #tpu.memory_space<vmem>>) semaphore(%run_scoped3A_861 : memref<!tpu.dma_semaphore, #tpu.memory_space<semaphore_mem>>) {add = true}
        %dma_wait3A_872 = arith.constant 0 : i32
        %dma_wait3A_873 = arith.constant 0 : i32
        %dma_wait3A_874 = tpu.memref_slice %arg6[%run_scoped3A_89, %dma_wait3A_872, %dma_wait3A_873] : memref<4x128x32xf32, #tpu.memory_space<vmem>> -> memref<1x128x32xf32, #tpu.memory_space<vmem>>
        %dma_wait3A_875 = tpu.memref_squeeze %dma_wait3A_874 : memref<1x128x32xf32, #tpu.memory_space<vmem>> -> memref<128x32xf32, #tpu.memory_space<vmem>>
        %dma_wait3A_876 = arith.constant 0 : i32
        %dma_wait3A_877 = tpu.memref_slice %arg5[%rem3A_73, %run_scoped3A_90, %run_scoped3A_91, %dma_wait3A_876] : memref<2x28x2x128xi32, #tpu.memory_space<vmem>> -> memref<1x1x1x128xi32, #tpu.memory_space<vmem>>
        %dma_wait3A_878 = tpu.memref_squeeze %dma_wait3A_877 : memref<1x1x1x128xi32, #tpu.memory_space<vmem>> -> memref<128xi32, #tpu.memory_space<vmem>>
        %dma_wait3A_879 = arith.constant 0 : i32
        %dma_wait3A_880 = arith.constant 0 : i32
        %dma_wait3A_881 = tpu.memref_slice %arg12[%dma_wait3A_879, %dma_wait3A_880] : memref<50056x32xf32, #tpu.memory_space<vmem_shared>> -> memref<50056x32xf32, #tpu.memory_space<vmem_shared>>
        tpu.wait_indirect_dma semaphore(%run_scoped3A_861 : memref<!tpu.dma_semaphore, #tpu.memory_space<semaphore_mem>>) src(%dma_wait3A_875 : memref<128x32xf32, #tpu.memory_space<vmem>>) dst(%dma_wait3A_881 : memref<50056x32xf32, #tpu.memory_space<vmem_shared>>)
        tpu.yield
      }) : () -> ()
      %dma_start3A_92 = arith.constant 4 : i32
      %dma_start3A_93 = arith.constant 0 : i32
      %dma_start3A_94 = arith.constant 0 : i32
      %dma_start3A_95 = arith.constant 0 : i32
      %dma_start3A_96 = arith.constant 0 : i32
      %dma_start3A_97 = tpu.memref_slice %arg6[%dma_start3A_94, %dma_start3A_95, %dma_start3A_96] : memref<4x128x32xf32, #tpu.memory_space<vmem>> -> memref<1x128x32xf32, #tpu.memory_space<vmem>>
      %dma_start3A_98 = tpu.memref_squeeze %dma_start3A_97 : memref<1x128x32xf32, #tpu.memory_space<vmem>> -> memref<128x32xf32, #tpu.memory_space<vmem>>
      %dma_start3A_99 = arith.constant 0 : i32
      %dma_start3A_100 = tpu.memref_slice %arg5[%rem3A_73, %dma_start3A_92, %dma_start3A_93, %dma_start3A_99] : memref<2x28x2x128xi32, #tpu.memory_space<vmem>> -> memref<1x1x1x128xi32, #tpu.memory_space<vmem>>
      %dma_start3A_101 = tpu.memref_squeeze %dma_start3A_100 : memref<1x1x1x128xi32, #tpu.memory_space<vmem>> -> memref<128xi32, #tpu.memory_space<vmem>>
      %dma_start3A_102 = arith.constant 0 : i32
      %dma_start3A_103 = arith.constant 0 : i32
      %dma_start3A_104 = tpu.memref_slice %arg2[%dma_start3A_102, %dma_start3A_103] : memref<100096x32xf32, #tpu.memory_space<hbm>> -> memref<100096x32xf32, #tpu.memory_space<hbm>>
      tpu.enqueue_indirect_dma source(%dma_start3A_104 : memref<100096x32xf32, #tpu.memory_space<hbm>>) target(%dma_start3A_98 : memref<128x32xf32, #tpu.memory_space<vmem>>) offsets(%dma_start3A_101 : memref<128xi32, #tpu.memory_space<vmem>>) semaphore(%arg8 : memref<!tpu.dma_semaphore, #tpu.memory_space<semaphore_mem>>)
      %dma_wait3A_105 = arith.constant 1 : i32
      %dma_wait3A_106 = arith.constant 0 : i32
      %dma_wait3A_107 = arith.constant 1 : i32
      %dma_wait3A_108 = arith.constant 0 : i32
      %dma_wait3A_109 = arith.constant 0 : i32
      %dma_wait3A_110 = tpu.memref_slice %arg6[%dma_wait3A_107, %dma_wait3A_108, %dma_wait3A_109] : memref<4x128x32xf32, #tpu.memory_space<vmem>> -> memref<1x128x32xf32, #tpu.memory_space<vmem>>
      %dma_wait3A_111 = tpu.memref_squeeze %dma_wait3A_110 : memref<1x128x32xf32, #tpu.memory_space<vmem>> -> memref<128x32xf32, #tpu.memory_space<vmem>>
      %dma_wait3A_112 = arith.constant 0 : i32
      %dma_wait3A_113 = tpu.memref_slice %arg5[%rem3A_73, %dma_wait3A_105, %dma_wait3A_106, %dma_wait3A_112] : memref<2x28x2x128xi32, #tpu.memory_space<vmem>> -> memref<1x1x1x128xi32, #tpu.memory_space<vmem>>
      %dma_wait3A_114 = tpu.memref_squeeze %dma_wait3A_113 : memref<1x1x1x128xi32, #tpu.memory_space<vmem>> -> memref<128xi32, #tpu.memory_space<vmem>>
      %dma_wait3A_115 = arith.constant 0 : i32
      %dma_wait3A_116 = arith.constant 0 : i32
      %dma_wait3A_117 = tpu.memref_slice %arg2[%dma_wait3A_115, %dma_wait3A_116] : memref<100096x32xf32, #tpu.memory_space<hbm>> -> memref<100096x32xf32, #tpu.memory_space<hbm>>
      tpu.wait_indirect_dma semaphore(%arg9 : memref<!tpu.dma_semaphore, #tpu.memory_space<semaphore_mem>>) src(%dma_wait3A_117 : memref<100096x32xf32, #tpu.memory_space<hbm>>) dst(%dma_wait3A_111 : memref<128x32xf32, #tpu.memory_space<vmem>>)
      %run_scoped3A_118 = arith.constant 1 : i32
      %run_scoped3A_119 = arith.constant 1 : i32
      %run_scoped3A_120 = arith.constant 1 : i32
      "tpu.region"() ({
        %run_scoped3A_861 = tpu.sem_alloc : memref<!tpu.dma_semaphore, #tpu.memory_space<semaphore_mem>>
        %dma_start3A_862 = arith.constant 0 : i32
        %dma_start3A_863 = arith.constant 0 : i32
        %dma_start3A_864 = tpu.memref_slice %arg6[%run_scoped3A_118, %dma_start3A_862, %dma_start3A_863] : memref<4x128x32xf32, #tpu.memory_space<vmem>> -> memref<1x128x32xf32, #tpu.memory_space<vmem>>
        %dma_start3A_865 = tpu.memref_squeeze %dma_start3A_864 : memref<1x128x32xf32, #tpu.memory_space<vmem>> -> memref<128x32xf32, #tpu.memory_space<vmem>>
        %dma_start3A_866 = arith.constant 0 : i32
        %dma_start3A_867 = tpu.memref_slice %arg5[%rem3A_73, %run_scoped3A_119, %run_scoped3A_120, %dma_start3A_866] : memref<2x28x2x128xi32, #tpu.memory_space<vmem>> -> memref<1x1x1x128xi32, #tpu.memory_space<vmem>>
        %dma_start3A_868 = tpu.memref_squeeze %dma_start3A_867 : memref<1x1x1x128xi32, #tpu.memory_space<vmem>> -> memref<128xi32, #tpu.memory_space<vmem>>
        %dma_start3A_869 = arith.constant 0 : i32
        %dma_start3A_870 = arith.constant 0 : i32
        %dma_start3A_871 = tpu.memref_slice %arg12[%dma_start3A_869, %dma_start3A_870] : memref<50056x32xf32, #tpu.memory_space<vmem_shared>> -> memref<50056x32xf32, #tpu.memory_space<vmem_shared>>
        tpu.enqueue_indirect_dma source(%dma_start3A_865 : memref<128x32xf32, #tpu.memory_space<vmem>>) target(%dma_start3A_871 : memref<50056x32xf32, #tpu.memory_space<vmem_shared>>) offsets(%dma_start3A_868 : memref<128xi32, #tpu.memory_space<vmem>>) semaphore(%run_scoped3A_861 : memref<!tpu.dma_semaphore, #tpu.memory_space<semaphore_mem>>) {add = true}
        %dma_wait3A_872 = arith.constant 0 : i32
        %dma_wait3A_873 = arith.constant 0 : i32
        %dma_wait3A_874 = tpu.memref_slice %arg6[%run_scoped3A_118, %dma_wait3A_872, %dma_wait3A_873] : memref<4x128x32xf32, #tpu.memory_space<vmem>> -> memref<1x128x32xf32, #tpu.memory_space<vmem>>
        %dma_wait3A_875 = tpu.memref_squeeze %dma_wait3A_874 : memref<1x128x32xf32, #tpu.memory_space<vmem>> -> memref<128x32xf32, #tpu.memory_space<vmem>>
        %dma_wait3A_876 = arith.constant 0 : i32
        %dma_wait3A_877 = tpu.memref_slice %arg5[%rem3A_73, %run_scoped3A_119, %run_scoped3A_120, %dma_wait3A_876] : memref<2x28x2x128xi32, #tpu.memory_space<vmem>> -> memref<1x1x1x128xi32, #tpu.memory_space<vmem>>
        %dma_wait3A_878 = tpu.memref_squeeze %dma_wait3A_877 : memref<1x1x1x128xi32, #tpu.memory_space<vmem>> -> memref<128xi32, #tpu.memory_space<vmem>>
        %dma_wait3A_879 = arith.constant 0 : i32
        %dma_wait3A_880 = arith.constant 0 : i32
        %dma_wait3A_881 = tpu.memref_slice %arg12[%dma_wait3A_879, %dma_wait3A_880] : memref<50056x32xf32, #tpu.memory_space<vmem_shared>> -> memref<50056x32xf32, #tpu.memory_space<vmem_shared>>
        tpu.wait_indirect_dma semaphore(%run_scoped3A_861 : memref<!tpu.dma_semaphore, #tpu.memory_space<semaphore_mem>>) src(%dma_wait3A_875 : memref<128x32xf32, #tpu.memory_space<vmem>>) dst(%dma_wait3A_881 : memref<50056x32xf32, #tpu.memory_space<vmem_shared>>)
        tpu.yield
      }) : () -> ()
      %dma_start3A_121 = arith.constant 5 : i32
      %dma_start3A_122 = arith.constant 0 : i32
      %dma_start3A_123 = arith.constant 1 : i32
      %dma_start3A_124 = arith.constant 0 : i32
      %dma_start3A_125 = arith.constant 0 : i32
      %dma_start3A_126 = tpu.memref_slice %arg6[%dma_start3A_123, %dma_start3A_124, %dma_start3A_125] : memref<4x128x32xf32, #tpu.memory_space<vmem>> -> memref<1x128x32xf32, #tpu.memory_space<vmem>>
      %dma_start3A_127 = tpu.memref_squeeze %dma_start3A_126 : memref<1x128x32xf32, #tpu.memory_space<vmem>> -> memref<128x32xf32, #tpu.memory_space<vmem>>
      %dma_start3A_128 = arith.constant 0 : i32
      %dma_start3A_129 = tpu.memref_slice %arg5[%rem3A_73, %dma_start3A_121, %dma_start3A_122, %dma_start3A_128] : memref<2x28x2x128xi32, #tpu.memory_space<vmem>> -> memref<1x1x1x128xi32, #tpu.memory_space<vmem>>
      %dma_start3A_130 = tpu.memref_squeeze %dma_start3A_129 : memref<1x1x1x128xi32, #tpu.memory_space<vmem>> -> memref<128xi32, #tpu.memory_space<vmem>>
      %dma_start3A_131 = arith.constant 0 : i32
      %dma_start3A_132 = arith.constant 0 : i32
      %dma_start3A_133 = tpu.memref_slice %arg2[%dma_start3A_131, %dma_start3A_132] : memref<100096x32xf32, #tpu.memory_space<hbm>> -> memref<100096x32xf32, #tpu.memory_space<hbm>>
      tpu.enqueue_indirect_dma source(%dma_start3A_133 : memref<100096x32xf32, #tpu.memory_space<hbm>>) target(%dma_start3A_127 : memref<128x32xf32, #tpu.memory_space<vmem>>) offsets(%dma_start3A_130 : memref<128xi32, #tpu.memory_space<vmem>>) semaphore(%arg9 : memref<!tpu.dma_semaphore, #tpu.memory_space<semaphore_mem>>)
      %dma_wait3A_134 = arith.constant 2 : i32
      %dma_wait3A_135 = arith.constant 0 : i32
      %dma_wait3A_136 = arith.constant 2 : i32
      %dma_wait3A_137 = arith.constant 0 : i32
      %dma_wait3A_138 = arith.constant 0 : i32
      %dma_wait3A_139 = tpu.memref_slice %arg6[%dma_wait3A_136, %dma_wait3A_137, %dma_wait3A_138] : memref<4x128x32xf32, #tpu.memory_space<vmem>> -> memref<1x128x32xf32, #tpu.memory_space<vmem>>
      %dma_wait3A_140 = tpu.memref_squeeze %dma_wait3A_139 : memref<1x128x32xf32, #tpu.memory_space<vmem>> -> memref<128x32xf32, #tpu.memory_space<vmem>>
      %dma_wait3A_141 = arith.constant 0 : i32
      %dma_wait3A_142 = tpu.memref_slice %arg5[%rem3A_73, %dma_wait3A_134, %dma_wait3A_135, %dma_wait3A_141] : memref<2x28x2x128xi32, #tpu.memory_space<vmem>> -> memref<1x1x1x128xi32, #tpu.memory_space<vmem>>
      %dma_wait3A_143 = tpu.memref_squeeze %dma_wait3A_142 : memref<1x1x1x128xi32, #tpu.memory_space<vmem>> -> memref<128xi32, #tpu.memory_space<vmem>>
      %dma_wait3A_144 = arith.constant 0 : i32
      %dma_wait3A_145 = arith.constant 0 : i32
      %dma_wait3A_146 = tpu.memref_slice %arg2[%dma_wait3A_144, %dma_wait3A_145] : memref<100096x32xf32, #tpu.memory_space<hbm>> -> memref<100096x32xf32, #tpu.memory_space<hbm>>
      tpu.wait_indirect_dma semaphore(%arg10 : memref<!tpu.dma_semaphore, #tpu.memory_space<semaphore_mem>>) src(%dma_wait3A_146 : memref<100096x32xf32, #tpu.memory_space<hbm>>) dst(%dma_wait3A_140 : memref<128x32xf32, #tpu.memory_space<vmem>>)
      %run_scoped3A_147 = arith.constant 2 : i32
      %run_scoped3A_148 = arith.constant 2 : i32
      %run_scoped3A_149 = arith.constant 1 : i32
      "tpu.region"() ({
        %run_scoped3A_861 = tpu.sem_alloc : memref<!tpu.dma_semaphore, #tpu.memory_space<semaphore_mem>>
        %dma_start3A_862 = arith.constant 0 : i32
        %dma_start3A_863 = arith.constant 0 : i32
        %dma_start3A_864 = tpu.memref_slice %arg6[%run_scoped3A_147, %dma_start3A_862, %dma_start3A_863] : memref<4x128x32xf32, #tpu.memory_space<vmem>> -> memref<1x128x32xf32, #tpu.memory_space<vmem>>
        %dma_start3A_865 = tpu.memref_squeeze %dma_start3A_864 : memref<1x128x32xf32, #tpu.memory_space<vmem>> -> memref<128x32xf32, #tpu.memory_space<vmem>>
        %dma_start3A_866 = arith.constant 0 : i32
        %dma_start3A_867 = tpu.memref_slice %arg5[%rem3A_73, %run_scoped3A_148, %run_scoped3A_149, %dma_start3A_866] : memref<2x28x2x128xi32, #tpu.memory_space<vmem>> -> memref<1x1x1x128xi32, #tpu.memory_space<vmem>>
        %dma_start3A_868 = tpu.memref_squeeze %dma_start3A_867 : memref<1x1x1x128xi32, #tpu.memory_space<vmem>> -> memref<128xi32, #tpu.memory_space<vmem>>
        %dma_start3A_869 = arith.constant 0 : i32
        %dma_start3A_870 = arith.constant 0 : i32
        %dma_start3A_871 = tpu.memref_slice %arg12[%dma_start3A_869, %dma_start3A_870] : memref<50056x32xf32, #tpu.memory_space<vmem_shared>> -> memref<50056x32xf32, #tpu.memory_space<vmem_shared>>
        tpu.enqueue_indirect_dma source(%dma_start3A_865 : memref<128x32xf32, #tpu.memory_space<vmem>>) target(%dma_start3A_871 : memref<50056x32xf32, #tpu.memory_space<vmem_shared>>) offsets(%dma_start3A_868 : memref<128xi32, #tpu.memory_space<vmem>>) semaphore(%run_scoped3A_861 : memref<!tpu.dma_semaphore, #tpu.memory_space<semaphore_mem>>) {add = true}
        %dma_wait3A_872 = arith.constant 0 : i32
        %dma_wait3A_873 = arith.constant 0 : i32
        %dma_wait3A_874 = tpu.memref_slice %arg6[%run_scoped3A_147, %dma_wait3A_872, %dma_wait3A_873] : memref<4x128x32xf32, #tpu.memory_space<vmem>> -> memref<1x128x32xf32, #tpu.memory_space<vmem>>
        %dma_wait3A_875 = tpu.memref_squeeze %dma_wait3A_874 : memref<1x128x32xf32, #tpu.memory_space<vmem>> -> memref<128x32xf32, #tpu.memory_space<vmem>>
        %dma_wait3A_876 = arith.constant 0 : i32
        %dma_wait3A_877 = tpu.memref_slice %arg5[%rem3A_73, %run_scoped3A_148, %run_scoped3A_149, %dma_wait3A_876] : memref<2x28x2x128xi32, #tpu.memory_space<vmem>> -> memref<1x1x1x128xi32, #tpu.memory_space<vmem>>
        %dma_wait3A_878 = tpu.memref_squeeze %dma_wait3A_877 : memref<1x1x1x128xi32, #tpu.memory_space<vmem>> -> memref<128xi32, #tpu.memory_space<vmem>>
        %dma_wait3A_879 = arith.constant 0 : i32
        %dma_wait3A_880 = arith.constant 0 : i32
        %dma_wait3A_881 = tpu.memref_slice %arg12[%dma_wait3A_879, %dma_wait3A_880] : memref<50056x32xf32, #tpu.memory_space<vmem_shared>> -> memref<50056x32xf32, #tpu.memory_space<vmem_shared>>
        tpu.wait_indirect_dma semaphore(%run_scoped3A_861 : memref<!tpu.dma_semaphore, #tpu.memory_space<semaphore_mem>>) src(%dma_wait3A_875 : memref<128x32xf32, #tpu.memory_space<vmem>>) dst(%dma_wait3A_881 : memref<50056x32xf32, #tpu.memory_space<vmem_shared>>)
        tpu.yield
      }) : () -> ()
      %dma_start3A_150 = arith.constant 6 : i32
      %dma_start3A_151 = arith.constant 0 : i32
      %dma_start3A_152 = arith.constant 2 : i32
      %dma_start3A_153 = arith.constant 0 : i32
      %dma_start3A_154 = arith.constant 0 : i32
      %dma_start3A_155 = tpu.memref_slice %arg6[%dma_start3A_152, %dma_start3A_153, %dma_start3A_154] : memref<4x128x32xf32, #tpu.memory_space<vmem>> -> memref<1x128x32xf32, #tpu.memory_space<vmem>>
      %dma_start3A_156 = tpu.memref_squeeze %dma_start3A_155 : memref<1x128x32xf32, #tpu.memory_space<vmem>> -> memref<128x32xf32, #tpu.memory_space<vmem>>
      %dma_start3A_157 = arith.constant 0 : i32
      %dma_start3A_158 = tpu.memref_slice %arg5[%rem3A_73, %dma_start3A_150, %dma_start3A_151, %dma_start3A_157] : memref<2x28x2x128xi32, #tpu.memory_space<vmem>> -> memref<1x1x1x128xi32, #tpu.memory_space<vmem>>
      %dma_start3A_159 = tpu.memref_squeeze %dma_start3A_158 : memref<1x1x1x128xi32, #tpu.memory_space<vmem>> -> memref<128xi32, #tpu.memory_space<vmem>>
      %dma_start3A_160 = arith.constant 0 : i32
      %dma_start3A_161 = arith.constant 0 : i32
      %dma_start3A_162 = tpu.memref_slice %arg2[%dma_start3A_160, %dma_start3A_161] : memref<100096x32xf32, #tpu.memory_space<hbm>> -> memref<100096x32xf32, #tpu.memory_space<hbm>>
      tpu.enqueue_indirect_dma source(%dma_start3A_162 : memref<100096x32xf32, #tpu.memory_space<hbm>>) target(%dma_start3A_156 : memref<128x32xf32, #tpu.memory_space<vmem>>) offsets(%dma_start3A_159 : memref<128xi32, #tpu.memory_space<vmem>>) semaphore(%arg10 : memref<!tpu.dma_semaphore, #tpu.memory_space<semaphore_mem>>)
      %dma_wait3A_163 = arith.constant 3 : i32
      %dma_wait3A_164 = arith.constant 0 : i32
      %dma_wait3A_165 = arith.constant 3 : i32
      %dma_wait3A_166 = arith.constant 0 : i32
      %dma_wait3A_167 = arith.constant 0 : i32
      %dma_wait3A_168 = tpu.memref_slice %arg6[%dma_wait3A_165, %dma_wait3A_166, %dma_wait3A_167] : memref<4x128x32xf32, #tpu.memory_space<vmem>> -> memref<1x128x32xf32, #tpu.memory_space<vmem>>
      %dma_wait3A_169 = tpu.memref_squeeze %dma_wait3A_168 : memref<1x128x32xf32, #tpu.memory_space<vmem>> -> memref<128x32xf32, #tpu.memory_space<vmem>>
      %dma_wait3A_170 = arith.constant 0 : i32
      %dma_wait3A_171 = tpu.memref_slice %arg5[%rem3A_73, %dma_wait3A_163, %dma_wait3A_164, %dma_wait3A_170] : memref<2x28x2x128xi32, #tpu.memory_space<vmem>> -> memref<1x1x1x128xi32, #tpu.memory_space<vmem>>
      %dma_wait3A_172 = tpu.memref_squeeze %dma_wait3A_171 : memref<1x1x1x128xi32, #tpu.memory_space<vmem>> -> memref<128xi32, #tpu.memory_space<vmem>>
      %dma_wait3A_173 = arith.constant 0 : i32
      %dma_wait3A_174 = arith.constant 0 : i32
      %dma_wait3A_175 = tpu.memref_slice %arg2[%dma_wait3A_173, %dma_wait3A_174] : memref<100096x32xf32, #tpu.memory_space<hbm>> -> memref<100096x32xf32, #tpu.memory_space<hbm>>
      tpu.wait_indirect_dma semaphore(%arg11 : memref<!tpu.dma_semaphore, #tpu.memory_space<semaphore_mem>>) src(%dma_wait3A_175 : memref<100096x32xf32, #tpu.memory_space<hbm>>) dst(%dma_wait3A_169 : memref<128x32xf32, #tpu.memory_space<vmem>>)
      %run_scoped3A_176 = arith.constant 3 : i32
      %run_scoped3A_177 = arith.constant 3 : i32
      %run_scoped3A_178 = arith.constant 1 : i32
      "tpu.region"() ({
        %run_scoped3A_861 = tpu.sem_alloc : memref<!tpu.dma_semaphore, #tpu.memory_space<semaphore_mem>>
        %dma_start3A_862 = arith.constant 0 : i32
        %dma_start3A_863 = arith.constant 0 : i32
        %dma_start3A_864 = tpu.memref_slice %arg6[%run_scoped3A_176, %dma_start3A_862, %dma_start3A_863] : memref<4x128x32xf32, #tpu.memory_space<vmem>> -> memref<1x128x32xf32, #tpu.memory_space<vmem>>
        %dma_start3A_865 = tpu.memref_squeeze %dma_start3A_864 : memref<1x128x32xf32, #tpu.memory_space<vmem>> -> memref<128x32xf32, #tpu.memory_space<vmem>>
        %dma_start3A_866 = arith.constant 0 : i32
        %dma_start3A_867 = tpu.memref_slice %arg5[%rem3A_73, %run_scoped3A_177, %run_scoped3A_178, %dma_start3A_866] : memref<2x28x2x128xi32, #tpu.memory_space<vmem>> -> memref<1x1x1x128xi32, #tpu.memory_space<vmem>>
        %dma_start3A_868 = tpu.memref_squeeze %dma_start3A_867 : memref<1x1x1x128xi32, #tpu.memory_space<vmem>> -> memref<128xi32, #tpu.memory_space<vmem>>
        %dma_start3A_869 = arith.constant 0 : i32
        %dma_start3A_870 = arith.constant 0 : i32
        %dma_start3A_871 = tpu.memref_slice %arg12[%dma_start3A_869, %dma_start3A_870] : memref<50056x32xf32, #tpu.memory_space<vmem_shared>> -> memref<50056x32xf32, #tpu.memory_space<vmem_shared>>
        tpu.enqueue_indirect_dma source(%dma_start3A_865 : memref<128x32xf32, #tpu.memory_space<vmem>>) target(%dma_start3A_871 : memref<50056x32xf32, #tpu.memory_space<vmem_shared>>) offsets(%dma_start3A_868 : memref<128xi32, #tpu.memory_space<vmem>>) semaphore(%run_scoped3A_861 : memref<!tpu.dma_semaphore, #tpu.memory_space<semaphore_mem>>) {add = true}
        %dma_wait3A_872 = arith.constant 0 : i32
        %dma_wait3A_873 = arith.constant 0 : i32
        %dma_wait3A_874 = tpu.memref_slice %arg6[%run_scoped3A_176, %dma_wait3A_872, %dma_wait3A_873] : memref<4x128x32xf32, #tpu.memory_space<vmem>> -> memref<1x128x32xf32, #tpu.memory_space<vmem>>
        %dma_wait3A_875 = tpu.memref_squeeze %dma_wait3A_874 : memref<1x128x32xf32, #tpu.memory_space<vmem>> -> memref<128x32xf32, #tpu.memory_space<vmem>>
        %dma_wait3A_876 = arith.constant 0 : i32
        %dma_wait3A_877 = tpu.memref_slice %arg5[%rem3A_73, %run_scoped3A_177, %run_scoped3A_178, %dma_wait3A_876] : memref<2x28x2x128xi32, #tpu.memory_space<vmem>> -> memref<1x1x1x128xi32, #tpu.memory_space<vmem>>
        %dma_wait3A_878 = tpu.memref_squeeze %dma_wait3A_877 : memref<1x1x1x128xi32, #tpu.memory_space<vmem>> -> memref<128xi32, #tpu.memory_space<vmem>>
        %dma_wait3A_879 = arith.constant 0 : i32
        %dma_wait3A_880 = arith.constant 0 : i32
        %dma_wait3A_881 = tpu.memref_slice %arg12[%dma_wait3A_879, %dma_wait3A_880] : memref<50056x32xf32, #tpu.memory_space<vmem_shared>> -> memref<50056x32xf32, #tpu.memory_space<vmem_shared>>
        tpu.wait_indirect_dma semaphore(%run_scoped3A_861 : memref<!tpu.dma_semaphore, #tpu.memory_space<semaphore_mem>>) src(%dma_wait3A_875 : memref<128x32xf32, #tpu.memory_space<vmem>>) dst(%dma_wait3A_881 : memref<50056x32xf32, #tpu.memory_space<vmem_shared>>)
        tpu.yield
      }) : () -> ()
      %dma_start3A_179 = arith.constant 7 : i32
      %dma_start3A_180 = arith.constant 0 : i32
      %dma_start3A_181 = arith.constant 3 : i32
      %dma_start3A_182 = arith.constant 0 : i32
      %dma_start3A_183 = arith.constant 0 : i32
      %dma_start3A_184 = tpu.memref_slice %arg6[%dma_start3A_181, %dma_start3A_182, %dma_start3A_183] : memref<4x128x32xf32, #tpu.memory_space<vmem>> -> memref<1x128x32xf32, #tpu.memory_space<vmem>>
      %dma_start3A_185 = tpu.memref_squeeze %dma_start3A_184 : memref<1x128x32xf32, #tpu.memory_space<vmem>> -> memref<128x32xf32, #tpu.memory_space<vmem>>
      %dma_start3A_186 = arith.constant 0 : i32
      %dma_start3A_187 = tpu.memref_slice %arg5[%rem3A_73, %dma_start3A_179, %dma_start3A_180, %dma_start3A_186] : memref<2x28x2x128xi32, #tpu.memory_space<vmem>> -> memref<1x1x1x128xi32, #tpu.memory_space<vmem>>
      %dma_start3A_188 = tpu.memref_squeeze %dma_start3A_187 : memref<1x1x1x128xi32, #tpu.memory_space<vmem>> -> memref<128xi32, #tpu.memory_space<vmem>>
      %dma_start3A_189 = arith.constant 0 : i32
      %dma_start3A_190 = arith.constant 0 : i32
      %dma_start3A_191 = tpu.memref_slice %arg2[%dma_start3A_189, %dma_start3A_190] : memref<100096x32xf32, #tpu.memory_space<hbm>> -> memref<100096x32xf32, #tpu.memory_space<hbm>>
      tpu.enqueue_indirect_dma source(%dma_start3A_191 : memref<100096x32xf32, #tpu.memory_space<hbm>>) target(%dma_start3A_185 : memref<128x32xf32, #tpu.memory_space<vmem>>) offsets(%dma_start3A_188 : memref<128xi32, #tpu.memory_space<vmem>>) semaphore(%arg11 : memref<!tpu.dma_semaphore, #tpu.memory_space<semaphore_mem>>)
      %dma_wait3A_192 = arith.constant 4 : i32
      %dma_wait3A_193 = arith.constant 0 : i32
      %dma_wait3A_194 = arith.constant 0 : i32
      %dma_wait3A_195 = arith.constant 0 : i32
      %dma_wait3A_196 = arith.constant 0 : i32
      %dma_wait3A_197 = tpu.memref_slice %arg6[%dma_wait3A_194, %dma_wait3A_195, %dma_wait3A_196] : memref<4x128x32xf32, #tpu.memory_space<vmem>> -> memref<1x128x32xf32, #tpu.memory_space<vmem>>
      %dma_wait3A_198 = tpu.memref_squeeze %dma_wait3A_197 : memref<1x128x32xf32, #tpu.memory_space<vmem>> -> memref<128x32xf32, #tpu.memory_space<vmem>>
      %dma_wait3A_199 = arith.constant 0 : i32
      %dma_wait3A_200 = tpu.memref_slice %arg5[%rem3A_73, %dma_wait3A_192, %dma_wait3A_193, %dma_wait3A_199] : memref<2x28x2x128xi32, #tpu.memory_space<vmem>> -> memref<1x1x1x128xi32, #tpu.memory_space<vmem>>
      %dma_wait3A_201 = tpu.memref_squeeze %dma_wait3A_200 : memref<1x1x1x128xi32, #tpu.memory_space<vmem>> -> memref<128xi32, #tpu.memory_space<vmem>>
      %dma_wait3A_202 = arith.constant 0 : i32
      %dma_wait3A_203 = arith.constant 0 : i32
      %dma_wait3A_204 = tpu.memref_slice %arg2[%dma_wait3A_202, %dma_wait3A_203] : memref<100096x32xf32, #tpu.memory_space<hbm>> -> memref<100096x32xf32, #tpu.memory_space<hbm>>
      tpu.wait_indirect_dma semaphore(%arg8 : memref<!tpu.dma_semaphore, #tpu.memory_space<semaphore_mem>>) src(%dma_wait3A_204 : memref<100096x32xf32, #tpu.memory_space<hbm>>) dst(%dma_wait3A_198 : memref<128x32xf32, #tpu.memory_space<vmem>>)
      %run_scoped3A_205 = arith.constant 0 : i32
      %run_scoped3A_206 = arith.constant 4 : i32
      %run_scoped3A_207 = arith.constant 1 : i32
      "tpu.region"() ({
        %run_scoped3A_861 = tpu.sem_alloc : memref<!tpu.dma_semaphore, #tpu.memory_space<semaphore_mem>>
        %dma_start3A_862 = arith.constant 0 : i32
        %dma_start3A_863 = arith.constant 0 : i32
        %dma_start3A_864 = tpu.memref_slice %arg6[%run_scoped3A_205, %dma_start3A_862, %dma_start3A_863] : memref<4x128x32xf32, #tpu.memory_space<vmem>> -> memref<1x128x32xf32, #tpu.memory_space<vmem>>
        %dma_start3A_865 = tpu.memref_squeeze %dma_start3A_864 : memref<1x128x32xf32, #tpu.memory_space<vmem>> -> memref<128x32xf32, #tpu.memory_space<vmem>>
        %dma_start3A_866 = arith.constant 0 : i32
        %dma_start3A_867 = tpu.memref_slice %arg5[%rem3A_73, %run_scoped3A_206, %run_scoped3A_207, %dma_start3A_866] : memref<2x28x2x128xi32, #tpu.memory_space<vmem>> -> memref<1x1x1x128xi32, #tpu.memory_space<vmem>>
        %dma_start3A_868 = tpu.memref_squeeze %dma_start3A_867 : memref<1x1x1x128xi32, #tpu.memory_space<vmem>> -> memref<128xi32, #tpu.memory_space<vmem>>
        %dma_start3A_869 = arith.constant 0 : i32
        %dma_start3A_870 = arith.constant 0 : i32
        %dma_start3A_871 = tpu.memref_slice %arg12[%dma_start3A_869, %dma_start3A_870] : memref<50056x32xf32, #tpu.memory_space<vmem_shared>> -> memref<50056x32xf32, #tpu.memory_space<vmem_shared>>
        tpu.enqueue_indirect_dma source(%dma_start3A_865 : memref<128x32xf32, #tpu.memory_space<vmem>>) target(%dma_start3A_871 : memref<50056x32xf32, #tpu.memory_space<vmem_shared>>) offsets(%dma_start3A_868 : memref<128xi32, #tpu.memory_space<vmem>>) semaphore(%run_scoped3A_861 : memref<!tpu.dma_semaphore, #tpu.memory_space<semaphore_mem>>) {add = true}
        %dma_wait3A_872 = arith.constant 0 : i32
        %dma_wait3A_873 = arith.constant 0 : i32
        %dma_wait3A_874 = tpu.memref_slice %arg6[%run_scoped3A_205, %dma_wait3A_872, %dma_wait3A_873] : memref<4x128x32xf32, #tpu.memory_space<vmem>> -> memref<1x128x32xf32, #tpu.memory_space<vmem>>
        %dma_wait3A_875 = tpu.memref_squeeze %dma_wait3A_874 : memref<1x128x32xf32, #tpu.memory_space<vmem>> -> memref<128x32xf32, #tpu.memory_space<vmem>>
        %dma_wait3A_876 = arith.constant 0 : i32
        %dma_wait3A_877 = tpu.memref_slice %arg5[%rem3A_73, %run_scoped3A_206, %run_scoped3A_207, %dma_wait3A_876] : memref<2x28x2x128xi32, #tpu.memory_space<vmem>> -> memref<1x1x1x128xi32, #tpu.memory_space<vmem>>
        %dma_wait3A_878 = tpu.memref_squeeze %dma_wait3A_877 : memref<1x1x1x128xi32, #tpu.memory_space<vmem>> -> memref<128xi32, #tpu.memory_space<vmem>>
        %dma_wait3A_879 = arith.constant 0 : i32
        %dma_wait3A_880 = arith.constant 0 : i32
        %dma_wait3A_881 = tpu.memref_slice %arg12[%dma_wait3A_879, %dma_wait3A_880] : memref<50056x32xf32, #tpu.memory_space<vmem_shared>> -> memref<50056x32xf32, #tpu.memory_space<vmem_shared>>
        tpu.wait_indirect_dma semaphore(%run_scoped3A_861 : memref<!tpu.dma_semaphore, #tpu.memory_space<semaphore_mem>>) src(%dma_wait3A_875 : memref<128x32xf32, #tpu.memory_space<vmem>>) dst(%dma_wait3A_881 : memref<50056x32xf32, #tpu.memory_space<vmem_shared>>)
        tpu.yield
      }) : () -> ()
      %dma_start3A_208 = arith.constant 8 : i32
      %dma_start3A_209 = arith.constant 0 : i32
      %dma_start3A_210 = arith.constant 0 : i32
      %dma_start3A_211 = arith.constant 0 : i32
      %dma_start3A_212 = arith.constant 0 : i32
      %dma_start3A_213 = tpu.memref_slice %arg6[%dma_start3A_210, %dma_start3A_211, %dma_start3A_212] : memref<4x128x32xf32, #tpu.memory_space<vmem>> -> memref<1x128x32xf32, #tpu.memory_space<vmem>>
      %dma_start3A_214 = tpu.memref_squeeze %dma_start3A_213 : memref<1x128x32xf32, #tpu.memory_space<vmem>> -> memref<128x32xf32, #tpu.memory_space<vmem>>
      %dma_start3A_215 = arith.constant 0 : i32
      %dma_start3A_216 = tpu.memref_slice %arg5[%rem3A_73, %dma_start3A_208, %dma_start3A_209, %dma_start3A_215] : memref<2x28x2x128xi32, #tpu.memory_space<vmem>> -> memref<1x1x1x128xi32, #tpu.memory_space<vmem>>
      %dma_start3A_217 = tpu.memref_squeeze %dma_start3A_216 : memref<1x1x1x128xi32, #tpu.memory_space<vmem>> -> memref<128xi32, #tpu.memory_space<vmem>>
      %dma_start3A_218 = arith.constant 0 : i32
      %dma_start3A_219 = arith.constant 0 : i32
      %dma_start3A_220 = tpu.memref_slice %arg2[%dma_start3A_218, %dma_start3A_219] : memref<100096x32xf32, #tpu.memory_space<hbm>> -> memref<100096x32xf32, #tpu.memory_space<hbm>>
      tpu.enqueue_indirect_dma source(%dma_start3A_220 : memref<100096x32xf32, #tpu.memory_space<hbm>>) target(%dma_start3A_214 : memref<128x32xf32, #tpu.memory_space<vmem>>) offsets(%dma_start3A_217 : memref<128xi32, #tpu.memory_space<vmem>>) semaphore(%arg8 : memref<!tpu.dma_semaphore, #tpu.memory_space<semaphore_mem>>)
      %dma_wait3A_221 = arith.constant 5 : i32
      %dma_wait3A_222 = arith.constant 0 : i32
      %dma_wait3A_223 = arith.constant 1 : i32
      %dma_wait3A_224 = arith.constant 0 : i32
      %dma_wait3A_225 = arith.constant 0 : i32
      %dma_wait3A_226 = tpu.memref_slice %arg6[%dma_wait3A_223, %dma_wait3A_224, %dma_wait3A_225] : memref<4x128x32xf32, #tpu.memory_space<vmem>> -> memref<1x128x32xf32, #tpu.memory_space<vmem>>
      %dma_wait3A_227 = tpu.memref_squeeze %dma_wait3A_226 : memref<1x128x32xf32, #tpu.memory_space<vmem>> -> memref<128x32xf32, #tpu.memory_space<vmem>>
      %dma_wait3A_228 = arith.constant 0 : i32
      %dma_wait3A_229 = tpu.memref_slice %arg5[%rem3A_73, %dma_wait3A_221, %dma_wait3A_222, %dma_wait3A_228] : memref<2x28x2x128xi32, #tpu.memory_space<vmem>> -> memref<1x1x1x128xi32, #tpu.memory_space<vmem>>
      %dma_wait3A_230 = tpu.memref_squeeze %dma_wait3A_229 : memref<1x1x1x128xi32, #tpu.memory_space<vmem>> -> memref<128xi32, #tpu.memory_space<vmem>>
      %dma_wait3A_231 = arith.constant 0 : i32
      %dma_wait3A_232 = arith.constant 0 : i32
      %dma_wait3A_233 = tpu.memref_slice %arg2[%dma_wait3A_231, %dma_wait3A_232] : memref<100096x32xf32, #tpu.memory_space<hbm>> -> memref<100096x32xf32, #tpu.memory_space<hbm>>
      tpu.wait_indirect_dma semaphore(%arg9 : memref<!tpu.dma_semaphore, #tpu.memory_space<semaphore_mem>>) src(%dma_wait3A_233 : memref<100096x32xf32, #tpu.memory_space<hbm>>) dst(%dma_wait3A_227 : memref<128x32xf32, #tpu.memory_space<vmem>>)
      %run_scoped3A_234 = arith.constant 1 : i32
      %run_scoped3A_235 = arith.constant 5 : i32
      %run_scoped3A_236 = arith.constant 1 : i32
      "tpu.region"() ({
        %run_scoped3A_861 = tpu.sem_alloc : memref<!tpu.dma_semaphore, #tpu.memory_space<semaphore_mem>>
        %dma_start3A_862 = arith.constant 0 : i32
        %dma_start3A_863 = arith.constant 0 : i32
        %dma_start3A_864 = tpu.memref_slice %arg6[%run_scoped3A_234, %dma_start3A_862, %dma_start3A_863] : memref<4x128x32xf32, #tpu.memory_space<vmem>> -> memref<1x128x32xf32, #tpu.memory_space<vmem>>
        %dma_start3A_865 = tpu.memref_squeeze %dma_start3A_864 : memref<1x128x32xf32, #tpu.memory_space<vmem>> -> memref<128x32xf32, #tpu.memory_space<vmem>>
        %dma_start3A_866 = arith.constant 0 : i32
        %dma_start3A_867 = tpu.memref_slice %arg5[%rem3A_73, %run_scoped3A_235, %run_scoped3A_236, %dma_start3A_866] : memref<2x28x2x128xi32, #tpu.memory_space<vmem>> -> memref<1x1x1x128xi32, #tpu.memory_space<vmem>>
        %dma_start3A_868 = tpu.memref_squeeze %dma_start3A_867 : memref<1x1x1x128xi32, #tpu.memory_space<vmem>> -> memref<128xi32, #tpu.memory_space<vmem>>
        %dma_start3A_869 = arith.constant 0 : i32
        %dma_start3A_870 = arith.constant 0 : i32
        %dma_start3A_871 = tpu.memref_slice %arg12[%dma_start3A_869, %dma_start3A_870] : memref<50056x32xf32, #tpu.memory_space<vmem_shared>> -> memref<50056x32xf32, #tpu.memory_space<vmem_shared>>
        tpu.enqueue_indirect_dma source(%dma_start3A_865 : memref<128x32xf32, #tpu.memory_space<vmem>>) target(%dma_start3A_871 : memref<50056x32xf32, #tpu.memory_space<vmem_shared>>) offsets(%dma_start3A_868 : memref<128xi32, #tpu.memory_space<vmem>>) semaphore(%run_scoped3A_861 : memref<!tpu.dma_semaphore, #tpu.memory_space<semaphore_mem>>) {add = true}
        %dma_wait3A_872 = arith.constant 0 : i32
        %dma_wait3A_873 = arith.constant 0 : i32
        %dma_wait3A_874 = tpu.memref_slice %arg6[%run_scoped3A_234, %dma_wait3A_872, %dma_wait3A_873] : memref<4x128x32xf32, #tpu.memory_space<vmem>> -> memref<1x128x32xf32, #tpu.memory_space<vmem>>
        %dma_wait3A_875 = tpu.memref_squeeze %dma_wait3A_874 : memref<1x128x32xf32, #tpu.memory_space<vmem>> -> memref<128x32xf32, #tpu.memory_space<vmem>>
        %dma_wait3A_876 = arith.constant 0 : i32
        %dma_wait3A_877 = tpu.memref_slice %arg5[%rem3A_73, %run_scoped3A_235, %run_scoped3A_236, %dma_wait3A_876] : memref<2x28x2x128xi32, #tpu.memory_space<vmem>> -> memref<1x1x1x128xi32, #tpu.memory_space<vmem>>
        %dma_wait3A_878 = tpu.memref_squeeze %dma_wait3A_877 : memref<1x1x1x128xi32, #tpu.memory_space<vmem>> -> memref<128xi32, #tpu.memory_space<vmem>>
        %dma_wait3A_879 = arith.constant 0 : i32
        %dma_wait3A_880 = arith.constant 0 : i32
        %dma_wait3A_881 = tpu.memref_slice %arg12[%dma_wait3A_879, %dma_wait3A_880] : memref<50056x32xf32, #tpu.memory_space<vmem_shared>> -> memref<50056x32xf32, #tpu.memory_space<vmem_shared>>
        tpu.wait_indirect_dma semaphore(%run_scoped3A_861 : memref<!tpu.dma_semaphore, #tpu.memory_space<semaphore_mem>>) src(%dma_wait3A_875 : memref<128x32xf32, #tpu.memory_space<vmem>>) dst(%dma_wait3A_881 : memref<50056x32xf32, #tpu.memory_space<vmem_shared>>)
        tpu.yield
      }) : () -> ()
      %dma_start3A_237 = arith.constant 9 : i32
      %dma_start3A_238 = arith.constant 0 : i32
      %dma_start3A_239 = arith.constant 1 : i32
      %dma_start3A_240 = arith.constant 0 : i32
      %dma_start3A_241 = arith.constant 0 : i32
      %dma_start3A_242 = tpu.memref_slice %arg6[%dma_start3A_239, %dma_start3A_240, %dma_start3A_241] : memref<4x128x32xf32, #tpu.memory_space<vmem>> -> memref<1x128x32xf32, #tpu.memory_space<vmem>>
      %dma_start3A_243 = tpu.memref_squeeze %dma_start3A_242 : memref<1x128x32xf32, #tpu.memory_space<vmem>> -> memref<128x32xf32, #tpu.memory_space<vmem>>
      %dma_start3A_244 = arith.constant 0 : i32
      %dma_start3A_245 = tpu.memref_slice %arg5[%rem3A_73, %dma_start3A_237, %dma_start3A_238, %dma_start3A_244] : memref<2x28x2x128xi32, #tpu.memory_space<vmem>> -> memref<1x1x1x128xi32, #tpu.memory_space<vmem>>
      %dma_start3A_246 = tpu.memref_squeeze %dma_start3A_245 : memref<1x1x1x128xi32, #tpu.memory_space<vmem>> -> memref<128xi32, #tpu.memory_space<vmem>>
      %dma_start3A_247 = arith.constant 0 : i32
      %dma_start3A_248 = arith.constant 0 : i32
      %dma_start3A_249 = tpu.memref_slice %arg2[%dma_start3A_247, %dma_start3A_248] : memref<100096x32xf32, #tpu.memory_space<hbm>> -> memref<100096x32xf32, #tpu.memory_space<hbm>>
      tpu.enqueue_indirect_dma source(%dma_start3A_249 : memref<100096x32xf32, #tpu.memory_space<hbm>>) target(%dma_start3A_243 : memref<128x32xf32, #tpu.memory_space<vmem>>) offsets(%dma_start3A_246 : memref<128xi32, #tpu.memory_space<vmem>>) semaphore(%arg9 : memref<!tpu.dma_semaphore, #tpu.memory_space<semaphore_mem>>)
      %dma_wait3A_250 = arith.constant 6 : i32
      %dma_wait3A_251 = arith.constant 0 : i32
      %dma_wait3A_252 = arith.constant 2 : i32
      %dma_wait3A_253 = arith.constant 0 : i32
      %dma_wait3A_254 = arith.constant 0 : i32
      %dma_wait3A_255 = tpu.memref_slice %arg6[%dma_wait3A_252, %dma_wait3A_253, %dma_wait3A_254] : memref<4x128x32xf32, #tpu.memory_space<vmem>> -> memref<1x128x32xf32, #tpu.memory_space<vmem>>
      %dma_wait3A_256 = tpu.memref_squeeze %dma_wait3A_255 : memref<1x128x32xf32, #tpu.memory_space<vmem>> -> memref<128x32xf32, #tpu.memory_space<vmem>>
      %dma_wait3A_257 = arith.constant 0 : i32
      %dma_wait3A_258 = tpu.memref_slice %arg5[%rem3A_73, %dma_wait3A_250, %dma_wait3A_251, %dma_wait3A_257] : memref<2x28x2x128xi32, #tpu.memory_space<vmem>> -> memref<1x1x1x128xi32, #tpu.memory_space<vmem>>
      %dma_wait3A_259 = tpu.memref_squeeze %dma_wait3A_258 : memref<1x1x1x128xi32, #tpu.memory_space<vmem>> -> memref<128xi32, #tpu.memory_space<vmem>>
      %dma_wait3A_260 = arith.constant 0 : i32
      %dma_wait3A_261 = arith.constant 0 : i32
      %dma_wait3A_262 = tpu.memref_slice %arg2[%dma_wait3A_260, %dma_wait3A_261] : memref<100096x32xf32, #tpu.memory_space<hbm>> -> memref<100096x32xf32, #tpu.memory_space<hbm>>
      tpu.wait_indirect_dma semaphore(%arg10 : memref<!tpu.dma_semaphore, #tpu.memory_space<semaphore_mem>>) src(%dma_wait3A_262 : memref<100096x32xf32, #tpu.memory_space<hbm>>) dst(%dma_wait3A_256 : memref<128x32xf32, #tpu.memory_space<vmem>>)
      %run_scoped3A_263 = arith.constant 2 : i32
      %run_scoped3A_264 = arith.constant 6 : i32
      %run_scoped3A_265 = arith.constant 1 : i32
      "tpu.region"() ({
        %run_scoped3A_861 = tpu.sem_alloc : memref<!tpu.dma_semaphore, #tpu.memory_space<semaphore_mem>>
        %dma_start3A_862 = arith.constant 0 : i32
        %dma_start3A_863 = arith.constant 0 : i32
        %dma_start3A_864 = tpu.memref_slice %arg6[%run_scoped3A_263, %dma_start3A_862, %dma_start3A_863] : memref<4x128x32xf32, #tpu.memory_space<vmem>> -> memref<1x128x32xf32, #tpu.memory_space<vmem>>
        %dma_start3A_865 = tpu.memref_squeeze %dma_start3A_864 : memref<1x128x32xf32, #tpu.memory_space<vmem>> -> memref<128x32xf32, #tpu.memory_space<vmem>>
        %dma_start3A_866 = arith.constant 0 : i32
        %dma_start3A_867 = tpu.memref_slice %arg5[%rem3A_73, %run_scoped3A_264, %run_scoped3A_265, %dma_start3A_866] : memref<2x28x2x128xi32, #tpu.memory_space<vmem>> -> memref<1x1x1x128xi32, #tpu.memory_space<vmem>>
        %dma_start3A_868 = tpu.memref_squeeze %dma_start3A_867 : memref<1x1x1x128xi32, #tpu.memory_space<vmem>> -> memref<128xi32, #tpu.memory_space<vmem>>
        %dma_start3A_869 = arith.constant 0 : i32
        %dma_start3A_870 = arith.constant 0 : i32
        %dma_start3A_871 = tpu.memref_slice %arg12[%dma_start3A_869, %dma_start3A_870] : memref<50056x32xf32, #tpu.memory_space<vmem_shared>> -> memref<50056x32xf32, #tpu.memory_space<vmem_shared>>
        tpu.enqueue_indirect_dma source(%dma_start3A_865 : memref<128x32xf32, #tpu.memory_space<vmem>>) target(%dma_start3A_871 : memref<50056x32xf32, #tpu.memory_space<vmem_shared>>) offsets(%dma_start3A_868 : memref<128xi32, #tpu.memory_space<vmem>>) semaphore(%run_scoped3A_861 : memref<!tpu.dma_semaphore, #tpu.memory_space<semaphore_mem>>) {add = true}
        %dma_wait3A_872 = arith.constant 0 : i32
        %dma_wait3A_873 = arith.constant 0 : i32
        %dma_wait3A_874 = tpu.memref_slice %arg6[%run_scoped3A_263, %dma_wait3A_872, %dma_wait3A_873] : memref<4x128x32xf32, #tpu.memory_space<vmem>> -> memref<1x128x32xf32, #tpu.memory_space<vmem>>
        %dma_wait3A_875 = tpu.memref_squeeze %dma_wait3A_874 : memref<1x128x32xf32, #tpu.memory_space<vmem>> -> memref<128x32xf32, #tpu.memory_space<vmem>>
        %dma_wait3A_876 = arith.constant 0 : i32
        %dma_wait3A_877 = tpu.memref_slice %arg5[%rem3A_73, %run_scoped3A_264, %run_scoped3A_265, %dma_wait3A_876] : memref<2x28x2x128xi32, #tpu.memory_space<vmem>> -> memref<1x1x1x128xi32, #tpu.memory_space<vmem>>
        %dma_wait3A_878 = tpu.memref_squeeze %dma_wait3A_877 : memref<1x1x1x128xi32, #tpu.memory_space<vmem>> -> memref<128xi32, #tpu.memory_space<vmem>>
        %dma_wait3A_879 = arith.constant 0 : i32
        %dma_wait3A_880 = arith.constant 0 : i32
        %dma_wait3A_881 = tpu.memref_slice %arg12[%dma_wait3A_879, %dma_wait3A_880] : memref<50056x32xf32, #tpu.memory_space<vmem_shared>> -> memref<50056x32xf32, #tpu.memory_space<vmem_shared>>
        tpu.wait_indirect_dma semaphore(%run_scoped3A_861 : memref<!tpu.dma_semaphore, #tpu.memory_space<semaphore_mem>>) src(%dma_wait3A_875 : memref<128x32xf32, #tpu.memory_space<vmem>>) dst(%dma_wait3A_881 : memref<50056x32xf32, #tpu.memory_space<vmem_shared>>)
        tpu.yield
      }) : () -> ()
      %dma_start3A_266 = arith.constant 10 : i32
      %dma_start3A_267 = arith.constant 0 : i32
      %dma_start3A_268 = arith.constant 2 : i32
      %dma_start3A_269 = arith.constant 0 : i32
      %dma_start3A_270 = arith.constant 0 : i32
      %dma_start3A_271 = tpu.memref_slice %arg6[%dma_start3A_268, %dma_start3A_269, %dma_start3A_270] : memref<4x128x32xf32, #tpu.memory_space<vmem>> -> memref<1x128x32xf32, #tpu.memory_space<vmem>>
      %dma_start3A_272 = tpu.memref_squeeze %dma_start3A_271 : memref<1x128x32xf32, #tpu.memory_space<vmem>> -> memref<128x32xf32, #tpu.memory_space<vmem>>
      %dma_start3A_273 = arith.constant 0 : i32
      %dma_start3A_274 = tpu.memref_slice %arg5[%rem3A_73, %dma_start3A_266, %dma_start3A_267, %dma_start3A_273] : memref<2x28x2x128xi32, #tpu.memory_space<vmem>> -> memref<1x1x1x128xi32, #tpu.memory_space<vmem>>
      %dma_start3A_275 = tpu.memref_squeeze %dma_start3A_274 : memref<1x1x1x128xi32, #tpu.memory_space<vmem>> -> memref<128xi32, #tpu.memory_space<vmem>>
      %dma_start3A_276 = arith.constant 0 : i32
      %dma_start3A_277 = arith.constant 0 : i32
      %dma_start3A_278 = tpu.memref_slice %arg2[%dma_start3A_276, %dma_start3A_277] : memref<100096x32xf32, #tpu.memory_space<hbm>> -> memref<100096x32xf32, #tpu.memory_space<hbm>>
      tpu.enqueue_indirect_dma source(%dma_start3A_278 : memref<100096x32xf32, #tpu.memory_space<hbm>>) target(%dma_start3A_272 : memref<128x32xf32, #tpu.memory_space<vmem>>) offsets(%dma_start3A_275 : memref<128xi32, #tpu.memory_space<vmem>>) semaphore(%arg10 : memref<!tpu.dma_semaphore, #tpu.memory_space<semaphore_mem>>)
      %dma_wait3A_279 = arith.constant 7 : i32
      %dma_wait3A_280 = arith.constant 0 : i32
      %dma_wait3A_281 = arith.constant 3 : i32
      %dma_wait3A_282 = arith.constant 0 : i32
      %dma_wait3A_283 = arith.constant 0 : i32
      %dma_wait3A_284 = tpu.memref_slice %arg6[%dma_wait3A_281, %dma_wait3A_282, %dma_wait3A_283] : memref<4x128x32xf32, #tpu.memory_space<vmem>> -> memref<1x128x32xf32, #tpu.memory_space<vmem>>
      %dma_wait3A_285 = tpu.memref_squeeze %dma_wait3A_284 : memref<1x128x32xf32, #tpu.memory_space<vmem>> -> memref<128x32xf32, #tpu.memory_space<vmem>>
      %dma_wait3A_286 = arith.constant 0 : i32
      %dma_wait3A_287 = tpu.memref_slice %arg5[%rem3A_73, %dma_wait3A_279, %dma_wait3A_280, %dma_wait3A_286] : memref<2x28x2x128xi32, #tpu.memory_space<vmem>> -> memref<1x1x1x128xi32, #tpu.memory_space<vmem>>
      %dma_wait3A_288 = tpu.memref_squeeze %dma_wait3A_287 : memref<1x1x1x128xi32, #tpu.memory_space<vmem>> -> memref<128xi32, #tpu.memory_space<vmem>>
      %dma_wait3A_289 = arith.constant 0 : i32
      %dma_wait3A_290 = arith.constant 0 : i32
      %dma_wait3A_291 = tpu.memref_slice %arg2[%dma_wait3A_289, %dma_wait3A_290] : memref<100096x32xf32, #tpu.memory_space<hbm>> -> memref<100096x32xf32, #tpu.memory_space<hbm>>
      tpu.wait_indirect_dma semaphore(%arg11 : memref<!tpu.dma_semaphore, #tpu.memory_space<semaphore_mem>>) src(%dma_wait3A_291 : memref<100096x32xf32, #tpu.memory_space<hbm>>) dst(%dma_wait3A_285 : memref<128x32xf32, #tpu.memory_space<vmem>>)
      %run_scoped3A_292 = arith.constant 3 : i32
      %run_scoped3A_293 = arith.constant 7 : i32
      %run_scoped3A_294 = arith.constant 1 : i32
      "tpu.region"() ({
        %run_scoped3A_861 = tpu.sem_alloc : memref<!tpu.dma_semaphore, #tpu.memory_space<semaphore_mem>>
        %dma_start3A_862 = arith.constant 0 : i32
        %dma_start3A_863 = arith.constant 0 : i32
        %dma_start3A_864 = tpu.memref_slice %arg6[%run_scoped3A_292, %dma_start3A_862, %dma_start3A_863] : memref<4x128x32xf32, #tpu.memory_space<vmem>> -> memref<1x128x32xf32, #tpu.memory_space<vmem>>
        %dma_start3A_865 = tpu.memref_squeeze %dma_start3A_864 : memref<1x128x32xf32, #tpu.memory_space<vmem>> -> memref<128x32xf32, #tpu.memory_space<vmem>>
        %dma_start3A_866 = arith.constant 0 : i32
        %dma_start3A_867 = tpu.memref_slice %arg5[%rem3A_73, %run_scoped3A_293, %run_scoped3A_294, %dma_start3A_866] : memref<2x28x2x128xi32, #tpu.memory_space<vmem>> -> memref<1x1x1x128xi32, #tpu.memory_space<vmem>>
        %dma_start3A_868 = tpu.memref_squeeze %dma_start3A_867 : memref<1x1x1x128xi32, #tpu.memory_space<vmem>> -> memref<128xi32, #tpu.memory_space<vmem>>
        %dma_start3A_869 = arith.constant 0 : i32
        %dma_start3A_870 = arith.constant 0 : i32
        %dma_start3A_871 = tpu.memref_slice %arg12[%dma_start3A_869, %dma_start3A_870] : memref<50056x32xf32, #tpu.memory_space<vmem_shared>> -> memref<50056x32xf32, #tpu.memory_space<vmem_shared>>
        tpu.enqueue_indirect_dma source(%dma_start3A_865 : memref<128x32xf32, #tpu.memory_space<vmem>>) target(%dma_start3A_871 : memref<50056x32xf32, #tpu.memory_space<vmem_shared>>) offsets(%dma_start3A_868 : memref<128xi32, #tpu.memory_space<vmem>>) semaphore(%run_scoped3A_861 : memref<!tpu.dma_semaphore, #tpu.memory_space<semaphore_mem>>) {add = true}
        %dma_wait3A_872 = arith.constant 0 : i32
        %dma_wait3A_873 = arith.constant 0 : i32
        %dma_wait3A_874 = tpu.memref_slice %arg6[%run_scoped3A_292, %dma_wait3A_872, %dma_wait3A_873] : memref<4x128x32xf32, #tpu.memory_space<vmem>> -> memref<1x128x32xf32, #tpu.memory_space<vmem>>
        %dma_wait3A_875 = tpu.memref_squeeze %dma_wait3A_874 : memref<1x128x32xf32, #tpu.memory_space<vmem>> -> memref<128x32xf32, #tpu.memory_space<vmem>>
        %dma_wait3A_876 = arith.constant 0 : i32
        %dma_wait3A_877 = tpu.memref_slice %arg5[%rem3A_73, %run_scoped3A_293, %run_scoped3A_294, %dma_wait3A_876] : memref<2x28x2x128xi32, #tpu.memory_space<vmem>> -> memref<1x1x1x128xi32, #tpu.memory_space<vmem>>
        %dma_wait3A_878 = tpu.memref_squeeze %dma_wait3A_877 : memref<1x1x1x128xi32, #tpu.memory_space<vmem>> -> memref<128xi32, #tpu.memory_space<vmem>>
        %dma_wait3A_879 = arith.constant 0 : i32
        %dma_wait3A_880 = arith.constant 0 : i32
        %dma_wait3A_881 = tpu.memref_slice %arg12[%dma_wait3A_879, %dma_wait3A_880] : memref<50056x32xf32, #tpu.memory_space<vmem_shared>> -> memref<50056x32xf32, #tpu.memory_space<vmem_shared>>
        tpu.wait_indirect_dma semaphore(%run_scoped3A_861 : memref<!tpu.dma_semaphore, #tpu.memory_space<semaphore_mem>>) src(%dma_wait3A_875 : memref<128x32xf32, #tpu.memory_space<vmem>>) dst(%dma_wait3A_881 : memref<50056x32xf32, #tpu.memory_space<vmem_shared>>)
        tpu.yield
      }) : () -> ()
      %dma_start3A_295 = arith.constant 11 : i32
      %dma_start3A_296 = arith.constant 0 : i32
      %dma_start3A_297 = arith.constant 3 : i32
      %dma_start3A_298 = arith.constant 0 : i32
      %dma_start3A_299 = arith.constant 0 : i32
      %dma_start3A_300 = tpu.memref_slice %arg6[%dma_start3A_297, %dma_start3A_298, %dma_start3A_299] : memref<4x128x32xf32, #tpu.memory_space<vmem>> -> memref<1x128x32xf32, #tpu.memory_space<vmem>>
      %dma_start3A_301 = tpu.memref_squeeze %dma_start3A_300 : memref<1x128x32xf32, #tpu.memory_space<vmem>> -> memref<128x32xf32, #tpu.memory_space<vmem>>
      %dma_start3A_302 = arith.constant 0 : i32
      %dma_start3A_303 = tpu.memref_slice %arg5[%rem3A_73, %dma_start3A_295, %dma_start3A_296, %dma_start3A_302] : memref<2x28x2x128xi32, #tpu.memory_space<vmem>> -> memref<1x1x1x128xi32, #tpu.memory_space<vmem>>
      %dma_start3A_304 = tpu.memref_squeeze %dma_start3A_303 : memref<1x1x1x128xi32, #tpu.memory_space<vmem>> -> memref<128xi32, #tpu.memory_space<vmem>>
      %dma_start3A_305 = arith.constant 0 : i32
      %dma_start3A_306 = arith.constant 0 : i32
      %dma_start3A_307 = tpu.memref_slice %arg2[%dma_start3A_305, %dma_start3A_306] : memref<100096x32xf32, #tpu.memory_space<hbm>> -> memref<100096x32xf32, #tpu.memory_space<hbm>>
      tpu.enqueue_indirect_dma source(%dma_start3A_307 : memref<100096x32xf32, #tpu.memory_space<hbm>>) target(%dma_start3A_301 : memref<128x32xf32, #tpu.memory_space<vmem>>) offsets(%dma_start3A_304 : memref<128xi32, #tpu.memory_space<vmem>>) semaphore(%arg11 : memref<!tpu.dma_semaphore, #tpu.memory_space<semaphore_mem>>)
      %dma_wait3A_308 = arith.constant 8 : i32
      %dma_wait3A_309 = arith.constant 0 : i32
      %dma_wait3A_310 = arith.constant 0 : i32
      %dma_wait3A_311 = arith.constant 0 : i32
      %dma_wait3A_312 = arith.constant 0 : i32
      %dma_wait3A_313 = tpu.memref_slice %arg6[%dma_wait3A_310, %dma_wait3A_311, %dma_wait3A_312] : memref<4x128x32xf32, #tpu.memory_space<vmem>> -> memref<1x128x32xf32, #tpu.memory_space<vmem>>
      %dma_wait3A_314 = tpu.memref_squeeze %dma_wait3A_313 : memref<1x128x32xf32, #tpu.memory_space<vmem>> -> memref<128x32xf32, #tpu.memory_space<vmem>>
      %dma_wait3A_315 = arith.constant 0 : i32
      %dma_wait3A_316 = tpu.memref_slice %arg5[%rem3A_73, %dma_wait3A_308, %dma_wait3A_309, %dma_wait3A_315] : memref<2x28x2x128xi32, #tpu.memory_space<vmem>> -> memref<1x1x1x128xi32, #tpu.memory_space<vmem>>
      %dma_wait3A_317 = tpu.memref_squeeze %dma_wait3A_316 : memref<1x1x1x128xi32, #tpu.memory_space<vmem>> -> memref<128xi32, #tpu.memory_space<vmem>>
      %dma_wait3A_318 = arith.constant 0 : i32
      %dma_wait3A_319 = arith.constant 0 : i32
      %dma_wait3A_320 = tpu.memref_slice %arg2[%dma_wait3A_318, %dma_wait3A_319] : memref<100096x32xf32, #tpu.memory_space<hbm>> -> memref<100096x32xf32, #tpu.memory_space<hbm>>
      tpu.wait_indirect_dma semaphore(%arg8 : memref<!tpu.dma_semaphore, #tpu.memory_space<semaphore_mem>>) src(%dma_wait3A_320 : memref<100096x32xf32, #tpu.memory_space<hbm>>) dst(%dma_wait3A_314 : memref<128x32xf32, #tpu.memory_space<vmem>>)
      %run_scoped3A_321 = arith.constant 0 : i32
      %run_scoped3A_322 = arith.constant 8 : i32
      %run_scoped3A_323 = arith.constant 1 : i32
      "tpu.region"() ({
        %run_scoped3A_861 = tpu.sem_alloc : memref<!tpu.dma_semaphore, #tpu.memory_space<semaphore_mem>>
        %dma_start3A_862 = arith.constant 0 : i32
        %dma_start3A_863 = arith.constant 0 : i32
        %dma_start3A_864 = tpu.memref_slice %arg6[%run_scoped3A_321, %dma_start3A_862, %dma_start3A_863] : memref<4x128x32xf32, #tpu.memory_space<vmem>> -> memref<1x128x32xf32, #tpu.memory_space<vmem>>
        %dma_start3A_865 = tpu.memref_squeeze %dma_start3A_864 : memref<1x128x32xf32, #tpu.memory_space<vmem>> -> memref<128x32xf32, #tpu.memory_space<vmem>>
        %dma_start3A_866 = arith.constant 0 : i32
        %dma_start3A_867 = tpu.memref_slice %arg5[%rem3A_73, %run_scoped3A_322, %run_scoped3A_323, %dma_start3A_866] : memref<2x28x2x128xi32, #tpu.memory_space<vmem>> -> memref<1x1x1x128xi32, #tpu.memory_space<vmem>>
        %dma_start3A_868 = tpu.memref_squeeze %dma_start3A_867 : memref<1x1x1x128xi32, #tpu.memory_space<vmem>> -> memref<128xi32, #tpu.memory_space<vmem>>
        %dma_start3A_869 = arith.constant 0 : i32
        %dma_start3A_870 = arith.constant 0 : i32
        %dma_start3A_871 = tpu.memref_slice %arg12[%dma_start3A_869, %dma_start3A_870] : memref<50056x32xf32, #tpu.memory_space<vmem_shared>> -> memref<50056x32xf32, #tpu.memory_space<vmem_shared>>
        tpu.enqueue_indirect_dma source(%dma_start3A_865 : memref<128x32xf32, #tpu.memory_space<vmem>>) target(%dma_start3A_871 : memref<50056x32xf32, #tpu.memory_space<vmem_shared>>) offsets(%dma_start3A_868 : memref<128xi32, #tpu.memory_space<vmem>>) semaphore(%run_scoped3A_861 : memref<!tpu.dma_semaphore, #tpu.memory_space<semaphore_mem>>) {add = true}
        %dma_wait3A_872 = arith.constant 0 : i32
        %dma_wait3A_873 = arith.constant 0 : i32
        %dma_wait3A_874 = tpu.memref_slice %arg6[%run_scoped3A_321, %dma_wait3A_872, %dma_wait3A_873] : memref<4x128x32xf32, #tpu.memory_space<vmem>> -> memref<1x128x32xf32, #tpu.memory_space<vmem>>
        %dma_wait3A_875 = tpu.memref_squeeze %dma_wait3A_874 : memref<1x128x32xf32, #tpu.memory_space<vmem>> -> memref<128x32xf32, #tpu.memory_space<vmem>>
        %dma_wait3A_876 = arith.constant 0 : i32
        %dma_wait3A_877 = tpu.memref_slice %arg5[%rem3A_73, %run_scoped3A_322, %run_scoped3A_323, %dma_wait3A_876] : memref<2x28x2x128xi32, #tpu.memory_space<vmem>> -> memref<1x1x1x128xi32, #tpu.memory_space<vmem>>
        %dma_wait3A_878 = tpu.memref_squeeze %dma_wait3A_877 : memref<1x1x1x128xi32, #tpu.memory_space<vmem>> -> memref<128xi32, #tpu.memory_space<vmem>>
        %dma_wait3A_879 = arith.constant 0 : i32
        %dma_wait3A_880 = arith.constant 0 : i32
        %dma_wait3A_881 = tpu.memref_slice %arg12[%dma_wait3A_879, %dma_wait3A_880] : memref<50056x32xf32, #tpu.memory_space<vmem_shared>> -> memref<50056x32xf32, #tpu.memory_space<vmem_shared>>
        tpu.wait_indirect_dma semaphore(%run_scoped3A_861 : memref<!tpu.dma_semaphore, #tpu.memory_space<semaphore_mem>>) src(%dma_wait3A_875 : memref<128x32xf32, #tpu.memory_space<vmem>>) dst(%dma_wait3A_881 : memref<50056x32xf32, #tpu.memory_space<vmem_shared>>)
        tpu.yield
      }) : () -> ()
      %dma_start3A_324 = arith.constant 12 : i32
      %dma_start3A_325 = arith.constant 0 : i32
      %dma_start3A_326 = arith.constant 0 : i32
      %dma_start3A_327 = arith.constant 0 : i32
      %dma_start3A_328 = arith.constant 0 : i32
      %dma_start3A_329 = tpu.memref_slice %arg6[%dma_start3A_326, %dma_start3A_327, %dma_start3A_328] : memref<4x128x32xf32, #tpu.memory_space<vmem>> -> memref<1x128x32xf32, #tpu.memory_space<vmem>>
      %dma_start3A_330 = tpu.memref_squeeze %dma_start3A_329 : memref<1x128x32xf32, #tpu.memory_space<vmem>> -> memref<128x32xf32, #tpu.memory_space<vmem>>
      %dma_start3A_331 = arith.constant 0 : i32
      %dma_start3A_332 = tpu.memref_slice %arg5[%rem3A_73, %dma_start3A_324, %dma_start3A_325, %dma_start3A_331] : memref<2x28x2x128xi32, #tpu.memory_space<vmem>> -> memref<1x1x1x128xi32, #tpu.memory_space<vmem>>
      %dma_start3A_333 = tpu.memref_squeeze %dma_start3A_332 : memref<1x1x1x128xi32, #tpu.memory_space<vmem>> -> memref<128xi32, #tpu.memory_space<vmem>>
      %dma_start3A_334 = arith.constant 0 : i32
      %dma_start3A_335 = arith.constant 0 : i32
      %dma_start3A_336 = tpu.memref_slice %arg2[%dma_start3A_334, %dma_start3A_335] : memref<100096x32xf32, #tpu.memory_space<hbm>> -> memref<100096x32xf32, #tpu.memory_space<hbm>>
      tpu.enqueue_indirect_dma source(%dma_start3A_336 : memref<100096x32xf32, #tpu.memory_space<hbm>>) target(%dma_start3A_330 : memref<128x32xf32, #tpu.memory_space<vmem>>) offsets(%dma_start3A_333 : memref<128xi32, #tpu.memory_space<vmem>>) semaphore(%arg8 : memref<!tpu.dma_semaphore, #tpu.memory_space<semaphore_mem>>)
      %dma_wait3A_337 = arith.constant 9 : i32
      %dma_wait3A_338 = arith.constant 0 : i32
      %dma_wait3A_339 = arith.constant 1 : i32
      %dma_wait3A_340 = arith.constant 0 : i32
      %dma_wait3A_341 = arith.constant 0 : i32
      %dma_wait3A_342 = tpu.memref_slice %arg6[%dma_wait3A_339, %dma_wait3A_340, %dma_wait3A_341] : memref<4x128x32xf32, #tpu.memory_space<vmem>> -> memref<1x128x32xf32, #tpu.memory_space<vmem>>
      %dma_wait3A_343 = tpu.memref_squeeze %dma_wait3A_342 : memref<1x128x32xf32, #tpu.memory_space<vmem>> -> memref<128x32xf32, #tpu.memory_space<vmem>>
      %dma_wait3A_344 = arith.constant 0 : i32
      %dma_wait3A_345 = tpu.memref_slice %arg5[%rem3A_73, %dma_wait3A_337, %dma_wait3A_338, %dma_wait3A_344] : memref<2x28x2x128xi32, #tpu.memory_space<vmem>> -> memref<1x1x1x128xi32, #tpu.memory_space<vmem>>
      %dma_wait3A_346 = tpu.memref_squeeze %dma_wait3A_345 : memref<1x1x1x128xi32, #tpu.memory_space<vmem>> -> memref<128xi32, #tpu.memory_space<vmem>>
      %dma_wait3A_347 = arith.constant 0 : i32
      %dma_wait3A_348 = arith.constant 0 : i32
      %dma_wait3A_349 = tpu.memref_slice %arg2[%dma_wait3A_347, %dma_wait3A_348] : memref<100096x32xf32, #tpu.memory_space<hbm>> -> memref<100096x32xf32, #tpu.memory_space<hbm>>
      tpu.wait_indirect_dma semaphore(%arg9 : memref<!tpu.dma_semaphore, #tpu.memory_space<semaphore_mem>>) src(%dma_wait3A_349 : memref<100096x32xf32, #tpu.memory_space<hbm>>) dst(%dma_wait3A_343 : memref<128x32xf32, #tpu.memory_space<vmem>>)
      %run_scoped3A_350 = arith.constant 1 : i32
      %run_scoped3A_351 = arith.constant 9 : i32
      %run_scoped3A_352 = arith.constant 1 : i32
      "tpu.region"() ({
        %run_scoped3A_861 = tpu.sem_alloc : memref<!tpu.dma_semaphore, #tpu.memory_space<semaphore_mem>>
        %dma_start3A_862 = arith.constant 0 : i32
        %dma_start3A_863 = arith.constant 0 : i32
        %dma_start3A_864 = tpu.memref_slice %arg6[%run_scoped3A_350, %dma_start3A_862, %dma_start3A_863] : memref<4x128x32xf32, #tpu.memory_space<vmem>> -> memref<1x128x32xf32, #tpu.memory_space<vmem>>
        %dma_start3A_865 = tpu.memref_squeeze %dma_start3A_864 : memref<1x128x32xf32, #tpu.memory_space<vmem>> -> memref<128x32xf32, #tpu.memory_space<vmem>>
        %dma_start3A_866 = arith.constant 0 : i32
        %dma_start3A_867 = tpu.memref_slice %arg5[%rem3A_73, %run_scoped3A_351, %run_scoped3A_352, %dma_start3A_866] : memref<2x28x2x128xi32, #tpu.memory_space<vmem>> -> memref<1x1x1x128xi32, #tpu.memory_space<vmem>>
        %dma_start3A_868 = tpu.memref_squeeze %dma_start3A_867 : memref<1x1x1x128xi32, #tpu.memory_space<vmem>> -> memref<128xi32, #tpu.memory_space<vmem>>
        %dma_start3A_869 = arith.constant 0 : i32
        %dma_start3A_870 = arith.constant 0 : i32
        %dma_start3A_871 = tpu.memref_slice %arg12[%dma_start3A_869, %dma_start3A_870] : memref<50056x32xf32, #tpu.memory_space<vmem_shared>> -> memref<50056x32xf32, #tpu.memory_space<vmem_shared>>
        tpu.enqueue_indirect_dma source(%dma_start3A_865 : memref<128x32xf32, #tpu.memory_space<vmem>>) target(%dma_start3A_871 : memref<50056x32xf32, #tpu.memory_space<vmem_shared>>) offsets(%dma_start3A_868 : memref<128xi32, #tpu.memory_space<vmem>>) semaphore(%run_scoped3A_861 : memref<!tpu.dma_semaphore, #tpu.memory_space<semaphore_mem>>) {add = true}
        %dma_wait3A_872 = arith.constant 0 : i32
        %dma_wait3A_873 = arith.constant 0 : i32
        %dma_wait3A_874 = tpu.memref_slice %arg6[%run_scoped3A_350, %dma_wait3A_872, %dma_wait3A_873] : memref<4x128x32xf32, #tpu.memory_space<vmem>> -> memref<1x128x32xf32, #tpu.memory_space<vmem>>
        %dma_wait3A_875 = tpu.memref_squeeze %dma_wait3A_874 : memref<1x128x32xf32, #tpu.memory_space<vmem>> -> memref<128x32xf32, #tpu.memory_space<vmem>>
        %dma_wait3A_876 = arith.constant 0 : i32
        %dma_wait3A_877 = tpu.memref_slice %arg5[%rem3A_73, %run_scoped3A_351, %run_scoped3A_352, %dma_wait3A_876] : memref<2x28x2x128xi32, #tpu.memory_space<vmem>> -> memref<1x1x1x128xi32, #tpu.memory_space<vmem>>
        %dma_wait3A_878 = tpu.memref_squeeze %dma_wait3A_877 : memref<1x1x1x128xi32, #tpu.memory_space<vmem>> -> memref<128xi32, #tpu.memory_space<vmem>>
        %dma_wait3A_879 = arith.constant 0 : i32
        %dma_wait3A_880 = arith.constant 0 : i32
        %dma_wait3A_881 = tpu.memref_slice %arg12[%dma_wait3A_879, %dma_wait3A_880] : memref<50056x32xf32, #tpu.memory_space<vmem_shared>> -> memref<50056x32xf32, #tpu.memory_space<vmem_shared>>
        tpu.wait_indirect_dma semaphore(%run_scoped3A_861 : memref<!tpu.dma_semaphore, #tpu.memory_space<semaphore_mem>>) src(%dma_wait3A_875 : memref<128x32xf32, #tpu.memory_space<vmem>>) dst(%dma_wait3A_881 : memref<50056x32xf32, #tpu.memory_space<vmem_shared>>)
        tpu.yield
      }) : () -> ()
      %dma_start3A_353 = arith.constant 13 : i32
      %dma_start3A_354 = arith.constant 0 : i32
      %dma_start3A_355 = arith.constant 1 : i32
      %dma_start3A_356 = arith.constant 0 : i32
      %dma_start3A_357 = arith.constant 0 : i32
      %dma_start3A_358 = tpu.memref_slice %arg6[%dma_start3A_355, %dma_start3A_356, %dma_start3A_357] : memref<4x128x32xf32, #tpu.memory_space<vmem>> -> memref<1x128x32xf32, #tpu.memory_space<vmem>>
      %dma_start3A_359 = tpu.memref_squeeze %dma_start3A_358 : memref<1x128x32xf32, #tpu.memory_space<vmem>> -> memref<128x32xf32, #tpu.memory_space<vmem>>
      %dma_start3A_360 = arith.constant 0 : i32
      %dma_start3A_361 = tpu.memref_slice %arg5[%rem3A_73, %dma_start3A_353, %dma_start3A_354, %dma_start3A_360] : memref<2x28x2x128xi32, #tpu.memory_space<vmem>> -> memref<1x1x1x128xi32, #tpu.memory_space<vmem>>
      %dma_start3A_362 = tpu.memref_squeeze %dma_start3A_361 : memref<1x1x1x128xi32, #tpu.memory_space<vmem>> -> memref<128xi32, #tpu.memory_space<vmem>>
      %dma_start3A_363 = arith.constant 0 : i32
      %dma_start3A_364 = arith.constant 0 : i32
      %dma_start3A_365 = tpu.memref_slice %arg2[%dma_start3A_363, %dma_start3A_364] : memref<100096x32xf32, #tpu.memory_space<hbm>> -> memref<100096x32xf32, #tpu.memory_space<hbm>>
      tpu.enqueue_indirect_dma source(%dma_start3A_365 : memref<100096x32xf32, #tpu.memory_space<hbm>>) target(%dma_start3A_359 : memref<128x32xf32, #tpu.memory_space<vmem>>) offsets(%dma_start3A_362 : memref<128xi32, #tpu.memory_space<vmem>>) semaphore(%arg9 : memref<!tpu.dma_semaphore, #tpu.memory_space<semaphore_mem>>)
      %dma_wait3A_366 = arith.constant 10 : i32
      %dma_wait3A_367 = arith.constant 0 : i32
      %dma_wait3A_368 = arith.constant 2 : i32
      %dma_wait3A_369 = arith.constant 0 : i32
      %dma_wait3A_370 = arith.constant 0 : i32
      %dma_wait3A_371 = tpu.memref_slice %arg6[%dma_wait3A_368, %dma_wait3A_369, %dma_wait3A_370] : memref<4x128x32xf32, #tpu.memory_space<vmem>> -> memref<1x128x32xf32, #tpu.memory_space<vmem>>
      %dma_wait3A_372 = tpu.memref_squeeze %dma_wait3A_371 : memref<1x128x32xf32, #tpu.memory_space<vmem>> -> memref<128x32xf32, #tpu.memory_space<vmem>>
      %dma_wait3A_373 = arith.constant 0 : i32
      %dma_wait3A_374 = tpu.memref_slice %arg5[%rem3A_73, %dma_wait3A_366, %dma_wait3A_367, %dma_wait3A_373] : memref<2x28x2x128xi32, #tpu.memory_space<vmem>> -> memref<1x1x1x128xi32, #tpu.memory_space<vmem>>
      %dma_wait3A_375 = tpu.memref_squeeze %dma_wait3A_374 : memref<1x1x1x128xi32, #tpu.memory_space<vmem>> -> memref<128xi32, #tpu.memory_space<vmem>>
      %dma_wait3A_376 = arith.constant 0 : i32
      %dma_wait3A_377 = arith.constant 0 : i32
      %dma_wait3A_378 = tpu.memref_slice %arg2[%dma_wait3A_376, %dma_wait3A_377] : memref<100096x32xf32, #tpu.memory_space<hbm>> -> memref<100096x32xf32, #tpu.memory_space<hbm>>
      tpu.wait_indirect_dma semaphore(%arg10 : memref<!tpu.dma_semaphore, #tpu.memory_space<semaphore_mem>>) src(%dma_wait3A_378 : memref<100096x32xf32, #tpu.memory_space<hbm>>) dst(%dma_wait3A_372 : memref<128x32xf32, #tpu.memory_space<vmem>>)
      %run_scoped3A_379 = arith.constant 2 : i32
      %run_scoped3A_380 = arith.constant 10 : i32
      %run_scoped3A_381 = arith.constant 1 : i32
      "tpu.region"() ({
        %run_scoped3A_861 = tpu.sem_alloc : memref<!tpu.dma_semaphore, #tpu.memory_space<semaphore_mem>>
        %dma_start3A_862 = arith.constant 0 : i32
        %dma_start3A_863 = arith.constant 0 : i32
        %dma_start3A_864 = tpu.memref_slice %arg6[%run_scoped3A_379, %dma_start3A_862, %dma_start3A_863] : memref<4x128x32xf32, #tpu.memory_space<vmem>> -> memref<1x128x32xf32, #tpu.memory_space<vmem>>
        %dma_start3A_865 = tpu.memref_squeeze %dma_start3A_864 : memref<1x128x32xf32, #tpu.memory_space<vmem>> -> memref<128x32xf32, #tpu.memory_space<vmem>>
        %dma_start3A_866 = arith.constant 0 : i32
        %dma_start3A_867 = tpu.memref_slice %arg5[%rem3A_73, %run_scoped3A_380, %run_scoped3A_381, %dma_start3A_866] : memref<2x28x2x128xi32, #tpu.memory_space<vmem>> -> memref<1x1x1x128xi32, #tpu.memory_space<vmem>>
        %dma_start3A_868 = tpu.memref_squeeze %dma_start3A_867 : memref<1x1x1x128xi32, #tpu.memory_space<vmem>> -> memref<128xi32, #tpu.memory_space<vmem>>
        %dma_start3A_869 = arith.constant 0 : i32
        %dma_start3A_870 = arith.constant 0 : i32
        %dma_start3A_871 = tpu.memref_slice %arg12[%dma_start3A_869, %dma_start3A_870] : memref<50056x32xf32, #tpu.memory_space<vmem_shared>> -> memref<50056x32xf32, #tpu.memory_space<vmem_shared>>
        tpu.enqueue_indirect_dma source(%dma_start3A_865 : memref<128x32xf32, #tpu.memory_space<vmem>>) target(%dma_start3A_871 : memref<50056x32xf32, #tpu.memory_space<vmem_shared>>) offsets(%dma_start3A_868 : memref<128xi32, #tpu.memory_space<vmem>>) semaphore(%run_scoped3A_861 : memref<!tpu.dma_semaphore, #tpu.memory_space<semaphore_mem>>) {add = true}
        %dma_wait3A_872 = arith.constant 0 : i32
        %dma_wait3A_873 = arith.constant 0 : i32
        %dma_wait3A_874 = tpu.memref_slice %arg6[%run_scoped3A_379, %dma_wait3A_872, %dma_wait3A_873] : memref<4x128x32xf32, #tpu.memory_space<vmem>> -> memref<1x128x32xf32, #tpu.memory_space<vmem>>
        %dma_wait3A_875 = tpu.memref_squeeze %dma_wait3A_874 : memref<1x128x32xf32, #tpu.memory_space<vmem>> -> memref<128x32xf32, #tpu.memory_space<vmem>>
        %dma_wait3A_876 = arith.constant 0 : i32
        %dma_wait3A_877 = tpu.memref_slice %arg5[%rem3A_73, %run_scoped3A_380, %run_scoped3A_381, %dma_wait3A_876] : memref<2x28x2x128xi32, #tpu.memory_space<vmem>> -> memref<1x1x1x128xi32, #tpu.memory_space<vmem>>
        %dma_wait3A_878 = tpu.memref_squeeze %dma_wait3A_877 : memref<1x1x1x128xi32, #tpu.memory_space<vmem>> -> memref<128xi32, #tpu.memory_space<vmem>>
        %dma_wait3A_879 = arith.constant 0 : i32
        %dma_wait3A_880 = arith.constant 0 : i32
        %dma_wait3A_881 = tpu.memref_slice %arg12[%dma_wait3A_879, %dma_wait3A_880] : memref<50056x32xf32, #tpu.memory_space<vmem_shared>> -> memref<50056x32xf32, #tpu.memory_space<vmem_shared>>
        tpu.wait_indirect_dma semaphore(%run_scoped3A_861 : memref<!tpu.dma_semaphore, #tpu.memory_space<semaphore_mem>>) src(%dma_wait3A_875 : memref<128x32xf32, #tpu.memory_space<vmem>>) dst(%dma_wait3A_881 : memref<50056x32xf32, #tpu.memory_space<vmem_shared>>)
        tpu.yield
      }) : () -> ()
      %dma_start3A_382 = arith.constant 14 : i32
      %dma_start3A_383 = arith.constant 0 : i32
      %dma_start3A_384 = arith.constant 2 : i32
      %dma_start3A_385 = arith.constant 0 : i32
      %dma_start3A_386 = arith.constant 0 : i32
      %dma_start3A_387 = tpu.memref_slice %arg6[%dma_start3A_384, %dma_start3A_385, %dma_start3A_386] : memref<4x128x32xf32, #tpu.memory_space<vmem>> -> memref<1x128x32xf32, #tpu.memory_space<vmem>>
      %dma_start3A_388 = tpu.memref_squeeze %dma_start3A_387 : memref<1x128x32xf32, #tpu.memory_space<vmem>> -> memref<128x32xf32, #tpu.memory_space<vmem>>
      %dma_start3A_389 = arith.constant 0 : i32
      %dma_start3A_390 = tpu.memref_slice %arg5[%rem3A_73, %dma_start3A_382, %dma_start3A_383, %dma_start3A_389] : memref<2x28x2x128xi32, #tpu.memory_space<vmem>> -> memref<1x1x1x128xi32, #tpu.memory_space<vmem>>
      %dma_start3A_391 = tpu.memref_squeeze %dma_start3A_390 : memref<1x1x1x128xi32, #tpu.memory_space<vmem>> -> memref<128xi32, #tpu.memory_space<vmem>>
      %dma_start3A_392 = arith.constant 0 : i32
      %dma_start3A_393 = arith.constant 0 : i32
      %dma_start3A_394 = tpu.memref_slice %arg2[%dma_start3A_392, %dma_start3A_393] : memref<100096x32xf32, #tpu.memory_space<hbm>> -> memref<100096x32xf32, #tpu.memory_space<hbm>>
      tpu.enqueue_indirect_dma source(%dma_start3A_394 : memref<100096x32xf32, #tpu.memory_space<hbm>>) target(%dma_start3A_388 : memref<128x32xf32, #tpu.memory_space<vmem>>) offsets(%dma_start3A_391 : memref<128xi32, #tpu.memory_space<vmem>>) semaphore(%arg10 : memref<!tpu.dma_semaphore, #tpu.memory_space<semaphore_mem>>)
      %dma_wait3A_395 = arith.constant 11 : i32
      %dma_wait3A_396 = arith.constant 0 : i32
      %dma_wait3A_397 = arith.constant 3 : i32
      %dma_wait3A_398 = arith.constant 0 : i32
      %dma_wait3A_399 = arith.constant 0 : i32
      %dma_wait3A_400 = tpu.memref_slice %arg6[%dma_wait3A_397, %dma_wait3A_398, %dma_wait3A_399] : memref<4x128x32xf32, #tpu.memory_space<vmem>> -> memref<1x128x32xf32, #tpu.memory_space<vmem>>
      %dma_wait3A_401 = tpu.memref_squeeze %dma_wait3A_400 : memref<1x128x32xf32, #tpu.memory_space<vmem>> -> memref<128x32xf32, #tpu.memory_space<vmem>>
      %dma_wait3A_402 = arith.constant 0 : i32
      %dma_wait3A_403 = tpu.memref_slice %arg5[%rem3A_73, %dma_wait3A_395, %dma_wait3A_396, %dma_wait3A_402] : memref<2x28x2x128xi32, #tpu.memory_space<vmem>> -> memref<1x1x1x128xi32, #tpu.memory_space<vmem>>
      %dma_wait3A_404 = tpu.memref_squeeze %dma_wait3A_403 : memref<1x1x1x128xi32, #tpu.memory_space<vmem>> -> memref<128xi32, #tpu.memory_space<vmem>>
      %dma_wait3A_405 = arith.constant 0 : i32
      %dma_wait3A_406 = arith.constant 0 : i32
      %dma_wait3A_407 = tpu.memref_slice %arg2[%dma_wait3A_405, %dma_wait3A_406] : memref<100096x32xf32, #tpu.memory_space<hbm>> -> memref<100096x32xf32, #tpu.memory_space<hbm>>
      tpu.wait_indirect_dma semaphore(%arg11 : memref<!tpu.dma_semaphore, #tpu.memory_space<semaphore_mem>>) src(%dma_wait3A_407 : memref<100096x32xf32, #tpu.memory_space<hbm>>) dst(%dma_wait3A_401 : memref<128x32xf32, #tpu.memory_space<vmem>>)
      %run_scoped3A_408 = arith.constant 3 : i32
      %run_scoped3A_409 = arith.constant 11 : i32
      %run_scoped3A_410 = arith.constant 1 : i32
      "tpu.region"() ({
        %run_scoped3A_861 = tpu.sem_alloc : memref<!tpu.dma_semaphore, #tpu.memory_space<semaphore_mem>>
        %dma_start3A_862 = arith.constant 0 : i32
        %dma_start3A_863 = arith.constant 0 : i32
        %dma_start3A_864 = tpu.memref_slice %arg6[%run_scoped3A_408, %dma_start3A_862, %dma_start3A_863] : memref<4x128x32xf32, #tpu.memory_space<vmem>> -> memref<1x128x32xf32, #tpu.memory_space<vmem>>
        %dma_start3A_865 = tpu.memref_squeeze %dma_start3A_864 : memref<1x128x32xf32, #tpu.memory_space<vmem>> -> memref<128x32xf32, #tpu.memory_space<vmem>>
        %dma_start3A_866 = arith.constant 0 : i32
        %dma_start3A_867 = tpu.memref_slice %arg5[%rem3A_73, %run_scoped3A_409, %run_scoped3A_410, %dma_start3A_866] : memref<2x28x2x128xi32, #tpu.memory_space<vmem>> -> memref<1x1x1x128xi32, #tpu.memory_space<vmem>>
        %dma_start3A_868 = tpu.memref_squeeze %dma_start3A_867 : memref<1x1x1x128xi32, #tpu.memory_space<vmem>> -> memref<128xi32, #tpu.memory_space<vmem>>
        %dma_start3A_869 = arith.constant 0 : i32
        %dma_start3A_870 = arith.constant 0 : i32
        %dma_start3A_871 = tpu.memref_slice %arg12[%dma_start3A_869, %dma_start3A_870] : memref<50056x32xf32, #tpu.memory_space<vmem_shared>> -> memref<50056x32xf32, #tpu.memory_space<vmem_shared>>
        tpu.enqueue_indirect_dma source(%dma_start3A_865 : memref<128x32xf32, #tpu.memory_space<vmem>>) target(%dma_start3A_871 : memref<50056x32xf32, #tpu.memory_space<vmem_shared>>) offsets(%dma_start3A_868 : memref<128xi32, #tpu.memory_space<vmem>>) semaphore(%run_scoped3A_861 : memref<!tpu.dma_semaphore, #tpu.memory_space<semaphore_mem>>) {add = true}
        %dma_wait3A_872 = arith.constant 0 : i32
        %dma_wait3A_873 = arith.constant 0 : i32
        %dma_wait3A_874 = tpu.memref_slice %arg6[%run_scoped3A_408, %dma_wait3A_872, %dma_wait3A_873] : memref<4x128x32xf32, #tpu.memory_space<vmem>> -> memref<1x128x32xf32, #tpu.memory_space<vmem>>
        %dma_wait3A_875 = tpu.memref_squeeze %dma_wait3A_874 : memref<1x128x32xf32, #tpu.memory_space<vmem>> -> memref<128x32xf32, #tpu.memory_space<vmem>>
        %dma_wait3A_876 = arith.constant 0 : i32
        %dma_wait3A_877 = tpu.memref_slice %arg5[%rem3A_73, %run_scoped3A_409, %run_scoped3A_410, %dma_wait3A_876] : memref<2x28x2x128xi32, #tpu.memory_space<vmem>> -> memref<1x1x1x128xi32, #tpu.memory_space<vmem>>
        %dma_wait3A_878 = tpu.memref_squeeze %dma_wait3A_877 : memref<1x1x1x128xi32, #tpu.memory_space<vmem>> -> memref<128xi32, #tpu.memory_space<vmem>>
        %dma_wait3A_879 = arith.constant 0 : i32
        %dma_wait3A_880 = arith.constant 0 : i32
        %dma_wait3A_881 = tpu.memref_slice %arg12[%dma_wait3A_879, %dma_wait3A_880] : memref<50056x32xf32, #tpu.memory_space<vmem_shared>> -> memref<50056x32xf32, #tpu.memory_space<vmem_shared>>
        tpu.wait_indirect_dma semaphore(%run_scoped3A_861 : memref<!tpu.dma_semaphore, #tpu.memory_space<semaphore_mem>>) src(%dma_wait3A_875 : memref<128x32xf32, #tpu.memory_space<vmem>>) dst(%dma_wait3A_881 : memref<50056x32xf32, #tpu.memory_space<vmem_shared>>)
        tpu.yield
      }) : () -> ()
      %dma_start3A_411 = arith.constant 15 : i32
      %dma_start3A_412 = arith.constant 0 : i32
      %dma_start3A_413 = arith.constant 3 : i32
      %dma_start3A_414 = arith.constant 0 : i32
      %dma_start3A_415 = arith.constant 0 : i32
      %dma_start3A_416 = tpu.memref_slice %arg6[%dma_start3A_413, %dma_start3A_414, %dma_start3A_415] : memref<4x128x32xf32, #tpu.memory_space<vmem>> -> memref<1x128x32xf32, #tpu.memory_space<vmem>>
      %dma_start3A_417 = tpu.memref_squeeze %dma_start3A_416 : memref<1x128x32xf32, #tpu.memory_space<vmem>> -> memref<128x32xf32, #tpu.memory_space<vmem>>
      %dma_start3A_418 = arith.constant 0 : i32
      %dma_start3A_419 = tpu.memref_slice %arg5[%rem3A_73, %dma_start3A_411, %dma_start3A_412, %dma_start3A_418] : memref<2x28x2x128xi32, #tpu.memory_space<vmem>> -> memref<1x1x1x128xi32, #tpu.memory_space<vmem>>
      %dma_start3A_420 = tpu.memref_squeeze %dma_start3A_419 : memref<1x1x1x128xi32, #tpu.memory_space<vmem>> -> memref<128xi32, #tpu.memory_space<vmem>>
      %dma_start3A_421 = arith.constant 0 : i32
      %dma_start3A_422 = arith.constant 0 : i32
      %dma_start3A_423 = tpu.memref_slice %arg2[%dma_start3A_421, %dma_start3A_422] : memref<100096x32xf32, #tpu.memory_space<hbm>> -> memref<100096x32xf32, #tpu.memory_space<hbm>>
      tpu.enqueue_indirect_dma source(%dma_start3A_423 : memref<100096x32xf32, #tpu.memory_space<hbm>>) target(%dma_start3A_417 : memref<128x32xf32, #tpu.memory_space<vmem>>) offsets(%dma_start3A_420 : memref<128xi32, #tpu.memory_space<vmem>>) semaphore(%arg11 : memref<!tpu.dma_semaphore, #tpu.memory_space<semaphore_mem>>)
      %dma_wait3A_424 = arith.constant 12 : i32
      %dma_wait3A_425 = arith.constant 0 : i32
      %dma_wait3A_426 = arith.constant 0 : i32
      %dma_wait3A_427 = arith.constant 0 : i32
      %dma_wait3A_428 = arith.constant 0 : i32
      %dma_wait3A_429 = tpu.memref_slice %arg6[%dma_wait3A_426, %dma_wait3A_427, %dma_wait3A_428] : memref<4x128x32xf32, #tpu.memory_space<vmem>> -> memref<1x128x32xf32, #tpu.memory_space<vmem>>
      %dma_wait3A_430 = tpu.memref_squeeze %dma_wait3A_429 : memref<1x128x32xf32, #tpu.memory_space<vmem>> -> memref<128x32xf32, #tpu.memory_space<vmem>>
      %dma_wait3A_431 = arith.constant 0 : i32
      %dma_wait3A_432 = tpu.memref_slice %arg5[%rem3A_73, %dma_wait3A_424, %dma_wait3A_425, %dma_wait3A_431] : memref<2x28x2x128xi32, #tpu.memory_space<vmem>> -> memref<1x1x1x128xi32, #tpu.memory_space<vmem>>
      %dma_wait3A_433 = tpu.memref_squeeze %dma_wait3A_432 : memref<1x1x1x128xi32, #tpu.memory_space<vmem>> -> memref<128xi32, #tpu.memory_space<vmem>>
      %dma_wait3A_434 = arith.constant 0 : i32
      %dma_wait3A_435 = arith.constant 0 : i32
      %dma_wait3A_436 = tpu.memref_slice %arg2[%dma_wait3A_434, %dma_wait3A_435] : memref<100096x32xf32, #tpu.memory_space<hbm>> -> memref<100096x32xf32, #tpu.memory_space<hbm>>
      tpu.wait_indirect_dma semaphore(%arg8 : memref<!tpu.dma_semaphore, #tpu.memory_space<semaphore_mem>>) src(%dma_wait3A_436 : memref<100096x32xf32, #tpu.memory_space<hbm>>) dst(%dma_wait3A_430 : memref<128x32xf32, #tpu.memory_space<vmem>>)
      %run_scoped3A_437 = arith.constant 0 : i32
      %run_scoped3A_438 = arith.constant 12 : i32
      %run_scoped3A_439 = arith.constant 1 : i32
      "tpu.region"() ({
        %run_scoped3A_861 = tpu.sem_alloc : memref<!tpu.dma_semaphore, #tpu.memory_space<semaphore_mem>>
        %dma_start3A_862 = arith.constant 0 : i32
        %dma_start3A_863 = arith.constant 0 : i32
        %dma_start3A_864 = tpu.memref_slice %arg6[%run_scoped3A_437, %dma_start3A_862, %dma_start3A_863] : memref<4x128x32xf32, #tpu.memory_space<vmem>> -> memref<1x128x32xf32, #tpu.memory_space<vmem>>
        %dma_start3A_865 = tpu.memref_squeeze %dma_start3A_864 : memref<1x128x32xf32, #tpu.memory_space<vmem>> -> memref<128x32xf32, #tpu.memory_space<vmem>>
        %dma_start3A_866 = arith.constant 0 : i32
        %dma_start3A_867 = tpu.memref_slice %arg5[%rem3A_73, %run_scoped3A_438, %run_scoped3A_439, %dma_start3A_866] : memref<2x28x2x128xi32, #tpu.memory_space<vmem>> -> memref<1x1x1x128xi32, #tpu.memory_space<vmem>>
        %dma_start3A_868 = tpu.memref_squeeze %dma_start3A_867 : memref<1x1x1x128xi32, #tpu.memory_space<vmem>> -> memref<128xi32, #tpu.memory_space<vmem>>
        %dma_start3A_869 = arith.constant 0 : i32
        %dma_start3A_870 = arith.constant 0 : i32
        %dma_start3A_871 = tpu.memref_slice %arg12[%dma_start3A_869, %dma_start3A_870] : memref<50056x32xf32, #tpu.memory_space<vmem_shared>> -> memref<50056x32xf32, #tpu.memory_space<vmem_shared>>
        tpu.enqueue_indirect_dma source(%dma_start3A_865 : memref<128x32xf32, #tpu.memory_space<vmem>>) target(%dma_start3A_871 : memref<50056x32xf32, #tpu.memory_space<vmem_shared>>) offsets(%dma_start3A_868 : memref<128xi32, #tpu.memory_space<vmem>>) semaphore(%run_scoped3A_861 : memref<!tpu.dma_semaphore, #tpu.memory_space<semaphore_mem>>) {add = true}
        %dma_wait3A_872 = arith.constant 0 : i32
        %dma_wait3A_873 = arith.constant 0 : i32
        %dma_wait3A_874 = tpu.memref_slice %arg6[%run_scoped3A_437, %dma_wait3A_872, %dma_wait3A_873] : memref<4x128x32xf32, #tpu.memory_space<vmem>> -> memref<1x128x32xf32, #tpu.memory_space<vmem>>
        %dma_wait3A_875 = tpu.memref_squeeze %dma_wait3A_874 : memref<1x128x32xf32, #tpu.memory_space<vmem>> -> memref<128x32xf32, #tpu.memory_space<vmem>>
        %dma_wait3A_876 = arith.constant 0 : i32
        %dma_wait3A_877 = tpu.memref_slice %arg5[%rem3A_73, %run_scoped3A_438, %run_scoped3A_439, %dma_wait3A_876] : memref<2x28x2x128xi32, #tpu.memory_space<vmem>> -> memref<1x1x1x128xi32, #tpu.memory_space<vmem>>
        %dma_wait3A_878 = tpu.memref_squeeze %dma_wait3A_877 : memref<1x1x1x128xi32, #tpu.memory_space<vmem>> -> memref<128xi32, #tpu.memory_space<vmem>>
        %dma_wait3A_879 = arith.constant 0 : i32
        %dma_wait3A_880 = arith.constant 0 : i32
        %dma_wait3A_881 = tpu.memref_slice %arg12[%dma_wait3A_879, %dma_wait3A_880] : memref<50056x32xf32, #tpu.memory_space<vmem_shared>> -> memref<50056x32xf32, #tpu.memory_space<vmem_shared>>
        tpu.wait_indirect_dma semaphore(%run_scoped3A_861 : memref<!tpu.dma_semaphore, #tpu.memory_space<semaphore_mem>>) src(%dma_wait3A_875 : memref<128x32xf32, #tpu.memory_space<vmem>>) dst(%dma_wait3A_881 : memref<50056x32xf32, #tpu.memory_space<vmem_shared>>)
        tpu.yield
      }) : () -> ()
      %dma_start3A_440 = arith.constant 16 : i32
      %dma_start3A_441 = arith.constant 0 : i32
      %dma_start3A_442 = arith.constant 0 : i32
      %dma_start3A_443 = arith.constant 0 : i32
      %dma_start3A_444 = arith.constant 0 : i32
      %dma_start3A_445 = tpu.memref_slice %arg6[%dma_start3A_442, %dma_start3A_443, %dma_start3A_444] : memref<4x128x32xf32, #tpu.memory_space<vmem>> -> memref<1x128x32xf32, #tpu.memory_space<vmem>>
      %dma_start3A_446 = tpu.memref_squeeze %dma_start3A_445 : memref<1x128x32xf32, #tpu.memory_space<vmem>> -> memref<128x32xf32, #tpu.memory_space<vmem>>
      %dma_start3A_447 = arith.constant 0 : i32
      %dma_start3A_448 = tpu.memref_slice %arg5[%rem3A_73, %dma_start3A_440, %dma_start3A_441, %dma_start3A_447] : memref<2x28x2x128xi32, #tpu.memory_space<vmem>> -> memref<1x1x1x128xi32, #tpu.memory_space<vmem>>
      %dma_start3A_449 = tpu.memref_squeeze %dma_start3A_448 : memref<1x1x1x128xi32, #tpu.memory_space<vmem>> -> memref<128xi32, #tpu.memory_space<vmem>>
      %dma_start3A_450 = arith.constant 0 : i32
      %dma_start3A_451 = arith.constant 0 : i32
      %dma_start3A_452 = tpu.memref_slice %arg2[%dma_start3A_450, %dma_start3A_451] : memref<100096x32xf32, #tpu.memory_space<hbm>> -> memref<100096x32xf32, #tpu.memory_space<hbm>>
      tpu.enqueue_indirect_dma source(%dma_start3A_452 : memref<100096x32xf32, #tpu.memory_space<hbm>>) target(%dma_start3A_446 : memref<128x32xf32, #tpu.memory_space<vmem>>) offsets(%dma_start3A_449 : memref<128xi32, #tpu.memory_space<vmem>>) semaphore(%arg8 : memref<!tpu.dma_semaphore, #tpu.memory_space<semaphore_mem>>)
      %dma_wait3A_453 = arith.constant 13 : i32
      %dma_wait3A_454 = arith.constant 0 : i32
      %dma_wait3A_455 = arith.constant 1 : i32
      %dma_wait3A_456 = arith.constant 0 : i32
      %dma_wait3A_457 = arith.constant 0 : i32
      %dma_wait3A_458 = tpu.memref_slice %arg6[%dma_wait3A_455, %dma_wait3A_456, %dma_wait3A_457] : memref<4x128x32xf32, #tpu.memory_space<vmem>> -> memref<1x128x32xf32, #tpu.memory_space<vmem>>
      %dma_wait3A_459 = tpu.memref_squeeze %dma_wait3A_458 : memref<1x128x32xf32, #tpu.memory_space<vmem>> -> memref<128x32xf32, #tpu.memory_space<vmem>>
      %dma_wait3A_460 = arith.constant 0 : i32
      %dma_wait3A_461 = tpu.memref_slice %arg5[%rem3A_73, %dma_wait3A_453, %dma_wait3A_454, %dma_wait3A_460] : memref<2x28x2x128xi32, #tpu.memory_space<vmem>> -> memref<1x1x1x128xi32, #tpu.memory_space<vmem>>
      %dma_wait3A_462 = tpu.memref_squeeze %dma_wait3A_461 : memref<1x1x1x128xi32, #tpu.memory_space<vmem>> -> memref<128xi32, #tpu.memory_space<vmem>>
      %dma_wait3A_463 = arith.constant 0 : i32
      %dma_wait3A_464 = arith.constant 0 : i32
      %dma_wait3A_465 = tpu.memref_slice %arg2[%dma_wait3A_463, %dma_wait3A_464] : memref<100096x32xf32, #tpu.memory_space<hbm>> -> memref<100096x32xf32, #tpu.memory_space<hbm>>
      tpu.wait_indirect_dma semaphore(%arg9 : memref<!tpu.dma_semaphore, #tpu.memory_space<semaphore_mem>>) src(%dma_wait3A_465 : memref<100096x32xf32, #tpu.memory_space<hbm>>) dst(%dma_wait3A_459 : memref<128x32xf32, #tpu.memory_space<vmem>>)
      %run_scoped3A_466 = arith.constant 1 : i32
      %run_scoped3A_467 = arith.constant 13 : i32
      %run_scoped3A_468 = arith.constant 1 : i32
      "tpu.region"() ({
        %run_scoped3A_861 = tpu.sem_alloc : memref<!tpu.dma_semaphore, #tpu.memory_space<semaphore_mem>>
        %dma_start3A_862 = arith.constant 0 : i32
        %dma_start3A_863 = arith.constant 0 : i32
        %dma_start3A_864 = tpu.memref_slice %arg6[%run_scoped3A_466, %dma_start3A_862, %dma_start3A_863] : memref<4x128x32xf32, #tpu.memory_space<vmem>> -> memref<1x128x32xf32, #tpu.memory_space<vmem>>
        %dma_start3A_865 = tpu.memref_squeeze %dma_start3A_864 : memref<1x128x32xf32, #tpu.memory_space<vmem>> -> memref<128x32xf32, #tpu.memory_space<vmem>>
        %dma_start3A_866 = arith.constant 0 : i32
        %dma_start3A_867 = tpu.memref_slice %arg5[%rem3A_73, %run_scoped3A_467, %run_scoped3A_468, %dma_start3A_866] : memref<2x28x2x128xi32, #tpu.memory_space<vmem>> -> memref<1x1x1x128xi32, #tpu.memory_space<vmem>>
        %dma_start3A_868 = tpu.memref_squeeze %dma_start3A_867 : memref<1x1x1x128xi32, #tpu.memory_space<vmem>> -> memref<128xi32, #tpu.memory_space<vmem>>
        %dma_start3A_869 = arith.constant 0 : i32
        %dma_start3A_870 = arith.constant 0 : i32
        %dma_start3A_871 = tpu.memref_slice %arg12[%dma_start3A_869, %dma_start3A_870] : memref<50056x32xf32, #tpu.memory_space<vmem_shared>> -> memref<50056x32xf32, #tpu.memory_space<vmem_shared>>
        tpu.enqueue_indirect_dma source(%dma_start3A_865 : memref<128x32xf32, #tpu.memory_space<vmem>>) target(%dma_start3A_871 : memref<50056x32xf32, #tpu.memory_space<vmem_shared>>) offsets(%dma_start3A_868 : memref<128xi32, #tpu.memory_space<vmem>>) semaphore(%run_scoped3A_861 : memref<!tpu.dma_semaphore, #tpu.memory_space<semaphore_mem>>) {add = true}
        %dma_wait3A_872 = arith.constant 0 : i32
        %dma_wait3A_873 = arith.constant 0 : i32
        %dma_wait3A_874 = tpu.memref_slice %arg6[%run_scoped3A_466, %dma_wait3A_872, %dma_wait3A_873] : memref<4x128x32xf32, #tpu.memory_space<vmem>> -> memref<1x128x32xf32, #tpu.memory_space<vmem>>
        %dma_wait3A_875 = tpu.memref_squeeze %dma_wait3A_874 : memref<1x128x32xf32, #tpu.memory_space<vmem>> -> memref<128x32xf32, #tpu.memory_space<vmem>>
        %dma_wait3A_876 = arith.constant 0 : i32
        %dma_wait3A_877 = tpu.memref_slice %arg5[%rem3A_73, %run_scoped3A_467, %run_scoped3A_468, %dma_wait3A_876] : memref<2x28x2x128xi32, #tpu.memory_space<vmem>> -> memref<1x1x1x128xi32, #tpu.memory_space<vmem>>
        %dma_wait3A_878 = tpu.memref_squeeze %dma_wait3A_877 : memref<1x1x1x128xi32, #tpu.memory_space<vmem>> -> memref<128xi32, #tpu.memory_space<vmem>>
        %dma_wait3A_879 = arith.constant 0 : i32
        %dma_wait3A_880 = arith.constant 0 : i32
        %dma_wait3A_881 = tpu.memref_slice %arg12[%dma_wait3A_879, %dma_wait3A_880] : memref<50056x32xf32, #tpu.memory_space<vmem_shared>> -> memref<50056x32xf32, #tpu.memory_space<vmem_shared>>
        tpu.wait_indirect_dma semaphore(%run_scoped3A_861 : memref<!tpu.dma_semaphore, #tpu.memory_space<semaphore_mem>>) src(%dma_wait3A_875 : memref<128x32xf32, #tpu.memory_space<vmem>>) dst(%dma_wait3A_881 : memref<50056x32xf32, #tpu.memory_space<vmem_shared>>)
        tpu.yield
      }) : () -> ()
      %dma_start3A_469 = arith.constant 17 : i32
      %dma_start3A_470 = arith.constant 0 : i32
      %dma_start3A_471 = arith.constant 1 : i32
      %dma_start3A_472 = arith.constant 0 : i32
      %dma_start3A_473 = arith.constant 0 : i32
      %dma_start3A_474 = tpu.memref_slice %arg6[%dma_start3A_471, %dma_start3A_472, %dma_start3A_473] : memref<4x128x32xf32, #tpu.memory_space<vmem>> -> memref<1x128x32xf32, #tpu.memory_space<vmem>>
      %dma_start3A_475 = tpu.memref_squeeze %dma_start3A_474 : memref<1x128x32xf32, #tpu.memory_space<vmem>> -> memref<128x32xf32, #tpu.memory_space<vmem>>
      %dma_start3A_476 = arith.constant 0 : i32
      %dma_start3A_477 = tpu.memref_slice %arg5[%rem3A_73, %dma_start3A_469, %dma_start3A_470, %dma_start3A_476] : memref<2x28x2x128xi32, #tpu.memory_space<vmem>> -> memref<1x1x1x128xi32, #tpu.memory_space<vmem>>
      %dma_start3A_478 = tpu.memref_squeeze %dma_start3A_477 : memref<1x1x1x128xi32, #tpu.memory_space<vmem>> -> memref<128xi32, #tpu.memory_space<vmem>>
      %dma_start3A_479 = arith.constant 0 : i32
      %dma_start3A_480 = arith.constant 0 : i32
      %dma_start3A_481 = tpu.memref_slice %arg2[%dma_start3A_479, %dma_start3A_480] : memref<100096x32xf32, #tpu.memory_space<hbm>> -> memref<100096x32xf32, #tpu.memory_space<hbm>>
      tpu.enqueue_indirect_dma source(%dma_start3A_481 : memref<100096x32xf32, #tpu.memory_space<hbm>>) target(%dma_start3A_475 : memref<128x32xf32, #tpu.memory_space<vmem>>) offsets(%dma_start3A_478 : memref<128xi32, #tpu.memory_space<vmem>>) semaphore(%arg9 : memref<!tpu.dma_semaphore, #tpu.memory_space<semaphore_mem>>)
      %dma_wait3A_482 = arith.constant 14 : i32
      %dma_wait3A_483 = arith.constant 0 : i32
      %dma_wait3A_484 = arith.constant 2 : i32
      %dma_wait3A_485 = arith.constant 0 : i32
      %dma_wait3A_486 = arith.constant 0 : i32
      %dma_wait3A_487 = tpu.memref_slice %arg6[%dma_wait3A_484, %dma_wait3A_485, %dma_wait3A_486] : memref<4x128x32xf32, #tpu.memory_space<vmem>> -> memref<1x128x32xf32, #tpu.memory_space<vmem>>
      %dma_wait3A_488 = tpu.memref_squeeze %dma_wait3A_487 : memref<1x128x32xf32, #tpu.memory_space<vmem>> -> memref<128x32xf32, #tpu.memory_space<vmem>>
      %dma_wait3A_489 = arith.constant 0 : i32
      %dma_wait3A_490 = tpu.memref_slice %arg5[%rem3A_73, %dma_wait3A_482, %dma_wait3A_483, %dma_wait3A_489] : memref<2x28x2x128xi32, #tpu.memory_space<vmem>> -> memref<1x1x1x128xi32, #tpu.memory_space<vmem>>
      %dma_wait3A_491 = tpu.memref_squeeze %dma_wait3A_490 : memref<1x1x1x128xi32, #tpu.memory_space<vmem>> -> memref<128xi32, #tpu.memory_space<vmem>>
      %dma_wait3A_492 = arith.constant 0 : i32
      %dma_wait3A_493 = arith.constant 0 : i32
      %dma_wait3A_494 = tpu.memref_slice %arg2[%dma_wait3A_492, %dma_wait3A_493] : memref<100096x32xf32, #tpu.memory_space<hbm>> -> memref<100096x32xf32, #tpu.memory_space<hbm>>
      tpu.wait_indirect_dma semaphore(%arg10 : memref<!tpu.dma_semaphore, #tpu.memory_space<semaphore_mem>>) src(%dma_wait3A_494 : memref<100096x32xf32, #tpu.memory_space<hbm>>) dst(%dma_wait3A_488 : memref<128x32xf32, #tpu.memory_space<vmem>>)
      %run_scoped3A_495 = arith.constant 2 : i32
      %run_scoped3A_496 = arith.constant 14 : i32
      %run_scoped3A_497 = arith.constant 1 : i32
      "tpu.region"() ({
        %run_scoped3A_861 = tpu.sem_alloc : memref<!tpu.dma_semaphore, #tpu.memory_space<semaphore_mem>>
        %dma_start3A_862 = arith.constant 0 : i32
        %dma_start3A_863 = arith.constant 0 : i32
        %dma_start3A_864 = tpu.memref_slice %arg6[%run_scoped3A_495, %dma_start3A_862, %dma_start3A_863] : memref<4x128x32xf32, #tpu.memory_space<vmem>> -> memref<1x128x32xf32, #tpu.memory_space<vmem>>
        %dma_start3A_865 = tpu.memref_squeeze %dma_start3A_864 : memref<1x128x32xf32, #tpu.memory_space<vmem>> -> memref<128x32xf32, #tpu.memory_space<vmem>>
        %dma_start3A_866 = arith.constant 0 : i32
        %dma_start3A_867 = tpu.memref_slice %arg5[%rem3A_73, %run_scoped3A_496, %run_scoped3A_497, %dma_start3A_866] : memref<2x28x2x128xi32, #tpu.memory_space<vmem>> -> memref<1x1x1x128xi32, #tpu.memory_space<vmem>>
        %dma_start3A_868 = tpu.memref_squeeze %dma_start3A_867 : memref<1x1x1x128xi32, #tpu.memory_space<vmem>> -> memref<128xi32, #tpu.memory_space<vmem>>
        %dma_start3A_869 = arith.constant 0 : i32
        %dma_start3A_870 = arith.constant 0 : i32
        %dma_start3A_871 = tpu.memref_slice %arg12[%dma_start3A_869, %dma_start3A_870] : memref<50056x32xf32, #tpu.memory_space<vmem_shared>> -> memref<50056x32xf32, #tpu.memory_space<vmem_shared>>
        tpu.enqueue_indirect_dma source(%dma_start3A_865 : memref<128x32xf32, #tpu.memory_space<vmem>>) target(%dma_start3A_871 : memref<50056x32xf32, #tpu.memory_space<vmem_shared>>) offsets(%dma_start3A_868 : memref<128xi32, #tpu.memory_space<vmem>>) semaphore(%run_scoped3A_861 : memref<!tpu.dma_semaphore, #tpu.memory_space<semaphore_mem>>) {add = true}
        %dma_wait3A_872 = arith.constant 0 : i32
        %dma_wait3A_873 = arith.constant 0 : i32
        %dma_wait3A_874 = tpu.memref_slice %arg6[%run_scoped3A_495, %dma_wait3A_872, %dma_wait3A_873] : memref<4x128x32xf32, #tpu.memory_space<vmem>> -> memref<1x128x32xf32, #tpu.memory_space<vmem>>
        %dma_wait3A_875 = tpu.memref_squeeze %dma_wait3A_874 : memref<1x128x32xf32, #tpu.memory_space<vmem>> -> memref<128x32xf32, #tpu.memory_space<vmem>>
        %dma_wait3A_876 = arith.constant 0 : i32
        %dma_wait3A_877 = tpu.memref_slice %arg5[%rem3A_73, %run_scoped3A_496, %run_scoped3A_497, %dma_wait3A_876] : memref<2x28x2x128xi32, #tpu.memory_space<vmem>> -> memref<1x1x1x128xi32, #tpu.memory_space<vmem>>
        %dma_wait3A_878 = tpu.memref_squeeze %dma_wait3A_877 : memref<1x1x1x128xi32, #tpu.memory_space<vmem>> -> memref<128xi32, #tpu.memory_space<vmem>>
        %dma_wait3A_879 = arith.constant 0 : i32
        %dma_wait3A_880 = arith.constant 0 : i32
        %dma_wait3A_881 = tpu.memref_slice %arg12[%dma_wait3A_879, %dma_wait3A_880] : memref<50056x32xf32, #tpu.memory_space<vmem_shared>> -> memref<50056x32xf32, #tpu.memory_space<vmem_shared>>
        tpu.wait_indirect_dma semaphore(%run_scoped3A_861 : memref<!tpu.dma_semaphore, #tpu.memory_space<semaphore_mem>>) src(%dma_wait3A_875 : memref<128x32xf32, #tpu.memory_space<vmem>>) dst(%dma_wait3A_881 : memref<50056x32xf32, #tpu.memory_space<vmem_shared>>)
        tpu.yield
      }) : () -> ()
      %dma_start3A_498 = arith.constant 18 : i32
      %dma_start3A_499 = arith.constant 0 : i32
      %dma_start3A_500 = arith.constant 2 : i32
      %dma_start3A_501 = arith.constant 0 : i32
      %dma_start3A_502 = arith.constant 0 : i32
      %dma_start3A_503 = tpu.memref_slice %arg6[%dma_start3A_500, %dma_start3A_501, %dma_start3A_502] : memref<4x128x32xf32, #tpu.memory_space<vmem>> -> memref<1x128x32xf32, #tpu.memory_space<vmem>>
      %dma_start3A_504 = tpu.memref_squeeze %dma_start3A_503 : memref<1x128x32xf32, #tpu.memory_space<vmem>> -> memref<128x32xf32, #tpu.memory_space<vmem>>
      %dma_start3A_505 = arith.constant 0 : i32
      %dma_start3A_506 = tpu.memref_slice %arg5[%rem3A_73, %dma_start3A_498, %dma_start3A_499, %dma_start3A_505] : memref<2x28x2x128xi32, #tpu.memory_space<vmem>> -> memref<1x1x1x128xi32, #tpu.memory_space<vmem>>
      %dma_start3A_507 = tpu.memref_squeeze %dma_start3A_506 : memref<1x1x1x128xi32, #tpu.memory_space<vmem>> -> memref<128xi32, #tpu.memory_space<vmem>>
      %dma_start3A_508 = arith.constant 0 : i32
      %dma_start3A_509 = arith.constant 0 : i32
      %dma_start3A_510 = tpu.memref_slice %arg2[%dma_start3A_508, %dma_start3A_509] : memref<100096x32xf32, #tpu.memory_space<hbm>> -> memref<100096x32xf32, #tpu.memory_space<hbm>>
      tpu.enqueue_indirect_dma source(%dma_start3A_510 : memref<100096x32xf32, #tpu.memory_space<hbm>>) target(%dma_start3A_504 : memref<128x32xf32, #tpu.memory_space<vmem>>) offsets(%dma_start3A_507 : memref<128xi32, #tpu.memory_space<vmem>>) semaphore(%arg10 : memref<!tpu.dma_semaphore, #tpu.memory_space<semaphore_mem>>)
      %dma_wait3A_511 = arith.constant 15 : i32
      %dma_wait3A_512 = arith.constant 0 : i32
      %dma_wait3A_513 = arith.constant 3 : i32
      %dma_wait3A_514 = arith.constant 0 : i32
      %dma_wait3A_515 = arith.constant 0 : i32
      %dma_wait3A_516 = tpu.memref_slice %arg6[%dma_wait3A_513, %dma_wait3A_514, %dma_wait3A_515] : memref<4x128x32xf32, #tpu.memory_space<vmem>> -> memref<1x128x32xf32, #tpu.memory_space<vmem>>
      %dma_wait3A_517 = tpu.memref_squeeze %dma_wait3A_516 : memref<1x128x32xf32, #tpu.memory_space<vmem>> -> memref<128x32xf32, #tpu.memory_space<vmem>>
      %dma_wait3A_518 = arith.constant 0 : i32
      %dma_wait3A_519 = tpu.memref_slice %arg5[%rem3A_73, %dma_wait3A_511, %dma_wait3A_512, %dma_wait3A_518] : memref<2x28x2x128xi32, #tpu.memory_space<vmem>> -> memref<1x1x1x128xi32, #tpu.memory_space<vmem>>
      %dma_wait3A_520 = tpu.memref_squeeze %dma_wait3A_519 : memref<1x1x1x128xi32, #tpu.memory_space<vmem>> -> memref<128xi32, #tpu.memory_space<vmem>>
      %dma_wait3A_521 = arith.constant 0 : i32
      %dma_wait3A_522 = arith.constant 0 : i32
      %dma_wait3A_523 = tpu.memref_slice %arg2[%dma_wait3A_521, %dma_wait3A_522] : memref<100096x32xf32, #tpu.memory_space<hbm>> -> memref<100096x32xf32, #tpu.memory_space<hbm>>
      tpu.wait_indirect_dma semaphore(%arg11 : memref<!tpu.dma_semaphore, #tpu.memory_space<semaphore_mem>>) src(%dma_wait3A_523 : memref<100096x32xf32, #tpu.memory_space<hbm>>) dst(%dma_wait3A_517 : memref<128x32xf32, #tpu.memory_space<vmem>>)
      %run_scoped3A_524 = arith.constant 3 : i32
      %run_scoped3A_525 = arith.constant 15 : i32
      %run_scoped3A_526 = arith.constant 1 : i32
      "tpu.region"() ({
        %run_scoped3A_861 = tpu.sem_alloc : memref<!tpu.dma_semaphore, #tpu.memory_space<semaphore_mem>>
        %dma_start3A_862 = arith.constant 0 : i32
        %dma_start3A_863 = arith.constant 0 : i32
        %dma_start3A_864 = tpu.memref_slice %arg6[%run_scoped3A_524, %dma_start3A_862, %dma_start3A_863] : memref<4x128x32xf32, #tpu.memory_space<vmem>> -> memref<1x128x32xf32, #tpu.memory_space<vmem>>
        %dma_start3A_865 = tpu.memref_squeeze %dma_start3A_864 : memref<1x128x32xf32, #tpu.memory_space<vmem>> -> memref<128x32xf32, #tpu.memory_space<vmem>>
        %dma_start3A_866 = arith.constant 0 : i32
        %dma_start3A_867 = tpu.memref_slice %arg5[%rem3A_73, %run_scoped3A_525, %run_scoped3A_526, %dma_start3A_866] : memref<2x28x2x128xi32, #tpu.memory_space<vmem>> -> memref<1x1x1x128xi32, #tpu.memory_space<vmem>>
        %dma_start3A_868 = tpu.memref_squeeze %dma_start3A_867 : memref<1x1x1x128xi32, #tpu.memory_space<vmem>> -> memref<128xi32, #tpu.memory_space<vmem>>
        %dma_start3A_869 = arith.constant 0 : i32
        %dma_start3A_870 = arith.constant 0 : i32
        %dma_start3A_871 = tpu.memref_slice %arg12[%dma_start3A_869, %dma_start3A_870] : memref<50056x32xf32, #tpu.memory_space<vmem_shared>> -> memref<50056x32xf32, #tpu.memory_space<vmem_shared>>
        tpu.enqueue_indirect_dma source(%dma_start3A_865 : memref<128x32xf32, #tpu.memory_space<vmem>>) target(%dma_start3A_871 : memref<50056x32xf32, #tpu.memory_space<vmem_shared>>) offsets(%dma_start3A_868 : memref<128xi32, #tpu.memory_space<vmem>>) semaphore(%run_scoped3A_861 : memref<!tpu.dma_semaphore, #tpu.memory_space<semaphore_mem>>) {add = true}
        %dma_wait3A_872 = arith.constant 0 : i32
        %dma_wait3A_873 = arith.constant 0 : i32
        %dma_wait3A_874 = tpu.memref_slice %arg6[%run_scoped3A_524, %dma_wait3A_872, %dma_wait3A_873] : memref<4x128x32xf32, #tpu.memory_space<vmem>> -> memref<1x128x32xf32, #tpu.memory_space<vmem>>
        %dma_wait3A_875 = tpu.memref_squeeze %dma_wait3A_874 : memref<1x128x32xf32, #tpu.memory_space<vmem>> -> memref<128x32xf32, #tpu.memory_space<vmem>>
        %dma_wait3A_876 = arith.constant 0 : i32
        %dma_wait3A_877 = tpu.memref_slice %arg5[%rem3A_73, %run_scoped3A_525, %run_scoped3A_526, %dma_wait3A_876] : memref<2x28x2x128xi32, #tpu.memory_space<vmem>> -> memref<1x1x1x128xi32, #tpu.memory_space<vmem>>
        %dma_wait3A_878 = tpu.memref_squeeze %dma_wait3A_877 : memref<1x1x1x128xi32, #tpu.memory_space<vmem>> -> memref<128xi32, #tpu.memory_space<vmem>>
        %dma_wait3A_879 = arith.constant 0 : i32
        %dma_wait3A_880 = arith.constant 0 : i32
        %dma_wait3A_881 = tpu.memref_slice %arg12[%dma_wait3A_879, %dma_wait3A_880] : memref<50056x32xf32, #tpu.memory_space<vmem_shared>> -> memref<50056x32xf32, #tpu.memory_space<vmem_shared>>
        tpu.wait_indirect_dma semaphore(%run_scoped3A_861 : memref<!tpu.dma_semaphore, #tpu.memory_space<semaphore_mem>>) src(%dma_wait3A_875 : memref<128x32xf32, #tpu.memory_space<vmem>>) dst(%dma_wait3A_881 : memref<50056x32xf32, #tpu.memory_space<vmem_shared>>)
        tpu.yield
      }) : () -> ()
      %dma_start3A_527 = arith.constant 19 : i32
      %dma_start3A_528 = arith.constant 0 : i32
      %dma_start3A_529 = arith.constant 3 : i32
      %dma_start3A_530 = arith.constant 0 : i32
      %dma_start3A_531 = arith.constant 0 : i32
      %dma_start3A_532 = tpu.memref_slice %arg6[%dma_start3A_529, %dma_start3A_530, %dma_start3A_531] : memref<4x128x32xf32, #tpu.memory_space<vmem>> -> memref<1x128x32xf32, #tpu.memory_space<vmem>>
      %dma_start3A_533 = tpu.memref_squeeze %dma_start3A_532 : memref<1x128x32xf32, #tpu.memory_space<vmem>> -> memref<128x32xf32, #tpu.memory_space<vmem>>
      %dma_start3A_534 = arith.constant 0 : i32
      %dma_start3A_535 = tpu.memref_slice %arg5[%rem3A_73, %dma_start3A_527, %dma_start3A_528, %dma_start3A_534] : memref<2x28x2x128xi32, #tpu.memory_space<vmem>> -> memref<1x1x1x128xi32, #tpu.memory_space<vmem>>
      %dma_start3A_536 = tpu.memref_squeeze %dma_start3A_535 : memref<1x1x1x128xi32, #tpu.memory_space<vmem>> -> memref<128xi32, #tpu.memory_space<vmem>>
      %dma_start3A_537 = arith.constant 0 : i32
      %dma_start3A_538 = arith.constant 0 : i32
      %dma_start3A_539 = tpu.memref_slice %arg2[%dma_start3A_537, %dma_start3A_538] : memref<100096x32xf32, #tpu.memory_space<hbm>> -> memref<100096x32xf32, #tpu.memory_space<hbm>>
      tpu.enqueue_indirect_dma source(%dma_start3A_539 : memref<100096x32xf32, #tpu.memory_space<hbm>>) target(%dma_start3A_533 : memref<128x32xf32, #tpu.memory_space<vmem>>) offsets(%dma_start3A_536 : memref<128xi32, #tpu.memory_space<vmem>>) semaphore(%arg11 : memref<!tpu.dma_semaphore, #tpu.memory_space<semaphore_mem>>)
      %dma_wait3A_540 = arith.constant 16 : i32
      %dma_wait3A_541 = arith.constant 0 : i32
      %dma_wait3A_542 = arith.constant 0 : i32
      %dma_wait3A_543 = arith.constant 0 : i32
      %dma_wait3A_544 = arith.constant 0 : i32
      %dma_wait3A_545 = tpu.memref_slice %arg6[%dma_wait3A_542, %dma_wait3A_543, %dma_wait3A_544] : memref<4x128x32xf32, #tpu.memory_space<vmem>> -> memref<1x128x32xf32, #tpu.memory_space<vmem>>
      %dma_wait3A_546 = tpu.memref_squeeze %dma_wait3A_545 : memref<1x128x32xf32, #tpu.memory_space<vmem>> -> memref<128x32xf32, #tpu.memory_space<vmem>>
      %dma_wait3A_547 = arith.constant 0 : i32
      %dma_wait3A_548 = tpu.memref_slice %arg5[%rem3A_73, %dma_wait3A_540, %dma_wait3A_541, %dma_wait3A_547] : memref<2x28x2x128xi32, #tpu.memory_space<vmem>> -> memref<1x1x1x128xi32, #tpu.memory_space<vmem>>
      %dma_wait3A_549 = tpu.memref_squeeze %dma_wait3A_548 : memref<1x1x1x128xi32, #tpu.memory_space<vmem>> -> memref<128xi32, #tpu.memory_space<vmem>>
      %dma_wait3A_550 = arith.constant 0 : i32
      %dma_wait3A_551 = arith.constant 0 : i32
      %dma_wait3A_552 = tpu.memref_slice %arg2[%dma_wait3A_550, %dma_wait3A_551] : memref<100096x32xf32, #tpu.memory_space<hbm>> -> memref<100096x32xf32, #tpu.memory_space<hbm>>
      tpu.wait_indirect_dma semaphore(%arg8 : memref<!tpu.dma_semaphore, #tpu.memory_space<semaphore_mem>>) src(%dma_wait3A_552 : memref<100096x32xf32, #tpu.memory_space<hbm>>) dst(%dma_wait3A_546 : memref<128x32xf32, #tpu.memory_space<vmem>>)
      %run_scoped3A_553 = arith.constant 0 : i32
      %run_scoped3A_554 = arith.constant 16 : i32
      %run_scoped3A_555 = arith.constant 1 : i32
      "tpu.region"() ({
        %run_scoped3A_861 = tpu.sem_alloc : memref<!tpu.dma_semaphore, #tpu.memory_space<semaphore_mem>>
        %dma_start3A_862 = arith.constant 0 : i32
        %dma_start3A_863 = arith.constant 0 : i32
        %dma_start3A_864 = tpu.memref_slice %arg6[%run_scoped3A_553, %dma_start3A_862, %dma_start3A_863] : memref<4x128x32xf32, #tpu.memory_space<vmem>> -> memref<1x128x32xf32, #tpu.memory_space<vmem>>
        %dma_start3A_865 = tpu.memref_squeeze %dma_start3A_864 : memref<1x128x32xf32, #tpu.memory_space<vmem>> -> memref<128x32xf32, #tpu.memory_space<vmem>>
        %dma_start3A_866 = arith.constant 0 : i32
        %dma_start3A_867 = tpu.memref_slice %arg5[%rem3A_73, %run_scoped3A_554, %run_scoped3A_555, %dma_start3A_866] : memref<2x28x2x128xi32, #tpu.memory_space<vmem>> -> memref<1x1x1x128xi32, #tpu.memory_space<vmem>>
        %dma_start3A_868 = tpu.memref_squeeze %dma_start3A_867 : memref<1x1x1x128xi32, #tpu.memory_space<vmem>> -> memref<128xi32, #tpu.memory_space<vmem>>
        %dma_start3A_869 = arith.constant 0 : i32
        %dma_start3A_870 = arith.constant 0 : i32
        %dma_start3A_871 = tpu.memref_slice %arg12[%dma_start3A_869, %dma_start3A_870] : memref<50056x32xf32, #tpu.memory_space<vmem_shared>> -> memref<50056x32xf32, #tpu.memory_space<vmem_shared>>
        tpu.enqueue_indirect_dma source(%dma_start3A_865 : memref<128x32xf32, #tpu.memory_space<vmem>>) target(%dma_start3A_871 : memref<50056x32xf32, #tpu.memory_space<vmem_shared>>) offsets(%dma_start3A_868 : memref<128xi32, #tpu.memory_space<vmem>>) semaphore(%run_scoped3A_861 : memref<!tpu.dma_semaphore, #tpu.memory_space<semaphore_mem>>) {add = true}
        %dma_wait3A_872 = arith.constant 0 : i32
        %dma_wait3A_873 = arith.constant 0 : i32
        %dma_wait3A_874 = tpu.memref_slice %arg6[%run_scoped3A_553, %dma_wait3A_872, %dma_wait3A_873] : memref<4x128x32xf32, #tpu.memory_space<vmem>> -> memref<1x128x32xf32, #tpu.memory_space<vmem>>
        %dma_wait3A_875 = tpu.memref_squeeze %dma_wait3A_874 : memref<1x128x32xf32, #tpu.memory_space<vmem>> -> memref<128x32xf32, #tpu.memory_space<vmem>>
        %dma_wait3A_876 = arith.constant 0 : i32
        %dma_wait3A_877 = tpu.memref_slice %arg5[%rem3A_73, %run_scoped3A_554, %run_scoped3A_555, %dma_wait3A_876] : memref<2x28x2x128xi32, #tpu.memory_space<vmem>> -> memref<1x1x1x128xi32, #tpu.memory_space<vmem>>
        %dma_wait3A_878 = tpu.memref_squeeze %dma_wait3A_877 : memref<1x1x1x128xi32, #tpu.memory_space<vmem>> -> memref<128xi32, #tpu.memory_space<vmem>>
        %dma_wait3A_879 = arith.constant 0 : i32
        %dma_wait3A_880 = arith.constant 0 : i32
        %dma_wait3A_881 = tpu.memref_slice %arg12[%dma_wait3A_879, %dma_wait3A_880] : memref<50056x32xf32, #tpu.memory_space<vmem_shared>> -> memref<50056x32xf32, #tpu.memory_space<vmem_shared>>
        tpu.wait_indirect_dma semaphore(%run_scoped3A_861 : memref<!tpu.dma_semaphore, #tpu.memory_space<semaphore_mem>>) src(%dma_wait3A_875 : memref<128x32xf32, #tpu.memory_space<vmem>>) dst(%dma_wait3A_881 : memref<50056x32xf32, #tpu.memory_space<vmem_shared>>)
        tpu.yield
      }) : () -> ()
      %dma_start3A_556 = arith.constant 20 : i32
      %dma_start3A_557 = arith.constant 0 : i32
      %dma_start3A_558 = arith.constant 0 : i32
      %dma_start3A_559 = arith.constant 0 : i32
      %dma_start3A_560 = arith.constant 0 : i32
      %dma_start3A_561 = tpu.memref_slice %arg6[%dma_start3A_558, %dma_start3A_559, %dma_start3A_560] : memref<4x128x32xf32, #tpu.memory_space<vmem>> -> memref<1x128x32xf32, #tpu.memory_space<vmem>>
      %dma_start3A_562 = tpu.memref_squeeze %dma_start3A_561 : memref<1x128x32xf32, #tpu.memory_space<vmem>> -> memref<128x32xf32, #tpu.memory_space<vmem>>
      %dma_start3A_563 = arith.constant 0 : i32
      %dma_start3A_564 = tpu.memref_slice %arg5[%rem3A_73, %dma_start3A_556, %dma_start3A_557, %dma_start3A_563] : memref<2x28x2x128xi32, #tpu.memory_space<vmem>> -> memref<1x1x1x128xi32, #tpu.memory_space<vmem>>
      %dma_start3A_565 = tpu.memref_squeeze %dma_start3A_564 : memref<1x1x1x128xi32, #tpu.memory_space<vmem>> -> memref<128xi32, #tpu.memory_space<vmem>>
      %dma_start3A_566 = arith.constant 0 : i32
      %dma_start3A_567 = arith.constant 0 : i32
      %dma_start3A_568 = tpu.memref_slice %arg2[%dma_start3A_566, %dma_start3A_567] : memref<100096x32xf32, #tpu.memory_space<hbm>> -> memref<100096x32xf32, #tpu.memory_space<hbm>>
      tpu.enqueue_indirect_dma source(%dma_start3A_568 : memref<100096x32xf32, #tpu.memory_space<hbm>>) target(%dma_start3A_562 : memref<128x32xf32, #tpu.memory_space<vmem>>) offsets(%dma_start3A_565 : memref<128xi32, #tpu.memory_space<vmem>>) semaphore(%arg8 : memref<!tpu.dma_semaphore, #tpu.memory_space<semaphore_mem>>)
      %dma_wait3A_569 = arith.constant 17 : i32
      %dma_wait3A_570 = arith.constant 0 : i32
      %dma_wait3A_571 = arith.constant 1 : i32
      %dma_wait3A_572 = arith.constant 0 : i32
      %dma_wait3A_573 = arith.constant 0 : i32
      %dma_wait3A_574 = tpu.memref_slice %arg6[%dma_wait3A_571, %dma_wait3A_572, %dma_wait3A_573] : memref<4x128x32xf32, #tpu.memory_space<vmem>> -> memref<1x128x32xf32, #tpu.memory_space<vmem>>
      %dma_wait3A_575 = tpu.memref_squeeze %dma_wait3A_574 : memref<1x128x32xf32, #tpu.memory_space<vmem>> -> memref<128x32xf32, #tpu.memory_space<vmem>>
      %dma_wait3A_576 = arith.constant 0 : i32
      %dma_wait3A_577 = tpu.memref_slice %arg5[%rem3A_73, %dma_wait3A_569, %dma_wait3A_570, %dma_wait3A_576] : memref<2x28x2x128xi32, #tpu.memory_space<vmem>> -> memref<1x1x1x128xi32, #tpu.memory_space<vmem>>
      %dma_wait3A_578 = tpu.memref_squeeze %dma_wait3A_577 : memref<1x1x1x128xi32, #tpu.memory_space<vmem>> -> memref<128xi32, #tpu.memory_space<vmem>>
      %dma_wait3A_579 = arith.constant 0 : i32
      %dma_wait3A_580 = arith.constant 0 : i32
      %dma_wait3A_581 = tpu.memref_slice %arg2[%dma_wait3A_579, %dma_wait3A_580] : memref<100096x32xf32, #tpu.memory_space<hbm>> -> memref<100096x32xf32, #tpu.memory_space<hbm>>
      tpu.wait_indirect_dma semaphore(%arg9 : memref<!tpu.dma_semaphore, #tpu.memory_space<semaphore_mem>>) src(%dma_wait3A_581 : memref<100096x32xf32, #tpu.memory_space<hbm>>) dst(%dma_wait3A_575 : memref<128x32xf32, #tpu.memory_space<vmem>>)
      %run_scoped3A_582 = arith.constant 1 : i32
      %run_scoped3A_583 = arith.constant 17 : i32
      %run_scoped3A_584 = arith.constant 1 : i32
      "tpu.region"() ({
        %run_scoped3A_861 = tpu.sem_alloc : memref<!tpu.dma_semaphore, #tpu.memory_space<semaphore_mem>>
        %dma_start3A_862 = arith.constant 0 : i32
        %dma_start3A_863 = arith.constant 0 : i32
        %dma_start3A_864 = tpu.memref_slice %arg6[%run_scoped3A_582, %dma_start3A_862, %dma_start3A_863] : memref<4x128x32xf32, #tpu.memory_space<vmem>> -> memref<1x128x32xf32, #tpu.memory_space<vmem>>
        %dma_start3A_865 = tpu.memref_squeeze %dma_start3A_864 : memref<1x128x32xf32, #tpu.memory_space<vmem>> -> memref<128x32xf32, #tpu.memory_space<vmem>>
        %dma_start3A_866 = arith.constant 0 : i32
        %dma_start3A_867 = tpu.memref_slice %arg5[%rem3A_73, %run_scoped3A_583, %run_scoped3A_584, %dma_start3A_866] : memref<2x28x2x128xi32, #tpu.memory_space<vmem>> -> memref<1x1x1x128xi32, #tpu.memory_space<vmem>>
        %dma_start3A_868 = tpu.memref_squeeze %dma_start3A_867 : memref<1x1x1x128xi32, #tpu.memory_space<vmem>> -> memref<128xi32, #tpu.memory_space<vmem>>
        %dma_start3A_869 = arith.constant 0 : i32
        %dma_start3A_870 = arith.constant 0 : i32
        %dma_start3A_871 = tpu.memref_slice %arg12[%dma_start3A_869, %dma_start3A_870] : memref<50056x32xf32, #tpu.memory_space<vmem_shared>> -> memref<50056x32xf32, #tpu.memory_space<vmem_shared>>
        tpu.enqueue_indirect_dma source(%dma_start3A_865 : memref<128x32xf32, #tpu.memory_space<vmem>>) target(%dma_start3A_871 : memref<50056x32xf32, #tpu.memory_space<vmem_shared>>) offsets(%dma_start3A_868 : memref<128xi32, #tpu.memory_space<vmem>>) semaphore(%run_scoped3A_861 : memref<!tpu.dma_semaphore, #tpu.memory_space<semaphore_mem>>) {add = true}
        %dma_wait3A_872 = arith.constant 0 : i32
        %dma_wait3A_873 = arith.constant 0 : i32
        %dma_wait3A_874 = tpu.memref_slice %arg6[%run_scoped3A_582, %dma_wait3A_872, %dma_wait3A_873] : memref<4x128x32xf32, #tpu.memory_space<vmem>> -> memref<1x128x32xf32, #tpu.memory_space<vmem>>
        %dma_wait3A_875 = tpu.memref_squeeze %dma_wait3A_874 : memref<1x128x32xf32, #tpu.memory_space<vmem>> -> memref<128x32xf32, #tpu.memory_space<vmem>>
        %dma_wait3A_876 = arith.constant 0 : i32
        %dma_wait3A_877 = tpu.memref_slice %arg5[%rem3A_73, %run_scoped3A_583, %run_scoped3A_584, %dma_wait3A_876] : memref<2x28x2x128xi32, #tpu.memory_space<vmem>> -> memref<1x1x1x128xi32, #tpu.memory_space<vmem>>
        %dma_wait3A_878 = tpu.memref_squeeze %dma_wait3A_877 : memref<1x1x1x128xi32, #tpu.memory_space<vmem>> -> memref<128xi32, #tpu.memory_space<vmem>>
        %dma_wait3A_879 = arith.constant 0 : i32
        %dma_wait3A_880 = arith.constant 0 : i32
        %dma_wait3A_881 = tpu.memref_slice %arg12[%dma_wait3A_879, %dma_wait3A_880] : memref<50056x32xf32, #tpu.memory_space<vmem_shared>> -> memref<50056x32xf32, #tpu.memory_space<vmem_shared>>
        tpu.wait_indirect_dma semaphore(%run_scoped3A_861 : memref<!tpu.dma_semaphore, #tpu.memory_space<semaphore_mem>>) src(%dma_wait3A_875 : memref<128x32xf32, #tpu.memory_space<vmem>>) dst(%dma_wait3A_881 : memref<50056x32xf32, #tpu.memory_space<vmem_shared>>)
        tpu.yield
      }) : () -> ()
      %dma_start3A_585 = arith.constant 21 : i32
      %dma_start3A_586 = arith.constant 0 : i32
      %dma_start3A_587 = arith.constant 1 : i32
      %dma_start3A_588 = arith.constant 0 : i32
      %dma_start3A_589 = arith.constant 0 : i32
      %dma_start3A_590 = tpu.memref_slice %arg6[%dma_start3A_587, %dma_start3A_588, %dma_start3A_589] : memref<4x128x32xf32, #tpu.memory_space<vmem>> -> memref<1x128x32xf32, #tpu.memory_space<vmem>>
      %dma_start3A_591 = tpu.memref_squeeze %dma_start3A_590 : memref<1x128x32xf32, #tpu.memory_space<vmem>> -> memref<128x32xf32, #tpu.memory_space<vmem>>
      %dma_start3A_592 = arith.constant 0 : i32
      %dma_start3A_593 = tpu.memref_slice %arg5[%rem3A_73, %dma_start3A_585, %dma_start3A_586, %dma_start3A_592] : memref<2x28x2x128xi32, #tpu.memory_space<vmem>> -> memref<1x1x1x128xi32, #tpu.memory_space<vmem>>
      %dma_start3A_594 = tpu.memref_squeeze %dma_start3A_593 : memref<1x1x1x128xi32, #tpu.memory_space<vmem>> -> memref<128xi32, #tpu.memory_space<vmem>>
      %dma_start3A_595 = arith.constant 0 : i32
      %dma_start3A_596 = arith.constant 0 : i32
      %dma_start3A_597 = tpu.memref_slice %arg2[%dma_start3A_595, %dma_start3A_596] : memref<100096x32xf32, #tpu.memory_space<hbm>> -> memref<100096x32xf32, #tpu.memory_space<hbm>>
      tpu.enqueue_indirect_dma source(%dma_start3A_597 : memref<100096x32xf32, #tpu.memory_space<hbm>>) target(%dma_start3A_591 : memref<128x32xf32, #tpu.memory_space<vmem>>) offsets(%dma_start3A_594 : memref<128xi32, #tpu.memory_space<vmem>>) semaphore(%arg9 : memref<!tpu.dma_semaphore, #tpu.memory_space<semaphore_mem>>)
      %dma_wait3A_598 = arith.constant 18 : i32
      %dma_wait3A_599 = arith.constant 0 : i32
      %dma_wait3A_600 = arith.constant 2 : i32
      %dma_wait3A_601 = arith.constant 0 : i32
      %dma_wait3A_602 = arith.constant 0 : i32
      %dma_wait3A_603 = tpu.memref_slice %arg6[%dma_wait3A_600, %dma_wait3A_601, %dma_wait3A_602] : memref<4x128x32xf32, #tpu.memory_space<vmem>> -> memref<1x128x32xf32, #tpu.memory_space<vmem>>
      %dma_wait3A_604 = tpu.memref_squeeze %dma_wait3A_603 : memref<1x128x32xf32, #tpu.memory_space<vmem>> -> memref<128x32xf32, #tpu.memory_space<vmem>>
      %dma_wait3A_605 = arith.constant 0 : i32
      %dma_wait3A_606 = tpu.memref_slice %arg5[%rem3A_73, %dma_wait3A_598, %dma_wait3A_599, %dma_wait3A_605] : memref<2x28x2x128xi32, #tpu.memory_space<vmem>> -> memref<1x1x1x128xi32, #tpu.memory_space<vmem>>
      %dma_wait3A_607 = tpu.memref_squeeze %dma_wait3A_606 : memref<1x1x1x128xi32, #tpu.memory_space<vmem>> -> memref<128xi32, #tpu.memory_space<vmem>>
      %dma_wait3A_608 = arith.constant 0 : i32
      %dma_wait3A_609 = arith.constant 0 : i32
      %dma_wait3A_610 = tpu.memref_slice %arg2[%dma_wait3A_608, %dma_wait3A_609] : memref<100096x32xf32, #tpu.memory_space<hbm>> -> memref<100096x32xf32, #tpu.memory_space<hbm>>
      tpu.wait_indirect_dma semaphore(%arg10 : memref<!tpu.dma_semaphore, #tpu.memory_space<semaphore_mem>>) src(%dma_wait3A_610 : memref<100096x32xf32, #tpu.memory_space<hbm>>) dst(%dma_wait3A_604 : memref<128x32xf32, #tpu.memory_space<vmem>>)
      %run_scoped3A_611 = arith.constant 2 : i32
      %run_scoped3A_612 = arith.constant 18 : i32
      %run_scoped3A_613 = arith.constant 1 : i32
      "tpu.region"() ({
        %run_scoped3A_861 = tpu.sem_alloc : memref<!tpu.dma_semaphore, #tpu.memory_space<semaphore_mem>>
        %dma_start3A_862 = arith.constant 0 : i32
        %dma_start3A_863 = arith.constant 0 : i32
        %dma_start3A_864 = tpu.memref_slice %arg6[%run_scoped3A_611, %dma_start3A_862, %dma_start3A_863] : memref<4x128x32xf32, #tpu.memory_space<vmem>> -> memref<1x128x32xf32, #tpu.memory_space<vmem>>
        %dma_start3A_865 = tpu.memref_squeeze %dma_start3A_864 : memref<1x128x32xf32, #tpu.memory_space<vmem>> -> memref<128x32xf32, #tpu.memory_space<vmem>>
        %dma_start3A_866 = arith.constant 0 : i32
        %dma_start3A_867 = tpu.memref_slice %arg5[%rem3A_73, %run_scoped3A_612, %run_scoped3A_613, %dma_start3A_866] : memref<2x28x2x128xi32, #tpu.memory_space<vmem>> -> memref<1x1x1x128xi32, #tpu.memory_space<vmem>>
        %dma_start3A_868 = tpu.memref_squeeze %dma_start3A_867 : memref<1x1x1x128xi32, #tpu.memory_space<vmem>> -> memref<128xi32, #tpu.memory_space<vmem>>
        %dma_start3A_869 = arith.constant 0 : i32
        %dma_start3A_870 = arith.constant 0 : i32
        %dma_start3A_871 = tpu.memref_slice %arg12[%dma_start3A_869, %dma_start3A_870] : memref<50056x32xf32, #tpu.memory_space<vmem_shared>> -> memref<50056x32xf32, #tpu.memory_space<vmem_shared>>
        tpu.enqueue_indirect_dma source(%dma_start3A_865 : memref<128x32xf32, #tpu.memory_space<vmem>>) target(%dma_start3A_871 : memref<50056x32xf32, #tpu.memory_space<vmem_shared>>) offsets(%dma_start3A_868 : memref<128xi32, #tpu.memory_space<vmem>>) semaphore(%run_scoped3A_861 : memref<!tpu.dma_semaphore, #tpu.memory_space<semaphore_mem>>) {add = true}
        %dma_wait3A_872 = arith.constant 0 : i32
        %dma_wait3A_873 = arith.constant 0 : i32
        %dma_wait3A_874 = tpu.memref_slice %arg6[%run_scoped3A_611, %dma_wait3A_872, %dma_wait3A_873] : memref<4x128x32xf32, #tpu.memory_space<vmem>> -> memref<1x128x32xf32, #tpu.memory_space<vmem>>
        %dma_wait3A_875 = tpu.memref_squeeze %dma_wait3A_874 : memref<1x128x32xf32, #tpu.memory_space<vmem>> -> memref<128x32xf32, #tpu.memory_space<vmem>>
        %dma_wait3A_876 = arith.constant 0 : i32
        %dma_wait3A_877 = tpu.memref_slice %arg5[%rem3A_73, %run_scoped3A_612, %run_scoped3A_613, %dma_wait3A_876] : memref<2x28x2x128xi32, #tpu.memory_space<vmem>> -> memref<1x1x1x128xi32, #tpu.memory_space<vmem>>
        %dma_wait3A_878 = tpu.memref_squeeze %dma_wait3A_877 : memref<1x1x1x128xi32, #tpu.memory_space<vmem>> -> memref<128xi32, #tpu.memory_space<vmem>>
        %dma_wait3A_879 = arith.constant 0 : i32
        %dma_wait3A_880 = arith.constant 0 : i32
        %dma_wait3A_881 = tpu.memref_slice %arg12[%dma_wait3A_879, %dma_wait3A_880] : memref<50056x32xf32, #tpu.memory_space<vmem_shared>> -> memref<50056x32xf32, #tpu.memory_space<vmem_shared>>
        tpu.wait_indirect_dma semaphore(%run_scoped3A_861 : memref<!tpu.dma_semaphore, #tpu.memory_space<semaphore_mem>>) src(%dma_wait3A_875 : memref<128x32xf32, #tpu.memory_space<vmem>>) dst(%dma_wait3A_881 : memref<50056x32xf32, #tpu.memory_space<vmem_shared>>)
        tpu.yield
      }) : () -> ()
      %dma_start3A_614 = arith.constant 22 : i32
      %dma_start3A_615 = arith.constant 0 : i32
      %dma_start3A_616 = arith.constant 2 : i32
      %dma_start3A_617 = arith.constant 0 : i32
      %dma_start3A_618 = arith.constant 0 : i32
      %dma_start3A_619 = tpu.memref_slice %arg6[%dma_start3A_616, %dma_start3A_617, %dma_start3A_618] : memref<4x128x32xf32, #tpu.memory_space<vmem>> -> memref<1x128x32xf32, #tpu.memory_space<vmem>>
      %dma_start3A_620 = tpu.memref_squeeze %dma_start3A_619 : memref<1x128x32xf32, #tpu.memory_space<vmem>> -> memref<128x32xf32, #tpu.memory_space<vmem>>
      %dma_start3A_621 = arith.constant 0 : i32
      %dma_start3A_622 = tpu.memref_slice %arg5[%rem3A_73, %dma_start3A_614, %dma_start3A_615, %dma_start3A_621] : memref<2x28x2x128xi32, #tpu.memory_space<vmem>> -> memref<1x1x1x128xi32, #tpu.memory_space<vmem>>
      %dma_start3A_623 = tpu.memref_squeeze %dma_start3A_622 : memref<1x1x1x128xi32, #tpu.memory_space<vmem>> -> memref<128xi32, #tpu.memory_space<vmem>>
      %dma_start3A_624 = arith.constant 0 : i32
      %dma_start3A_625 = arith.constant 0 : i32
      %dma_start3A_626 = tpu.memref_slice %arg2[%dma_start3A_624, %dma_start3A_625] : memref<100096x32xf32, #tpu.memory_space<hbm>> -> memref<100096x32xf32, #tpu.memory_space<hbm>>
      tpu.enqueue_indirect_dma source(%dma_start3A_626 : memref<100096x32xf32, #tpu.memory_space<hbm>>) target(%dma_start3A_620 : memref<128x32xf32, #tpu.memory_space<vmem>>) offsets(%dma_start3A_623 : memref<128xi32, #tpu.memory_space<vmem>>) semaphore(%arg10 : memref<!tpu.dma_semaphore, #tpu.memory_space<semaphore_mem>>)
      %dma_wait3A_627 = arith.constant 19 : i32
      %dma_wait3A_628 = arith.constant 0 : i32
      %dma_wait3A_629 = arith.constant 3 : i32
      %dma_wait3A_630 = arith.constant 0 : i32
      %dma_wait3A_631 = arith.constant 0 : i32
      %dma_wait3A_632 = tpu.memref_slice %arg6[%dma_wait3A_629, %dma_wait3A_630, %dma_wait3A_631] : memref<4x128x32xf32, #tpu.memory_space<vmem>> -> memref<1x128x32xf32, #tpu.memory_space<vmem>>
      %dma_wait3A_633 = tpu.memref_squeeze %dma_wait3A_632 : memref<1x128x32xf32, #tpu.memory_space<vmem>> -> memref<128x32xf32, #tpu.memory_space<vmem>>
      %dma_wait3A_634 = arith.constant 0 : i32
      %dma_wait3A_635 = tpu.memref_slice %arg5[%rem3A_73, %dma_wait3A_627, %dma_wait3A_628, %dma_wait3A_634] : memref<2x28x2x128xi32, #tpu.memory_space<vmem>> -> memref<1x1x1x128xi32, #tpu.memory_space<vmem>>
      %dma_wait3A_636 = tpu.memref_squeeze %dma_wait3A_635 : memref<1x1x1x128xi32, #tpu.memory_space<vmem>> -> memref<128xi32, #tpu.memory_space<vmem>>
      %dma_wait3A_637 = arith.constant 0 : i32
      %dma_wait3A_638 = arith.constant 0 : i32
      %dma_wait3A_639 = tpu.memref_slice %arg2[%dma_wait3A_637, %dma_wait3A_638] : memref<100096x32xf32, #tpu.memory_space<hbm>> -> memref<100096x32xf32, #tpu.memory_space<hbm>>
      tpu.wait_indirect_dma semaphore(%arg11 : memref<!tpu.dma_semaphore, #tpu.memory_space<semaphore_mem>>) src(%dma_wait3A_639 : memref<100096x32xf32, #tpu.memory_space<hbm>>) dst(%dma_wait3A_633 : memref<128x32xf32, #tpu.memory_space<vmem>>)
      %run_scoped3A_640 = arith.constant 3 : i32
      %run_scoped3A_641 = arith.constant 19 : i32
      %run_scoped3A_642 = arith.constant 1 : i32
      "tpu.region"() ({
        %run_scoped3A_861 = tpu.sem_alloc : memref<!tpu.dma_semaphore, #tpu.memory_space<semaphore_mem>>
        %dma_start3A_862 = arith.constant 0 : i32
        %dma_start3A_863 = arith.constant 0 : i32
        %dma_start3A_864 = tpu.memref_slice %arg6[%run_scoped3A_640, %dma_start3A_862, %dma_start3A_863] : memref<4x128x32xf32, #tpu.memory_space<vmem>> -> memref<1x128x32xf32, #tpu.memory_space<vmem>>
        %dma_start3A_865 = tpu.memref_squeeze %dma_start3A_864 : memref<1x128x32xf32, #tpu.memory_space<vmem>> -> memref<128x32xf32, #tpu.memory_space<vmem>>
        %dma_start3A_866 = arith.constant 0 : i32
        %dma_start3A_867 = tpu.memref_slice %arg5[%rem3A_73, %run_scoped3A_641, %run_scoped3A_642, %dma_start3A_866] : memref<2x28x2x128xi32, #tpu.memory_space<vmem>> -> memref<1x1x1x128xi32, #tpu.memory_space<vmem>>
        %dma_start3A_868 = tpu.memref_squeeze %dma_start3A_867 : memref<1x1x1x128xi32, #tpu.memory_space<vmem>> -> memref<128xi32, #tpu.memory_space<vmem>>
        %dma_start3A_869 = arith.constant 0 : i32
        %dma_start3A_870 = arith.constant 0 : i32
        %dma_start3A_871 = tpu.memref_slice %arg12[%dma_start3A_869, %dma_start3A_870] : memref<50056x32xf32, #tpu.memory_space<vmem_shared>> -> memref<50056x32xf32, #tpu.memory_space<vmem_shared>>
        tpu.enqueue_indirect_dma source(%dma_start3A_865 : memref<128x32xf32, #tpu.memory_space<vmem>>) target(%dma_start3A_871 : memref<50056x32xf32, #tpu.memory_space<vmem_shared>>) offsets(%dma_start3A_868 : memref<128xi32, #tpu.memory_space<vmem>>) semaphore(%run_scoped3A_861 : memref<!tpu.dma_semaphore, #tpu.memory_space<semaphore_mem>>) {add = true}
        %dma_wait3A_872 = arith.constant 0 : i32
        %dma_wait3A_873 = arith.constant 0 : i32
        %dma_wait3A_874 = tpu.memref_slice %arg6[%run_scoped3A_640, %dma_wait3A_872, %dma_wait3A_873] : memref<4x128x32xf32, #tpu.memory_space<vmem>> -> memref<1x128x32xf32, #tpu.memory_space<vmem>>
        %dma_wait3A_875 = tpu.memref_squeeze %dma_wait3A_874 : memref<1x128x32xf32, #tpu.memory_space<vmem>> -> memref<128x32xf32, #tpu.memory_space<vmem>>
        %dma_wait3A_876 = arith.constant 0 : i32
        %dma_wait3A_877 = tpu.memref_slice %arg5[%rem3A_73, %run_scoped3A_641, %run_scoped3A_642, %dma_wait3A_876] : memref<2x28x2x128xi32, #tpu.memory_space<vmem>> -> memref<1x1x1x128xi32, #tpu.memory_space<vmem>>
        %dma_wait3A_878 = tpu.memref_squeeze %dma_wait3A_877 : memref<1x1x1x128xi32, #tpu.memory_space<vmem>> -> memref<128xi32, #tpu.memory_space<vmem>>
        %dma_wait3A_879 = arith.constant 0 : i32
        %dma_wait3A_880 = arith.constant 0 : i32
        %dma_wait3A_881 = tpu.memref_slice %arg12[%dma_wait3A_879, %dma_wait3A_880] : memref<50056x32xf32, #tpu.memory_space<vmem_shared>> -> memref<50056x32xf32, #tpu.memory_space<vmem_shared>>
        tpu.wait_indirect_dma semaphore(%run_scoped3A_861 : memref<!tpu.dma_semaphore, #tpu.memory_space<semaphore_mem>>) src(%dma_wait3A_875 : memref<128x32xf32, #tpu.memory_space<vmem>>) dst(%dma_wait3A_881 : memref<50056x32xf32, #tpu.memory_space<vmem_shared>>)
        tpu.yield
      }) : () -> ()
      %dma_start3A_643 = arith.constant 23 : i32
      %dma_start3A_644 = arith.constant 0 : i32
      %dma_start3A_645 = arith.constant 3 : i32
      %dma_start3A_646 = arith.constant 0 : i32
      %dma_start3A_647 = arith.constant 0 : i32
      %dma_start3A_648 = tpu.memref_slice %arg6[%dma_start3A_645, %dma_start3A_646, %dma_start3A_647] : memref<4x128x32xf32, #tpu.memory_space<vmem>> -> memref<1x128x32xf32, #tpu.memory_space<vmem>>
      %dma_start3A_649 = tpu.memref_squeeze %dma_start3A_648 : memref<1x128x32xf32, #tpu.memory_space<vmem>> -> memref<128x32xf32, #tpu.memory_space<vmem>>
      %dma_start3A_650 = arith.constant 0 : i32
      %dma_start3A_651 = tpu.memref_slice %arg5[%rem3A_73, %dma_start3A_643, %dma_start3A_644, %dma_start3A_650] : memref<2x28x2x128xi32, #tpu.memory_space<vmem>> -> memref<1x1x1x128xi32, #tpu.memory_space<vmem>>
      %dma_start3A_652 = tpu.memref_squeeze %dma_start3A_651 : memref<1x1x1x128xi32, #tpu.memory_space<vmem>> -> memref<128xi32, #tpu.memory_space<vmem>>
      %dma_start3A_653 = arith.constant 0 : i32
      %dma_start3A_654 = arith.constant 0 : i32
      %dma_start3A_655 = tpu.memref_slice %arg2[%dma_start3A_653, %dma_start3A_654] : memref<100096x32xf32, #tpu.memory_space<hbm>> -> memref<100096x32xf32, #tpu.memory_space<hbm>>
      tpu.enqueue_indirect_dma source(%dma_start3A_655 : memref<100096x32xf32, #tpu.memory_space<hbm>>) target(%dma_start3A_649 : memref<128x32xf32, #tpu.memory_space<vmem>>) offsets(%dma_start3A_652 : memref<128xi32, #tpu.memory_space<vmem>>) semaphore(%arg11 : memref<!tpu.dma_semaphore, #tpu.memory_space<semaphore_mem>>)
      %dma_wait3A_656 = arith.constant 20 : i32
      %dma_wait3A_657 = arith.constant 0 : i32
      %dma_wait3A_658 = arith.constant 0 : i32
      %dma_wait3A_659 = arith.constant 0 : i32
      %dma_wait3A_660 = arith.constant 0 : i32
      %dma_wait3A_661 = tpu.memref_slice %arg6[%dma_wait3A_658, %dma_wait3A_659, %dma_wait3A_660] : memref<4x128x32xf32, #tpu.memory_space<vmem>> -> memref<1x128x32xf32, #tpu.memory_space<vmem>>
      %dma_wait3A_662 = tpu.memref_squeeze %dma_wait3A_661 : memref<1x128x32xf32, #tpu.memory_space<vmem>> -> memref<128x32xf32, #tpu.memory_space<vmem>>
      %dma_wait3A_663 = arith.constant 0 : i32
      %dma_wait3A_664 = tpu.memref_slice %arg5[%rem3A_73, %dma_wait3A_656, %dma_wait3A_657, %dma_wait3A_663] : memref<2x28x2x128xi32, #tpu.memory_space<vmem>> -> memref<1x1x1x128xi32, #tpu.memory_space<vmem>>
      %dma_wait3A_665 = tpu.memref_squeeze %dma_wait3A_664 : memref<1x1x1x128xi32, #tpu.memory_space<vmem>> -> memref<128xi32, #tpu.memory_space<vmem>>
      %dma_wait3A_666 = arith.constant 0 : i32
      %dma_wait3A_667 = arith.constant 0 : i32
      %dma_wait3A_668 = tpu.memref_slice %arg2[%dma_wait3A_666, %dma_wait3A_667] : memref<100096x32xf32, #tpu.memory_space<hbm>> -> memref<100096x32xf32, #tpu.memory_space<hbm>>
      tpu.wait_indirect_dma semaphore(%arg8 : memref<!tpu.dma_semaphore, #tpu.memory_space<semaphore_mem>>) src(%dma_wait3A_668 : memref<100096x32xf32, #tpu.memory_space<hbm>>) dst(%dma_wait3A_662 : memref<128x32xf32, #tpu.memory_space<vmem>>)
      %run_scoped3A_669 = arith.constant 0 : i32
      %run_scoped3A_670 = arith.constant 20 : i32
      %run_scoped3A_671 = arith.constant 1 : i32
      "tpu.region"() ({
        %run_scoped3A_861 = tpu.sem_alloc : memref<!tpu.dma_semaphore, #tpu.memory_space<semaphore_mem>>
        %dma_start3A_862 = arith.constant 0 : i32
        %dma_start3A_863 = arith.constant 0 : i32
        %dma_start3A_864 = tpu.memref_slice %arg6[%run_scoped3A_669, %dma_start3A_862, %dma_start3A_863] : memref<4x128x32xf32, #tpu.memory_space<vmem>> -> memref<1x128x32xf32, #tpu.memory_space<vmem>>
        %dma_start3A_865 = tpu.memref_squeeze %dma_start3A_864 : memref<1x128x32xf32, #tpu.memory_space<vmem>> -> memref<128x32xf32, #tpu.memory_space<vmem>>
        %dma_start3A_866 = arith.constant 0 : i32
        %dma_start3A_867 = tpu.memref_slice %arg5[%rem3A_73, %run_scoped3A_670, %run_scoped3A_671, %dma_start3A_866] : memref<2x28x2x128xi32, #tpu.memory_space<vmem>> -> memref<1x1x1x128xi32, #tpu.memory_space<vmem>>
        %dma_start3A_868 = tpu.memref_squeeze %dma_start3A_867 : memref<1x1x1x128xi32, #tpu.memory_space<vmem>> -> memref<128xi32, #tpu.memory_space<vmem>>
        %dma_start3A_869 = arith.constant 0 : i32
        %dma_start3A_870 = arith.constant 0 : i32
        %dma_start3A_871 = tpu.memref_slice %arg12[%dma_start3A_869, %dma_start3A_870] : memref<50056x32xf32, #tpu.memory_space<vmem_shared>> -> memref<50056x32xf32, #tpu.memory_space<vmem_shared>>
        tpu.enqueue_indirect_dma source(%dma_start3A_865 : memref<128x32xf32, #tpu.memory_space<vmem>>) target(%dma_start3A_871 : memref<50056x32xf32, #tpu.memory_space<vmem_shared>>) offsets(%dma_start3A_868 : memref<128xi32, #tpu.memory_space<vmem>>) semaphore(%run_scoped3A_861 : memref<!tpu.dma_semaphore, #tpu.memory_space<semaphore_mem>>) {add = true}
        %dma_wait3A_872 = arith.constant 0 : i32
        %dma_wait3A_873 = arith.constant 0 : i32
        %dma_wait3A_874 = tpu.memref_slice %arg6[%run_scoped3A_669, %dma_wait3A_872, %dma_wait3A_873] : memref<4x128x32xf32, #tpu.memory_space<vmem>> -> memref<1x128x32xf32, #tpu.memory_space<vmem>>
        %dma_wait3A_875 = tpu.memref_squeeze %dma_wait3A_874 : memref<1x128x32xf32, #tpu.memory_space<vmem>> -> memref<128x32xf32, #tpu.memory_space<vmem>>
        %dma_wait3A_876 = arith.constant 0 : i32
        %dma_wait3A_877 = tpu.memref_slice %arg5[%rem3A_73, %run_scoped3A_670, %run_scoped3A_671, %dma_wait3A_876] : memref<2x28x2x128xi32, #tpu.memory_space<vmem>> -> memref<1x1x1x128xi32, #tpu.memory_space<vmem>>
        %dma_wait3A_878 = tpu.memref_squeeze %dma_wait3A_877 : memref<1x1x1x128xi32, #tpu.memory_space<vmem>> -> memref<128xi32, #tpu.memory_space<vmem>>
        %dma_wait3A_879 = arith.constant 0 : i32
        %dma_wait3A_880 = arith.constant 0 : i32
        %dma_wait3A_881 = tpu.memref_slice %arg12[%dma_wait3A_879, %dma_wait3A_880] : memref<50056x32xf32, #tpu.memory_space<vmem_shared>> -> memref<50056x32xf32, #tpu.memory_space<vmem_shared>>
        tpu.wait_indirect_dma semaphore(%run_scoped3A_861 : memref<!tpu.dma_semaphore, #tpu.memory_space<semaphore_mem>>) src(%dma_wait3A_875 : memref<128x32xf32, #tpu.memory_space<vmem>>) dst(%dma_wait3A_881 : memref<50056x32xf32, #tpu.memory_space<vmem_shared>>)
        tpu.yield
      }) : () -> ()
      %dma_start3A_672 = arith.constant 24 : i32
      %dma_start3A_673 = arith.constant 0 : i32
      %dma_start3A_674 = arith.constant 0 : i32
      %dma_start3A_675 = arith.constant 0 : i32
      %dma_start3A_676 = arith.constant 0 : i32
      %dma_start3A_677 = tpu.memref_slice %arg6[%dma_start3A_674, %dma_start3A_675, %dma_start3A_676] : memref<4x128x32xf32, #tpu.memory_space<vmem>> -> memref<1x128x32xf32, #tpu.memory_space<vmem>>
      %dma_start3A_678 = tpu.memref_squeeze %dma_start3A_677 : memref<1x128x32xf32, #tpu.memory_space<vmem>> -> memref<128x32xf32, #tpu.memory_space<vmem>>
      %dma_start3A_679 = arith.constant 0 : i32
      %dma_start3A_680 = tpu.memref_slice %arg5[%rem3A_73, %dma_start3A_672, %dma_start3A_673, %dma_start3A_679] : memref<2x28x2x128xi32, #tpu.memory_space<vmem>> -> memref<1x1x1x128xi32, #tpu.memory_space<vmem>>
      %dma_start3A_681 = tpu.memref_squeeze %dma_start3A_680 : memref<1x1x1x128xi32, #tpu.memory_space<vmem>> -> memref<128xi32, #tpu.memory_space<vmem>>
      %dma_start3A_682 = arith.constant 0 : i32
      %dma_start3A_683 = arith.constant 0 : i32
      %dma_start3A_684 = tpu.memref_slice %arg2[%dma_start3A_682, %dma_start3A_683] : memref<100096x32xf32, #tpu.memory_space<hbm>> -> memref<100096x32xf32, #tpu.memory_space<hbm>>
      tpu.enqueue_indirect_dma source(%dma_start3A_684 : memref<100096x32xf32, #tpu.memory_space<hbm>>) target(%dma_start3A_678 : memref<128x32xf32, #tpu.memory_space<vmem>>) offsets(%dma_start3A_681 : memref<128xi32, #tpu.memory_space<vmem>>) semaphore(%arg8 : memref<!tpu.dma_semaphore, #tpu.memory_space<semaphore_mem>>)
      %dma_wait3A_685 = arith.constant 21 : i32
      %dma_wait3A_686 = arith.constant 0 : i32
      %dma_wait3A_687 = arith.constant 1 : i32
      %dma_wait3A_688 = arith.constant 0 : i32
      %dma_wait3A_689 = arith.constant 0 : i32
      %dma_wait3A_690 = tpu.memref_slice %arg6[%dma_wait3A_687, %dma_wait3A_688, %dma_wait3A_689] : memref<4x128x32xf32, #tpu.memory_space<vmem>> -> memref<1x128x32xf32, #tpu.memory_space<vmem>>
      %dma_wait3A_691 = tpu.memref_squeeze %dma_wait3A_690 : memref<1x128x32xf32, #tpu.memory_space<vmem>> -> memref<128x32xf32, #tpu.memory_space<vmem>>
      %dma_wait3A_692 = arith.constant 0 : i32
      %dma_wait3A_693 = tpu.memref_slice %arg5[%rem3A_73, %dma_wait3A_685, %dma_wait3A_686, %dma_wait3A_692] : memref<2x28x2x128xi32, #tpu.memory_space<vmem>> -> memref<1x1x1x128xi32, #tpu.memory_space<vmem>>
      %dma_wait3A_694 = tpu.memref_squeeze %dma_wait3A_693 : memref<1x1x1x128xi32, #tpu.memory_space<vmem>> -> memref<128xi32, #tpu.memory_space<vmem>>
      %dma_wait3A_695 = arith.constant 0 : i32
      %dma_wait3A_696 = arith.constant 0 : i32
      %dma_wait3A_697 = tpu.memref_slice %arg2[%dma_wait3A_695, %dma_wait3A_696] : memref<100096x32xf32, #tpu.memory_space<hbm>> -> memref<100096x32xf32, #tpu.memory_space<hbm>>
      tpu.wait_indirect_dma semaphore(%arg9 : memref<!tpu.dma_semaphore, #tpu.memory_space<semaphore_mem>>) src(%dma_wait3A_697 : memref<100096x32xf32, #tpu.memory_space<hbm>>) dst(%dma_wait3A_691 : memref<128x32xf32, #tpu.memory_space<vmem>>)
      %run_scoped3A_698 = arith.constant 1 : i32
      %run_scoped3A_699 = arith.constant 21 : i32
      %run_scoped3A_700 = arith.constant 1 : i32
      "tpu.region"() ({
        %run_scoped3A_861 = tpu.sem_alloc : memref<!tpu.dma_semaphore, #tpu.memory_space<semaphore_mem>>
        %dma_start3A_862 = arith.constant 0 : i32
        %dma_start3A_863 = arith.constant 0 : i32
        %dma_start3A_864 = tpu.memref_slice %arg6[%run_scoped3A_698, %dma_start3A_862, %dma_start3A_863] : memref<4x128x32xf32, #tpu.memory_space<vmem>> -> memref<1x128x32xf32, #tpu.memory_space<vmem>>
        %dma_start3A_865 = tpu.memref_squeeze %dma_start3A_864 : memref<1x128x32xf32, #tpu.memory_space<vmem>> -> memref<128x32xf32, #tpu.memory_space<vmem>>
        %dma_start3A_866 = arith.constant 0 : i32
        %dma_start3A_867 = tpu.memref_slice %arg5[%rem3A_73, %run_scoped3A_699, %run_scoped3A_700, %dma_start3A_866] : memref<2x28x2x128xi32, #tpu.memory_space<vmem>> -> memref<1x1x1x128xi32, #tpu.memory_space<vmem>>
        %dma_start3A_868 = tpu.memref_squeeze %dma_start3A_867 : memref<1x1x1x128xi32, #tpu.memory_space<vmem>> -> memref<128xi32, #tpu.memory_space<vmem>>
        %dma_start3A_869 = arith.constant 0 : i32
        %dma_start3A_870 = arith.constant 0 : i32
        %dma_start3A_871 = tpu.memref_slice %arg12[%dma_start3A_869, %dma_start3A_870] : memref<50056x32xf32, #tpu.memory_space<vmem_shared>> -> memref<50056x32xf32, #tpu.memory_space<vmem_shared>>
        tpu.enqueue_indirect_dma source(%dma_start3A_865 : memref<128x32xf32, #tpu.memory_space<vmem>>) target(%dma_start3A_871 : memref<50056x32xf32, #tpu.memory_space<vmem_shared>>) offsets(%dma_start3A_868 : memref<128xi32, #tpu.memory_space<vmem>>) semaphore(%run_scoped3A_861 : memref<!tpu.dma_semaphore, #tpu.memory_space<semaphore_mem>>) {add = true}
        %dma_wait3A_872 = arith.constant 0 : i32
        %dma_wait3A_873 = arith.constant 0 : i32
        %dma_wait3A_874 = tpu.memref_slice %arg6[%run_scoped3A_698, %dma_wait3A_872, %dma_wait3A_873] : memref<4x128x32xf32, #tpu.memory_space<vmem>> -> memref<1x128x32xf32, #tpu.memory_space<vmem>>
        %dma_wait3A_875 = tpu.memref_squeeze %dma_wait3A_874 : memref<1x128x32xf32, #tpu.memory_space<vmem>> -> memref<128x32xf32, #tpu.memory_space<vmem>>
        %dma_wait3A_876 = arith.constant 0 : i32
        %dma_wait3A_877 = tpu.memref_slice %arg5[%rem3A_73, %run_scoped3A_699, %run_scoped3A_700, %dma_wait3A_876] : memref<2x28x2x128xi32, #tpu.memory_space<vmem>> -> memref<1x1x1x128xi32, #tpu.memory_space<vmem>>
        %dma_wait3A_878 = tpu.memref_squeeze %dma_wait3A_877 : memref<1x1x1x128xi32, #tpu.memory_space<vmem>> -> memref<128xi32, #tpu.memory_space<vmem>>
        %dma_wait3A_879 = arith.constant 0 : i32
        %dma_wait3A_880 = arith.constant 0 : i32
        %dma_wait3A_881 = tpu.memref_slice %arg12[%dma_wait3A_879, %dma_wait3A_880] : memref<50056x32xf32, #tpu.memory_space<vmem_shared>> -> memref<50056x32xf32, #tpu.memory_space<vmem_shared>>
        tpu.wait_indirect_dma semaphore(%run_scoped3A_861 : memref<!tpu.dma_semaphore, #tpu.memory_space<semaphore_mem>>) src(%dma_wait3A_875 : memref<128x32xf32, #tpu.memory_space<vmem>>) dst(%dma_wait3A_881 : memref<50056x32xf32, #tpu.memory_space<vmem_shared>>)
        tpu.yield
      }) : () -> ()
      %dma_start3A_701 = arith.constant 25 : i32
      %dma_start3A_702 = arith.constant 0 : i32
      %dma_start3A_703 = arith.constant 1 : i32
      %dma_start3A_704 = arith.constant 0 : i32
      %dma_start3A_705 = arith.constant 0 : i32
      %dma_start3A_706 = tpu.memref_slice %arg6[%dma_start3A_703, %dma_start3A_704, %dma_start3A_705] : memref<4x128x32xf32, #tpu.memory_space<vmem>> -> memref<1x128x32xf32, #tpu.memory_space<vmem>>
      %dma_start3A_707 = tpu.memref_squeeze %dma_start3A_706 : memref<1x128x32xf32, #tpu.memory_space<vmem>> -> memref<128x32xf32, #tpu.memory_space<vmem>>
      %dma_start3A_708 = arith.constant 0 : i32
      %dma_start3A_709 = tpu.memref_slice %arg5[%rem3A_73, %dma_start3A_701, %dma_start3A_702, %dma_start3A_708] : memref<2x28x2x128xi32, #tpu.memory_space<vmem>> -> memref<1x1x1x128xi32, #tpu.memory_space<vmem>>
      %dma_start3A_710 = tpu.memref_squeeze %dma_start3A_709 : memref<1x1x1x128xi32, #tpu.memory_space<vmem>> -> memref<128xi32, #tpu.memory_space<vmem>>
      %dma_start3A_711 = arith.constant 0 : i32
      %dma_start3A_712 = arith.constant 0 : i32
      %dma_start3A_713 = tpu.memref_slice %arg2[%dma_start3A_711, %dma_start3A_712] : memref<100096x32xf32, #tpu.memory_space<hbm>> -> memref<100096x32xf32, #tpu.memory_space<hbm>>
      tpu.enqueue_indirect_dma source(%dma_start3A_713 : memref<100096x32xf32, #tpu.memory_space<hbm>>) target(%dma_start3A_707 : memref<128x32xf32, #tpu.memory_space<vmem>>) offsets(%dma_start3A_710 : memref<128xi32, #tpu.memory_space<vmem>>) semaphore(%arg9 : memref<!tpu.dma_semaphore, #tpu.memory_space<semaphore_mem>>)
      %dma_wait3A_714 = arith.constant 22 : i32
      %dma_wait3A_715 = arith.constant 0 : i32
      %dma_wait3A_716 = arith.constant 2 : i32
      %dma_wait3A_717 = arith.constant 0 : i32
      %dma_wait3A_718 = arith.constant 0 : i32
      %dma_wait3A_719 = tpu.memref_slice %arg6[%dma_wait3A_716, %dma_wait3A_717, %dma_wait3A_718] : memref<4x128x32xf32, #tpu.memory_space<vmem>> -> memref<1x128x32xf32, #tpu.memory_space<vmem>>
      %dma_wait3A_720 = tpu.memref_squeeze %dma_wait3A_719 : memref<1x128x32xf32, #tpu.memory_space<vmem>> -> memref<128x32xf32, #tpu.memory_space<vmem>>
      %dma_wait3A_721 = arith.constant 0 : i32
      %dma_wait3A_722 = tpu.memref_slice %arg5[%rem3A_73, %dma_wait3A_714, %dma_wait3A_715, %dma_wait3A_721] : memref<2x28x2x128xi32, #tpu.memory_space<vmem>> -> memref<1x1x1x128xi32, #tpu.memory_space<vmem>>
      %dma_wait3A_723 = tpu.memref_squeeze %dma_wait3A_722 : memref<1x1x1x128xi32, #tpu.memory_space<vmem>> -> memref<128xi32, #tpu.memory_space<vmem>>
      %dma_wait3A_724 = arith.constant 0 : i32
      %dma_wait3A_725 = arith.constant 0 : i32
      %dma_wait3A_726 = tpu.memref_slice %arg2[%dma_wait3A_724, %dma_wait3A_725] : memref<100096x32xf32, #tpu.memory_space<hbm>> -> memref<100096x32xf32, #tpu.memory_space<hbm>>
      tpu.wait_indirect_dma semaphore(%arg10 : memref<!tpu.dma_semaphore, #tpu.memory_space<semaphore_mem>>) src(%dma_wait3A_726 : memref<100096x32xf32, #tpu.memory_space<hbm>>) dst(%dma_wait3A_720 : memref<128x32xf32, #tpu.memory_space<vmem>>)
      %run_scoped3A_727 = arith.constant 2 : i32
      %run_scoped3A_728 = arith.constant 22 : i32
      %run_scoped3A_729 = arith.constant 1 : i32
      "tpu.region"() ({
        %run_scoped3A_861 = tpu.sem_alloc : memref<!tpu.dma_semaphore, #tpu.memory_space<semaphore_mem>>
        %dma_start3A_862 = arith.constant 0 : i32
        %dma_start3A_863 = arith.constant 0 : i32
        %dma_start3A_864 = tpu.memref_slice %arg6[%run_scoped3A_727, %dma_start3A_862, %dma_start3A_863] : memref<4x128x32xf32, #tpu.memory_space<vmem>> -> memref<1x128x32xf32, #tpu.memory_space<vmem>>
        %dma_start3A_865 = tpu.memref_squeeze %dma_start3A_864 : memref<1x128x32xf32, #tpu.memory_space<vmem>> -> memref<128x32xf32, #tpu.memory_space<vmem>>
        %dma_start3A_866 = arith.constant 0 : i32
        %dma_start3A_867 = tpu.memref_slice %arg5[%rem3A_73, %run_scoped3A_728, %run_scoped3A_729, %dma_start3A_866] : memref<2x28x2x128xi32, #tpu.memory_space<vmem>> -> memref<1x1x1x128xi32, #tpu.memory_space<vmem>>
        %dma_start3A_868 = tpu.memref_squeeze %dma_start3A_867 : memref<1x1x1x128xi32, #tpu.memory_space<vmem>> -> memref<128xi32, #tpu.memory_space<vmem>>
        %dma_start3A_869 = arith.constant 0 : i32
        %dma_start3A_870 = arith.constant 0 : i32
        %dma_start3A_871 = tpu.memref_slice %arg12[%dma_start3A_869, %dma_start3A_870] : memref<50056x32xf32, #tpu.memory_space<vmem_shared>> -> memref<50056x32xf32, #tpu.memory_space<vmem_shared>>
        tpu.enqueue_indirect_dma source(%dma_start3A_865 : memref<128x32xf32, #tpu.memory_space<vmem>>) target(%dma_start3A_871 : memref<50056x32xf32, #tpu.memory_space<vmem_shared>>) offsets(%dma_start3A_868 : memref<128xi32, #tpu.memory_space<vmem>>) semaphore(%run_scoped3A_861 : memref<!tpu.dma_semaphore, #tpu.memory_space<semaphore_mem>>) {add = true}
        %dma_wait3A_872 = arith.constant 0 : i32
        %dma_wait3A_873 = arith.constant 0 : i32
        %dma_wait3A_874 = tpu.memref_slice %arg6[%run_scoped3A_727, %dma_wait3A_872, %dma_wait3A_873] : memref<4x128x32xf32, #tpu.memory_space<vmem>> -> memref<1x128x32xf32, #tpu.memory_space<vmem>>
        %dma_wait3A_875 = tpu.memref_squeeze %dma_wait3A_874 : memref<1x128x32xf32, #tpu.memory_space<vmem>> -> memref<128x32xf32, #tpu.memory_space<vmem>>
        %dma_wait3A_876 = arith.constant 0 : i32
        %dma_wait3A_877 = tpu.memref_slice %arg5[%rem3A_73, %run_scoped3A_728, %run_scoped3A_729, %dma_wait3A_876] : memref<2x28x2x128xi32, #tpu.memory_space<vmem>> -> memref<1x1x1x128xi32, #tpu.memory_space<vmem>>
        %dma_wait3A_878 = tpu.memref_squeeze %dma_wait3A_877 : memref<1x1x1x128xi32, #tpu.memory_space<vmem>> -> memref<128xi32, #tpu.memory_space<vmem>>
        %dma_wait3A_879 = arith.constant 0 : i32
        %dma_wait3A_880 = arith.constant 0 : i32
        %dma_wait3A_881 = tpu.memref_slice %arg12[%dma_wait3A_879, %dma_wait3A_880] : memref<50056x32xf32, #tpu.memory_space<vmem_shared>> -> memref<50056x32xf32, #tpu.memory_space<vmem_shared>>
        tpu.wait_indirect_dma semaphore(%run_scoped3A_861 : memref<!tpu.dma_semaphore, #tpu.memory_space<semaphore_mem>>) src(%dma_wait3A_875 : memref<128x32xf32, #tpu.memory_space<vmem>>) dst(%dma_wait3A_881 : memref<50056x32xf32, #tpu.memory_space<vmem_shared>>)
        tpu.yield
      }) : () -> ()
      %dma_start3A_730 = arith.constant 26 : i32
      %dma_start3A_731 = arith.constant 0 : i32
      %dma_start3A_732 = arith.constant 2 : i32
      %dma_start3A_733 = arith.constant 0 : i32
      %dma_start3A_734 = arith.constant 0 : i32
      %dma_start3A_735 = tpu.memref_slice %arg6[%dma_start3A_732, %dma_start3A_733, %dma_start3A_734] : memref<4x128x32xf32, #tpu.memory_space<vmem>> -> memref<1x128x32xf32, #tpu.memory_space<vmem>>
      %dma_start3A_736 = tpu.memref_squeeze %dma_start3A_735 : memref<1x128x32xf32, #tpu.memory_space<vmem>> -> memref<128x32xf32, #tpu.memory_space<vmem>>
      %dma_start3A_737 = arith.constant 0 : i32
      %dma_start3A_738 = tpu.memref_slice %arg5[%rem3A_73, %dma_start3A_730, %dma_start3A_731, %dma_start3A_737] : memref<2x28x2x128xi32, #tpu.memory_space<vmem>> -> memref<1x1x1x128xi32, #tpu.memory_space<vmem>>
      %dma_start3A_739 = tpu.memref_squeeze %dma_start3A_738 : memref<1x1x1x128xi32, #tpu.memory_space<vmem>> -> memref<128xi32, #tpu.memory_space<vmem>>
      %dma_start3A_740 = arith.constant 0 : i32
      %dma_start3A_741 = arith.constant 0 : i32
      %dma_start3A_742 = tpu.memref_slice %arg2[%dma_start3A_740, %dma_start3A_741] : memref<100096x32xf32, #tpu.memory_space<hbm>> -> memref<100096x32xf32, #tpu.memory_space<hbm>>
      tpu.enqueue_indirect_dma source(%dma_start3A_742 : memref<100096x32xf32, #tpu.memory_space<hbm>>) target(%dma_start3A_736 : memref<128x32xf32, #tpu.memory_space<vmem>>) offsets(%dma_start3A_739 : memref<128xi32, #tpu.memory_space<vmem>>) semaphore(%arg10 : memref<!tpu.dma_semaphore, #tpu.memory_space<semaphore_mem>>)
      %dma_wait3A_743 = arith.constant 23 : i32
      %dma_wait3A_744 = arith.constant 0 : i32
      %dma_wait3A_745 = arith.constant 3 : i32
      %dma_wait3A_746 = arith.constant 0 : i32
      %dma_wait3A_747 = arith.constant 0 : i32
      %dma_wait3A_748 = tpu.memref_slice %arg6[%dma_wait3A_745, %dma_wait3A_746, %dma_wait3A_747] : memref<4x128x32xf32, #tpu.memory_space<vmem>> -> memref<1x128x32xf32, #tpu.memory_space<vmem>>
      %dma_wait3A_749 = tpu.memref_squeeze %dma_wait3A_748 : memref<1x128x32xf32, #tpu.memory_space<vmem>> -> memref<128x32xf32, #tpu.memory_space<vmem>>
      %dma_wait3A_750 = arith.constant 0 : i32
      %dma_wait3A_751 = tpu.memref_slice %arg5[%rem3A_73, %dma_wait3A_743, %dma_wait3A_744, %dma_wait3A_750] : memref<2x28x2x128xi32, #tpu.memory_space<vmem>> -> memref<1x1x1x128xi32, #tpu.memory_space<vmem>>
      %dma_wait3A_752 = tpu.memref_squeeze %dma_wait3A_751 : memref<1x1x1x128xi32, #tpu.memory_space<vmem>> -> memref<128xi32, #tpu.memory_space<vmem>>
      %dma_wait3A_753 = arith.constant 0 : i32
      %dma_wait3A_754 = arith.constant 0 : i32
      %dma_wait3A_755 = tpu.memref_slice %arg2[%dma_wait3A_753, %dma_wait3A_754] : memref<100096x32xf32, #tpu.memory_space<hbm>> -> memref<100096x32xf32, #tpu.memory_space<hbm>>
      tpu.wait_indirect_dma semaphore(%arg11 : memref<!tpu.dma_semaphore, #tpu.memory_space<semaphore_mem>>) src(%dma_wait3A_755 : memref<100096x32xf32, #tpu.memory_space<hbm>>) dst(%dma_wait3A_749 : memref<128x32xf32, #tpu.memory_space<vmem>>)
      %run_scoped3A_756 = arith.constant 3 : i32
      %run_scoped3A_757 = arith.constant 23 : i32
      %run_scoped3A_758 = arith.constant 1 : i32
      "tpu.region"() ({
        %run_scoped3A_861 = tpu.sem_alloc : memref<!tpu.dma_semaphore, #tpu.memory_space<semaphore_mem>>
        %dma_start3A_862 = arith.constant 0 : i32
        %dma_start3A_863 = arith.constant 0 : i32
        %dma_start3A_864 = tpu.memref_slice %arg6[%run_scoped3A_756, %dma_start3A_862, %dma_start3A_863] : memref<4x128x32xf32, #tpu.memory_space<vmem>> -> memref<1x128x32xf32, #tpu.memory_space<vmem>>
        %dma_start3A_865 = tpu.memref_squeeze %dma_start3A_864 : memref<1x128x32xf32, #tpu.memory_space<vmem>> -> memref<128x32xf32, #tpu.memory_space<vmem>>
        %dma_start3A_866 = arith.constant 0 : i32
        %dma_start3A_867 = tpu.memref_slice %arg5[%rem3A_73, %run_scoped3A_757, %run_scoped3A_758, %dma_start3A_866] : memref<2x28x2x128xi32, #tpu.memory_space<vmem>> -> memref<1x1x1x128xi32, #tpu.memory_space<vmem>>
        %dma_start3A_868 = tpu.memref_squeeze %dma_start3A_867 : memref<1x1x1x128xi32, #tpu.memory_space<vmem>> -> memref<128xi32, #tpu.memory_space<vmem>>
        %dma_start3A_869 = arith.constant 0 : i32
        %dma_start3A_870 = arith.constant 0 : i32
        %dma_start3A_871 = tpu.memref_slice %arg12[%dma_start3A_869, %dma_start3A_870] : memref<50056x32xf32, #tpu.memory_space<vmem_shared>> -> memref<50056x32xf32, #tpu.memory_space<vmem_shared>>
        tpu.enqueue_indirect_dma source(%dma_start3A_865 : memref<128x32xf32, #tpu.memory_space<vmem>>) target(%dma_start3A_871 : memref<50056x32xf32, #tpu.memory_space<vmem_shared>>) offsets(%dma_start3A_868 : memref<128xi32, #tpu.memory_space<vmem>>) semaphore(%run_scoped3A_861 : memref<!tpu.dma_semaphore, #tpu.memory_space<semaphore_mem>>) {add = true}
        %dma_wait3A_872 = arith.constant 0 : i32
        %dma_wait3A_873 = arith.constant 0 : i32
        %dma_wait3A_874 = tpu.memref_slice %arg6[%run_scoped3A_756, %dma_wait3A_872, %dma_wait3A_873] : memref<4x128x32xf32, #tpu.memory_space<vmem>> -> memref<1x128x32xf32, #tpu.memory_space<vmem>>
        %dma_wait3A_875 = tpu.memref_squeeze %dma_wait3A_874 : memref<1x128x32xf32, #tpu.memory_space<vmem>> -> memref<128x32xf32, #tpu.memory_space<vmem>>
        %dma_wait3A_876 = arith.constant 0 : i32
        %dma_wait3A_877 = tpu.memref_slice %arg5[%rem3A_73, %run_scoped3A_757, %run_scoped3A_758, %dma_wait3A_876] : memref<2x28x2x128xi32, #tpu.memory_space<vmem>> -> memref<1x1x1x128xi32, #tpu.memory_space<vmem>>
        %dma_wait3A_878 = tpu.memref_squeeze %dma_wait3A_877 : memref<1x1x1x128xi32, #tpu.memory_space<vmem>> -> memref<128xi32, #tpu.memory_space<vmem>>
        %dma_wait3A_879 = arith.constant 0 : i32
        %dma_wait3A_880 = arith.constant 0 : i32
        %dma_wait3A_881 = tpu.memref_slice %arg12[%dma_wait3A_879, %dma_wait3A_880] : memref<50056x32xf32, #tpu.memory_space<vmem_shared>> -> memref<50056x32xf32, #tpu.memory_space<vmem_shared>>
        tpu.wait_indirect_dma semaphore(%run_scoped3A_861 : memref<!tpu.dma_semaphore, #tpu.memory_space<semaphore_mem>>) src(%dma_wait3A_875 : memref<128x32xf32, #tpu.memory_space<vmem>>) dst(%dma_wait3A_881 : memref<50056x32xf32, #tpu.memory_space<vmem_shared>>)
        tpu.yield
      }) : () -> ()
      %dma_start3A_759 = arith.constant 27 : i32
      %dma_start3A_760 = arith.constant 0 : i32
      %dma_start3A_761 = arith.constant 3 : i32
      %dma_start3A_762 = arith.constant 0 : i32
      %dma_start3A_763 = arith.constant 0 : i32
      %dma_start3A_764 = tpu.memref_slice %arg6[%dma_start3A_761, %dma_start3A_762, %dma_start3A_763] : memref<4x128x32xf32, #tpu.memory_space<vmem>> -> memref<1x128x32xf32, #tpu.memory_space<vmem>>
      %dma_start3A_765 = tpu.memref_squeeze %dma_start3A_764 : memref<1x128x32xf32, #tpu.memory_space<vmem>> -> memref<128x32xf32, #tpu.memory_space<vmem>>
      %dma_start3A_766 = arith.constant 0 : i32
      %dma_start3A_767 = tpu.memref_slice %arg5[%rem3A_73, %dma_start3A_759, %dma_start3A_760, %dma_start3A_766] : memref<2x28x2x128xi32, #tpu.memory_space<vmem>> -> memref<1x1x1x128xi32, #tpu.memory_space<vmem>>
      %dma_start3A_768 = tpu.memref_squeeze %dma_start3A_767 : memref<1x1x1x128xi32, #tpu.memory_space<vmem>> -> memref<128xi32, #tpu.memory_space<vmem>>
      %dma_start3A_769 = arith.constant 0 : i32
      %dma_start3A_770 = arith.constant 0 : i32
      %dma_start3A_771 = tpu.memref_slice %arg2[%dma_start3A_769, %dma_start3A_770] : memref<100096x32xf32, #tpu.memory_space<hbm>> -> memref<100096x32xf32, #tpu.memory_space<hbm>>
      tpu.enqueue_indirect_dma source(%dma_start3A_771 : memref<100096x32xf32, #tpu.memory_space<hbm>>) target(%dma_start3A_765 : memref<128x32xf32, #tpu.memory_space<vmem>>) offsets(%dma_start3A_768 : memref<128xi32, #tpu.memory_space<vmem>>) semaphore(%arg11 : memref<!tpu.dma_semaphore, #tpu.memory_space<semaphore_mem>>)
      %lt3A_772 = arith.constant 13 : i32
      %lt3A_773 = arith.cmpi slt, %scan3A_72, %lt3A_772 : i32
      %convert_element_type3A_774 = arith.extui %lt3A_773 : i1 to i32
      %cond3A_775 = arith.constant 0 : i32
      %cond3A_776 = arith.cmpi ne, %convert_element_type3A_774, %cond3A_775 : i32
      scf.if %cond3A_776 {
        %dma_wait3A_861 = arith.constant 0 : i32
        %dma_wait3A_862 = arith.constant 0 : i32
        %dma_wait3A_863 = arith.constant 0 : i32
        %dma_wait3A_864 = tpu.memref_slice %arg5[%sub3A_74, %dma_wait3A_861, %dma_wait3A_862, %dma_wait3A_863] : memref<2x28x2x128xi32, #tpu.memory_space<vmem>> -> memref<1x28x2x128xi32, #tpu.memory_space<vmem>>
        %dma_wait3A_865 = tpu.memref_squeeze %dma_wait3A_864 : memref<1x28x2x128xi32, #tpu.memory_space<vmem>> -> memref<28x2x128xi32, #tpu.memory_space<vmem>>
        %dma_wait3A_866 = arith.constant 0 : i32
        %dma_wait3A_867 = arith.constant 0 : i32
        %dma_wait3A_868 = tpu.memref_slice %arg3[%arg0, %mul3A_0, %dma_wait3A_866, %dma_wait3A_867] : memref<2x6272x2x128xi32, #tpu.memory_space<hbm>> -> memref<1x28x2x128xi32, #tpu.memory_space<hbm>>
        %dma_wait3A_869 = tpu.memref_squeeze %dma_wait3A_868 : memref<1x28x2x128xi32, #tpu.memory_space<hbm>> -> memref<28x2x128xi32, #tpu.memory_space<hbm>>
        %dma_wait3A_870 = arith.constant 0 : i32
        %dma_wait3A_871 = arith.constant 0 : i32
        %dma_wait3A_872 = arith.constant 0 : i32
        %dma_wait3A_873 = tpu.memref_slice %arg5[%sub3A_74, %dma_wait3A_870, %dma_wait3A_871, %dma_wait3A_872] : memref<2x28x2x128xi32, #tpu.memory_space<vmem>> -> memref<1x28x2x128xi32, #tpu.memory_space<vmem>>
        %dma_wait3A_874 = tpu.memref_squeeze %dma_wait3A_873 : memref<1x28x2x128xi32, #tpu.memory_space<vmem>> -> memref<28x2x128xi32, #tpu.memory_space<vmem>>
        %dma_wait3A_875 = arith.constant 0 : i32
        %dma_wait3A_876 = arith.constant 0 : i32
        %dma_wait3A_877 = tpu.memref_slice %arg3[%arg0, %mul3A_0, %dma_wait3A_875, %dma_wait3A_876] : memref<2x6272x2x128xi32, #tpu.memory_space<hbm>> -> memref<1x28x2x128xi32, #tpu.memory_space<hbm>>
        %dma_wait3A_878 = tpu.memref_squeeze %dma_wait3A_877 : memref<1x28x2x128xi32, #tpu.memory_space<hbm>> -> memref<28x2x128xi32, #tpu.memory_space<hbm>>
        tpu.wait_dma2 semaphore(%arg7 : memref<!tpu.dma_semaphore, #tpu.memory_space<semaphore_mem>>) src(%dma_wait3A_878 : memref<28x2x128xi32, #tpu.memory_space<hbm>>) dst(%dma_wait3A_874 : memref<28x2x128xi32, #tpu.memory_space<vmem>>)
      } else {
      }
      %dma_wait3A_777 = arith.constant 24 : i32
      %dma_wait3A_778 = arith.constant 0 : i32
      %dma_wait3A_779 = arith.constant 0 : i32
      %dma_wait3A_780 = arith.constant 0 : i32
      %dma_wait3A_781 = arith.constant 0 : i32
      %dma_wait3A_782 = tpu.memref_slice %arg6[%dma_wait3A_779, %dma_wait3A_780, %dma_wait3A_781] : memref<4x128x32xf32, #tpu.memory_space<vmem>> -> memref<1x128x32xf32, #tpu.memory_space<vmem>>
      %dma_wait3A_783 = tpu.memref_squeeze %dma_wait3A_782 : memref<1x128x32xf32, #tpu.memory_space<vmem>> -> memref<128x32xf32, #tpu.memory_space<vmem>>
      %dma_wait3A_784 = arith.constant 0 : i32
      %dma_wait3A_785 = tpu.memref_slice %arg5[%rem3A_73, %dma_wait3A_777, %dma_wait3A_778, %dma_wait3A_784] : memref<2x28x2x128xi32, #tpu.memory_space<vmem>> -> memref<1x1x1x128xi32, #tpu.memory_space<vmem>>
      %dma_wait3A_786 = tpu.memref_squeeze %dma_wait3A_785 : memref<1x1x1x128xi32, #tpu.memory_space<vmem>> -> memref<128xi32, #tpu.memory_space<vmem>>
      %dma_wait3A_787 = arith.constant 0 : i32
      %dma_wait3A_788 = arith.constant 0 : i32
      %dma_wait3A_789 = tpu.memref_slice %arg2[%dma_wait3A_787, %dma_wait3A_788] : memref<100096x32xf32, #tpu.memory_space<hbm>> -> memref<100096x32xf32, #tpu.memory_space<hbm>>
      tpu.wait_indirect_dma semaphore(%arg8 : memref<!tpu.dma_semaphore, #tpu.memory_space<semaphore_mem>>) src(%dma_wait3A_789 : memref<100096x32xf32, #tpu.memory_space<hbm>>) dst(%dma_wait3A_783 : memref<128x32xf32, #tpu.memory_space<vmem>>)
      %run_scoped3A_790 = arith.constant 0 : i32
      %run_scoped3A_791 = arith.constant 24 : i32
      %run_scoped3A_792 = arith.constant 1 : i32
      "tpu.region"() ({
        %run_scoped3A_861 = tpu.sem_alloc : memref<!tpu.dma_semaphore, #tpu.memory_space<semaphore_mem>>
        %dma_start3A_862 = arith.constant 0 : i32
        %dma_start3A_863 = arith.constant 0 : i32
        %dma_start3A_864 = tpu.memref_slice %arg6[%run_scoped3A_790, %dma_start3A_862, %dma_start3A_863] : memref<4x128x32xf32, #tpu.memory_space<vmem>> -> memref<1x128x32xf32, #tpu.memory_space<vmem>>
        %dma_start3A_865 = tpu.memref_squeeze %dma_start3A_864 : memref<1x128x32xf32, #tpu.memory_space<vmem>> -> memref<128x32xf32, #tpu.memory_space<vmem>>
        %dma_start3A_866 = arith.constant 0 : i32
        %dma_start3A_867 = tpu.memref_slice %arg5[%rem3A_73, %run_scoped3A_791, %run_scoped3A_792, %dma_start3A_866] : memref<2x28x2x128xi32, #tpu.memory_space<vmem>> -> memref<1x1x1x128xi32, #tpu.memory_space<vmem>>
        %dma_start3A_868 = tpu.memref_squeeze %dma_start3A_867 : memref<1x1x1x128xi32, #tpu.memory_space<vmem>> -> memref<128xi32, #tpu.memory_space<vmem>>
        %dma_start3A_869 = arith.constant 0 : i32
        %dma_start3A_870 = arith.constant 0 : i32
        %dma_start3A_871 = tpu.memref_slice %arg12[%dma_start3A_869, %dma_start3A_870] : memref<50056x32xf32, #tpu.memory_space<vmem_shared>> -> memref<50056x32xf32, #tpu.memory_space<vmem_shared>>
        tpu.enqueue_indirect_dma source(%dma_start3A_865 : memref<128x32xf32, #tpu.memory_space<vmem>>) target(%dma_start3A_871 : memref<50056x32xf32, #tpu.memory_space<vmem_shared>>) offsets(%dma_start3A_868 : memref<128xi32, #tpu.memory_space<vmem>>) semaphore(%run_scoped3A_861 : memref<!tpu.dma_semaphore, #tpu.memory_space<semaphore_mem>>) {add = true}
        %dma_wait3A_872 = arith.constant 0 : i32
        %dma_wait3A_873 = arith.constant 0 : i32
        %dma_wait3A_874 = tpu.memref_slice %arg6[%run_scoped3A_790, %dma_wait3A_872, %dma_wait3A_873] : memref<4x128x32xf32, #tpu.memory_space<vmem>> -> memref<1x128x32xf32, #tpu.memory_space<vmem>>
        %dma_wait3A_875 = tpu.memref_squeeze %dma_wait3A_874 : memref<1x128x32xf32, #tpu.memory_space<vmem>> -> memref<128x32xf32, #tpu.memory_space<vmem>>
        %dma_wait3A_876 = arith.constant 0 : i32
        %dma_wait3A_877 = tpu.memref_slice %arg5[%rem3A_73, %run_scoped3A_791, %run_scoped3A_792, %dma_wait3A_876] : memref<2x28x2x128xi32, #tpu.memory_space<vmem>> -> memref<1x1x1x128xi32, #tpu.memory_space<vmem>>
        %dma_wait3A_878 = tpu.memref_squeeze %dma_wait3A_877 : memref<1x1x1x128xi32, #tpu.memory_space<vmem>> -> memref<128xi32, #tpu.memory_space<vmem>>
        %dma_wait3A_879 = arith.constant 0 : i32
        %dma_wait3A_880 = arith.constant 0 : i32
        %dma_wait3A_881 = tpu.memref_slice %arg12[%dma_wait3A_879, %dma_wait3A_880] : memref<50056x32xf32, #tpu.memory_space<vmem_shared>> -> memref<50056x32xf32, #tpu.memory_space<vmem_shared>>
        tpu.wait_indirect_dma semaphore(%run_scoped3A_861 : memref<!tpu.dma_semaphore, #tpu.memory_space<semaphore_mem>>) src(%dma_wait3A_875 : memref<128x32xf32, #tpu.memory_space<vmem>>) dst(%dma_wait3A_881 : memref<50056x32xf32, #tpu.memory_space<vmem_shared>>)
        tpu.yield
      }) : () -> ()
      %lt3A_793 = arith.constant 13 : i32
      %lt3A_794 = arith.cmpi slt, %scan3A_72, %lt3A_793 : i32
      %convert_element_type3A_795 = arith.extui %lt3A_794 : i1 to i32
      %cond3A_796 = arith.constant 0 : i32
      %cond3A_797 = arith.cmpi ne, %convert_element_type3A_795, %cond3A_796 : i32
      scf.if %cond3A_797 {
        %dma_start3A_861 = arith.constant 0 : i32
        %dma_start3A_862 = arith.constant 0 : i32
        %dma_start3A_863 = arith.constant 0 : i32
        %dma_start3A_864 = arith.constant 0 : i32
        %dma_start3A_865 = arith.constant 0 : i32
        %dma_start3A_866 = tpu.memref_slice %arg6[%dma_start3A_863, %dma_start3A_864, %dma_start3A_865] : memref<4x128x32xf32, #tpu.memory_space<vmem>> -> memref<1x128x32xf32, #tpu.memory_space<vmem>>
        %dma_start3A_867 = tpu.memref_squeeze %dma_start3A_866 : memref<1x128x32xf32, #tpu.memory_space<vmem>> -> memref<128x32xf32, #tpu.memory_space<vmem>>
        %dma_start3A_868 = arith.constant 0 : i32
        %dma_start3A_869 = tpu.memref_slice %arg5[%sub3A_74, %dma_start3A_861, %dma_start3A_862, %dma_start3A_868] : memref<2x28x2x128xi32, #tpu.memory_space<vmem>> -> memref<1x1x1x128xi32, #tpu.memory_space<vmem>>
        %dma_start3A_870 = tpu.memref_squeeze %dma_start3A_869 : memref<1x1x1x128xi32, #tpu.memory_space<vmem>> -> memref<128xi32, #tpu.memory_space<vmem>>
        %dma_start3A_871 = arith.constant 0 : i32
        %dma_start3A_872 = arith.constant 0 : i32
        %dma_start3A_873 = tpu.memref_slice %arg2[%dma_start3A_871, %dma_start3A_872] : memref<100096x32xf32, #tpu.memory_space<hbm>> -> memref<100096x32xf32, #tpu.memory_space<hbm>>
        tpu.enqueue_indirect_dma source(%dma_start3A_873 : memref<100096x32xf32, #tpu.memory_space<hbm>>) target(%dma_start3A_867 : memref<128x32xf32, #tpu.memory_space<vmem>>) offsets(%dma_start3A_870 : memref<128xi32, #tpu.memory_space<vmem>>) semaphore(%arg8 : memref<!tpu.dma_semaphore, #tpu.memory_space<semaphore_mem>>)
      } else {
      }
      %dma_wait3A_798 = arith.constant 25 : i32
      %dma_wait3A_799 = arith.constant 0 : i32
      %dma_wait3A_800 = arith.constant 1 : i32
      %dma_wait3A_801 = arith.constant 0 : i32
      %dma_wait3A_802 = arith.constant 0 : i32
      %dma_wait3A_803 = tpu.memref_slice %arg6[%dma_wait3A_800, %dma_wait3A_801, %dma_wait3A_802] : memref<4x128x32xf32, #tpu.memory_space<vmem>> -> memref<1x128x32xf32, #tpu.memory_space<vmem>>
      %dma_wait3A_804 = tpu.memref_squeeze %dma_wait3A_803 : memref<1x128x32xf32, #tpu.memory_space<vmem>> -> memref<128x32xf32, #tpu.memory_space<vmem>>
      %dma_wait3A_805 = arith.constant 0 : i32
      %dma_wait3A_806 = tpu.memref_slice %arg5[%rem3A_73, %dma_wait3A_798, %dma_wait3A_799, %dma_wait3A_805] : memref<2x28x2x128xi32, #tpu.memory_space<vmem>> -> memref<1x1x1x128xi32, #tpu.memory_space<vmem>>
      %dma_wait3A_807 = tpu.memref_squeeze %dma_wait3A_806 : memref<1x1x1x128xi32, #tpu.memory_space<vmem>> -> memref<128xi32, #tpu.memory_space<vmem>>
      %dma_wait3A_808 = arith.constant 0 : i32
      %dma_wait3A_809 = arith.constant 0 : i32
      %dma_wait3A_810 = tpu.memref_slice %arg2[%dma_wait3A_808, %dma_wait3A_809] : memref<100096x32xf32, #tpu.memory_space<hbm>> -> memref<100096x32xf32, #tpu.memory_space<hbm>>
      tpu.wait_indirect_dma semaphore(%arg9 : memref<!tpu.dma_semaphore, #tpu.memory_space<semaphore_mem>>) src(%dma_wait3A_810 : memref<100096x32xf32, #tpu.memory_space<hbm>>) dst(%dma_wait3A_804 : memref<128x32xf32, #tpu.memory_space<vmem>>)
      %run_scoped3A_811 = arith.constant 1 : i32
      %run_scoped3A_812 = arith.constant 25 : i32
      %run_scoped3A_813 = arith.constant 1 : i32
      "tpu.region"() ({
        %run_scoped3A_861 = tpu.sem_alloc : memref<!tpu.dma_semaphore, #tpu.memory_space<semaphore_mem>>
        %dma_start3A_862 = arith.constant 0 : i32
        %dma_start3A_863 = arith.constant 0 : i32
        %dma_start3A_864 = tpu.memref_slice %arg6[%run_scoped3A_811, %dma_start3A_862, %dma_start3A_863] : memref<4x128x32xf32, #tpu.memory_space<vmem>> -> memref<1x128x32xf32, #tpu.memory_space<vmem>>
        %dma_start3A_865 = tpu.memref_squeeze %dma_start3A_864 : memref<1x128x32xf32, #tpu.memory_space<vmem>> -> memref<128x32xf32, #tpu.memory_space<vmem>>
        %dma_start3A_866 = arith.constant 0 : i32
        %dma_start3A_867 = tpu.memref_slice %arg5[%rem3A_73, %run_scoped3A_812, %run_scoped3A_813, %dma_start3A_866] : memref<2x28x2x128xi32, #tpu.memory_space<vmem>> -> memref<1x1x1x128xi32, #tpu.memory_space<vmem>>
        %dma_start3A_868 = tpu.memref_squeeze %dma_start3A_867 : memref<1x1x1x128xi32, #tpu.memory_space<vmem>> -> memref<128xi32, #tpu.memory_space<vmem>>
        %dma_start3A_869 = arith.constant 0 : i32
        %dma_start3A_870 = arith.constant 0 : i32
        %dma_start3A_871 = tpu.memref_slice %arg12[%dma_start3A_869, %dma_start3A_870] : memref<50056x32xf32, #tpu.memory_space<vmem_shared>> -> memref<50056x32xf32, #tpu.memory_space<vmem_shared>>
        tpu.enqueue_indirect_dma source(%dma_start3A_865 : memref<128x32xf32, #tpu.memory_space<vmem>>) target(%dma_start3A_871 : memref<50056x32xf32, #tpu.memory_space<vmem_shared>>) offsets(%dma_start3A_868 : memref<128xi32, #tpu.memory_space<vmem>>) semaphore(%run_scoped3A_861 : memref<!tpu.dma_semaphore, #tpu.memory_space<semaphore_mem>>) {add = true}
        %dma_wait3A_872 = arith.constant 0 : i32
        %dma_wait3A_873 = arith.constant 0 : i32
        %dma_wait3A_874 = tpu.memref_slice %arg6[%run_scoped3A_811, %dma_wait3A_872, %dma_wait3A_873] : memref<4x128x32xf32, #tpu.memory_space<vmem>> -> memref<1x128x32xf32, #tpu.memory_space<vmem>>
        %dma_wait3A_875 = tpu.memref_squeeze %dma_wait3A_874 : memref<1x128x32xf32, #tpu.memory_space<vmem>> -> memref<128x32xf32, #tpu.memory_space<vmem>>
        %dma_wait3A_876 = arith.constant 0 : i32
        %dma_wait3A_877 = tpu.memref_slice %arg5[%rem3A_73, %run_scoped3A_812, %run_scoped3A_813, %dma_wait3A_876] : memref<2x28x2x128xi32, #tpu.memory_space<vmem>> -> memref<1x1x1x128xi32, #tpu.memory_space<vmem>>
        %dma_wait3A_878 = tpu.memref_squeeze %dma_wait3A_877 : memref<1x1x1x128xi32, #tpu.memory_space<vmem>> -> memref<128xi32, #tpu.memory_space<vmem>>
        %dma_wait3A_879 = arith.constant 0 : i32
        %dma_wait3A_880 = arith.constant 0 : i32
        %dma_wait3A_881 = tpu.memref_slice %arg12[%dma_wait3A_879, %dma_wait3A_880] : memref<50056x32xf32, #tpu.memory_space<vmem_shared>> -> memref<50056x32xf32, #tpu.memory_space<vmem_shared>>
        tpu.wait_indirect_dma semaphore(%run_scoped3A_861 : memref<!tpu.dma_semaphore, #tpu.memory_space<semaphore_mem>>) src(%dma_wait3A_875 : memref<128x32xf32, #tpu.memory_space<vmem>>) dst(%dma_wait3A_881 : memref<50056x32xf32, #tpu.memory_space<vmem_shared>>)
        tpu.yield
      }) : () -> ()
      %lt3A_814 = arith.constant 13 : i32
      %lt3A_815 = arith.cmpi slt, %scan3A_72, %lt3A_814 : i32
      %convert_element_type3A_816 = arith.extui %lt3A_815 : i1 to i32
      %cond3A_817 = arith.constant 0 : i32
      %cond3A_818 = arith.cmpi ne, %convert_element_type3A_816, %cond3A_817 : i32
      scf.if %cond3A_818 {
        %dma_start3A_861 = arith.constant 1 : i32
        %dma_start3A_862 = arith.constant 0 : i32
        %dma_start3A_863 = arith.constant 1 : i32
        %dma_start3A_864 = arith.constant 0 : i32
        %dma_start3A_865 = arith.constant 0 : i32
        %dma_start3A_866 = tpu.memref_slice %arg6[%dma_start3A_863, %dma_start3A_864, %dma_start3A_865] : memref<4x128x32xf32, #tpu.memory_space<vmem>> -> memref<1x128x32xf32, #tpu.memory_space<vmem>>
        %dma_start3A_867 = tpu.memref_squeeze %dma_start3A_866 : memref<1x128x32xf32, #tpu.memory_space<vmem>> -> memref<128x32xf32, #tpu.memory_space<vmem>>
        %dma_start3A_868 = arith.constant 0 : i32
        %dma_start3A_869 = tpu.memref_slice %arg5[%sub3A_74, %dma_start3A_861, %dma_start3A_862, %dma_start3A_868] : memref<2x28x2x128xi32, #tpu.memory_space<vmem>> -> memref<1x1x1x128xi32, #tpu.memory_space<vmem>>
        %dma_start3A_870 = tpu.memref_squeeze %dma_start3A_869 : memref<1x1x1x128xi32, #tpu.memory_space<vmem>> -> memref<128xi32, #tpu.memory_space<vmem>>
        %dma_start3A_871 = arith.constant 0 : i32
        %dma_start3A_872 = arith.constant 0 : i32
        %dma_start3A_873 = tpu.memref_slice %arg2[%dma_start3A_871, %dma_start3A_872] : memref<100096x32xf32, #tpu.memory_space<hbm>> -> memref<100096x32xf32, #tpu.memory_space<hbm>>
        tpu.enqueue_indirect_dma source(%dma_start3A_873 : memref<100096x32xf32, #tpu.memory_space<hbm>>) target(%dma_start3A_867 : memref<128x32xf32, #tpu.memory_space<vmem>>) offsets(%dma_start3A_870 : memref<128xi32, #tpu.memory_space<vmem>>) semaphore(%arg9 : memref<!tpu.dma_semaphore, #tpu.memory_space<semaphore_mem>>)
      } else {
      }
      %dma_wait3A_819 = arith.constant 26 : i32
      %dma_wait3A_820 = arith.constant 0 : i32
      %dma_wait3A_821 = arith.constant 2 : i32
      %dma_wait3A_822 = arith.constant 0 : i32
      %dma_wait3A_823 = arith.constant 0 : i32
      %dma_wait3A_824 = tpu.memref_slice %arg6[%dma_wait3A_821, %dma_wait3A_822, %dma_wait3A_823] : memref<4x128x32xf32, #tpu.memory_space<vmem>> -> memref<1x128x32xf32, #tpu.memory_space<vmem>>
      %dma_wait3A_825 = tpu.memref_squeeze %dma_wait3A_824 : memref<1x128x32xf32, #tpu.memory_space<vmem>> -> memref<128x32xf32, #tpu.memory_space<vmem>>
      %dma_wait3A_826 = arith.constant 0 : i32
      %dma_wait3A_827 = tpu.memref_slice %arg5[%rem3A_73, %dma_wait3A_819, %dma_wait3A_820, %dma_wait3A_826] : memref<2x28x2x128xi32, #tpu.memory_space<vmem>> -> memref<1x1x1x128xi32, #tpu.memory_space<vmem>>
      %dma_wait3A_828 = tpu.memref_squeeze %dma_wait3A_827 : memref<1x1x1x128xi32, #tpu.memory_space<vmem>> -> memref<128xi32, #tpu.memory_space<vmem>>
      %dma_wait3A_829 = arith.constant 0 : i32
      %dma_wait3A_830 = arith.constant 0 : i32
      %dma_wait3A_831 = tpu.memref_slice %arg2[%dma_wait3A_829, %dma_wait3A_830] : memref<100096x32xf32, #tpu.memory_space<hbm>> -> memref<100096x32xf32, #tpu.memory_space<hbm>>
      tpu.wait_indirect_dma semaphore(%arg10 : memref<!tpu.dma_semaphore, #tpu.memory_space<semaphore_mem>>) src(%dma_wait3A_831 : memref<100096x32xf32, #tpu.memory_space<hbm>>) dst(%dma_wait3A_825 : memref<128x32xf32, #tpu.memory_space<vmem>>)
      %run_scoped3A_832 = arith.constant 2 : i32
      %run_scoped3A_833 = arith.constant 26 : i32
      %run_scoped3A_834 = arith.constant 1 : i32
      "tpu.region"() ({
        %run_scoped3A_861 = tpu.sem_alloc : memref<!tpu.dma_semaphore, #tpu.memory_space<semaphore_mem>>
        %dma_start3A_862 = arith.constant 0 : i32
        %dma_start3A_863 = arith.constant 0 : i32
        %dma_start3A_864 = tpu.memref_slice %arg6[%run_scoped3A_832, %dma_start3A_862, %dma_start3A_863] : memref<4x128x32xf32, #tpu.memory_space<vmem>> -> memref<1x128x32xf32, #tpu.memory_space<vmem>>
        %dma_start3A_865 = tpu.memref_squeeze %dma_start3A_864 : memref<1x128x32xf32, #tpu.memory_space<vmem>> -> memref<128x32xf32, #tpu.memory_space<vmem>>
        %dma_start3A_866 = arith.constant 0 : i32
        %dma_start3A_867 = tpu.memref_slice %arg5[%rem3A_73, %run_scoped3A_833, %run_scoped3A_834, %dma_start3A_866] : memref<2x28x2x128xi32, #tpu.memory_space<vmem>> -> memref<1x1x1x128xi32, #tpu.memory_space<vmem>>
        %dma_start3A_868 = tpu.memref_squeeze %dma_start3A_867 : memref<1x1x1x128xi32, #tpu.memory_space<vmem>> -> memref<128xi32, #tpu.memory_space<vmem>>
        %dma_start3A_869 = arith.constant 0 : i32
        %dma_start3A_870 = arith.constant 0 : i32
        %dma_start3A_871 = tpu.memref_slice %arg12[%dma_start3A_869, %dma_start3A_870] : memref<50056x32xf32, #tpu.memory_space<vmem_shared>> -> memref<50056x32xf32, #tpu.memory_space<vmem_shared>>
        tpu.enqueue_indirect_dma source(%dma_start3A_865 : memref<128x32xf32, #tpu.memory_space<vmem>>) target(%dma_start3A_871 : memref<50056x32xf32, #tpu.memory_space<vmem_shared>>) offsets(%dma_start3A_868 : memref<128xi32, #tpu.memory_space<vmem>>) semaphore(%run_scoped3A_861 : memref<!tpu.dma_semaphore, #tpu.memory_space<semaphore_mem>>) {add = true}
        %dma_wait3A_872 = arith.constant 0 : i32
        %dma_wait3A_873 = arith.constant 0 : i32
        %dma_wait3A_874 = tpu.memref_slice %arg6[%run_scoped3A_832, %dma_wait3A_872, %dma_wait3A_873] : memref<4x128x32xf32, #tpu.memory_space<vmem>> -> memref<1x128x32xf32, #tpu.memory_space<vmem>>
        %dma_wait3A_875 = tpu.memref_squeeze %dma_wait3A_874 : memref<1x128x32xf32, #tpu.memory_space<vmem>> -> memref<128x32xf32, #tpu.memory_space<vmem>>
        %dma_wait3A_876 = arith.constant 0 : i32
        %dma_wait3A_877 = tpu.memref_slice %arg5[%rem3A_73, %run_scoped3A_833, %run_scoped3A_834, %dma_wait3A_876] : memref<2x28x2x128xi32, #tpu.memory_space<vmem>> -> memref<1x1x1x128xi32, #tpu.memory_space<vmem>>
        %dma_wait3A_878 = tpu.memref_squeeze %dma_wait3A_877 : memref<1x1x1x128xi32, #tpu.memory_space<vmem>> -> memref<128xi32, #tpu.memory_space<vmem>>
        %dma_wait3A_879 = arith.constant 0 : i32
        %dma_wait3A_880 = arith.constant 0 : i32
        %dma_wait3A_881 = tpu.memref_slice %arg12[%dma_wait3A_879, %dma_wait3A_880] : memref<50056x32xf32, #tpu.memory_space<vmem_shared>> -> memref<50056x32xf32, #tpu.memory_space<vmem_shared>>
        tpu.wait_indirect_dma semaphore(%run_scoped3A_861 : memref<!tpu.dma_semaphore, #tpu.memory_space<semaphore_mem>>) src(%dma_wait3A_875 : memref<128x32xf32, #tpu.memory_space<vmem>>) dst(%dma_wait3A_881 : memref<50056x32xf32, #tpu.memory_space<vmem_shared>>)
        tpu.yield
      }) : () -> ()
      %lt3A_835 = arith.constant 13 : i32
      %lt3A_836 = arith.cmpi slt, %scan3A_72, %lt3A_835 : i32
      %convert_element_type3A_837 = arith.extui %lt3A_836 : i1 to i32
      %cond3A_838 = arith.constant 0 : i32
      %cond3A_839 = arith.cmpi ne, %convert_element_type3A_837, %cond3A_838 : i32
      scf.if %cond3A_839 {
        %dma_start3A_861 = arith.constant 2 : i32
        %dma_start3A_862 = arith.constant 0 : i32
        %dma_start3A_863 = arith.constant 2 : i32
        %dma_start3A_864 = arith.constant 0 : i32
        %dma_start3A_865 = arith.constant 0 : i32
        %dma_start3A_866 = tpu.memref_slice %arg6[%dma_start3A_863, %dma_start3A_864, %dma_start3A_865] : memref<4x128x32xf32, #tpu.memory_space<vmem>> -> memref<1x128x32xf32, #tpu.memory_space<vmem>>
        %dma_start3A_867 = tpu.memref_squeeze %dma_start3A_866 : memref<1x128x32xf32, #tpu.memory_space<vmem>> -> memref<128x32xf32, #tpu.memory_space<vmem>>
        %dma_start3A_868 = arith.constant 0 : i32
        %dma_start3A_869 = tpu.memref_slice %arg5[%sub3A_74, %dma_start3A_861, %dma_start3A_862, %dma_start3A_868] : memref<2x28x2x128xi32, #tpu.memory_space<vmem>> -> memref<1x1x1x128xi32, #tpu.memory_space<vmem>>
        %dma_start3A_870 = tpu.memref_squeeze %dma_start3A_869 : memref<1x1x1x128xi32, #tpu.memory_space<vmem>> -> memref<128xi32, #tpu.memory_space<vmem>>
        %dma_start3A_871 = arith.constant 0 : i32
        %dma_start3A_872 = arith.constant 0 : i32
        %dma_start3A_873 = tpu.memref_slice %arg2[%dma_start3A_871, %dma_start3A_872] : memref<100096x32xf32, #tpu.memory_space<hbm>> -> memref<100096x32xf32, #tpu.memory_space<hbm>>
        tpu.enqueue_indirect_dma source(%dma_start3A_873 : memref<100096x32xf32, #tpu.memory_space<hbm>>) target(%dma_start3A_867 : memref<128x32xf32, #tpu.memory_space<vmem>>) offsets(%dma_start3A_870 : memref<128xi32, #tpu.memory_space<vmem>>) semaphore(%arg10 : memref<!tpu.dma_semaphore, #tpu.memory_space<semaphore_mem>>)
      } else {
      }
      %dma_wait3A_840 = arith.constant 27 : i32
      %dma_wait3A_841 = arith.constant 0 : i32
      %dma_wait3A_842 = arith.constant 3 : i32
      %dma_wait3A_843 = arith.constant 0 : i32
      %dma_wait3A_844 = arith.constant 0 : i32
      %dma_wait3A_845 = tpu.memref_slice %arg6[%dma_wait3A_842, %dma_wait3A_843, %dma_wait3A_844] : memref<4x128x32xf32, #tpu.memory_space<vmem>> -> memref<1x128x32xf32, #tpu.memory_space<vmem>>
      %dma_wait3A_846 = tpu.memref_squeeze %dma_wait3A_845 : memref<1x128x32xf32, #tpu.memory_space<vmem>> -> memref<128x32xf32, #tpu.memory_space<vmem>>
      %dma_wait3A_847 = arith.constant 0 : i32
      %dma_wait3A_848 = tpu.memref_slice %arg5[%rem3A_73, %dma_wait3A_840, %dma_wait3A_841, %dma_wait3A_847] : memref<2x28x2x128xi32, #tpu.memory_space<vmem>> -> memref<1x1x1x128xi32, #tpu.memory_space<vmem>>
      %dma_wait3A_849 = tpu.memref_squeeze %dma_wait3A_848 : memref<1x1x1x128xi32, #tpu.memory_space<vmem>> -> memref<128xi32, #tpu.memory_space<vmem>>
      %dma_wait3A_850 = arith.constant 0 : i32
      %dma_wait3A_851 = arith.constant 0 : i32
      %dma_wait3A_852 = tpu.memref_slice %arg2[%dma_wait3A_850, %dma_wait3A_851] : memref<100096x32xf32, #tpu.memory_space<hbm>> -> memref<100096x32xf32, #tpu.memory_space<hbm>>
      tpu.wait_indirect_dma semaphore(%arg11 : memref<!tpu.dma_semaphore, #tpu.memory_space<semaphore_mem>>) src(%dma_wait3A_852 : memref<100096x32xf32, #tpu.memory_space<hbm>>) dst(%dma_wait3A_846 : memref<128x32xf32, #tpu.memory_space<vmem>>)
      %run_scoped3A_853 = arith.constant 3 : i32
      %run_scoped3A_854 = arith.constant 27 : i32
      %run_scoped3A_855 = arith.constant 1 : i32
      "tpu.region"() ({
        %run_scoped3A_861 = tpu.sem_alloc : memref<!tpu.dma_semaphore, #tpu.memory_space<semaphore_mem>>
        %dma_start3A_862 = arith.constant 0 : i32
        %dma_start3A_863 = arith.constant 0 : i32
        %dma_start3A_864 = tpu.memref_slice %arg6[%run_scoped3A_853, %dma_start3A_862, %dma_start3A_863] : memref<4x128x32xf32, #tpu.memory_space<vmem>> -> memref<1x128x32xf32, #tpu.memory_space<vmem>>
        %dma_start3A_865 = tpu.memref_squeeze %dma_start3A_864 : memref<1x128x32xf32, #tpu.memory_space<vmem>> -> memref<128x32xf32, #tpu.memory_space<vmem>>
        %dma_start3A_866 = arith.constant 0 : i32
        %dma_start3A_867 = tpu.memref_slice %arg5[%rem3A_73, %run_scoped3A_854, %run_scoped3A_855, %dma_start3A_866] : memref<2x28x2x128xi32, #tpu.memory_space<vmem>> -> memref<1x1x1x128xi32, #tpu.memory_space<vmem>>
        %dma_start3A_868 = tpu.memref_squeeze %dma_start3A_867 : memref<1x1x1x128xi32, #tpu.memory_space<vmem>> -> memref<128xi32, #tpu.memory_space<vmem>>
        %dma_start3A_869 = arith.constant 0 : i32
        %dma_start3A_870 = arith.constant 0 : i32
        %dma_start3A_871 = tpu.memref_slice %arg12[%dma_start3A_869, %dma_start3A_870] : memref<50056x32xf32, #tpu.memory_space<vmem_shared>> -> memref<50056x32xf32, #tpu.memory_space<vmem_shared>>
        tpu.enqueue_indirect_dma source(%dma_start3A_865 : memref<128x32xf32, #tpu.memory_space<vmem>>) target(%dma_start3A_871 : memref<50056x32xf32, #tpu.memory_space<vmem_shared>>) offsets(%dma_start3A_868 : memref<128xi32, #tpu.memory_space<vmem>>) semaphore(%run_scoped3A_861 : memref<!tpu.dma_semaphore, #tpu.memory_space<semaphore_mem>>) {add = true}
        %dma_wait3A_872 = arith.constant 0 : i32
        %dma_wait3A_873 = arith.constant 0 : i32
        %dma_wait3A_874 = tpu.memref_slice %arg6[%run_scoped3A_853, %dma_wait3A_872, %dma_wait3A_873] : memref<4x128x32xf32, #tpu.memory_space<vmem>> -> memref<1x128x32xf32, #tpu.memory_space<vmem>>
        %dma_wait3A_875 = tpu.memref_squeeze %dma_wait3A_874 : memref<1x128x32xf32, #tpu.memory_space<vmem>> -> memref<128x32xf32, #tpu.memory_space<vmem>>
        %dma_wait3A_876 = arith.constant 0 : i32
        %dma_wait3A_877 = tpu.memref_slice %arg5[%rem3A_73, %run_scoped3A_854, %run_scoped3A_855, %dma_wait3A_876] : memref<2x28x2x128xi32, #tpu.memory_space<vmem>> -> memref<1x1x1x128xi32, #tpu.memory_space<vmem>>
        %dma_wait3A_878 = tpu.memref_squeeze %dma_wait3A_877 : memref<1x1x1x128xi32, #tpu.memory_space<vmem>> -> memref<128xi32, #tpu.memory_space<vmem>>
        %dma_wait3A_879 = arith.constant 0 : i32
        %dma_wait3A_880 = arith.constant 0 : i32
        %dma_wait3A_881 = tpu.memref_slice %arg12[%dma_wait3A_879, %dma_wait3A_880] : memref<50056x32xf32, #tpu.memory_space<vmem_shared>> -> memref<50056x32xf32, #tpu.memory_space<vmem_shared>>
        tpu.wait_indirect_dma semaphore(%run_scoped3A_861 : memref<!tpu.dma_semaphore, #tpu.memory_space<semaphore_mem>>) src(%dma_wait3A_875 : memref<128x32xf32, #tpu.memory_space<vmem>>) dst(%dma_wait3A_881 : memref<50056x32xf32, #tpu.memory_space<vmem_shared>>)
        tpu.yield
      }) : () -> ()
      %lt3A_856 = arith.constant 13 : i32
      %lt3A_857 = arith.cmpi slt, %scan3A_72, %lt3A_856 : i32
      %convert_element_type3A_858 = arith.extui %lt3A_857 : i1 to i32
      %cond3A_859 = arith.constant 0 : i32
      %cond3A_860 = arith.cmpi ne, %convert_element_type3A_858, %cond3A_859 : i32
      scf.if %cond3A_860 {
        %dma_start3A_861 = arith.constant 3 : i32
        %dma_start3A_862 = arith.constant 0 : i32
        %dma_start3A_863 = arith.constant 3 : i32
        %dma_start3A_864 = arith.constant 0 : i32
        %dma_start3A_865 = arith.constant 0 : i32
        %dma_start3A_866 = tpu.memref_slice %arg6[%dma_start3A_863, %dma_start3A_864, %dma_start3A_865] : memref<4x128x32xf32, #tpu.memory_space<vmem>> -> memref<1x128x32xf32, #tpu.memory_space<vmem>>
        %dma_start3A_867 = tpu.memref_squeeze %dma_start3A_866 : memref<1x128x32xf32, #tpu.memory_space<vmem>> -> memref<128x32xf32, #tpu.memory_space<vmem>>
        %dma_start3A_868 = arith.constant 0 : i32
        %dma_start3A_869 = tpu.memref_slice %arg5[%sub3A_74, %dma_start3A_861, %dma_start3A_862, %dma_start3A_868] : memref<2x28x2x128xi32, #tpu.memory_space<vmem>> -> memref<1x1x1x128xi32, #tpu.memory_space<vmem>>
        %dma_start3A_870 = tpu.memref_squeeze %dma_start3A_869 : memref<1x1x1x128xi32, #tpu.memory_space<vmem>> -> memref<128xi32, #tpu.memory_space<vmem>>
        %dma_start3A_871 = arith.constant 0 : i32
        %dma_start3A_872 = arith.constant 0 : i32
        %dma_start3A_873 = tpu.memref_slice %arg2[%dma_start3A_871, %dma_start3A_872] : memref<100096x32xf32, #tpu.memory_space<hbm>> -> memref<100096x32xf32, #tpu.memory_space<hbm>>
        tpu.enqueue_indirect_dma source(%dma_start3A_873 : memref<100096x32xf32, #tpu.memory_space<hbm>>) target(%dma_start3A_867 : memref<128x32xf32, #tpu.memory_space<vmem>>) offsets(%dma_start3A_870 : memref<128xi32, #tpu.memory_space<vmem>>) semaphore(%arg11 : memref<!tpu.dma_semaphore, #tpu.memory_space<semaphore_mem>>)
      } else {
      }
    }
    %scan3A_66 = arith.constant 14 : i32
    %barrier3A_67 = arith.constant 0 : index
    tpu.barrier barrier_id(%barrier3A_67)
    %mul3A_68 = arith.constant 3128 : i32
    %mul3A_69 = arith.muli %arg1, %mul3A_68 : i32
    %mul3A_70 = arith.constant 3128 : i32
    %mul3A_71 = arith.muli %arg1, %mul3A_70 : i32
    "tpu.region"() ({
      %run_scoped3A_72 = tpu.sem_alloc : memref<!tpu.dma_semaphore, #tpu.memory_space<semaphore_mem>>
      %dma_start3A_73 = arith.constant 0 : i32
      %dma_start3A_74 = tpu.memref_slice %arg4[%arg0, %mul3A_71, %dma_start3A_73] : memref<2x50048x32xf32, #tpu.memory_space<hbm>> -> memref<1x3128x32xf32, #tpu.memory_space<hbm>>
      %dma_start3A_75 = tpu.memref_squeeze %dma_start3A_74 : memref<1x3128x32xf32, #tpu.memory_space<hbm>> -> memref<3128x32xf32, #tpu.memory_space<hbm>>
      %dma_start3A_76 = arith.constant 0 : i32
      %dma_start3A_77 = tpu.memref_slice %arg12[%mul3A_69, %dma_start3A_76] : memref<50056x32xf32, #tpu.memory_space<vmem_shared>> -> memref<3128x32xf32, #tpu.memory_space<vmem_shared>>
      tpu.enqueue_dma source(%dma_start3A_77 : memref<3128x32xf32, #tpu.memory_space<vmem_shared>>) target(%dma_start3A_75 : memref<3128x32xf32, #tpu.memory_space<hbm>>) target_semaphore(%run_scoped3A_72 : memref<!tpu.dma_semaphore, #tpu.memory_space<semaphore_mem>>)
      %dma_wait3A = arith.constant 0 : i32
      %dma_wait3A_78 = tpu.memref_slice %arg4[%arg0, %mul3A_71, %dma_wait3A] : memref<2x50048x32xf32, #tpu.memory_space<hbm>> -> memref<1x3128x32xf32, #tpu.memory_space<hbm>>
      %dma_wait3A_79 = tpu.memref_squeeze %dma_wait3A_78 : memref<1x3128x32xf32, #tpu.memory_space<hbm>> -> memref<3128x32xf32, #tpu.memory_space<hbm>>
      %dma_wait3A_80 = arith.constant 0 : i32
      %dma_wait3A_81 = tpu.memref_slice %arg12[%mul3A_69, %dma_wait3A_80] : memref<50056x32xf32, #tpu.memory_space<vmem_shared>> -> memref<3128x32xf32, #tpu.memory_space<vmem_shared>>
      tpu.wait_dma2 semaphore(%run_scoped3A_72 : memref<!tpu.dma_semaphore, #tpu.memory_space<semaphore_mem>>) src(%dma_wait3A_81 : memref<3128x32xf32, #tpu.memory_space<vmem_shared>>) dst(%dma_wait3A_79 : memref<3128x32xf32, #tpu.memory_space<hbm>>)
      tpu.yield
    }) : () -> ()
    return
  }
}

#map = affine_map<(d0, d1) -> (0, 0)>
#map1 = affine_map<(d0, d1) -> (0, 0, 0, 0)>
#map2 = affine_map<(d0, d1) -> (0, 0, 0)>
module attributes {stable_mosaic.version = 14 : i64} {
  func.func @_sc_gin_agg_body(%arg0: i32, %arg1: i32, %arg2: memref<100096x32xf32, #tpu.memory_space<hbm>>, %arg3: memref<2x6272x2x128xi32, #tpu.memory_space<hbm>>, %arg4: memref<2x50048x32xf32, #tpu.memory_space<hbm>>, %arg5: memref<2x28x2x128xi32, #tpu.memory_space<vmem>>, %arg6: memref<4x128x32xf32, #tpu.memory_space<vmem>>, %arg7: memref<!tpu.dma_semaphore, #tpu.memory_space<semaphore_mem>>, %arg8: memref<!tpu.dma_semaphore, #tpu.memory_space<semaphore_mem>>, %arg9: memref<!tpu.dma_semaphore, #tpu.memory_space<semaphore_mem>>, %arg10: memref<!tpu.dma_semaphore, #tpu.memory_space<semaphore_mem>>, %arg11: memref<!tpu.dma_semaphore, #tpu.memory_space<semaphore_mem>>, %arg12: memref<50056x32xf32, #tpu.memory_space<vmem_shared>>) attributes {dimension_semantics = [#tpu.dimension_semantics<core_parallel>, #tpu.dimension_semantics<subcore_parallel>], iteration_bounds = array<i64: 2, 16>, scalar_prefetch = 0 : i64, scratch_operands = 8 : i64, tpu.core_type = #tpu.core_type<sc_vector_subcore>, window_params = [{transform_indices = #map}, {transform_indices = #map1}, {transform_indices = #map2}]} {
    %mul3A = arith.constant 392 : i32
    %mul3A_0 = arith.muli %arg1, %mul3A : i32
    %mul3A_1 = arith.constant 50048 : i32
    %mul3A_2 = arith.muli %arg0, %mul3A_1 : i32
    %mul3A_3 = arith.constant 3128 : i32
    %mul3A_4 = arith.muli %arg1, %mul3A_3 : i32
    %add3A = arith.addi %mul3A_2, %mul3A_4 : i32
    %mul3A_5 = arith.constant 3128 : i32
    %mul3A_6 = arith.muli %arg1, %mul3A_5 : i32
    "tpu.region"() ({
      %run_scoped3A_72 = tpu.sem_alloc : memref<!tpu.dma_semaphore, #tpu.memory_space<semaphore_mem>>
      %dma_start3A_73 = arith.constant 0 : i32
      %dma_start3A_74 = tpu.memref_slice %arg12[%mul3A_6, %dma_start3A_73] : memref<50056x32xf32, #tpu.memory_space<vmem_shared>> -> memref<3128x32xf32, #tpu.memory_space<vmem_shared>>
      %dma_start3A_75 = arith.constant 0 : i32
      %dma_start3A_76 = tpu.memref_slice %arg2[%add3A, %dma_start3A_75] : memref<100096x32xf32, #tpu.memory_space<hbm>> -> memref<3128x32xf32, #tpu.memory_space<hbm>>
      tpu.enqueue_dma source(%dma_start3A_76 : memref<3128x32xf32, #tpu.memory_space<hbm>>) target(%dma_start3A_74 : memref<3128x32xf32, #tpu.memory_space<vmem_shared>>) target_semaphore(%run_scoped3A_72 : memref<!tpu.dma_semaphore, #tpu.memory_space<semaphore_mem>>)
      %dma_wait3A = arith.constant 0 : i32
      %dma_wait3A_77 = tpu.memref_slice %arg12[%mul3A_6, %dma_wait3A] : memref<50056x32xf32, #tpu.memory_space<vmem_shared>> -> memref<3128x32xf32, #tpu.memory_space<vmem_shared>>
      %dma_wait3A_78 = arith.constant 0 : i32
      %dma_wait3A_79 = tpu.memref_slice %arg2[%add3A, %dma_wait3A_78] : memref<100096x32xf32, #tpu.memory_space<hbm>> -> memref<3128x32xf32, #tpu.memory_space<hbm>>
      tpu.wait_dma2 semaphore(%run_scoped3A_72 : memref<!tpu.dma_semaphore, #tpu.memory_space<semaphore_mem>>) src(%dma_wait3A_79 : memref<3128x32xf32, #tpu.memory_space<hbm>>) dst(%dma_wait3A_77 : memref<3128x32xf32, #tpu.memory_space<vmem_shared>>)
      tpu.yield
    }) : () -> ()
    %barrier3A = arith.constant 0 : index
    tpu.barrier barrier_id(%barrier3A)
    %run_scoped3A = arith.constant 0 : i32
    "tpu.region"() ({
      %run_scoped3A_72 = tpu.sem_alloc : memref<!tpu.dma_semaphore, #tpu.memory_space<semaphore_mem>>
      %dma_start3A_73 = arith.constant 0 : i32
      %dma_start3A_74 = arith.constant 0 : i32
      %dma_start3A_75 = arith.constant 0 : i32
      %dma_start3A_76 = tpu.memref_slice %arg5[%run_scoped3A, %dma_start3A_73, %dma_start3A_74, %dma_start3A_75] : memref<2x28x2x128xi32, #tpu.memory_space<vmem>> -> memref<1x28x2x128xi32, #tpu.memory_space<vmem>>
      %dma_start3A_77 = tpu.memref_squeeze %dma_start3A_76 : memref<1x28x2x128xi32, #tpu.memory_space<vmem>> -> memref<28x2x128xi32, #tpu.memory_space<vmem>>
      %dma_start3A_78 = arith.constant 0 : i32
      %dma_start3A_79 = arith.constant 0 : i32
      %dma_start3A_80 = tpu.memref_slice %arg3[%arg0, %mul3A_0, %dma_start3A_78, %dma_start3A_79] : memref<2x6272x2x128xi32, #tpu.memory_space<hbm>> -> memref<1x28x2x128xi32, #tpu.memory_space<hbm>>
      %dma_start3A_81 = tpu.memref_squeeze %dma_start3A_80 : memref<1x28x2x128xi32, #tpu.memory_space<hbm>> -> memref<28x2x128xi32, #tpu.memory_space<hbm>>
      %dma_start3A_82 = arith.constant 0 : i32
      %dma_start3A_83 = arith.constant 0 : i32
      %dma_start3A_84 = arith.constant 0 : i32
      %dma_start3A_85 = tpu.memref_slice %arg5[%run_scoped3A, %dma_start3A_82, %dma_start3A_83, %dma_start3A_84] : memref<2x28x2x128xi32, #tpu.memory_space<vmem>> -> memref<1x28x2x128xi32, #tpu.memory_space<vmem>>
      %dma_start3A_86 = tpu.memref_squeeze %dma_start3A_85 : memref<1x28x2x128xi32, #tpu.memory_space<vmem>> -> memref<28x2x128xi32, #tpu.memory_space<vmem>>
      %dma_start3A_87 = arith.constant 0 : i32
      %dma_start3A_88 = arith.constant 0 : i32
      %dma_start3A_89 = tpu.memref_slice %arg3[%arg0, %mul3A_0, %dma_start3A_87, %dma_start3A_88] : memref<2x6272x2x128xi32, #tpu.memory_space<hbm>> -> memref<1x28x2x128xi32, #tpu.memory_space<hbm>>
      %dma_start3A_90 = tpu.memref_squeeze %dma_start3A_89 : memref<1x28x2x128xi32, #tpu.memory_space<hbm>> -> memref<28x2x128xi32, #tpu.memory_space<hbm>>
      tpu.enqueue_dma source(%dma_start3A_90 : memref<28x2x128xi32, #tpu.memory_space<hbm>>) target(%dma_start3A_86 : memref<28x2x128xi32, #tpu.memory_space<vmem>>) target_semaphore(%run_scoped3A_72 : memref<!tpu.dma_semaphore, #tpu.memory_space<semaphore_mem>>)
      %dma_wait3A = arith.constant 0 : i32
      %dma_wait3A_91 = arith.constant 0 : i32
      %dma_wait3A_92 = arith.constant 0 : i32
      %dma_wait3A_93 = tpu.memref_slice %arg5[%run_scoped3A, %dma_wait3A, %dma_wait3A_91, %dma_wait3A_92] : memref<2x28x2x128xi32, #tpu.memory_space<vmem>> -> memref<1x28x2x128xi32, #tpu.memory_space<vmem>>
      %dma_wait3A_94 = tpu.memref_squeeze %dma_wait3A_93 : memref<1x28x2x128xi32, #tpu.memory_space<vmem>> -> memref<28x2x128xi32, #tpu.memory_space<vmem>>
      %dma_wait3A_95 = arith.constant 0 : i32
      %dma_wait3A_96 = arith.constant 0 : i32
      %dma_wait3A_97 = tpu.memref_slice %arg3[%arg0, %mul3A_0, %dma_wait3A_95, %dma_wait3A_96] : memref<2x6272x2x128xi32, #tpu.memory_space<hbm>> -> memref<1x28x2x128xi32, #tpu.memory_space<hbm>>
      %dma_wait3A_98 = tpu.memref_squeeze %dma_wait3A_97 : memref<1x28x2x128xi32, #tpu.memory_space<hbm>> -> memref<28x2x128xi32, #tpu.memory_space<hbm>>
      %dma_wait3A_99 = arith.constant 0 : i32
      %dma_wait3A_100 = arith.constant 0 : i32
      %dma_wait3A_101 = arith.constant 0 : i32
      %dma_wait3A_102 = tpu.memref_slice %arg5[%run_scoped3A, %dma_wait3A_99, %dma_wait3A_100, %dma_wait3A_101] : memref<2x28x2x128xi32, #tpu.memory_space<vmem>> -> memref<1x28x2x128xi32, #tpu.memory_space<vmem>>
      %dma_wait3A_103 = tpu.memref_squeeze %dma_wait3A_102 : memref<1x28x2x128xi32, #tpu.memory_space<vmem>> -> memref<28x2x128xi32, #tpu.memory_space<vmem>>
      %dma_wait3A_104 = arith.constant 0 : i32
      %dma_wait3A_105 = arith.constant 0 : i32
      %dma_wait3A_106 = tpu.memref_slice %arg3[%arg0, %mul3A_0, %dma_wait3A_104, %dma_wait3A_105] : memref<2x6272x2x128xi32, #tpu.memory_space<hbm>> -> memref<1x28x2x128xi32, #tpu.memory_space<hbm>>
      %dma_wait3A_107 = tpu.memref_squeeze %dma_wait3A_106 : memref<1x28x2x128xi32, #tpu.memory_space<hbm>> -> memref<28x2x128xi32, #tpu.memory_space<hbm>>
      tpu.wait_dma2 semaphore(%run_scoped3A_72 : memref<!tpu.dma_semaphore, #tpu.memory_space<semaphore_mem>>) src(%dma_wait3A_107 : memref<28x2x128xi32, #tpu.memory_space<hbm>>) dst(%dma_wait3A_103 : memref<28x2x128xi32, #tpu.memory_space<vmem>>)
      tpu.yield
    }) : () -> ()
    %dma_start3A = arith.constant 0 : i32
    %dma_start3A_7 = arith.constant 0 : i32
    %dma_start3A_8 = arith.constant 0 : i32
    %dma_start3A_9 = arith.constant 0 : i32
    %dma_start3A_10 = arith.constant 0 : i32
    %dma_start3A_11 = arith.constant 0 : i32
    %dma_start3A_12 = tpu.memref_slice %arg6[%dma_start3A_9, %dma_start3A_10, %dma_start3A_11] : memref<4x128x32xf32, #tpu.memory_space<vmem>> -> memref<1x128x32xf32, #tpu.memory_space<vmem>>
    %dma_start3A_13 = tpu.memref_squeeze %dma_start3A_12 : memref<1x128x32xf32, #tpu.memory_space<vmem>> -> memref<128x32xf32, #tpu.memory_space<vmem>>
    %dma_start3A_14 = arith.constant 0 : i32
    %dma_start3A_15 = tpu.memref_slice %arg5[%dma_start3A, %dma_start3A_7, %dma_start3A_8, %dma_start3A_14] : memref<2x28x2x128xi32, #tpu.memory_space<vmem>> -> memref<1x1x1x128xi32, #tpu.memory_space<vmem>>
    %dma_start3A_16 = tpu.memref_squeeze %dma_start3A_15 : memref<1x1x1x128xi32, #tpu.memory_space<vmem>> -> memref<128xi32, #tpu.memory_space<vmem>>
    %dma_start3A_17 = arith.constant 0 : i32
    %dma_start3A_18 = arith.constant 0 : i32
    %dma_start3A_19 = tpu.memref_slice %arg2[%dma_start3A_17, %dma_start3A_18] : memref<100096x32xf32, #tpu.memory_space<hbm>> -> memref<100096x32xf32, #tpu.memory_space<hbm>>
    tpu.enqueue_indirect_dma source(%dma_start3A_19 : memref<100096x32xf32, #tpu.memory_space<hbm>>) target(%dma_start3A_13 : memref<128x32xf32, #tpu.memory_space<vmem>>) offsets(%dma_start3A_16 : memref<128xi32, #tpu.memory_space<vmem>>) semaphore(%arg8 : memref<!tpu.dma_semaphore, #tpu.memory_space<semaphore_mem>>)
    %dma_start3A_20 = arith.constant 0 : i32
    %dma_start3A_21 = arith.constant 1 : i32
    %dma_start3A_22 = arith.constant 0 : i32
    %dma_start3A_23 = arith.constant 1 : i32
    %dma_start3A_24 = arith.constant 0 : i32
    %dma_start3A_25 = arith.constant 0 : i32
    %dma_start3A_26 = tpu.memref_slice %arg6[%dma_start3A_23, %dma_start3A_24, %dma_start3A_25] : memref<4x128x32xf32, #tpu.memory_space<vmem>> -> memref<1x128x32xf32, #tpu.memory_space<vmem>>
    %dma_start3A_27 = tpu.memref_squeeze %dma_start3A_26 : memref<1x128x32xf32, #tpu.memory_space<vmem>> -> memref<128x32xf32, #tpu.memory_space<vmem>>
    %dma_start3A_28 = arith.constant 0 : i32
    %dma_start3A_29 = tpu.memref_slice %arg5[%dma_start3A_20, %dma_start3A_21, %dma_start3A_22, %dma_start3A_28] : memref<2x28x2x128xi32, #tpu.memory_space<vmem>> -> memref<1x1x1x128xi32, #tpu.memory_space<vmem>>
    %dma_start3A_30 = tpu.memref_squeeze %dma_start3A_29 : memref<1x1x1x128xi32, #tpu.memory_space<vmem>> -> memref<128xi32, #tpu.memory_space<vmem>>
    %dma_start3A_31 = arith.constant 0 : i32
    %dma_start3A_32 = arith.constant 0 : i32
    %dma_start3A_33 = tpu.memref_slice %arg2[%dma_start3A_31, %dma_start3A_32] : memref<100096x32xf32, #tpu.memory_space<hbm>> -> memref<100096x32xf32, #tpu.memory_space<hbm>>
    tpu.enqueue_indirect_dma source(%dma_start3A_33 : memref<100096x32xf32, #tpu.memory_space<hbm>>) target(%dma_start3A_27 : memref<128x32xf32, #tpu.memory_space<vmem>>) offsets(%dma_start3A_30 : memref<128xi32, #tpu.memory_space<vmem>>) semaphore(%arg9 : memref<!tpu.dma_semaphore, #tpu.memory_space<semaphore_mem>>)
    %dma_start3A_34 = arith.constant 0 : i32
    %dma_start3A_35 = arith.constant 2 : i32
    %dma_start3A_36 = arith.constant 0 : i32
    %dma_start3A_37 = arith.constant 2 : i32
    %dma_start3A_38 = arith.constant 0 : i32
    %dma_start3A_39 = arith.constant 0 : i32
    %dma_start3A_40 = tpu.memref_slice %arg6[%dma_start3A_37, %dma_start3A_38, %dma_start3A_39] : memref<4x128x32xf32, #tpu.memory_space<vmem>> -> memref<1x128x32xf32, #tpu.memory_space<vmem>>
    %dma_start3A_41 = tpu.memref_squeeze %dma_start3A_40 : memref<1x128x32xf32, #tpu.memory_space<vmem>> -> memref<128x32xf32, #tpu.memory_space<vmem>>
    %dma_start3A_42 = arith.constant 0 : i32
    %dma_start3A_43 = tpu.memref_slice %arg5[%dma_start3A_34, %dma_start3A_35, %dma_start3A_36, %dma_start3A_42] : memref<2x28x2x128xi32, #tpu.memory_space<vmem>> -> memref<1x1x1x128xi32, #tpu.memory_space<vmem>>
    %dma_start3A_44 = tpu.memref_squeeze %dma_start3A_43 : memref<1x1x1x128xi32, #tpu.memory_space<vmem>> -> memref<128xi32, #tpu.memory_space<vmem>>
    %dma_start3A_45 = arith.constant 0 : i32
    %dma_start3A_46 = arith.constant 0 : i32
    %dma_start3A_47 = tpu.memref_slice %arg2[%dma_start3A_45, %dma_start3A_46] : memref<100096x32xf32, #tpu.memory_space<hbm>> -> memref<100096x32xf32, #tpu.memory_space<hbm>>
    tpu.enqueue_indirect_dma source(%dma_start3A_47 : memref<100096x32xf32, #tpu.memory_space<hbm>>) target(%dma_start3A_41 : memref<128x32xf32, #tpu.memory_space<vmem>>) offsets(%dma_start3A_44 : memref<128xi32, #tpu.memory_space<vmem>>) semaphore(%arg10 : memref<!tpu.dma_semaphore, #tpu.memory_space<semaphore_mem>>)
    %dma_start3A_48 = arith.constant 0 : i32
    %dma_start3A_49 = arith.constant 3 : i32
    %dma_start3A_50 = arith.constant 0 : i32
    %dma_start3A_51 = arith.constant 3 : i32
    %dma_start3A_52 = arith.constant 0 : i32
    %dma_start3A_53 = arith.constant 0 : i32
    %dma_start3A_54 = tpu.memref_slice %arg6[%dma_start3A_51, %dma_start3A_52, %dma_start3A_53] : memref<4x128x32xf32, #tpu.memory_space<vmem>> -> memref<1x128x32xf32, #tpu.memory_space<vmem>>
    %dma_start3A_55 = tpu.memref_squeeze %dma_start3A_54 : memref<1x128x32xf32, #tpu.memory_space<vmem>> -> memref<128x32xf32, #tpu.memory_space<vmem>>
    %dma_start3A_56 = arith.constant 0 : i32
    %dma_start3A_57 = tpu.memref_slice %arg5[%dma_start3A_48, %dma_start3A_49, %dma_start3A_50, %dma_start3A_56] : memref<2x28x2x128xi32, #tpu.memory_space<vmem>> -> memref<1x1x1x128xi32, #tpu.memory_space<vmem>>
    %dma_start3A_58 = tpu.memref_squeeze %dma_start3A_57 : memref<1x1x1x128xi32, #tpu.memory_space<vmem>> -> memref<128xi32, #tpu.memory_space<vmem>>
    %dma_start3A_59 = arith.constant 0 : i32
    %dma_start3A_60 = arith.constant 0 : i32
    %dma_start3A_61 = tpu.memref_slice %arg2[%dma_start3A_59, %dma_start3A_60] : memref<100096x32xf32, #tpu.memory_space<hbm>> -> memref<100096x32xf32, #tpu.memory_space<hbm>>
    tpu.enqueue_indirect_dma source(%dma_start3A_61 : memref<100096x32xf32, #tpu.memory_space<hbm>>) target(%dma_start3A_55 : memref<128x32xf32, #tpu.memory_space<vmem>>) offsets(%dma_start3A_58 : memref<128xi32, #tpu.memory_space<vmem>>) semaphore(%arg11 : memref<!tpu.dma_semaphore, #tpu.memory_space<semaphore_mem>>)
    %scan3A = arith.constant 0 : i32
    %scan3A_62 = arith.constant 0 : i32
    %scan3A_63 = arith.constant 14 : i32
    %scan3A_64 = arith.addi %scan3A_62, %scan3A_63 : i32
    %scan3A_65 = arith.constant 1 : i32
    scf.for %scan3A_72 = %scan3A_62 to %scan3A_64 step %scan3A_65  : i32 {
      %rem3A = arith.constant 2 : i32
      %rem3A_73 = arith.remsi %scan3A_72, %rem3A : i32
      %sub3A = arith.constant 1 : i32
      %sub3A_74 = arith.subi %sub3A, %rem3A_73 : i32
      %lt3A = arith.constant 13 : i32
      %lt3A_75 = arith.cmpi slt, %scan3A_72, %lt3A : i32
      %convert_element_type3A = arith.extui %lt3A_75 : i1 to i32
      %cond3A = arith.constant 0 : i32
      %cond3A_76 = arith.cmpi ne, %convert_element_type3A, %cond3A : i32
      scf.if %cond3A_76 {
        %add3A_861 = arith.constant 1 : i32
        %add3A_862 = arith.addi %scan3A_72, %add3A_861 : i32
        %mul3A_863 = arith.constant 28 : i32
        %mul3A_864 = arith.muli %add3A_862, %mul3A_863 : i32
        %add3A_865 = arith.addi %mul3A_0, %mul3A_864 : i32
        %dma_start3A_866 = arith.constant 0 : i32
        %dma_start3A_867 = arith.constant 0 : i32
        %dma_start3A_868 = arith.constant 0 : i32
        %dma_start3A_869 = tpu.memref_slice %arg5[%sub3A_74, %dma_start3A_866, %dma_start3A_867, %dma_start3A_868] : memref<2x28x2x128xi32, #tpu.memory_space<vmem>> -> memref<1x28x2x128xi32, #tpu.memory_space<vmem>>
        %dma_start3A_870 = tpu.memref_squeeze %dma_start3A_869 : memref<1x28x2x128xi32, #tpu.memory_space<vmem>> -> memref<28x2x128xi32, #tpu.memory_space<vmem>>
        %dma_start3A_871 = arith.constant 0 : i32
        %dma_start3A_872 = arith.constant 0 : i32
        %dma_start3A_873 = tpu.memref_slice %arg3[%arg0, %add3A_865, %dma_start3A_871, %dma_start3A_872] : memref<2x6272x2x128xi32, #tpu.memory_space<hbm>> -> memref<1x28x2x128xi32, #tpu.memory_space<hbm>>
        %dma_start3A_874 = tpu.memref_squeeze %dma_start3A_873 : memref<1x28x2x128xi32, #tpu.memory_space<hbm>> -> memref<28x2x128xi32, #tpu.memory_space<hbm>>
        %dma_start3A_875 = arith.constant 0 : i32
        %dma_start3A_876 = arith.constant 0 : i32
        %dma_start3A_877 = arith.constant 0 : i32
        %dma_start3A_878 = tpu.memref_slice %arg5[%sub3A_74, %dma_start3A_875, %dma_start3A_876, %dma_start3A_877] : memref<2x28x2x128xi32, #tpu.memory_space<vmem>> -> memref<1x28x2x128xi32, #tpu.memory_space<vmem>>
        %dma_start3A_879 = tpu.memref_squeeze %dma_start3A_878 : memref<1x28x2x128xi32, #tpu.memory_space<vmem>> -> memref<28x2x128xi32, #tpu.memory_space<vmem>>
        %dma_start3A_880 = arith.constant 0 : i32
        %dma_start3A_881 = arith.constant 0 : i32
        %dma_start3A_882 = tpu.memref_slice %arg3[%arg0, %add3A_865, %dma_start3A_880, %dma_start3A_881] : memref<2x6272x2x128xi32, #tpu.memory_space<hbm>> -> memref<1x28x2x128xi32, #tpu.memory_space<hbm>>
        %dma_start3A_883 = tpu.memref_squeeze %dma_start3A_882 : memref<1x28x2x128xi32, #tpu.memory_space<hbm>> -> memref<28x2x128xi32, #tpu.memory_space<hbm>>
        tpu.enqueue_dma source(%dma_start3A_883 : memref<28x2x128xi32, #tpu.memory_space<hbm>>) target(%dma_start3A_879 : memref<28x2x128xi32, #tpu.memory_space<vmem>>) target_semaphore(%arg7 : memref<!tpu.dma_semaphore, #tpu.memory_space<semaphore_mem>>)
      } else {
      }
      %dma_wait3A = arith.constant 0 : i32
      %dma_wait3A_77 = arith.constant 0 : i32
      %dma_wait3A_78 = arith.constant 0 : i32
      %dma_wait3A_79 = arith.constant 0 : i32
      %dma_wait3A_80 = arith.constant 0 : i32
      %dma_wait3A_81 = tpu.memref_slice %arg6[%dma_wait3A_78, %dma_wait3A_79, %dma_wait3A_80] : memref<4x128x32xf32, #tpu.memory_space<vmem>> -> memref<1x128x32xf32, #tpu.memory_space<vmem>>
      %dma_wait3A_82 = tpu.memref_squeeze %dma_wait3A_81 : memref<1x128x32xf32, #tpu.memory_space<vmem>> -> memref<128x32xf32, #tpu.memory_space<vmem>>
      %dma_wait3A_83 = arith.constant 0 : i32
      %dma_wait3A_84 = tpu.memref_slice %arg5[%rem3A_73, %dma_wait3A, %dma_wait3A_77, %dma_wait3A_83] : memref<2x28x2x128xi32, #tpu.memory_space<vmem>> -> memref<1x1x1x128xi32, #tpu.memory_space<vmem>>
      %dma_wait3A_85 = tpu.memref_squeeze %dma_wait3A_84 : memref<1x1x1x128xi32, #tpu.memory_space<vmem>> -> memref<128xi32, #tpu.memory_space<vmem>>
      %dma_wait3A_86 = arith.constant 0 : i32
      %dma_wait3A_87 = arith.constant 0 : i32
      %dma_wait3A_88 = tpu.memref_slice %arg2[%dma_wait3A_86, %dma_wait3A_87] : memref<100096x32xf32, #tpu.memory_space<hbm>> -> memref<100096x32xf32, #tpu.memory_space<hbm>>
      tpu.wait_indirect_dma semaphore(%arg8 : memref<!tpu.dma_semaphore, #tpu.memory_space<semaphore_mem>>) src(%dma_wait3A_88 : memref<100096x32xf32, #tpu.memory_space<hbm>>) dst(%dma_wait3A_82 : memref<128x32xf32, #tpu.memory_space<vmem>>)
      %run_scoped3A_89 = arith.constant 0 : i32
      %run_scoped3A_90 = arith.constant 0 : i32
      %run_scoped3A_91 = arith.constant 1 : i32
      "tpu.region"() ({
        %run_scoped3A_861 = tpu.sem_alloc : memref<!tpu.dma_semaphore, #tpu.memory_space<semaphore_mem>>
        %dma_start3A_862 = arith.constant 0 : i32
        %dma_start3A_863 = arith.constant 0 : i32
        %dma_start3A_864 = tpu.memref_slice %arg6[%run_scoped3A_89, %dma_start3A_862, %dma_start3A_863] : memref<4x128x32xf32, #tpu.memory_space<vmem>> -> memref<1x128x32xf32, #tpu.memory_space<vmem>>
        %dma_start3A_865 = tpu.memref_squeeze %dma_start3A_864 : memref<1x128x32xf32, #tpu.memory_space<vmem>> -> memref<128x32xf32, #tpu.memory_space<vmem>>
        %dma_start3A_866 = arith.constant 0 : i32
        %dma_start3A_867 = tpu.memref_slice %arg5[%rem3A_73, %run_scoped3A_90, %run_scoped3A_91, %dma_start3A_866] : memref<2x28x2x128xi32, #tpu.memory_space<vmem>> -> memref<1x1x1x128xi32, #tpu.memory_space<vmem>>
        %dma_start3A_868 = tpu.memref_squeeze %dma_start3A_867 : memref<1x1x1x128xi32, #tpu.memory_space<vmem>> -> memref<128xi32, #tpu.memory_space<vmem>>
        %dma_start3A_869 = arith.constant 0 : i32
        %dma_start3A_870 = arith.constant 0 : i32
        %dma_start3A_871 = tpu.memref_slice %arg12[%dma_start3A_869, %dma_start3A_870] : memref<50056x32xf32, #tpu.memory_space<vmem_shared>> -> memref<50056x32xf32, #tpu.memory_space<vmem_shared>>
        tpu.enqueue_indirect_dma source(%dma_start3A_865 : memref<128x32xf32, #tpu.memory_space<vmem>>) target(%dma_start3A_871 : memref<50056x32xf32, #tpu.memory_space<vmem_shared>>) offsets(%dma_start3A_868 : memref<128xi32, #tpu.memory_space<vmem>>) semaphore(%run_scoped3A_861 : memref<!tpu.dma_semaphore, #tpu.memory_space<semaphore_mem>>) {add = true}
        %dma_wait3A_872 = arith.constant 0 : i32
        %dma_wait3A_873 = arith.constant 0 : i32
        %dma_wait3A_874 = tpu.memref_slice %arg6[%run_scoped3A_89, %dma_wait3A_872, %dma_wait3A_873] : memref<4x128x32xf32, #tpu.memory_space<vmem>> -> memref<1x128x32xf32, #tpu.memory_space<vmem>>
        %dma_wait3A_875 = tpu.memref_squeeze %dma_wait3A_874 : memref<1x128x32xf32, #tpu.memory_space<vmem>> -> memref<128x32xf32, #tpu.memory_space<vmem>>
        %dma_wait3A_876 = arith.constant 0 : i32
        %dma_wait3A_877 = tpu.memref_slice %arg5[%rem3A_73, %run_scoped3A_90, %run_scoped3A_91, %dma_wait3A_876] : memref<2x28x2x128xi32, #tpu.memory_space<vmem>> -> memref<1x1x1x128xi32, #tpu.memory_space<vmem>>
        %dma_wait3A_878 = tpu.memref_squeeze %dma_wait3A_877 : memref<1x1x1x128xi32, #tpu.memory_space<vmem>> -> memref<128xi32, #tpu.memory_space<vmem>>
        %dma_wait3A_879 = arith.constant 0 : i32
        %dma_wait3A_880 = arith.constant 0 : i32
        %dma_wait3A_881 = tpu.memref_slice %arg12[%dma_wait3A_879, %dma_wait3A_880] : memref<50056x32xf32, #tpu.memory_space<vmem_shared>> -> memref<50056x32xf32, #tpu.memory_space<vmem_shared>>
        tpu.wait_indirect_dma semaphore(%run_scoped3A_861 : memref<!tpu.dma_semaphore, #tpu.memory_space<semaphore_mem>>) src(%dma_wait3A_875 : memref<128x32xf32, #tpu.memory_space<vmem>>) dst(%dma_wait3A_881 : memref<50056x32xf32, #tpu.memory_space<vmem_shared>>)
        tpu.yield
      }) : () -> ()
      %dma_start3A_92 = arith.constant 4 : i32
      %dma_start3A_93 = arith.constant 0 : i32
      %dma_start3A_94 = arith.constant 0 : i32
      %dma_start3A_95 = arith.constant 0 : i32
      %dma_start3A_96 = arith.constant 0 : i32
      %dma_start3A_97 = tpu.memref_slice %arg6[%dma_start3A_94, %dma_start3A_95, %dma_start3A_96] : memref<4x128x32xf32, #tpu.memory_space<vmem>> -> memref<1x128x32xf32, #tpu.memory_space<vmem>>
      %dma_start3A_98 = tpu.memref_squeeze %dma_start3A_97 : memref<1x128x32xf32, #tpu.memory_space<vmem>> -> memref<128x32xf32, #tpu.memory_space<vmem>>
      %dma_start3A_99 = arith.constant 0 : i32
      %dma_start3A_100 = tpu.memref_slice %arg5[%rem3A_73, %dma_start3A_92, %dma_start3A_93, %dma_start3A_99] : memref<2x28x2x128xi32, #tpu.memory_space<vmem>> -> memref<1x1x1x128xi32, #tpu.memory_space<vmem>>
      %dma_start3A_101 = tpu.memref_squeeze %dma_start3A_100 : memref<1x1x1x128xi32, #tpu.memory_space<vmem>> -> memref<128xi32, #tpu.memory_space<vmem>>
      %dma_start3A_102 = arith.constant 0 : i32
      %dma_start3A_103 = arith.constant 0 : i32
      %dma_start3A_104 = tpu.memref_slice %arg2[%dma_start3A_102, %dma_start3A_103] : memref<100096x32xf32, #tpu.memory_space<hbm>> -> memref<100096x32xf32, #tpu.memory_space<hbm>>
      tpu.enqueue_indirect_dma source(%dma_start3A_104 : memref<100096x32xf32, #tpu.memory_space<hbm>>) target(%dma_start3A_98 : memref<128x32xf32, #tpu.memory_space<vmem>>) offsets(%dma_start3A_101 : memref<128xi32, #tpu.memory_space<vmem>>) semaphore(%arg8 : memref<!tpu.dma_semaphore, #tpu.memory_space<semaphore_mem>>)
      %dma_wait3A_105 = arith.constant 1 : i32
      %dma_wait3A_106 = arith.constant 0 : i32
      %dma_wait3A_107 = arith.constant 1 : i32
      %dma_wait3A_108 = arith.constant 0 : i32
      %dma_wait3A_109 = arith.constant 0 : i32
      %dma_wait3A_110 = tpu.memref_slice %arg6[%dma_wait3A_107, %dma_wait3A_108, %dma_wait3A_109] : memref<4x128x32xf32, #tpu.memory_space<vmem>> -> memref<1x128x32xf32, #tpu.memory_space<vmem>>
      %dma_wait3A_111 = tpu.memref_squeeze %dma_wait3A_110 : memref<1x128x32xf32, #tpu.memory_space<vmem>> -> memref<128x32xf32, #tpu.memory_space<vmem>>
      %dma_wait3A_112 = arith.constant 0 : i32
      %dma_wait3A_113 = tpu.memref_slice %arg5[%rem3A_73, %dma_wait3A_105, %dma_wait3A_106, %dma_wait3A_112] : memref<2x28x2x128xi32, #tpu.memory_space<vmem>> -> memref<1x1x1x128xi32, #tpu.memory_space<vmem>>
      %dma_wait3A_114 = tpu.memref_squeeze %dma_wait3A_113 : memref<1x1x1x128xi32, #tpu.memory_space<vmem>> -> memref<128xi32, #tpu.memory_space<vmem>>
      %dma_wait3A_115 = arith.constant 0 : i32
      %dma_wait3A_116 = arith.constant 0 : i32
      %dma_wait3A_117 = tpu.memref_slice %arg2[%dma_wait3A_115, %dma_wait3A_116] : memref<100096x32xf32, #tpu.memory_space<hbm>> -> memref<100096x32xf32, #tpu.memory_space<hbm>>
      tpu.wait_indirect_dma semaphore(%arg9 : memref<!tpu.dma_semaphore, #tpu.memory_space<semaphore_mem>>) src(%dma_wait3A_117 : memref<100096x32xf32, #tpu.memory_space<hbm>>) dst(%dma_wait3A_111 : memref<128x32xf32, #tpu.memory_space<vmem>>)
      %run_scoped3A_118 = arith.constant 1 : i32
      %run_scoped3A_119 = arith.constant 1 : i32
      %run_scoped3A_120 = arith.constant 1 : i32
      "tpu.region"() ({
        %run_scoped3A_861 = tpu.sem_alloc : memref<!tpu.dma_semaphore, #tpu.memory_space<semaphore_mem>>
        %dma_start3A_862 = arith.constant 0 : i32
        %dma_start3A_863 = arith.constant 0 : i32
        %dma_start3A_864 = tpu.memref_slice %arg6[%run_scoped3A_118, %dma_start3A_862, %dma_start3A_863] : memref<4x128x32xf32, #tpu.memory_space<vmem>> -> memref<1x128x32xf32, #tpu.memory_space<vmem>>
        %dma_start3A_865 = tpu.memref_squeeze %dma_start3A_864 : memref<1x128x32xf32, #tpu.memory_space<vmem>> -> memref<128x32xf32, #tpu.memory_space<vmem>>
        %dma_start3A_866 = arith.constant 0 : i32
        %dma_start3A_867 = tpu.memref_slice %arg5[%rem3A_73, %run_scoped3A_119, %run_scoped3A_120, %dma_start3A_866] : memref<2x28x2x128xi32, #tpu.memory_space<vmem>> -> memref<1x1x1x128xi32, #tpu.memory_space<vmem>>
        %dma_start3A_868 = tpu.memref_squeeze %dma_start3A_867 : memref<1x1x1x128xi32, #tpu.memory_space<vmem>> -> memref<128xi32, #tpu.memory_space<vmem>>
        %dma_start3A_869 = arith.constant 0 : i32
        %dma_start3A_870 = arith.constant 0 : i32
        %dma_start3A_871 = tpu.memref_slice %arg12[%dma_start3A_869, %dma_start3A_870] : memref<50056x32xf32, #tpu.memory_space<vmem_shared>> -> memref<50056x32xf32, #tpu.memory_space<vmem_shared>>
        tpu.enqueue_indirect_dma source(%dma_start3A_865 : memref<128x32xf32, #tpu.memory_space<vmem>>) target(%dma_start3A_871 : memref<50056x32xf32, #tpu.memory_space<vmem_shared>>) offsets(%dma_start3A_868 : memref<128xi32, #tpu.memory_space<vmem>>) semaphore(%run_scoped3A_861 : memref<!tpu.dma_semaphore, #tpu.memory_space<semaphore_mem>>) {add = true}
        %dma_wait3A_872 = arith.constant 0 : i32
        %dma_wait3A_873 = arith.constant 0 : i32
        %dma_wait3A_874 = tpu.memref_slice %arg6[%run_scoped3A_118, %dma_wait3A_872, %dma_wait3A_873] : memref<4x128x32xf32, #tpu.memory_space<vmem>> -> memref<1x128x32xf32, #tpu.memory_space<vmem>>
        %dma_wait3A_875 = tpu.memref_squeeze %dma_wait3A_874 : memref<1x128x32xf32, #tpu.memory_space<vmem>> -> memref<128x32xf32, #tpu.memory_space<vmem>>
        %dma_wait3A_876 = arith.constant 0 : i32
        %dma_wait3A_877 = tpu.memref_slice %arg5[%rem3A_73, %run_scoped3A_119, %run_scoped3A_120, %dma_wait3A_876] : memref<2x28x2x128xi32, #tpu.memory_space<vmem>> -> memref<1x1x1x128xi32, #tpu.memory_space<vmem>>
        %dma_wait3A_878 = tpu.memref_squeeze %dma_wait3A_877 : memref<1x1x1x128xi32, #tpu.memory_space<vmem>> -> memref<128xi32, #tpu.memory_space<vmem>>
        %dma_wait3A_879 = arith.constant 0 : i32
        %dma_wait3A_880 = arith.constant 0 : i32
        %dma_wait3A_881 = tpu.memref_slice %arg12[%dma_wait3A_879, %dma_wait3A_880] : memref<50056x32xf32, #tpu.memory_space<vmem_shared>> -> memref<50056x32xf32, #tpu.memory_space<vmem_shared>>
        tpu.wait_indirect_dma semaphore(%run_scoped3A_861 : memref<!tpu.dma_semaphore, #tpu.memory_space<semaphore_mem>>) src(%dma_wait3A_875 : memref<128x32xf32, #tpu.memory_space<vmem>>) dst(%dma_wait3A_881 : memref<50056x32xf32, #tpu.memory_space<vmem_shared>>)
        tpu.yield
      }) : () -> ()
      %dma_start3A_121 = arith.constant 5 : i32
      %dma_start3A_122 = arith.constant 0 : i32
      %dma_start3A_123 = arith.constant 1 : i32
      %dma_start3A_124 = arith.constant 0 : i32
      %dma_start3A_125 = arith.constant 0 : i32
      %dma_start3A_126 = tpu.memref_slice %arg6[%dma_start3A_123, %dma_start3A_124, %dma_start3A_125] : memref<4x128x32xf32, #tpu.memory_space<vmem>> -> memref<1x128x32xf32, #tpu.memory_space<vmem>>
      %dma_start3A_127 = tpu.memref_squeeze %dma_start3A_126 : memref<1x128x32xf32, #tpu.memory_space<vmem>> -> memref<128x32xf32, #tpu.memory_space<vmem>>
      %dma_start3A_128 = arith.constant 0 : i32
      %dma_start3A_129 = tpu.memref_slice %arg5[%rem3A_73, %dma_start3A_121, %dma_start3A_122, %dma_start3A_128] : memref<2x28x2x128xi32, #tpu.memory_space<vmem>> -> memref<1x1x1x128xi32, #tpu.memory_space<vmem>>
      %dma_start3A_130 = tpu.memref_squeeze %dma_start3A_129 : memref<1x1x1x128xi32, #tpu.memory_space<vmem>> -> memref<128xi32, #tpu.memory_space<vmem>>
      %dma_start3A_131 = arith.constant 0 : i32
      %dma_start3A_132 = arith.constant 0 : i32
      %dma_start3A_133 = tpu.memref_slice %arg2[%dma_start3A_131, %dma_start3A_132] : memref<100096x32xf32, #tpu.memory_space<hbm>> -> memref<100096x32xf32, #tpu.memory_space<hbm>>
      tpu.enqueue_indirect_dma source(%dma_start3A_133 : memref<100096x32xf32, #tpu.memory_space<hbm>>) target(%dma_start3A_127 : memref<128x32xf32, #tpu.memory_space<vmem>>) offsets(%dma_start3A_130 : memref<128xi32, #tpu.memory_space<vmem>>) semaphore(%arg9 : memref<!tpu.dma_semaphore, #tpu.memory_space<semaphore_mem>>)
      %dma_wait3A_134 = arith.constant 2 : i32
      %dma_wait3A_135 = arith.constant 0 : i32
      %dma_wait3A_136 = arith.constant 2 : i32
      %dma_wait3A_137 = arith.constant 0 : i32
      %dma_wait3A_138 = arith.constant 0 : i32
      %dma_wait3A_139 = tpu.memref_slice %arg6[%dma_wait3A_136, %dma_wait3A_137, %dma_wait3A_138] : memref<4x128x32xf32, #tpu.memory_space<vmem>> -> memref<1x128x32xf32, #tpu.memory_space<vmem>>
      %dma_wait3A_140 = tpu.memref_squeeze %dma_wait3A_139 : memref<1x128x32xf32, #tpu.memory_space<vmem>> -> memref<128x32xf32, #tpu.memory_space<vmem>>
      %dma_wait3A_141 = arith.constant 0 : i32
      %dma_wait3A_142 = tpu.memref_slice %arg5[%rem3A_73, %dma_wait3A_134, %dma_wait3A_135, %dma_wait3A_141] : memref<2x28x2x128xi32, #tpu.memory_space<vmem>> -> memref<1x1x1x128xi32, #tpu.memory_space<vmem>>
      %dma_wait3A_143 = tpu.memref_squeeze %dma_wait3A_142 : memref<1x1x1x128xi32, #tpu.memory_space<vmem>> -> memref<128xi32, #tpu.memory_space<vmem>>
      %dma_wait3A_144 = arith.constant 0 : i32
      %dma_wait3A_145 = arith.constant 0 : i32
      %dma_wait3A_146 = tpu.memref_slice %arg2[%dma_wait3A_144, %dma_wait3A_145] : memref<100096x32xf32, #tpu.memory_space<hbm>> -> memref<100096x32xf32, #tpu.memory_space<hbm>>
      tpu.wait_indirect_dma semaphore(%arg10 : memref<!tpu.dma_semaphore, #tpu.memory_space<semaphore_mem>>) src(%dma_wait3A_146 : memref<100096x32xf32, #tpu.memory_space<hbm>>) dst(%dma_wait3A_140 : memref<128x32xf32, #tpu.memory_space<vmem>>)
      %run_scoped3A_147 = arith.constant 2 : i32
      %run_scoped3A_148 = arith.constant 2 : i32
      %run_scoped3A_149 = arith.constant 1 : i32
      "tpu.region"() ({
        %run_scoped3A_861 = tpu.sem_alloc : memref<!tpu.dma_semaphore, #tpu.memory_space<semaphore_mem>>
        %dma_start3A_862 = arith.constant 0 : i32
        %dma_start3A_863 = arith.constant 0 : i32
        %dma_start3A_864 = tpu.memref_slice %arg6[%run_scoped3A_147, %dma_start3A_862, %dma_start3A_863] : memref<4x128x32xf32, #tpu.memory_space<vmem>> -> memref<1x128x32xf32, #tpu.memory_space<vmem>>
        %dma_start3A_865 = tpu.memref_squeeze %dma_start3A_864 : memref<1x128x32xf32, #tpu.memory_space<vmem>> -> memref<128x32xf32, #tpu.memory_space<vmem>>
        %dma_start3A_866 = arith.constant 0 : i32
        %dma_start3A_867 = tpu.memref_slice %arg5[%rem3A_73, %run_scoped3A_148, %run_scoped3A_149, %dma_start3A_866] : memref<2x28x2x128xi32, #tpu.memory_space<vmem>> -> memref<1x1x1x128xi32, #tpu.memory_space<vmem>>
        %dma_start3A_868 = tpu.memref_squeeze %dma_start3A_867 : memref<1x1x1x128xi32, #tpu.memory_space<vmem>> -> memref<128xi32, #tpu.memory_space<vmem>>
        %dma_start3A_869 = arith.constant 0 : i32
        %dma_start3A_870 = arith.constant 0 : i32
        %dma_start3A_871 = tpu.memref_slice %arg12[%dma_start3A_869, %dma_start3A_870] : memref<50056x32xf32, #tpu.memory_space<vmem_shared>> -> memref<50056x32xf32, #tpu.memory_space<vmem_shared>>
        tpu.enqueue_indirect_dma source(%dma_start3A_865 : memref<128x32xf32, #tpu.memory_space<vmem>>) target(%dma_start3A_871 : memref<50056x32xf32, #tpu.memory_space<vmem_shared>>) offsets(%dma_start3A_868 : memref<128xi32, #tpu.memory_space<vmem>>) semaphore(%run_scoped3A_861 : memref<!tpu.dma_semaphore, #tpu.memory_space<semaphore_mem>>) {add = true}
        %dma_wait3A_872 = arith.constant 0 : i32
        %dma_wait3A_873 = arith.constant 0 : i32
        %dma_wait3A_874 = tpu.memref_slice %arg6[%run_scoped3A_147, %dma_wait3A_872, %dma_wait3A_873] : memref<4x128x32xf32, #tpu.memory_space<vmem>> -> memref<1x128x32xf32, #tpu.memory_space<vmem>>
        %dma_wait3A_875 = tpu.memref_squeeze %dma_wait3A_874 : memref<1x128x32xf32, #tpu.memory_space<vmem>> -> memref<128x32xf32, #tpu.memory_space<vmem>>
        %dma_wait3A_876 = arith.constant 0 : i32
        %dma_wait3A_877 = tpu.memref_slice %arg5[%rem3A_73, %run_scoped3A_148, %run_scoped3A_149, %dma_wait3A_876] : memref<2x28x2x128xi32, #tpu.memory_space<vmem>> -> memref<1x1x1x128xi32, #tpu.memory_space<vmem>>
        %dma_wait3A_878 = tpu.memref_squeeze %dma_wait3A_877 : memref<1x1x1x128xi32, #tpu.memory_space<vmem>> -> memref<128xi32, #tpu.memory_space<vmem>>
        %dma_wait3A_879 = arith.constant 0 : i32
        %dma_wait3A_880 = arith.constant 0 : i32
        %dma_wait3A_881 = tpu.memref_slice %arg12[%dma_wait3A_879, %dma_wait3A_880] : memref<50056x32xf32, #tpu.memory_space<vmem_shared>> -> memref<50056x32xf32, #tpu.memory_space<vmem_shared>>
        tpu.wait_indirect_dma semaphore(%run_scoped3A_861 : memref<!tpu.dma_semaphore, #tpu.memory_space<semaphore_mem>>) src(%dma_wait3A_875 : memref<128x32xf32, #tpu.memory_space<vmem>>) dst(%dma_wait3A_881 : memref<50056x32xf32, #tpu.memory_space<vmem_shared>>)
        tpu.yield
      }) : () -> ()
      %dma_start3A_150 = arith.constant 6 : i32
      %dma_start3A_151 = arith.constant 0 : i32
      %dma_start3A_152 = arith.constant 2 : i32
      %dma_start3A_153 = arith.constant 0 : i32
      %dma_start3A_154 = arith.constant 0 : i32
      %dma_start3A_155 = tpu.memref_slice %arg6[%dma_start3A_152, %dma_start3A_153, %dma_start3A_154] : memref<4x128x32xf32, #tpu.memory_space<vmem>> -> memref<1x128x32xf32, #tpu.memory_space<vmem>>
      %dma_start3A_156 = tpu.memref_squeeze %dma_start3A_155 : memref<1x128x32xf32, #tpu.memory_space<vmem>> -> memref<128x32xf32, #tpu.memory_space<vmem>>
      %dma_start3A_157 = arith.constant 0 : i32
      %dma_start3A_158 = tpu.memref_slice %arg5[%rem3A_73, %dma_start3A_150, %dma_start3A_151, %dma_start3A_157] : memref<2x28x2x128xi32, #tpu.memory_space<vmem>> -> memref<1x1x1x128xi32, #tpu.memory_space<vmem>>
      %dma_start3A_159 = tpu.memref_squeeze %dma_start3A_158 : memref<1x1x1x128xi32, #tpu.memory_space<vmem>> -> memref<128xi32, #tpu.memory_space<vmem>>
      %dma_start3A_160 = arith.constant 0 : i32
      %dma_start3A_161 = arith.constant 0 : i32
      %dma_start3A_162 = tpu.memref_slice %arg2[%dma_start3A_160, %dma_start3A_161] : memref<100096x32xf32, #tpu.memory_space<hbm>> -> memref<100096x32xf32, #tpu.memory_space<hbm>>
      tpu.enqueue_indirect_dma source(%dma_start3A_162 : memref<100096x32xf32, #tpu.memory_space<hbm>>) target(%dma_start3A_156 : memref<128x32xf32, #tpu.memory_space<vmem>>) offsets(%dma_start3A_159 : memref<128xi32, #tpu.memory_space<vmem>>) semaphore(%arg10 : memref<!tpu.dma_semaphore, #tpu.memory_space<semaphore_mem>>)
      %dma_wait3A_163 = arith.constant 3 : i32
      %dma_wait3A_164 = arith.constant 0 : i32
      %dma_wait3A_165 = arith.constant 3 : i32
      %dma_wait3A_166 = arith.constant 0 : i32
      %dma_wait3A_167 = arith.constant 0 : i32
      %dma_wait3A_168 = tpu.memref_slice %arg6[%dma_wait3A_165, %dma_wait3A_166, %dma_wait3A_167] : memref<4x128x32xf32, #tpu.memory_space<vmem>> -> memref<1x128x32xf32, #tpu.memory_space<vmem>>
      %dma_wait3A_169 = tpu.memref_squeeze %dma_wait3A_168 : memref<1x128x32xf32, #tpu.memory_space<vmem>> -> memref<128x32xf32, #tpu.memory_space<vmem>>
      %dma_wait3A_170 = arith.constant 0 : i32
      %dma_wait3A_171 = tpu.memref_slice %arg5[%rem3A_73, %dma_wait3A_163, %dma_wait3A_164, %dma_wait3A_170] : memref<2x28x2x128xi32, #tpu.memory_space<vmem>> -> memref<1x1x1x128xi32, #tpu.memory_space<vmem>>
      %dma_wait3A_172 = tpu.memref_squeeze %dma_wait3A_171 : memref<1x1x1x128xi32, #tpu.memory_space<vmem>> -> memref<128xi32, #tpu.memory_space<vmem>>
      %dma_wait3A_173 = arith.constant 0 : i32
      %dma_wait3A_174 = arith.constant 0 : i32
      %dma_wait3A_175 = tpu.memref_slice %arg2[%dma_wait3A_173, %dma_wait3A_174] : memref<100096x32xf32, #tpu.memory_space<hbm>> -> memref<100096x32xf32, #tpu.memory_space<hbm>>
      tpu.wait_indirect_dma semaphore(%arg11 : memref<!tpu.dma_semaphore, #tpu.memory_space<semaphore_mem>>) src(%dma_wait3A_175 : memref<100096x32xf32, #tpu.memory_space<hbm>>) dst(%dma_wait3A_169 : memref<128x32xf32, #tpu.memory_space<vmem>>)
      %run_scoped3A_176 = arith.constant 3 : i32
      %run_scoped3A_177 = arith.constant 3 : i32
      %run_scoped3A_178 = arith.constant 1 : i32
      "tpu.region"() ({
        %run_scoped3A_861 = tpu.sem_alloc : memref<!tpu.dma_semaphore, #tpu.memory_space<semaphore_mem>>
        %dma_start3A_862 = arith.constant 0 : i32
        %dma_start3A_863 = arith.constant 0 : i32
        %dma_start3A_864 = tpu.memref_slice %arg6[%run_scoped3A_176, %dma_start3A_862, %dma_start3A_863] : memref<4x128x32xf32, #tpu.memory_space<vmem>> -> memref<1x128x32xf32, #tpu.memory_space<vmem>>
        %dma_start3A_865 = tpu.memref_squeeze %dma_start3A_864 : memref<1x128x32xf32, #tpu.memory_space<vmem>> -> memref<128x32xf32, #tpu.memory_space<vmem>>
        %dma_start3A_866 = arith.constant 0 : i32
        %dma_start3A_867 = tpu.memref_slice %arg5[%rem3A_73, %run_scoped3A_177, %run_scoped3A_178, %dma_start3A_866] : memref<2x28x2x128xi32, #tpu.memory_space<vmem>> -> memref<1x1x1x128xi32, #tpu.memory_space<vmem>>
        %dma_start3A_868 = tpu.memref_squeeze %dma_start3A_867 : memref<1x1x1x128xi32, #tpu.memory_space<vmem>> -> memref<128xi32, #tpu.memory_space<vmem>>
        %dma_start3A_869 = arith.constant 0 : i32
        %dma_start3A_870 = arith.constant 0 : i32
        %dma_start3A_871 = tpu.memref_slice %arg12[%dma_start3A_869, %dma_start3A_870] : memref<50056x32xf32, #tpu.memory_space<vmem_shared>> -> memref<50056x32xf32, #tpu.memory_space<vmem_shared>>
        tpu.enqueue_indirect_dma source(%dma_start3A_865 : memref<128x32xf32, #tpu.memory_space<vmem>>) target(%dma_start3A_871 : memref<50056x32xf32, #tpu.memory_space<vmem_shared>>) offsets(%dma_start3A_868 : memref<128xi32, #tpu.memory_space<vmem>>) semaphore(%run_scoped3A_861 : memref<!tpu.dma_semaphore, #tpu.memory_space<semaphore_mem>>) {add = true}
        %dma_wait3A_872 = arith.constant 0 : i32
        %dma_wait3A_873 = arith.constant 0 : i32
        %dma_wait3A_874 = tpu.memref_slice %arg6[%run_scoped3A_176, %dma_wait3A_872, %dma_wait3A_873] : memref<4x128x32xf32, #tpu.memory_space<vmem>> -> memref<1x128x32xf32, #tpu.memory_space<vmem>>
        %dma_wait3A_875 = tpu.memref_squeeze %dma_wait3A_874 : memref<1x128x32xf32, #tpu.memory_space<vmem>> -> memref<128x32xf32, #tpu.memory_space<vmem>>
        %dma_wait3A_876 = arith.constant 0 : i32
        %dma_wait3A_877 = tpu.memref_slice %arg5[%rem3A_73, %run_scoped3A_177, %run_scoped3A_178, %dma_wait3A_876] : memref<2x28x2x128xi32, #tpu.memory_space<vmem>> -> memref<1x1x1x128xi32, #tpu.memory_space<vmem>>
        %dma_wait3A_878 = tpu.memref_squeeze %dma_wait3A_877 : memref<1x1x1x128xi32, #tpu.memory_space<vmem>> -> memref<128xi32, #tpu.memory_space<vmem>>
        %dma_wait3A_879 = arith.constant 0 : i32
        %dma_wait3A_880 = arith.constant 0 : i32
        %dma_wait3A_881 = tpu.memref_slice %arg12[%dma_wait3A_879, %dma_wait3A_880] : memref<50056x32xf32, #tpu.memory_space<vmem_shared>> -> memref<50056x32xf32, #tpu.memory_space<vmem_shared>>
        tpu.wait_indirect_dma semaphore(%run_scoped3A_861 : memref<!tpu.dma_semaphore, #tpu.memory_space<semaphore_mem>>) src(%dma_wait3A_875 : memref<128x32xf32, #tpu.memory_space<vmem>>) dst(%dma_wait3A_881 : memref<50056x32xf32, #tpu.memory_space<vmem_shared>>)
        tpu.yield
      }) : () -> ()
      %dma_start3A_179 = arith.constant 7 : i32
      %dma_start3A_180 = arith.constant 0 : i32
      %dma_start3A_181 = arith.constant 3 : i32
      %dma_start3A_182 = arith.constant 0 : i32
      %dma_start3A_183 = arith.constant 0 : i32
      %dma_start3A_184 = tpu.memref_slice %arg6[%dma_start3A_181, %dma_start3A_182, %dma_start3A_183] : memref<4x128x32xf32, #tpu.memory_space<vmem>> -> memref<1x128x32xf32, #tpu.memory_space<vmem>>
      %dma_start3A_185 = tpu.memref_squeeze %dma_start3A_184 : memref<1x128x32xf32, #tpu.memory_space<vmem>> -> memref<128x32xf32, #tpu.memory_space<vmem>>
      %dma_start3A_186 = arith.constant 0 : i32
      %dma_start3A_187 = tpu.memref_slice %arg5[%rem3A_73, %dma_start3A_179, %dma_start3A_180, %dma_start3A_186] : memref<2x28x2x128xi32, #tpu.memory_space<vmem>> -> memref<1x1x1x128xi32, #tpu.memory_space<vmem>>
      %dma_start3A_188 = tpu.memref_squeeze %dma_start3A_187 : memref<1x1x1x128xi32, #tpu.memory_space<vmem>> -> memref<128xi32, #tpu.memory_space<vmem>>
      %dma_start3A_189 = arith.constant 0 : i32
      %dma_start3A_190 = arith.constant 0 : i32
      %dma_start3A_191 = tpu.memref_slice %arg2[%dma_start3A_189, %dma_start3A_190] : memref<100096x32xf32, #tpu.memory_space<hbm>> -> memref<100096x32xf32, #tpu.memory_space<hbm>>
      tpu.enqueue_indirect_dma source(%dma_start3A_191 : memref<100096x32xf32, #tpu.memory_space<hbm>>) target(%dma_start3A_185 : memref<128x32xf32, #tpu.memory_space<vmem>>) offsets(%dma_start3A_188 : memref<128xi32, #tpu.memory_space<vmem>>) semaphore(%arg11 : memref<!tpu.dma_semaphore, #tpu.memory_space<semaphore_mem>>)
      %dma_wait3A_192 = arith.constant 4 : i32
      %dma_wait3A_193 = arith.constant 0 : i32
      %dma_wait3A_194 = arith.constant 0 : i32
      %dma_wait3A_195 = arith.constant 0 : i32
      %dma_wait3A_196 = arith.constant 0 : i32
      %dma_wait3A_197 = tpu.memref_slice %arg6[%dma_wait3A_194, %dma_wait3A_195, %dma_wait3A_196] : memref<4x128x32xf32, #tpu.memory_space<vmem>> -> memref<1x128x32xf32, #tpu.memory_space<vmem>>
      %dma_wait3A_198 = tpu.memref_squeeze %dma_wait3A_197 : memref<1x128x32xf32, #tpu.memory_space<vmem>> -> memref<128x32xf32, #tpu.memory_space<vmem>>
      %dma_wait3A_199 = arith.constant 0 : i32
      %dma_wait3A_200 = tpu.memref_slice %arg5[%rem3A_73, %dma_wait3A_192, %dma_wait3A_193, %dma_wait3A_199] : memref<2x28x2x128xi32, #tpu.memory_space<vmem>> -> memref<1x1x1x128xi32, #tpu.memory_space<vmem>>
      %dma_wait3A_201 = tpu.memref_squeeze %dma_wait3A_200 : memref<1x1x1x128xi32, #tpu.memory_space<vmem>> -> memref<128xi32, #tpu.memory_space<vmem>>
      %dma_wait3A_202 = arith.constant 0 : i32
      %dma_wait3A_203 = arith.constant 0 : i32
      %dma_wait3A_204 = tpu.memref_slice %arg2[%dma_wait3A_202, %dma_wait3A_203] : memref<100096x32xf32, #tpu.memory_space<hbm>> -> memref<100096x32xf32, #tpu.memory_space<hbm>>
      tpu.wait_indirect_dma semaphore(%arg8 : memref<!tpu.dma_semaphore, #tpu.memory_space<semaphore_mem>>) src(%dma_wait3A_204 : memref<100096x32xf32, #tpu.memory_space<hbm>>) dst(%dma_wait3A_198 : memref<128x32xf32, #tpu.memory_space<vmem>>)
      %run_scoped3A_205 = arith.constant 0 : i32
      %run_scoped3A_206 = arith.constant 4 : i32
      %run_scoped3A_207 = arith.constant 1 : i32
      "tpu.region"() ({
        %run_scoped3A_861 = tpu.sem_alloc : memref<!tpu.dma_semaphore, #tpu.memory_space<semaphore_mem>>
        %dma_start3A_862 = arith.constant 0 : i32
        %dma_start3A_863 = arith.constant 0 : i32
        %dma_start3A_864 = tpu.memref_slice %arg6[%run_scoped3A_205, %dma_start3A_862, %dma_start3A_863] : memref<4x128x32xf32, #tpu.memory_space<vmem>> -> memref<1x128x32xf32, #tpu.memory_space<vmem>>
        %dma_start3A_865 = tpu.memref_squeeze %dma_start3A_864 : memref<1x128x32xf32, #tpu.memory_space<vmem>> -> memref<128x32xf32, #tpu.memory_space<vmem>>
        %dma_start3A_866 = arith.constant 0 : i32
        %dma_start3A_867 = tpu.memref_slice %arg5[%rem3A_73, %run_scoped3A_206, %run_scoped3A_207, %dma_start3A_866] : memref<2x28x2x128xi32, #tpu.memory_space<vmem>> -> memref<1x1x1x128xi32, #tpu.memory_space<vmem>>
        %dma_start3A_868 = tpu.memref_squeeze %dma_start3A_867 : memref<1x1x1x128xi32, #tpu.memory_space<vmem>> -> memref<128xi32, #tpu.memory_space<vmem>>
        %dma_start3A_869 = arith.constant 0 : i32
        %dma_start3A_870 = arith.constant 0 : i32
        %dma_start3A_871 = tpu.memref_slice %arg12[%dma_start3A_869, %dma_start3A_870] : memref<50056x32xf32, #tpu.memory_space<vmem_shared>> -> memref<50056x32xf32, #tpu.memory_space<vmem_shared>>
        tpu.enqueue_indirect_dma source(%dma_start3A_865 : memref<128x32xf32, #tpu.memory_space<vmem>>) target(%dma_start3A_871 : memref<50056x32xf32, #tpu.memory_space<vmem_shared>>) offsets(%dma_start3A_868 : memref<128xi32, #tpu.memory_space<vmem>>) semaphore(%run_scoped3A_861 : memref<!tpu.dma_semaphore, #tpu.memory_space<semaphore_mem>>) {add = true}
        %dma_wait3A_872 = arith.constant 0 : i32
        %dma_wait3A_873 = arith.constant 0 : i32
        %dma_wait3A_874 = tpu.memref_slice %arg6[%run_scoped3A_205, %dma_wait3A_872, %dma_wait3A_873] : memref<4x128x32xf32, #tpu.memory_space<vmem>> -> memref<1x128x32xf32, #tpu.memory_space<vmem>>
        %dma_wait3A_875 = tpu.memref_squeeze %dma_wait3A_874 : memref<1x128x32xf32, #tpu.memory_space<vmem>> -> memref<128x32xf32, #tpu.memory_space<vmem>>
        %dma_wait3A_876 = arith.constant 0 : i32
        %dma_wait3A_877 = tpu.memref_slice %arg5[%rem3A_73, %run_scoped3A_206, %run_scoped3A_207, %dma_wait3A_876] : memref<2x28x2x128xi32, #tpu.memory_space<vmem>> -> memref<1x1x1x128xi32, #tpu.memory_space<vmem>>
        %dma_wait3A_878 = tpu.memref_squeeze %dma_wait3A_877 : memref<1x1x1x128xi32, #tpu.memory_space<vmem>> -> memref<128xi32, #tpu.memory_space<vmem>>
        %dma_wait3A_879 = arith.constant 0 : i32
        %dma_wait3A_880 = arith.constant 0 : i32
        %dma_wait3A_881 = tpu.memref_slice %arg12[%dma_wait3A_879, %dma_wait3A_880] : memref<50056x32xf32, #tpu.memory_space<vmem_shared>> -> memref<50056x32xf32, #tpu.memory_space<vmem_shared>>
        tpu.wait_indirect_dma semaphore(%run_scoped3A_861 : memref<!tpu.dma_semaphore, #tpu.memory_space<semaphore_mem>>) src(%dma_wait3A_875 : memref<128x32xf32, #tpu.memory_space<vmem>>) dst(%dma_wait3A_881 : memref<50056x32xf32, #tpu.memory_space<vmem_shared>>)
        tpu.yield
      }) : () -> ()
      %dma_start3A_208 = arith.constant 8 : i32
      %dma_start3A_209 = arith.constant 0 : i32
      %dma_start3A_210 = arith.constant 0 : i32
      %dma_start3A_211 = arith.constant 0 : i32
      %dma_start3A_212 = arith.constant 0 : i32
      %dma_start3A_213 = tpu.memref_slice %arg6[%dma_start3A_210, %dma_start3A_211, %dma_start3A_212] : memref<4x128x32xf32, #tpu.memory_space<vmem>> -> memref<1x128x32xf32, #tpu.memory_space<vmem>>
      %dma_start3A_214 = tpu.memref_squeeze %dma_start3A_213 : memref<1x128x32xf32, #tpu.memory_space<vmem>> -> memref<128x32xf32, #tpu.memory_space<vmem>>
      %dma_start3A_215 = arith.constant 0 : i32
      %dma_start3A_216 = tpu.memref_slice %arg5[%rem3A_73, %dma_start3A_208, %dma_start3A_209, %dma_start3A_215] : memref<2x28x2x128xi32, #tpu.memory_space<vmem>> -> memref<1x1x1x128xi32, #tpu.memory_space<vmem>>
      %dma_start3A_217 = tpu.memref_squeeze %dma_start3A_216 : memref<1x1x1x128xi32, #tpu.memory_space<vmem>> -> memref<128xi32, #tpu.memory_space<vmem>>
      %dma_start3A_218 = arith.constant 0 : i32
      %dma_start3A_219 = arith.constant 0 : i32
      %dma_start3A_220 = tpu.memref_slice %arg2[%dma_start3A_218, %dma_start3A_219] : memref<100096x32xf32, #tpu.memory_space<hbm>> -> memref<100096x32xf32, #tpu.memory_space<hbm>>
      tpu.enqueue_indirect_dma source(%dma_start3A_220 : memref<100096x32xf32, #tpu.memory_space<hbm>>) target(%dma_start3A_214 : memref<128x32xf32, #tpu.memory_space<vmem>>) offsets(%dma_start3A_217 : memref<128xi32, #tpu.memory_space<vmem>>) semaphore(%arg8 : memref<!tpu.dma_semaphore, #tpu.memory_space<semaphore_mem>>)
      %dma_wait3A_221 = arith.constant 5 : i32
      %dma_wait3A_222 = arith.constant 0 : i32
      %dma_wait3A_223 = arith.constant 1 : i32
      %dma_wait3A_224 = arith.constant 0 : i32
      %dma_wait3A_225 = arith.constant 0 : i32
      %dma_wait3A_226 = tpu.memref_slice %arg6[%dma_wait3A_223, %dma_wait3A_224, %dma_wait3A_225] : memref<4x128x32xf32, #tpu.memory_space<vmem>> -> memref<1x128x32xf32, #tpu.memory_space<vmem>>
      %dma_wait3A_227 = tpu.memref_squeeze %dma_wait3A_226 : memref<1x128x32xf32, #tpu.memory_space<vmem>> -> memref<128x32xf32, #tpu.memory_space<vmem>>
      %dma_wait3A_228 = arith.constant 0 : i32
      %dma_wait3A_229 = tpu.memref_slice %arg5[%rem3A_73, %dma_wait3A_221, %dma_wait3A_222, %dma_wait3A_228] : memref<2x28x2x128xi32, #tpu.memory_space<vmem>> -> memref<1x1x1x128xi32, #tpu.memory_space<vmem>>
      %dma_wait3A_230 = tpu.memref_squeeze %dma_wait3A_229 : memref<1x1x1x128xi32, #tpu.memory_space<vmem>> -> memref<128xi32, #tpu.memory_space<vmem>>
      %dma_wait3A_231 = arith.constant 0 : i32
      %dma_wait3A_232 = arith.constant 0 : i32
      %dma_wait3A_233 = tpu.memref_slice %arg2[%dma_wait3A_231, %dma_wait3A_232] : memref<100096x32xf32, #tpu.memory_space<hbm>> -> memref<100096x32xf32, #tpu.memory_space<hbm>>
      tpu.wait_indirect_dma semaphore(%arg9 : memref<!tpu.dma_semaphore, #tpu.memory_space<semaphore_mem>>) src(%dma_wait3A_233 : memref<100096x32xf32, #tpu.memory_space<hbm>>) dst(%dma_wait3A_227 : memref<128x32xf32, #tpu.memory_space<vmem>>)
      %run_scoped3A_234 = arith.constant 1 : i32
      %run_scoped3A_235 = arith.constant 5 : i32
      %run_scoped3A_236 = arith.constant 1 : i32
      "tpu.region"() ({
        %run_scoped3A_861 = tpu.sem_alloc : memref<!tpu.dma_semaphore, #tpu.memory_space<semaphore_mem>>
        %dma_start3A_862 = arith.constant 0 : i32
        %dma_start3A_863 = arith.constant 0 : i32
        %dma_start3A_864 = tpu.memref_slice %arg6[%run_scoped3A_234, %dma_start3A_862, %dma_start3A_863] : memref<4x128x32xf32, #tpu.memory_space<vmem>> -> memref<1x128x32xf32, #tpu.memory_space<vmem>>
        %dma_start3A_865 = tpu.memref_squeeze %dma_start3A_864 : memref<1x128x32xf32, #tpu.memory_space<vmem>> -> memref<128x32xf32, #tpu.memory_space<vmem>>
        %dma_start3A_866 = arith.constant 0 : i32
        %dma_start3A_867 = tpu.memref_slice %arg5[%rem3A_73, %run_scoped3A_235, %run_scoped3A_236, %dma_start3A_866] : memref<2x28x2x128xi32, #tpu.memory_space<vmem>> -> memref<1x1x1x128xi32, #tpu.memory_space<vmem>>
        %dma_start3A_868 = tpu.memref_squeeze %dma_start3A_867 : memref<1x1x1x128xi32, #tpu.memory_space<vmem>> -> memref<128xi32, #tpu.memory_space<vmem>>
        %dma_start3A_869 = arith.constant 0 : i32
        %dma_start3A_870 = arith.constant 0 : i32
        %dma_start3A_871 = tpu.memref_slice %arg12[%dma_start3A_869, %dma_start3A_870] : memref<50056x32xf32, #tpu.memory_space<vmem_shared>> -> memref<50056x32xf32, #tpu.memory_space<vmem_shared>>
        tpu.enqueue_indirect_dma source(%dma_start3A_865 : memref<128x32xf32, #tpu.memory_space<vmem>>) target(%dma_start3A_871 : memref<50056x32xf32, #tpu.memory_space<vmem_shared>>) offsets(%dma_start3A_868 : memref<128xi32, #tpu.memory_space<vmem>>) semaphore(%run_scoped3A_861 : memref<!tpu.dma_semaphore, #tpu.memory_space<semaphore_mem>>) {add = true}
        %dma_wait3A_872 = arith.constant 0 : i32
        %dma_wait3A_873 = arith.constant 0 : i32
        %dma_wait3A_874 = tpu.memref_slice %arg6[%run_scoped3A_234, %dma_wait3A_872, %dma_wait3A_873] : memref<4x128x32xf32, #tpu.memory_space<vmem>> -> memref<1x128x32xf32, #tpu.memory_space<vmem>>
        %dma_wait3A_875 = tpu.memref_squeeze %dma_wait3A_874 : memref<1x128x32xf32, #tpu.memory_space<vmem>> -> memref<128x32xf32, #tpu.memory_space<vmem>>
        %dma_wait3A_876 = arith.constant 0 : i32
        %dma_wait3A_877 = tpu.memref_slice %arg5[%rem3A_73, %run_scoped3A_235, %run_scoped3A_236, %dma_wait3A_876] : memref<2x28x2x128xi32, #tpu.memory_space<vmem>> -> memref<1x1x1x128xi32, #tpu.memory_space<vmem>>
        %dma_wait3A_878 = tpu.memref_squeeze %dma_wait3A_877 : memref<1x1x1x128xi32, #tpu.memory_space<vmem>> -> memref<128xi32, #tpu.memory_space<vmem>>
        %dma_wait3A_879 = arith.constant 0 : i32
        %dma_wait3A_880 = arith.constant 0 : i32
        %dma_wait3A_881 = tpu.memref_slice %arg12[%dma_wait3A_879, %dma_wait3A_880] : memref<50056x32xf32, #tpu.memory_space<vmem_shared>> -> memref<50056x32xf32, #tpu.memory_space<vmem_shared>>
        tpu.wait_indirect_dma semaphore(%run_scoped3A_861 : memref<!tpu.dma_semaphore, #tpu.memory_space<semaphore_mem>>) src(%dma_wait3A_875 : memref<128x32xf32, #tpu.memory_space<vmem>>) dst(%dma_wait3A_881 : memref<50056x32xf32, #tpu.memory_space<vmem_shared>>)
        tpu.yield
      }) : () -> ()
      %dma_start3A_237 = arith.constant 9 : i32
      %dma_start3A_238 = arith.constant 0 : i32
      %dma_start3A_239 = arith.constant 1 : i32
      %dma_start3A_240 = arith.constant 0 : i32
      %dma_start3A_241 = arith.constant 0 : i32
      %dma_start3A_242 = tpu.memref_slice %arg6[%dma_start3A_239, %dma_start3A_240, %dma_start3A_241] : memref<4x128x32xf32, #tpu.memory_space<vmem>> -> memref<1x128x32xf32, #tpu.memory_space<vmem>>
      %dma_start3A_243 = tpu.memref_squeeze %dma_start3A_242 : memref<1x128x32xf32, #tpu.memory_space<vmem>> -> memref<128x32xf32, #tpu.memory_space<vmem>>
      %dma_start3A_244 = arith.constant 0 : i32
      %dma_start3A_245 = tpu.memref_slice %arg5[%rem3A_73, %dma_start3A_237, %dma_start3A_238, %dma_start3A_244] : memref<2x28x2x128xi32, #tpu.memory_space<vmem>> -> memref<1x1x1x128xi32, #tpu.memory_space<vmem>>
      %dma_start3A_246 = tpu.memref_squeeze %dma_start3A_245 : memref<1x1x1x128xi32, #tpu.memory_space<vmem>> -> memref<128xi32, #tpu.memory_space<vmem>>
      %dma_start3A_247 = arith.constant 0 : i32
      %dma_start3A_248 = arith.constant 0 : i32
      %dma_start3A_249 = tpu.memref_slice %arg2[%dma_start3A_247, %dma_start3A_248] : memref<100096x32xf32, #tpu.memory_space<hbm>> -> memref<100096x32xf32, #tpu.memory_space<hbm>>
      tpu.enqueue_indirect_dma source(%dma_start3A_249 : memref<100096x32xf32, #tpu.memory_space<hbm>>) target(%dma_start3A_243 : memref<128x32xf32, #tpu.memory_space<vmem>>) offsets(%dma_start3A_246 : memref<128xi32, #tpu.memory_space<vmem>>) semaphore(%arg9 : memref<!tpu.dma_semaphore, #tpu.memory_space<semaphore_mem>>)
      %dma_wait3A_250 = arith.constant 6 : i32
      %dma_wait3A_251 = arith.constant 0 : i32
      %dma_wait3A_252 = arith.constant 2 : i32
      %dma_wait3A_253 = arith.constant 0 : i32
      %dma_wait3A_254 = arith.constant 0 : i32
      %dma_wait3A_255 = tpu.memref_slice %arg6[%dma_wait3A_252, %dma_wait3A_253, %dma_wait3A_254] : memref<4x128x32xf32, #tpu.memory_space<vmem>> -> memref<1x128x32xf32, #tpu.memory_space<vmem>>
      %dma_wait3A_256 = tpu.memref_squeeze %dma_wait3A_255 : memref<1x128x32xf32, #tpu.memory_space<vmem>> -> memref<128x32xf32, #tpu.memory_space<vmem>>
      %dma_wait3A_257 = arith.constant 0 : i32
      %dma_wait3A_258 = tpu.memref_slice %arg5[%rem3A_73, %dma_wait3A_250, %dma_wait3A_251, %dma_wait3A_257] : memref<2x28x2x128xi32, #tpu.memory_space<vmem>> -> memref<1x1x1x128xi32, #tpu.memory_space<vmem>>
      %dma_wait3A_259 = tpu.memref_squeeze %dma_wait3A_258 : memref<1x1x1x128xi32, #tpu.memory_space<vmem>> -> memref<128xi32, #tpu.memory_space<vmem>>
      %dma_wait3A_260 = arith.constant 0 : i32
      %dma_wait3A_261 = arith.constant 0 : i32
      %dma_wait3A_262 = tpu.memref_slice %arg2[%dma_wait3A_260, %dma_wait3A_261] : memref<100096x32xf32, #tpu.memory_space<hbm>> -> memref<100096x32xf32, #tpu.memory_space<hbm>>
      tpu.wait_indirect_dma semaphore(%arg10 : memref<!tpu.dma_semaphore, #tpu.memory_space<semaphore_mem>>) src(%dma_wait3A_262 : memref<100096x32xf32, #tpu.memory_space<hbm>>) dst(%dma_wait3A_256 : memref<128x32xf32, #tpu.memory_space<vmem>>)
      %run_scoped3A_263 = arith.constant 2 : i32
      %run_scoped3A_264 = arith.constant 6 : i32
      %run_scoped3A_265 = arith.constant 1 : i32
      "tpu.region"() ({
        %run_scoped3A_861 = tpu.sem_alloc : memref<!tpu.dma_semaphore, #tpu.memory_space<semaphore_mem>>
        %dma_start3A_862 = arith.constant 0 : i32
        %dma_start3A_863 = arith.constant 0 : i32
        %dma_start3A_864 = tpu.memref_slice %arg6[%run_scoped3A_263, %dma_start3A_862, %dma_start3A_863] : memref<4x128x32xf32, #tpu.memory_space<vmem>> -> memref<1x128x32xf32, #tpu.memory_space<vmem>>
        %dma_start3A_865 = tpu.memref_squeeze %dma_start3A_864 : memref<1x128x32xf32, #tpu.memory_space<vmem>> -> memref<128x32xf32, #tpu.memory_space<vmem>>
        %dma_start3A_866 = arith.constant 0 : i32
        %dma_start3A_867 = tpu.memref_slice %arg5[%rem3A_73, %run_scoped3A_264, %run_scoped3A_265, %dma_start3A_866] : memref<2x28x2x128xi32, #tpu.memory_space<vmem>> -> memref<1x1x1x128xi32, #tpu.memory_space<vmem>>
        %dma_start3A_868 = tpu.memref_squeeze %dma_start3A_867 : memref<1x1x1x128xi32, #tpu.memory_space<vmem>> -> memref<128xi32, #tpu.memory_space<vmem>>
        %dma_start3A_869 = arith.constant 0 : i32
        %dma_start3A_870 = arith.constant 0 : i32
        %dma_start3A_871 = tpu.memref_slice %arg12[%dma_start3A_869, %dma_start3A_870] : memref<50056x32xf32, #tpu.memory_space<vmem_shared>> -> memref<50056x32xf32, #tpu.memory_space<vmem_shared>>
        tpu.enqueue_indirect_dma source(%dma_start3A_865 : memref<128x32xf32, #tpu.memory_space<vmem>>) target(%dma_start3A_871 : memref<50056x32xf32, #tpu.memory_space<vmem_shared>>) offsets(%dma_start3A_868 : memref<128xi32, #tpu.memory_space<vmem>>) semaphore(%run_scoped3A_861 : memref<!tpu.dma_semaphore, #tpu.memory_space<semaphore_mem>>) {add = true}
        %dma_wait3A_872 = arith.constant 0 : i32
        %dma_wait3A_873 = arith.constant 0 : i32
        %dma_wait3A_874 = tpu.memref_slice %arg6[%run_scoped3A_263, %dma_wait3A_872, %dma_wait3A_873] : memref<4x128x32xf32, #tpu.memory_space<vmem>> -> memref<1x128x32xf32, #tpu.memory_space<vmem>>
        %dma_wait3A_875 = tpu.memref_squeeze %dma_wait3A_874 : memref<1x128x32xf32, #tpu.memory_space<vmem>> -> memref<128x32xf32, #tpu.memory_space<vmem>>
        %dma_wait3A_876 = arith.constant 0 : i32
        %dma_wait3A_877 = tpu.memref_slice %arg5[%rem3A_73, %run_scoped3A_264, %run_scoped3A_265, %dma_wait3A_876] : memref<2x28x2x128xi32, #tpu.memory_space<vmem>> -> memref<1x1x1x128xi32, #tpu.memory_space<vmem>>
        %dma_wait3A_878 = tpu.memref_squeeze %dma_wait3A_877 : memref<1x1x1x128xi32, #tpu.memory_space<vmem>> -> memref<128xi32, #tpu.memory_space<vmem>>
        %dma_wait3A_879 = arith.constant 0 : i32
        %dma_wait3A_880 = arith.constant 0 : i32
        %dma_wait3A_881 = tpu.memref_slice %arg12[%dma_wait3A_879, %dma_wait3A_880] : memref<50056x32xf32, #tpu.memory_space<vmem_shared>> -> memref<50056x32xf32, #tpu.memory_space<vmem_shared>>
        tpu.wait_indirect_dma semaphore(%run_scoped3A_861 : memref<!tpu.dma_semaphore, #tpu.memory_space<semaphore_mem>>) src(%dma_wait3A_875 : memref<128x32xf32, #tpu.memory_space<vmem>>) dst(%dma_wait3A_881 : memref<50056x32xf32, #tpu.memory_space<vmem_shared>>)
        tpu.yield
      }) : () -> ()
      %dma_start3A_266 = arith.constant 10 : i32
      %dma_start3A_267 = arith.constant 0 : i32
      %dma_start3A_268 = arith.constant 2 : i32
      %dma_start3A_269 = arith.constant 0 : i32
      %dma_start3A_270 = arith.constant 0 : i32
      %dma_start3A_271 = tpu.memref_slice %arg6[%dma_start3A_268, %dma_start3A_269, %dma_start3A_270] : memref<4x128x32xf32, #tpu.memory_space<vmem>> -> memref<1x128x32xf32, #tpu.memory_space<vmem>>
      %dma_start3A_272 = tpu.memref_squeeze %dma_start3A_271 : memref<1x128x32xf32, #tpu.memory_space<vmem>> -> memref<128x32xf32, #tpu.memory_space<vmem>>
      %dma_start3A_273 = arith.constant 0 : i32
      %dma_start3A_274 = tpu.memref_slice %arg5[%rem3A_73, %dma_start3A_266, %dma_start3A_267, %dma_start3A_273] : memref<2x28x2x128xi32, #tpu.memory_space<vmem>> -> memref<1x1x1x128xi32, #tpu.memory_space<vmem>>
      %dma_start3A_275 = tpu.memref_squeeze %dma_start3A_274 : memref<1x1x1x128xi32, #tpu.memory_space<vmem>> -> memref<128xi32, #tpu.memory_space<vmem>>
      %dma_start3A_276 = arith.constant 0 : i32
      %dma_start3A_277 = arith.constant 0 : i32
      %dma_start3A_278 = tpu.memref_slice %arg2[%dma_start3A_276, %dma_start3A_277] : memref<100096x32xf32, #tpu.memory_space<hbm>> -> memref<100096x32xf32, #tpu.memory_space<hbm>>
      tpu.enqueue_indirect_dma source(%dma_start3A_278 : memref<100096x32xf32, #tpu.memory_space<hbm>>) target(%dma_start3A_272 : memref<128x32xf32, #tpu.memory_space<vmem>>) offsets(%dma_start3A_275 : memref<128xi32, #tpu.memory_space<vmem>>) semaphore(%arg10 : memref<!tpu.dma_semaphore, #tpu.memory_space<semaphore_mem>>)
      %dma_wait3A_279 = arith.constant 7 : i32
      %dma_wait3A_280 = arith.constant 0 : i32
      %dma_wait3A_281 = arith.constant 3 : i32
      %dma_wait3A_282 = arith.constant 0 : i32
      %dma_wait3A_283 = arith.constant 0 : i32
      %dma_wait3A_284 = tpu.memref_slice %arg6[%dma_wait3A_281, %dma_wait3A_282, %dma_wait3A_283] : memref<4x128x32xf32, #tpu.memory_space<vmem>> -> memref<1x128x32xf32, #tpu.memory_space<vmem>>
      %dma_wait3A_285 = tpu.memref_squeeze %dma_wait3A_284 : memref<1x128x32xf32, #tpu.memory_space<vmem>> -> memref<128x32xf32, #tpu.memory_space<vmem>>
      %dma_wait3A_286 = arith.constant 0 : i32
      %dma_wait3A_287 = tpu.memref_slice %arg5[%rem3A_73, %dma_wait3A_279, %dma_wait3A_280, %dma_wait3A_286] : memref<2x28x2x128xi32, #tpu.memory_space<vmem>> -> memref<1x1x1x128xi32, #tpu.memory_space<vmem>>
      %dma_wait3A_288 = tpu.memref_squeeze %dma_wait3A_287 : memref<1x1x1x128xi32, #tpu.memory_space<vmem>> -> memref<128xi32, #tpu.memory_space<vmem>>
      %dma_wait3A_289 = arith.constant 0 : i32
      %dma_wait3A_290 = arith.constant 0 : i32
      %dma_wait3A_291 = tpu.memref_slice %arg2[%dma_wait3A_289, %dma_wait3A_290] : memref<100096x32xf32, #tpu.memory_space<hbm>> -> memref<100096x32xf32, #tpu.memory_space<hbm>>
      tpu.wait_indirect_dma semaphore(%arg11 : memref<!tpu.dma_semaphore, #tpu.memory_space<semaphore_mem>>) src(%dma_wait3A_291 : memref<100096x32xf32, #tpu.memory_space<hbm>>) dst(%dma_wait3A_285 : memref<128x32xf32, #tpu.memory_space<vmem>>)
      %run_scoped3A_292 = arith.constant 3 : i32
      %run_scoped3A_293 = arith.constant 7 : i32
      %run_scoped3A_294 = arith.constant 1 : i32
      "tpu.region"() ({
        %run_scoped3A_861 = tpu.sem_alloc : memref<!tpu.dma_semaphore, #tpu.memory_space<semaphore_mem>>
        %dma_start3A_862 = arith.constant 0 : i32
        %dma_start3A_863 = arith.constant 0 : i32
        %dma_start3A_864 = tpu.memref_slice %arg6[%run_scoped3A_292, %dma_start3A_862, %dma_start3A_863] : memref<4x128x32xf32, #tpu.memory_space<vmem>> -> memref<1x128x32xf32, #tpu.memory_space<vmem>>
        %dma_start3A_865 = tpu.memref_squeeze %dma_start3A_864 : memref<1x128x32xf32, #tpu.memory_space<vmem>> -> memref<128x32xf32, #tpu.memory_space<vmem>>
        %dma_start3A_866 = arith.constant 0 : i32
        %dma_start3A_867 = tpu.memref_slice %arg5[%rem3A_73, %run_scoped3A_293, %run_scoped3A_294, %dma_start3A_866] : memref<2x28x2x128xi32, #tpu.memory_space<vmem>> -> memref<1x1x1x128xi32, #tpu.memory_space<vmem>>
        %dma_start3A_868 = tpu.memref_squeeze %dma_start3A_867 : memref<1x1x1x128xi32, #tpu.memory_space<vmem>> -> memref<128xi32, #tpu.memory_space<vmem>>
        %dma_start3A_869 = arith.constant 0 : i32
        %dma_start3A_870 = arith.constant 0 : i32
        %dma_start3A_871 = tpu.memref_slice %arg12[%dma_start3A_869, %dma_start3A_870] : memref<50056x32xf32, #tpu.memory_space<vmem_shared>> -> memref<50056x32xf32, #tpu.memory_space<vmem_shared>>
        tpu.enqueue_indirect_dma source(%dma_start3A_865 : memref<128x32xf32, #tpu.memory_space<vmem>>) target(%dma_start3A_871 : memref<50056x32xf32, #tpu.memory_space<vmem_shared>>) offsets(%dma_start3A_868 : memref<128xi32, #tpu.memory_space<vmem>>) semaphore(%run_scoped3A_861 : memref<!tpu.dma_semaphore, #tpu.memory_space<semaphore_mem>>) {add = true}
        %dma_wait3A_872 = arith.constant 0 : i32
        %dma_wait3A_873 = arith.constant 0 : i32
        %dma_wait3A_874 = tpu.memref_slice %arg6[%run_scoped3A_292, %dma_wait3A_872, %dma_wait3A_873] : memref<4x128x32xf32, #tpu.memory_space<vmem>> -> memref<1x128x32xf32, #tpu.memory_space<vmem>>
        %dma_wait3A_875 = tpu.memref_squeeze %dma_wait3A_874 : memref<1x128x32xf32, #tpu.memory_space<vmem>> -> memref<128x32xf32, #tpu.memory_space<vmem>>
        %dma_wait3A_876 = arith.constant 0 : i32
        %dma_wait3A_877 = tpu.memref_slice %arg5[%rem3A_73, %run_scoped3A_293, %run_scoped3A_294, %dma_wait3A_876] : memref<2x28x2x128xi32, #tpu.memory_space<vmem>> -> memref<1x1x1x128xi32, #tpu.memory_space<vmem>>
        %dma_wait3A_878 = tpu.memref_squeeze %dma_wait3A_877 : memref<1x1x1x128xi32, #tpu.memory_space<vmem>> -> memref<128xi32, #tpu.memory_space<vmem>>
        %dma_wait3A_879 = arith.constant 0 : i32
        %dma_wait3A_880 = arith.constant 0 : i32
        %dma_wait3A_881 = tpu.memref_slice %arg12[%dma_wait3A_879, %dma_wait3A_880] : memref<50056x32xf32, #tpu.memory_space<vmem_shared>> -> memref<50056x32xf32, #tpu.memory_space<vmem_shared>>
        tpu.wait_indirect_dma semaphore(%run_scoped3A_861 : memref<!tpu.dma_semaphore, #tpu.memory_space<semaphore_mem>>) src(%dma_wait3A_875 : memref<128x32xf32, #tpu.memory_space<vmem>>) dst(%dma_wait3A_881 : memref<50056x32xf32, #tpu.memory_space<vmem_shared>>)
        tpu.yield
      }) : () -> ()
      %dma_start3A_295 = arith.constant 11 : i32
      %dma_start3A_296 = arith.constant 0 : i32
      %dma_start3A_297 = arith.constant 3 : i32
      %dma_start3A_298 = arith.constant 0 : i32
      %dma_start3A_299 = arith.constant 0 : i32
      %dma_start3A_300 = tpu.memref_slice %arg6[%dma_start3A_297, %dma_start3A_298, %dma_start3A_299] : memref<4x128x32xf32, #tpu.memory_space<vmem>> -> memref<1x128x32xf32, #tpu.memory_space<vmem>>
      %dma_start3A_301 = tpu.memref_squeeze %dma_start3A_300 : memref<1x128x32xf32, #tpu.memory_space<vmem>> -> memref<128x32xf32, #tpu.memory_space<vmem>>
      %dma_start3A_302 = arith.constant 0 : i32
      %dma_start3A_303 = tpu.memref_slice %arg5[%rem3A_73, %dma_start3A_295, %dma_start3A_296, %dma_start3A_302] : memref<2x28x2x128xi32, #tpu.memory_space<vmem>> -> memref<1x1x1x128xi32, #tpu.memory_space<vmem>>
      %dma_start3A_304 = tpu.memref_squeeze %dma_start3A_303 : memref<1x1x1x128xi32, #tpu.memory_space<vmem>> -> memref<128xi32, #tpu.memory_space<vmem>>
      %dma_start3A_305 = arith.constant 0 : i32
      %dma_start3A_306 = arith.constant 0 : i32
      %dma_start3A_307 = tpu.memref_slice %arg2[%dma_start3A_305, %dma_start3A_306] : memref<100096x32xf32, #tpu.memory_space<hbm>> -> memref<100096x32xf32, #tpu.memory_space<hbm>>
      tpu.enqueue_indirect_dma source(%dma_start3A_307 : memref<100096x32xf32, #tpu.memory_space<hbm>>) target(%dma_start3A_301 : memref<128x32xf32, #tpu.memory_space<vmem>>) offsets(%dma_start3A_304 : memref<128xi32, #tpu.memory_space<vmem>>) semaphore(%arg11 : memref<!tpu.dma_semaphore, #tpu.memory_space<semaphore_mem>>)
      %dma_wait3A_308 = arith.constant 8 : i32
      %dma_wait3A_309 = arith.constant 0 : i32
      %dma_wait3A_310 = arith.constant 0 : i32
      %dma_wait3A_311 = arith.constant 0 : i32
      %dma_wait3A_312 = arith.constant 0 : i32
      %dma_wait3A_313 = tpu.memref_slice %arg6[%dma_wait3A_310, %dma_wait3A_311, %dma_wait3A_312] : memref<4x128x32xf32, #tpu.memory_space<vmem>> -> memref<1x128x32xf32, #tpu.memory_space<vmem>>
      %dma_wait3A_314 = tpu.memref_squeeze %dma_wait3A_313 : memref<1x128x32xf32, #tpu.memory_space<vmem>> -> memref<128x32xf32, #tpu.memory_space<vmem>>
      %dma_wait3A_315 = arith.constant 0 : i32
      %dma_wait3A_316 = tpu.memref_slice %arg5[%rem3A_73, %dma_wait3A_308, %dma_wait3A_309, %dma_wait3A_315] : memref<2x28x2x128xi32, #tpu.memory_space<vmem>> -> memref<1x1x1x128xi32, #tpu.memory_space<vmem>>
      %dma_wait3A_317 = tpu.memref_squeeze %dma_wait3A_316 : memref<1x1x1x128xi32, #tpu.memory_space<vmem>> -> memref<128xi32, #tpu.memory_space<vmem>>
      %dma_wait3A_318 = arith.constant 0 : i32
      %dma_wait3A_319 = arith.constant 0 : i32
      %dma_wait3A_320 = tpu.memref_slice %arg2[%dma_wait3A_318, %dma_wait3A_319] : memref<100096x32xf32, #tpu.memory_space<hbm>> -> memref<100096x32xf32, #tpu.memory_space<hbm>>
      tpu.wait_indirect_dma semaphore(%arg8 : memref<!tpu.dma_semaphore, #tpu.memory_space<semaphore_mem>>) src(%dma_wait3A_320 : memref<100096x32xf32, #tpu.memory_space<hbm>>) dst(%dma_wait3A_314 : memref<128x32xf32, #tpu.memory_space<vmem>>)
      %run_scoped3A_321 = arith.constant 0 : i32
      %run_scoped3A_322 = arith.constant 8 : i32
      %run_scoped3A_323 = arith.constant 1 : i32
      "tpu.region"() ({
        %run_scoped3A_861 = tpu.sem_alloc : memref<!tpu.dma_semaphore, #tpu.memory_space<semaphore_mem>>
        %dma_start3A_862 = arith.constant 0 : i32
        %dma_start3A_863 = arith.constant 0 : i32
        %dma_start3A_864 = tpu.memref_slice %arg6[%run_scoped3A_321, %dma_start3A_862, %dma_start3A_863] : memref<4x128x32xf32, #tpu.memory_space<vmem>> -> memref<1x128x32xf32, #tpu.memory_space<vmem>>
        %dma_start3A_865 = tpu.memref_squeeze %dma_start3A_864 : memref<1x128x32xf32, #tpu.memory_space<vmem>> -> memref<128x32xf32, #tpu.memory_space<vmem>>
        %dma_start3A_866 = arith.constant 0 : i32
        %dma_start3A_867 = tpu.memref_slice %arg5[%rem3A_73, %run_scoped3A_322, %run_scoped3A_323, %dma_start3A_866] : memref<2x28x2x128xi32, #tpu.memory_space<vmem>> -> memref<1x1x1x128xi32, #tpu.memory_space<vmem>>
        %dma_start3A_868 = tpu.memref_squeeze %dma_start3A_867 : memref<1x1x1x128xi32, #tpu.memory_space<vmem>> -> memref<128xi32, #tpu.memory_space<vmem>>
        %dma_start3A_869 = arith.constant 0 : i32
        %dma_start3A_870 = arith.constant 0 : i32
        %dma_start3A_871 = tpu.memref_slice %arg12[%dma_start3A_869, %dma_start3A_870] : memref<50056x32xf32, #tpu.memory_space<vmem_shared>> -> memref<50056x32xf32, #tpu.memory_space<vmem_shared>>
        tpu.enqueue_indirect_dma source(%dma_start3A_865 : memref<128x32xf32, #tpu.memory_space<vmem>>) target(%dma_start3A_871 : memref<50056x32xf32, #tpu.memory_space<vmem_shared>>) offsets(%dma_start3A_868 : memref<128xi32, #tpu.memory_space<vmem>>) semaphore(%run_scoped3A_861 : memref<!tpu.dma_semaphore, #tpu.memory_space<semaphore_mem>>) {add = true}
        %dma_wait3A_872 = arith.constant 0 : i32
        %dma_wait3A_873 = arith.constant 0 : i32
        %dma_wait3A_874 = tpu.memref_slice %arg6[%run_scoped3A_321, %dma_wait3A_872, %dma_wait3A_873] : memref<4x128x32xf32, #tpu.memory_space<vmem>> -> memref<1x128x32xf32, #tpu.memory_space<vmem>>
        %dma_wait3A_875 = tpu.memref_squeeze %dma_wait3A_874 : memref<1x128x32xf32, #tpu.memory_space<vmem>> -> memref<128x32xf32, #tpu.memory_space<vmem>>
        %dma_wait3A_876 = arith.constant 0 : i32
        %dma_wait3A_877 = tpu.memref_slice %arg5[%rem3A_73, %run_scoped3A_322, %run_scoped3A_323, %dma_wait3A_876] : memref<2x28x2x128xi32, #tpu.memory_space<vmem>> -> memref<1x1x1x128xi32, #tpu.memory_space<vmem>>
        %dma_wait3A_878 = tpu.memref_squeeze %dma_wait3A_877 : memref<1x1x1x128xi32, #tpu.memory_space<vmem>> -> memref<128xi32, #tpu.memory_space<vmem>>
        %dma_wait3A_879 = arith.constant 0 : i32
        %dma_wait3A_880 = arith.constant 0 : i32
        %dma_wait3A_881 = tpu.memref_slice %arg12[%dma_wait3A_879, %dma_wait3A_880] : memref<50056x32xf32, #tpu.memory_space<vmem_shared>> -> memref<50056x32xf32, #tpu.memory_space<vmem_shared>>
        tpu.wait_indirect_dma semaphore(%run_scoped3A_861 : memref<!tpu.dma_semaphore, #tpu.memory_space<semaphore_mem>>) src(%dma_wait3A_875 : memref<128x32xf32, #tpu.memory_space<vmem>>) dst(%dma_wait3A_881 : memref<50056x32xf32, #tpu.memory_space<vmem_shared>>)
        tpu.yield
      }) : () -> ()
      %dma_start3A_324 = arith.constant 12 : i32
      %dma_start3A_325 = arith.constant 0 : i32
      %dma_start3A_326 = arith.constant 0 : i32
      %dma_start3A_327 = arith.constant 0 : i32
      %dma_start3A_328 = arith.constant 0 : i32
      %dma_start3A_329 = tpu.memref_slice %arg6[%dma_start3A_326, %dma_start3A_327, %dma_start3A_328] : memref<4x128x32xf32, #tpu.memory_space<vmem>> -> memref<1x128x32xf32, #tpu.memory_space<vmem>>
      %dma_start3A_330 = tpu.memref_squeeze %dma_start3A_329 : memref<1x128x32xf32, #tpu.memory_space<vmem>> -> memref<128x32xf32, #tpu.memory_space<vmem>>
      %dma_start3A_331 = arith.constant 0 : i32
      %dma_start3A_332 = tpu.memref_slice %arg5[%rem3A_73, %dma_start3A_324, %dma_start3A_325, %dma_start3A_331] : memref<2x28x2x128xi32, #tpu.memory_space<vmem>> -> memref<1x1x1x128xi32, #tpu.memory_space<vmem>>
      %dma_start3A_333 = tpu.memref_squeeze %dma_start3A_332 : memref<1x1x1x128xi32, #tpu.memory_space<vmem>> -> memref<128xi32, #tpu.memory_space<vmem>>
      %dma_start3A_334 = arith.constant 0 : i32
      %dma_start3A_335 = arith.constant 0 : i32
      %dma_start3A_336 = tpu.memref_slice %arg2[%dma_start3A_334, %dma_start3A_335] : memref<100096x32xf32, #tpu.memory_space<hbm>> -> memref<100096x32xf32, #tpu.memory_space<hbm>>
      tpu.enqueue_indirect_dma source(%dma_start3A_336 : memref<100096x32xf32, #tpu.memory_space<hbm>>) target(%dma_start3A_330 : memref<128x32xf32, #tpu.memory_space<vmem>>) offsets(%dma_start3A_333 : memref<128xi32, #tpu.memory_space<vmem>>) semaphore(%arg8 : memref<!tpu.dma_semaphore, #tpu.memory_space<semaphore_mem>>)
      %dma_wait3A_337 = arith.constant 9 : i32
      %dma_wait3A_338 = arith.constant 0 : i32
      %dma_wait3A_339 = arith.constant 1 : i32
      %dma_wait3A_340 = arith.constant 0 : i32
      %dma_wait3A_341 = arith.constant 0 : i32
      %dma_wait3A_342 = tpu.memref_slice %arg6[%dma_wait3A_339, %dma_wait3A_340, %dma_wait3A_341] : memref<4x128x32xf32, #tpu.memory_space<vmem>> -> memref<1x128x32xf32, #tpu.memory_space<vmem>>
      %dma_wait3A_343 = tpu.memref_squeeze %dma_wait3A_342 : memref<1x128x32xf32, #tpu.memory_space<vmem>> -> memref<128x32xf32, #tpu.memory_space<vmem>>
      %dma_wait3A_344 = arith.constant 0 : i32
      %dma_wait3A_345 = tpu.memref_slice %arg5[%rem3A_73, %dma_wait3A_337, %dma_wait3A_338, %dma_wait3A_344] : memref<2x28x2x128xi32, #tpu.memory_space<vmem>> -> memref<1x1x1x128xi32, #tpu.memory_space<vmem>>
      %dma_wait3A_346 = tpu.memref_squeeze %dma_wait3A_345 : memref<1x1x1x128xi32, #tpu.memory_space<vmem>> -> memref<128xi32, #tpu.memory_space<vmem>>
      %dma_wait3A_347 = arith.constant 0 : i32
      %dma_wait3A_348 = arith.constant 0 : i32
      %dma_wait3A_349 = tpu.memref_slice %arg2[%dma_wait3A_347, %dma_wait3A_348] : memref<100096x32xf32, #tpu.memory_space<hbm>> -> memref<100096x32xf32, #tpu.memory_space<hbm>>
      tpu.wait_indirect_dma semaphore(%arg9 : memref<!tpu.dma_semaphore, #tpu.memory_space<semaphore_mem>>) src(%dma_wait3A_349 : memref<100096x32xf32, #tpu.memory_space<hbm>>) dst(%dma_wait3A_343 : memref<128x32xf32, #tpu.memory_space<vmem>>)
      %run_scoped3A_350 = arith.constant 1 : i32
      %run_scoped3A_351 = arith.constant 9 : i32
      %run_scoped3A_352 = arith.constant 1 : i32
      "tpu.region"() ({
        %run_scoped3A_861 = tpu.sem_alloc : memref<!tpu.dma_semaphore, #tpu.memory_space<semaphore_mem>>
        %dma_start3A_862 = arith.constant 0 : i32
        %dma_start3A_863 = arith.constant 0 : i32
        %dma_start3A_864 = tpu.memref_slice %arg6[%run_scoped3A_350, %dma_start3A_862, %dma_start3A_863] : memref<4x128x32xf32, #tpu.memory_space<vmem>> -> memref<1x128x32xf32, #tpu.memory_space<vmem>>
        %dma_start3A_865 = tpu.memref_squeeze %dma_start3A_864 : memref<1x128x32xf32, #tpu.memory_space<vmem>> -> memref<128x32xf32, #tpu.memory_space<vmem>>
        %dma_start3A_866 = arith.constant 0 : i32
        %dma_start3A_867 = tpu.memref_slice %arg5[%rem3A_73, %run_scoped3A_351, %run_scoped3A_352, %dma_start3A_866] : memref<2x28x2x128xi32, #tpu.memory_space<vmem>> -> memref<1x1x1x128xi32, #tpu.memory_space<vmem>>
        %dma_start3A_868 = tpu.memref_squeeze %dma_start3A_867 : memref<1x1x1x128xi32, #tpu.memory_space<vmem>> -> memref<128xi32, #tpu.memory_space<vmem>>
        %dma_start3A_869 = arith.constant 0 : i32
        %dma_start3A_870 = arith.constant 0 : i32
        %dma_start3A_871 = tpu.memref_slice %arg12[%dma_start3A_869, %dma_start3A_870] : memref<50056x32xf32, #tpu.memory_space<vmem_shared>> -> memref<50056x32xf32, #tpu.memory_space<vmem_shared>>
        tpu.enqueue_indirect_dma source(%dma_start3A_865 : memref<128x32xf32, #tpu.memory_space<vmem>>) target(%dma_start3A_871 : memref<50056x32xf32, #tpu.memory_space<vmem_shared>>) offsets(%dma_start3A_868 : memref<128xi32, #tpu.memory_space<vmem>>) semaphore(%run_scoped3A_861 : memref<!tpu.dma_semaphore, #tpu.memory_space<semaphore_mem>>) {add = true}
        %dma_wait3A_872 = arith.constant 0 : i32
        %dma_wait3A_873 = arith.constant 0 : i32
        %dma_wait3A_874 = tpu.memref_slice %arg6[%run_scoped3A_350, %dma_wait3A_872, %dma_wait3A_873] : memref<4x128x32xf32, #tpu.memory_space<vmem>> -> memref<1x128x32xf32, #tpu.memory_space<vmem>>
        %dma_wait3A_875 = tpu.memref_squeeze %dma_wait3A_874 : memref<1x128x32xf32, #tpu.memory_space<vmem>> -> memref<128x32xf32, #tpu.memory_space<vmem>>
        %dma_wait3A_876 = arith.constant 0 : i32
        %dma_wait3A_877 = tpu.memref_slice %arg5[%rem3A_73, %run_scoped3A_351, %run_scoped3A_352, %dma_wait3A_876] : memref<2x28x2x128xi32, #tpu.memory_space<vmem>> -> memref<1x1x1x128xi32, #tpu.memory_space<vmem>>
        %dma_wait3A_878 = tpu.memref_squeeze %dma_wait3A_877 : memref<1x1x1x128xi32, #tpu.memory_space<vmem>> -> memref<128xi32, #tpu.memory_space<vmem>>
        %dma_wait3A_879 = arith.constant 0 : i32
        %dma_wait3A_880 = arith.constant 0 : i32
        %dma_wait3A_881 = tpu.memref_slice %arg12[%dma_wait3A_879, %dma_wait3A_880] : memref<50056x32xf32, #tpu.memory_space<vmem_shared>> -> memref<50056x32xf32, #tpu.memory_space<vmem_shared>>
        tpu.wait_indirect_dma semaphore(%run_scoped3A_861 : memref<!tpu.dma_semaphore, #tpu.memory_space<semaphore_mem>>) src(%dma_wait3A_875 : memref<128x32xf32, #tpu.memory_space<vmem>>) dst(%dma_wait3A_881 : memref<50056x32xf32, #tpu.memory_space<vmem_shared>>)
        tpu.yield
      }) : () -> ()
      %dma_start3A_353 = arith.constant 13 : i32
      %dma_start3A_354 = arith.constant 0 : i32
      %dma_start3A_355 = arith.constant 1 : i32
      %dma_start3A_356 = arith.constant 0 : i32
      %dma_start3A_357 = arith.constant 0 : i32
      %dma_start3A_358 = tpu.memref_slice %arg6[%dma_start3A_355, %dma_start3A_356, %dma_start3A_357] : memref<4x128x32xf32, #tpu.memory_space<vmem>> -> memref<1x128x32xf32, #tpu.memory_space<vmem>>
      %dma_start3A_359 = tpu.memref_squeeze %dma_start3A_358 : memref<1x128x32xf32, #tpu.memory_space<vmem>> -> memref<128x32xf32, #tpu.memory_space<vmem>>
      %dma_start3A_360 = arith.constant 0 : i32
      %dma_start3A_361 = tpu.memref_slice %arg5[%rem3A_73, %dma_start3A_353, %dma_start3A_354, %dma_start3A_360] : memref<2x28x2x128xi32, #tpu.memory_space<vmem>> -> memref<1x1x1x128xi32, #tpu.memory_space<vmem>>
      %dma_start3A_362 = tpu.memref_squeeze %dma_start3A_361 : memref<1x1x1x128xi32, #tpu.memory_space<vmem>> -> memref<128xi32, #tpu.memory_space<vmem>>
      %dma_start3A_363 = arith.constant 0 : i32
      %dma_start3A_364 = arith.constant 0 : i32
      %dma_start3A_365 = tpu.memref_slice %arg2[%dma_start3A_363, %dma_start3A_364] : memref<100096x32xf32, #tpu.memory_space<hbm>> -> memref<100096x32xf32, #tpu.memory_space<hbm>>
      tpu.enqueue_indirect_dma source(%dma_start3A_365 : memref<100096x32xf32, #tpu.memory_space<hbm>>) target(%dma_start3A_359 : memref<128x32xf32, #tpu.memory_space<vmem>>) offsets(%dma_start3A_362 : memref<128xi32, #tpu.memory_space<vmem>>) semaphore(%arg9 : memref<!tpu.dma_semaphore, #tpu.memory_space<semaphore_mem>>)
      %dma_wait3A_366 = arith.constant 10 : i32
      %dma_wait3A_367 = arith.constant 0 : i32
      %dma_wait3A_368 = arith.constant 2 : i32
      %dma_wait3A_369 = arith.constant 0 : i32
      %dma_wait3A_370 = arith.constant 0 : i32
      %dma_wait3A_371 = tpu.memref_slice %arg6[%dma_wait3A_368, %dma_wait3A_369, %dma_wait3A_370] : memref<4x128x32xf32, #tpu.memory_space<vmem>> -> memref<1x128x32xf32, #tpu.memory_space<vmem>>
      %dma_wait3A_372 = tpu.memref_squeeze %dma_wait3A_371 : memref<1x128x32xf32, #tpu.memory_space<vmem>> -> memref<128x32xf32, #tpu.memory_space<vmem>>
      %dma_wait3A_373 = arith.constant 0 : i32
      %dma_wait3A_374 = tpu.memref_slice %arg5[%rem3A_73, %dma_wait3A_366, %dma_wait3A_367, %dma_wait3A_373] : memref<2x28x2x128xi32, #tpu.memory_space<vmem>> -> memref<1x1x1x128xi32, #tpu.memory_space<vmem>>
      %dma_wait3A_375 = tpu.memref_squeeze %dma_wait3A_374 : memref<1x1x1x128xi32, #tpu.memory_space<vmem>> -> memref<128xi32, #tpu.memory_space<vmem>>
      %dma_wait3A_376 = arith.constant 0 : i32
      %dma_wait3A_377 = arith.constant 0 : i32
      %dma_wait3A_378 = tpu.memref_slice %arg2[%dma_wait3A_376, %dma_wait3A_377] : memref<100096x32xf32, #tpu.memory_space<hbm>> -> memref<100096x32xf32, #tpu.memory_space<hbm>>
      tpu.wait_indirect_dma semaphore(%arg10 : memref<!tpu.dma_semaphore, #tpu.memory_space<semaphore_mem>>) src(%dma_wait3A_378 : memref<100096x32xf32, #tpu.memory_space<hbm>>) dst(%dma_wait3A_372 : memref<128x32xf32, #tpu.memory_space<vmem>>)
      %run_scoped3A_379 = arith.constant 2 : i32
      %run_scoped3A_380 = arith.constant 10 : i32
      %run_scoped3A_381 = arith.constant 1 : i32
      "tpu.region"() ({
        %run_scoped3A_861 = tpu.sem_alloc : memref<!tpu.dma_semaphore, #tpu.memory_space<semaphore_mem>>
        %dma_start3A_862 = arith.constant 0 : i32
        %dma_start3A_863 = arith.constant 0 : i32
        %dma_start3A_864 = tpu.memref_slice %arg6[%run_scoped3A_379, %dma_start3A_862, %dma_start3A_863] : memref<4x128x32xf32, #tpu.memory_space<vmem>> -> memref<1x128x32xf32, #tpu.memory_space<vmem>>
        %dma_start3A_865 = tpu.memref_squeeze %dma_start3A_864 : memref<1x128x32xf32, #tpu.memory_space<vmem>> -> memref<128x32xf32, #tpu.memory_space<vmem>>
        %dma_start3A_866 = arith.constant 0 : i32
        %dma_start3A_867 = tpu.memref_slice %arg5[%rem3A_73, %run_scoped3A_380, %run_scoped3A_381, %dma_start3A_866] : memref<2x28x2x128xi32, #tpu.memory_space<vmem>> -> memref<1x1x1x128xi32, #tpu.memory_space<vmem>>
        %dma_start3A_868 = tpu.memref_squeeze %dma_start3A_867 : memref<1x1x1x128xi32, #tpu.memory_space<vmem>> -> memref<128xi32, #tpu.memory_space<vmem>>
        %dma_start3A_869 = arith.constant 0 : i32
        %dma_start3A_870 = arith.constant 0 : i32
        %dma_start3A_871 = tpu.memref_slice %arg12[%dma_start3A_869, %dma_start3A_870] : memref<50056x32xf32, #tpu.memory_space<vmem_shared>> -> memref<50056x32xf32, #tpu.memory_space<vmem_shared>>
        tpu.enqueue_indirect_dma source(%dma_start3A_865 : memref<128x32xf32, #tpu.memory_space<vmem>>) target(%dma_start3A_871 : memref<50056x32xf32, #tpu.memory_space<vmem_shared>>) offsets(%dma_start3A_868 : memref<128xi32, #tpu.memory_space<vmem>>) semaphore(%run_scoped3A_861 : memref<!tpu.dma_semaphore, #tpu.memory_space<semaphore_mem>>) {add = true}
        %dma_wait3A_872 = arith.constant 0 : i32
        %dma_wait3A_873 = arith.constant 0 : i32
        %dma_wait3A_874 = tpu.memref_slice %arg6[%run_scoped3A_379, %dma_wait3A_872, %dma_wait3A_873] : memref<4x128x32xf32, #tpu.memory_space<vmem>> -> memref<1x128x32xf32, #tpu.memory_space<vmem>>
        %dma_wait3A_875 = tpu.memref_squeeze %dma_wait3A_874 : memref<1x128x32xf32, #tpu.memory_space<vmem>> -> memref<128x32xf32, #tpu.memory_space<vmem>>
        %dma_wait3A_876 = arith.constant 0 : i32
        %dma_wait3A_877 = tpu.memref_slice %arg5[%rem3A_73, %run_scoped3A_380, %run_scoped3A_381, %dma_wait3A_876] : memref<2x28x2x128xi32, #tpu.memory_space<vmem>> -> memref<1x1x1x128xi32, #tpu.memory_space<vmem>>
        %dma_wait3A_878 = tpu.memref_squeeze %dma_wait3A_877 : memref<1x1x1x128xi32, #tpu.memory_space<vmem>> -> memref<128xi32, #tpu.memory_space<vmem>>
        %dma_wait3A_879 = arith.constant 0 : i32
        %dma_wait3A_880 = arith.constant 0 : i32
        %dma_wait3A_881 = tpu.memref_slice %arg12[%dma_wait3A_879, %dma_wait3A_880] : memref<50056x32xf32, #tpu.memory_space<vmem_shared>> -> memref<50056x32xf32, #tpu.memory_space<vmem_shared>>
        tpu.wait_indirect_dma semaphore(%run_scoped3A_861 : memref<!tpu.dma_semaphore, #tpu.memory_space<semaphore_mem>>) src(%dma_wait3A_875 : memref<128x32xf32, #tpu.memory_space<vmem>>) dst(%dma_wait3A_881 : memref<50056x32xf32, #tpu.memory_space<vmem_shared>>)
        tpu.yield
      }) : () -> ()
      %dma_start3A_382 = arith.constant 14 : i32
      %dma_start3A_383 = arith.constant 0 : i32
      %dma_start3A_384 = arith.constant 2 : i32
      %dma_start3A_385 = arith.constant 0 : i32
      %dma_start3A_386 = arith.constant 0 : i32
      %dma_start3A_387 = tpu.memref_slice %arg6[%dma_start3A_384, %dma_start3A_385, %dma_start3A_386] : memref<4x128x32xf32, #tpu.memory_space<vmem>> -> memref<1x128x32xf32, #tpu.memory_space<vmem>>
      %dma_start3A_388 = tpu.memref_squeeze %dma_start3A_387 : memref<1x128x32xf32, #tpu.memory_space<vmem>> -> memref<128x32xf32, #tpu.memory_space<vmem>>
      %dma_start3A_389 = arith.constant 0 : i32
      %dma_start3A_390 = tpu.memref_slice %arg5[%rem3A_73, %dma_start3A_382, %dma_start3A_383, %dma_start3A_389] : memref<2x28x2x128xi32, #tpu.memory_space<vmem>> -> memref<1x1x1x128xi32, #tpu.memory_space<vmem>>
      %dma_start3A_391 = tpu.memref_squeeze %dma_start3A_390 : memref<1x1x1x128xi32, #tpu.memory_space<vmem>> -> memref<128xi32, #tpu.memory_space<vmem>>
      %dma_start3A_392 = arith.constant 0 : i32
      %dma_start3A_393 = arith.constant 0 : i32
      %dma_start3A_394 = tpu.memref_slice %arg2[%dma_start3A_392, %dma_start3A_393] : memref<100096x32xf32, #tpu.memory_space<hbm>> -> memref<100096x32xf32, #tpu.memory_space<hbm>>
      tpu.enqueue_indirect_dma source(%dma_start3A_394 : memref<100096x32xf32, #tpu.memory_space<hbm>>) target(%dma_start3A_388 : memref<128x32xf32, #tpu.memory_space<vmem>>) offsets(%dma_start3A_391 : memref<128xi32, #tpu.memory_space<vmem>>) semaphore(%arg10 : memref<!tpu.dma_semaphore, #tpu.memory_space<semaphore_mem>>)
      %dma_wait3A_395 = arith.constant 11 : i32
      %dma_wait3A_396 = arith.constant 0 : i32
      %dma_wait3A_397 = arith.constant 3 : i32
      %dma_wait3A_398 = arith.constant 0 : i32
      %dma_wait3A_399 = arith.constant 0 : i32
      %dma_wait3A_400 = tpu.memref_slice %arg6[%dma_wait3A_397, %dma_wait3A_398, %dma_wait3A_399] : memref<4x128x32xf32, #tpu.memory_space<vmem>> -> memref<1x128x32xf32, #tpu.memory_space<vmem>>
      %dma_wait3A_401 = tpu.memref_squeeze %dma_wait3A_400 : memref<1x128x32xf32, #tpu.memory_space<vmem>> -> memref<128x32xf32, #tpu.memory_space<vmem>>
      %dma_wait3A_402 = arith.constant 0 : i32
      %dma_wait3A_403 = tpu.memref_slice %arg5[%rem3A_73, %dma_wait3A_395, %dma_wait3A_396, %dma_wait3A_402] : memref<2x28x2x128xi32, #tpu.memory_space<vmem>> -> memref<1x1x1x128xi32, #tpu.memory_space<vmem>>
      %dma_wait3A_404 = tpu.memref_squeeze %dma_wait3A_403 : memref<1x1x1x128xi32, #tpu.memory_space<vmem>> -> memref<128xi32, #tpu.memory_space<vmem>>
      %dma_wait3A_405 = arith.constant 0 : i32
      %dma_wait3A_406 = arith.constant 0 : i32
      %dma_wait3A_407 = tpu.memref_slice %arg2[%dma_wait3A_405, %dma_wait3A_406] : memref<100096x32xf32, #tpu.memory_space<hbm>> -> memref<100096x32xf32, #tpu.memory_space<hbm>>
      tpu.wait_indirect_dma semaphore(%arg11 : memref<!tpu.dma_semaphore, #tpu.memory_space<semaphore_mem>>) src(%dma_wait3A_407 : memref<100096x32xf32, #tpu.memory_space<hbm>>) dst(%dma_wait3A_401 : memref<128x32xf32, #tpu.memory_space<vmem>>)
      %run_scoped3A_408 = arith.constant 3 : i32
      %run_scoped3A_409 = arith.constant 11 : i32
      %run_scoped3A_410 = arith.constant 1 : i32
      "tpu.region"() ({
        %run_scoped3A_861 = tpu.sem_alloc : memref<!tpu.dma_semaphore, #tpu.memory_space<semaphore_mem>>
        %dma_start3A_862 = arith.constant 0 : i32
        %dma_start3A_863 = arith.constant 0 : i32
        %dma_start3A_864 = tpu.memref_slice %arg6[%run_scoped3A_408, %dma_start3A_862, %dma_start3A_863] : memref<4x128x32xf32, #tpu.memory_space<vmem>> -> memref<1x128x32xf32, #tpu.memory_space<vmem>>
        %dma_start3A_865 = tpu.memref_squeeze %dma_start3A_864 : memref<1x128x32xf32, #tpu.memory_space<vmem>> -> memref<128x32xf32, #tpu.memory_space<vmem>>
        %dma_start3A_866 = arith.constant 0 : i32
        %dma_start3A_867 = tpu.memref_slice %arg5[%rem3A_73, %run_scoped3A_409, %run_scoped3A_410, %dma_start3A_866] : memref<2x28x2x128xi32, #tpu.memory_space<vmem>> -> memref<1x1x1x128xi32, #tpu.memory_space<vmem>>
        %dma_start3A_868 = tpu.memref_squeeze %dma_start3A_867 : memref<1x1x1x128xi32, #tpu.memory_space<vmem>> -> memref<128xi32, #tpu.memory_space<vmem>>
        %dma_start3A_869 = arith.constant 0 : i32
        %dma_start3A_870 = arith.constant 0 : i32
        %dma_start3A_871 = tpu.memref_slice %arg12[%dma_start3A_869, %dma_start3A_870] : memref<50056x32xf32, #tpu.memory_space<vmem_shared>> -> memref<50056x32xf32, #tpu.memory_space<vmem_shared>>
        tpu.enqueue_indirect_dma source(%dma_start3A_865 : memref<128x32xf32, #tpu.memory_space<vmem>>) target(%dma_start3A_871 : memref<50056x32xf32, #tpu.memory_space<vmem_shared>>) offsets(%dma_start3A_868 : memref<128xi32, #tpu.memory_space<vmem>>) semaphore(%run_scoped3A_861 : memref<!tpu.dma_semaphore, #tpu.memory_space<semaphore_mem>>) {add = true}
        %dma_wait3A_872 = arith.constant 0 : i32
        %dma_wait3A_873 = arith.constant 0 : i32
        %dma_wait3A_874 = tpu.memref_slice %arg6[%run_scoped3A_408, %dma_wait3A_872, %dma_wait3A_873] : memref<4x128x32xf32, #tpu.memory_space<vmem>> -> memref<1x128x32xf32, #tpu.memory_space<vmem>>
        %dma_wait3A_875 = tpu.memref_squeeze %dma_wait3A_874 : memref<1x128x32xf32, #tpu.memory_space<vmem>> -> memref<128x32xf32, #tpu.memory_space<vmem>>
        %dma_wait3A_876 = arith.constant 0 : i32
        %dma_wait3A_877 = tpu.memref_slice %arg5[%rem3A_73, %run_scoped3A_409, %run_scoped3A_410, %dma_wait3A_876] : memref<2x28x2x128xi32, #tpu.memory_space<vmem>> -> memref<1x1x1x128xi32, #tpu.memory_space<vmem>>
        %dma_wait3A_878 = tpu.memref_squeeze %dma_wait3A_877 : memref<1x1x1x128xi32, #tpu.memory_space<vmem>> -> memref<128xi32, #tpu.memory_space<vmem>>
        %dma_wait3A_879 = arith.constant 0 : i32
        %dma_wait3A_880 = arith.constant 0 : i32
        %dma_wait3A_881 = tpu.memref_slice %arg12[%dma_wait3A_879, %dma_wait3A_880] : memref<50056x32xf32, #tpu.memory_space<vmem_shared>> -> memref<50056x32xf32, #tpu.memory_space<vmem_shared>>
        tpu.wait_indirect_dma semaphore(%run_scoped3A_861 : memref<!tpu.dma_semaphore, #tpu.memory_space<semaphore_mem>>) src(%dma_wait3A_875 : memref<128x32xf32, #tpu.memory_space<vmem>>) dst(%dma_wait3A_881 : memref<50056x32xf32, #tpu.memory_space<vmem_shared>>)
        tpu.yield
      }) : () -> ()
      %dma_start3A_411 = arith.constant 15 : i32
      %dma_start3A_412 = arith.constant 0 : i32
      %dma_start3A_413 = arith.constant 3 : i32
      %dma_start3A_414 = arith.constant 0 : i32
      %dma_start3A_415 = arith.constant 0 : i32
      %dma_start3A_416 = tpu.memref_slice %arg6[%dma_start3A_413, %dma_start3A_414, %dma_start3A_415] : memref<4x128x32xf32, #tpu.memory_space<vmem>> -> memref<1x128x32xf32, #tpu.memory_space<vmem>>
      %dma_start3A_417 = tpu.memref_squeeze %dma_start3A_416 : memref<1x128x32xf32, #tpu.memory_space<vmem>> -> memref<128x32xf32, #tpu.memory_space<vmem>>
      %dma_start3A_418 = arith.constant 0 : i32
      %dma_start3A_419 = tpu.memref_slice %arg5[%rem3A_73, %dma_start3A_411, %dma_start3A_412, %dma_start3A_418] : memref<2x28x2x128xi32, #tpu.memory_space<vmem>> -> memref<1x1x1x128xi32, #tpu.memory_space<vmem>>
      %dma_start3A_420 = tpu.memref_squeeze %dma_start3A_419 : memref<1x1x1x128xi32, #tpu.memory_space<vmem>> -> memref<128xi32, #tpu.memory_space<vmem>>
      %dma_start3A_421 = arith.constant 0 : i32
      %dma_start3A_422 = arith.constant 0 : i32
      %dma_start3A_423 = tpu.memref_slice %arg2[%dma_start3A_421, %dma_start3A_422] : memref<100096x32xf32, #tpu.memory_space<hbm>> -> memref<100096x32xf32, #tpu.memory_space<hbm>>
      tpu.enqueue_indirect_dma source(%dma_start3A_423 : memref<100096x32xf32, #tpu.memory_space<hbm>>) target(%dma_start3A_417 : memref<128x32xf32, #tpu.memory_space<vmem>>) offsets(%dma_start3A_420 : memref<128xi32, #tpu.memory_space<vmem>>) semaphore(%arg11 : memref<!tpu.dma_semaphore, #tpu.memory_space<semaphore_mem>>)
      %dma_wait3A_424 = arith.constant 12 : i32
      %dma_wait3A_425 = arith.constant 0 : i32
      %dma_wait3A_426 = arith.constant 0 : i32
      %dma_wait3A_427 = arith.constant 0 : i32
      %dma_wait3A_428 = arith.constant 0 : i32
      %dma_wait3A_429 = tpu.memref_slice %arg6[%dma_wait3A_426, %dma_wait3A_427, %dma_wait3A_428] : memref<4x128x32xf32, #tpu.memory_space<vmem>> -> memref<1x128x32xf32, #tpu.memory_space<vmem>>
      %dma_wait3A_430 = tpu.memref_squeeze %dma_wait3A_429 : memref<1x128x32xf32, #tpu.memory_space<vmem>> -> memref<128x32xf32, #tpu.memory_space<vmem>>
      %dma_wait3A_431 = arith.constant 0 : i32
      %dma_wait3A_432 = tpu.memref_slice %arg5[%rem3A_73, %dma_wait3A_424, %dma_wait3A_425, %dma_wait3A_431] : memref<2x28x2x128xi32, #tpu.memory_space<vmem>> -> memref<1x1x1x128xi32, #tpu.memory_space<vmem>>
      %dma_wait3A_433 = tpu.memref_squeeze %dma_wait3A_432 : memref<1x1x1x128xi32, #tpu.memory_space<vmem>> -> memref<128xi32, #tpu.memory_space<vmem>>
      %dma_wait3A_434 = arith.constant 0 : i32
      %dma_wait3A_435 = arith.constant 0 : i32
      %dma_wait3A_436 = tpu.memref_slice %arg2[%dma_wait3A_434, %dma_wait3A_435] : memref<100096x32xf32, #tpu.memory_space<hbm>> -> memref<100096x32xf32, #tpu.memory_space<hbm>>
      tpu.wait_indirect_dma semaphore(%arg8 : memref<!tpu.dma_semaphore, #tpu.memory_space<semaphore_mem>>) src(%dma_wait3A_436 : memref<100096x32xf32, #tpu.memory_space<hbm>>) dst(%dma_wait3A_430 : memref<128x32xf32, #tpu.memory_space<vmem>>)
      %run_scoped3A_437 = arith.constant 0 : i32
      %run_scoped3A_438 = arith.constant 12 : i32
      %run_scoped3A_439 = arith.constant 1 : i32
      "tpu.region"() ({
        %run_scoped3A_861 = tpu.sem_alloc : memref<!tpu.dma_semaphore, #tpu.memory_space<semaphore_mem>>
        %dma_start3A_862 = arith.constant 0 : i32
        %dma_start3A_863 = arith.constant 0 : i32
        %dma_start3A_864 = tpu.memref_slice %arg6[%run_scoped3A_437, %dma_start3A_862, %dma_start3A_863] : memref<4x128x32xf32, #tpu.memory_space<vmem>> -> memref<1x128x32xf32, #tpu.memory_space<vmem>>
        %dma_start3A_865 = tpu.memref_squeeze %dma_start3A_864 : memref<1x128x32xf32, #tpu.memory_space<vmem>> -> memref<128x32xf32, #tpu.memory_space<vmem>>
        %dma_start3A_866 = arith.constant 0 : i32
        %dma_start3A_867 = tpu.memref_slice %arg5[%rem3A_73, %run_scoped3A_438, %run_scoped3A_439, %dma_start3A_866] : memref<2x28x2x128xi32, #tpu.memory_space<vmem>> -> memref<1x1x1x128xi32, #tpu.memory_space<vmem>>
        %dma_start3A_868 = tpu.memref_squeeze %dma_start3A_867 : memref<1x1x1x128xi32, #tpu.memory_space<vmem>> -> memref<128xi32, #tpu.memory_space<vmem>>
        %dma_start3A_869 = arith.constant 0 : i32
        %dma_start3A_870 = arith.constant 0 : i32
        %dma_start3A_871 = tpu.memref_slice %arg12[%dma_start3A_869, %dma_start3A_870] : memref<50056x32xf32, #tpu.memory_space<vmem_shared>> -> memref<50056x32xf32, #tpu.memory_space<vmem_shared>>
        tpu.enqueue_indirect_dma source(%dma_start3A_865 : memref<128x32xf32, #tpu.memory_space<vmem>>) target(%dma_start3A_871 : memref<50056x32xf32, #tpu.memory_space<vmem_shared>>) offsets(%dma_start3A_868 : memref<128xi32, #tpu.memory_space<vmem>>) semaphore(%run_scoped3A_861 : memref<!tpu.dma_semaphore, #tpu.memory_space<semaphore_mem>>) {add = true}
        %dma_wait3A_872 = arith.constant 0 : i32
        %dma_wait3A_873 = arith.constant 0 : i32
        %dma_wait3A_874 = tpu.memref_slice %arg6[%run_scoped3A_437, %dma_wait3A_872, %dma_wait3A_873] : memref<4x128x32xf32, #tpu.memory_space<vmem>> -> memref<1x128x32xf32, #tpu.memory_space<vmem>>
        %dma_wait3A_875 = tpu.memref_squeeze %dma_wait3A_874 : memref<1x128x32xf32, #tpu.memory_space<vmem>> -> memref<128x32xf32, #tpu.memory_space<vmem>>
        %dma_wait3A_876 = arith.constant 0 : i32
        %dma_wait3A_877 = tpu.memref_slice %arg5[%rem3A_73, %run_scoped3A_438, %run_scoped3A_439, %dma_wait3A_876] : memref<2x28x2x128xi32, #tpu.memory_space<vmem>> -> memref<1x1x1x128xi32, #tpu.memory_space<vmem>>
        %dma_wait3A_878 = tpu.memref_squeeze %dma_wait3A_877 : memref<1x1x1x128xi32, #tpu.memory_space<vmem>> -> memref<128xi32, #tpu.memory_space<vmem>>
        %dma_wait3A_879 = arith.constant 0 : i32
        %dma_wait3A_880 = arith.constant 0 : i32
        %dma_wait3A_881 = tpu.memref_slice %arg12[%dma_wait3A_879, %dma_wait3A_880] : memref<50056x32xf32, #tpu.memory_space<vmem_shared>> -> memref<50056x32xf32, #tpu.memory_space<vmem_shared>>
        tpu.wait_indirect_dma semaphore(%run_scoped3A_861 : memref<!tpu.dma_semaphore, #tpu.memory_space<semaphore_mem>>) src(%dma_wait3A_875 : memref<128x32xf32, #tpu.memory_space<vmem>>) dst(%dma_wait3A_881 : memref<50056x32xf32, #tpu.memory_space<vmem_shared>>)
        tpu.yield
      }) : () -> ()
      %dma_start3A_440 = arith.constant 16 : i32
      %dma_start3A_441 = arith.constant 0 : i32
      %dma_start3A_442 = arith.constant 0 : i32
      %dma_start3A_443 = arith.constant 0 : i32
      %dma_start3A_444 = arith.constant 0 : i32
      %dma_start3A_445 = tpu.memref_slice %arg6[%dma_start3A_442, %dma_start3A_443, %dma_start3A_444] : memref<4x128x32xf32, #tpu.memory_space<vmem>> -> memref<1x128x32xf32, #tpu.memory_space<vmem>>
      %dma_start3A_446 = tpu.memref_squeeze %dma_start3A_445 : memref<1x128x32xf32, #tpu.memory_space<vmem>> -> memref<128x32xf32, #tpu.memory_space<vmem>>
      %dma_start3A_447 = arith.constant 0 : i32
      %dma_start3A_448 = tpu.memref_slice %arg5[%rem3A_73, %dma_start3A_440, %dma_start3A_441, %dma_start3A_447] : memref<2x28x2x128xi32, #tpu.memory_space<vmem>> -> memref<1x1x1x128xi32, #tpu.memory_space<vmem>>
      %dma_start3A_449 = tpu.memref_squeeze %dma_start3A_448 : memref<1x1x1x128xi32, #tpu.memory_space<vmem>> -> memref<128xi32, #tpu.memory_space<vmem>>
      %dma_start3A_450 = arith.constant 0 : i32
      %dma_start3A_451 = arith.constant 0 : i32
      %dma_start3A_452 = tpu.memref_slice %arg2[%dma_start3A_450, %dma_start3A_451] : memref<100096x32xf32, #tpu.memory_space<hbm>> -> memref<100096x32xf32, #tpu.memory_space<hbm>>
      tpu.enqueue_indirect_dma source(%dma_start3A_452 : memref<100096x32xf32, #tpu.memory_space<hbm>>) target(%dma_start3A_446 : memref<128x32xf32, #tpu.memory_space<vmem>>) offsets(%dma_start3A_449 : memref<128xi32, #tpu.memory_space<vmem>>) semaphore(%arg8 : memref<!tpu.dma_semaphore, #tpu.memory_space<semaphore_mem>>)
      %dma_wait3A_453 = arith.constant 13 : i32
      %dma_wait3A_454 = arith.constant 0 : i32
      %dma_wait3A_455 = arith.constant 1 : i32
      %dma_wait3A_456 = arith.constant 0 : i32
      %dma_wait3A_457 = arith.constant 0 : i32
      %dma_wait3A_458 = tpu.memref_slice %arg6[%dma_wait3A_455, %dma_wait3A_456, %dma_wait3A_457] : memref<4x128x32xf32, #tpu.memory_space<vmem>> -> memref<1x128x32xf32, #tpu.memory_space<vmem>>
      %dma_wait3A_459 = tpu.memref_squeeze %dma_wait3A_458 : memref<1x128x32xf32, #tpu.memory_space<vmem>> -> memref<128x32xf32, #tpu.memory_space<vmem>>
      %dma_wait3A_460 = arith.constant 0 : i32
      %dma_wait3A_461 = tpu.memref_slice %arg5[%rem3A_73, %dma_wait3A_453, %dma_wait3A_454, %dma_wait3A_460] : memref<2x28x2x128xi32, #tpu.memory_space<vmem>> -> memref<1x1x1x128xi32, #tpu.memory_space<vmem>>
      %dma_wait3A_462 = tpu.memref_squeeze %dma_wait3A_461 : memref<1x1x1x128xi32, #tpu.memory_space<vmem>> -> memref<128xi32, #tpu.memory_space<vmem>>
      %dma_wait3A_463 = arith.constant 0 : i32
      %dma_wait3A_464 = arith.constant 0 : i32
      %dma_wait3A_465 = tpu.memref_slice %arg2[%dma_wait3A_463, %dma_wait3A_464] : memref<100096x32xf32, #tpu.memory_space<hbm>> -> memref<100096x32xf32, #tpu.memory_space<hbm>>
      tpu.wait_indirect_dma semaphore(%arg9 : memref<!tpu.dma_semaphore, #tpu.memory_space<semaphore_mem>>) src(%dma_wait3A_465 : memref<100096x32xf32, #tpu.memory_space<hbm>>) dst(%dma_wait3A_459 : memref<128x32xf32, #tpu.memory_space<vmem>>)
      %run_scoped3A_466 = arith.constant 1 : i32
      %run_scoped3A_467 = arith.constant 13 : i32
      %run_scoped3A_468 = arith.constant 1 : i32
      "tpu.region"() ({
        %run_scoped3A_861 = tpu.sem_alloc : memref<!tpu.dma_semaphore, #tpu.memory_space<semaphore_mem>>
        %dma_start3A_862 = arith.constant 0 : i32
        %dma_start3A_863 = arith.constant 0 : i32
        %dma_start3A_864 = tpu.memref_slice %arg6[%run_scoped3A_466, %dma_start3A_862, %dma_start3A_863] : memref<4x128x32xf32, #tpu.memory_space<vmem>> -> memref<1x128x32xf32, #tpu.memory_space<vmem>>
        %dma_start3A_865 = tpu.memref_squeeze %dma_start3A_864 : memref<1x128x32xf32, #tpu.memory_space<vmem>> -> memref<128x32xf32, #tpu.memory_space<vmem>>
        %dma_start3A_866 = arith.constant 0 : i32
        %dma_start3A_867 = tpu.memref_slice %arg5[%rem3A_73, %run_scoped3A_467, %run_scoped3A_468, %dma_start3A_866] : memref<2x28x2x128xi32, #tpu.memory_space<vmem>> -> memref<1x1x1x128xi32, #tpu.memory_space<vmem>>
        %dma_start3A_868 = tpu.memref_squeeze %dma_start3A_867 : memref<1x1x1x128xi32, #tpu.memory_space<vmem>> -> memref<128xi32, #tpu.memory_space<vmem>>
        %dma_start3A_869 = arith.constant 0 : i32
        %dma_start3A_870 = arith.constant 0 : i32
        %dma_start3A_871 = tpu.memref_slice %arg12[%dma_start3A_869, %dma_start3A_870] : memref<50056x32xf32, #tpu.memory_space<vmem_shared>> -> memref<50056x32xf32, #tpu.memory_space<vmem_shared>>
        tpu.enqueue_indirect_dma source(%dma_start3A_865 : memref<128x32xf32, #tpu.memory_space<vmem>>) target(%dma_start3A_871 : memref<50056x32xf32, #tpu.memory_space<vmem_shared>>) offsets(%dma_start3A_868 : memref<128xi32, #tpu.memory_space<vmem>>) semaphore(%run_scoped3A_861 : memref<!tpu.dma_semaphore, #tpu.memory_space<semaphore_mem>>) {add = true}
        %dma_wait3A_872 = arith.constant 0 : i32
        %dma_wait3A_873 = arith.constant 0 : i32
        %dma_wait3A_874 = tpu.memref_slice %arg6[%run_scoped3A_466, %dma_wait3A_872, %dma_wait3A_873] : memref<4x128x32xf32, #tpu.memory_space<vmem>> -> memref<1x128x32xf32, #tpu.memory_space<vmem>>
        %dma_wait3A_875 = tpu.memref_squeeze %dma_wait3A_874 : memref<1x128x32xf32, #tpu.memory_space<vmem>> -> memref<128x32xf32, #tpu.memory_space<vmem>>
        %dma_wait3A_876 = arith.constant 0 : i32
        %dma_wait3A_877 = tpu.memref_slice %arg5[%rem3A_73, %run_scoped3A_467, %run_scoped3A_468, %dma_wait3A_876] : memref<2x28x2x128xi32, #tpu.memory_space<vmem>> -> memref<1x1x1x128xi32, #tpu.memory_space<vmem>>
        %dma_wait3A_878 = tpu.memref_squeeze %dma_wait3A_877 : memref<1x1x1x128xi32, #tpu.memory_space<vmem>> -> memref<128xi32, #tpu.memory_space<vmem>>
        %dma_wait3A_879 = arith.constant 0 : i32
        %dma_wait3A_880 = arith.constant 0 : i32
        %dma_wait3A_881 = tpu.memref_slice %arg12[%dma_wait3A_879, %dma_wait3A_880] : memref<50056x32xf32, #tpu.memory_space<vmem_shared>> -> memref<50056x32xf32, #tpu.memory_space<vmem_shared>>
        tpu.wait_indirect_dma semaphore(%run_scoped3A_861 : memref<!tpu.dma_semaphore, #tpu.memory_space<semaphore_mem>>) src(%dma_wait3A_875 : memref<128x32xf32, #tpu.memory_space<vmem>>) dst(%dma_wait3A_881 : memref<50056x32xf32, #tpu.memory_space<vmem_shared>>)
        tpu.yield
      }) : () -> ()
      %dma_start3A_469 = arith.constant 17 : i32
      %dma_start3A_470 = arith.constant 0 : i32
      %dma_start3A_471 = arith.constant 1 : i32
      %dma_start3A_472 = arith.constant 0 : i32
      %dma_start3A_473 = arith.constant 0 : i32
      %dma_start3A_474 = tpu.memref_slice %arg6[%dma_start3A_471, %dma_start3A_472, %dma_start3A_473] : memref<4x128x32xf32, #tpu.memory_space<vmem>> -> memref<1x128x32xf32, #tpu.memory_space<vmem>>
      %dma_start3A_475 = tpu.memref_squeeze %dma_start3A_474 : memref<1x128x32xf32, #tpu.memory_space<vmem>> -> memref<128x32xf32, #tpu.memory_space<vmem>>
      %dma_start3A_476 = arith.constant 0 : i32
      %dma_start3A_477 = tpu.memref_slice %arg5[%rem3A_73, %dma_start3A_469, %dma_start3A_470, %dma_start3A_476] : memref<2x28x2x128xi32, #tpu.memory_space<vmem>> -> memref<1x1x1x128xi32, #tpu.memory_space<vmem>>
      %dma_start3A_478 = tpu.memref_squeeze %dma_start3A_477 : memref<1x1x1x128xi32, #tpu.memory_space<vmem>> -> memref<128xi32, #tpu.memory_space<vmem>>
      %dma_start3A_479 = arith.constant 0 : i32
      %dma_start3A_480 = arith.constant 0 : i32
      %dma_start3A_481 = tpu.memref_slice %arg2[%dma_start3A_479, %dma_start3A_480] : memref<100096x32xf32, #tpu.memory_space<hbm>> -> memref<100096x32xf32, #tpu.memory_space<hbm>>
      tpu.enqueue_indirect_dma source(%dma_start3A_481 : memref<100096x32xf32, #tpu.memory_space<hbm>>) target(%dma_start3A_475 : memref<128x32xf32, #tpu.memory_space<vmem>>) offsets(%dma_start3A_478 : memref<128xi32, #tpu.memory_space<vmem>>) semaphore(%arg9 : memref<!tpu.dma_semaphore, #tpu.memory_space<semaphore_mem>>)
      %dma_wait3A_482 = arith.constant 14 : i32
      %dma_wait3A_483 = arith.constant 0 : i32
      %dma_wait3A_484 = arith.constant 2 : i32
      %dma_wait3A_485 = arith.constant 0 : i32
      %dma_wait3A_486 = arith.constant 0 : i32
      %dma_wait3A_487 = tpu.memref_slice %arg6[%dma_wait3A_484, %dma_wait3A_485, %dma_wait3A_486] : memref<4x128x32xf32, #tpu.memory_space<vmem>> -> memref<1x128x32xf32, #tpu.memory_space<vmem>>
      %dma_wait3A_488 = tpu.memref_squeeze %dma_wait3A_487 : memref<1x128x32xf32, #tpu.memory_space<vmem>> -> memref<128x32xf32, #tpu.memory_space<vmem>>
      %dma_wait3A_489 = arith.constant 0 : i32
      %dma_wait3A_490 = tpu.memref_slice %arg5[%rem3A_73, %dma_wait3A_482, %dma_wait3A_483, %dma_wait3A_489] : memref<2x28x2x128xi32, #tpu.memory_space<vmem>> -> memref<1x1x1x128xi32, #tpu.memory_space<vmem>>
      %dma_wait3A_491 = tpu.memref_squeeze %dma_wait3A_490 : memref<1x1x1x128xi32, #tpu.memory_space<vmem>> -> memref<128xi32, #tpu.memory_space<vmem>>
      %dma_wait3A_492 = arith.constant 0 : i32
      %dma_wait3A_493 = arith.constant 0 : i32
      %dma_wait3A_494 = tpu.memref_slice %arg2[%dma_wait3A_492, %dma_wait3A_493] : memref<100096x32xf32, #tpu.memory_space<hbm>> -> memref<100096x32xf32, #tpu.memory_space<hbm>>
      tpu.wait_indirect_dma semaphore(%arg10 : memref<!tpu.dma_semaphore, #tpu.memory_space<semaphore_mem>>) src(%dma_wait3A_494 : memref<100096x32xf32, #tpu.memory_space<hbm>>) dst(%dma_wait3A_488 : memref<128x32xf32, #tpu.memory_space<vmem>>)
      %run_scoped3A_495 = arith.constant 2 : i32
      %run_scoped3A_496 = arith.constant 14 : i32
      %run_scoped3A_497 = arith.constant 1 : i32
      "tpu.region"() ({
        %run_scoped3A_861 = tpu.sem_alloc : memref<!tpu.dma_semaphore, #tpu.memory_space<semaphore_mem>>
        %dma_start3A_862 = arith.constant 0 : i32
        %dma_start3A_863 = arith.constant 0 : i32
        %dma_start3A_864 = tpu.memref_slice %arg6[%run_scoped3A_495, %dma_start3A_862, %dma_start3A_863] : memref<4x128x32xf32, #tpu.memory_space<vmem>> -> memref<1x128x32xf32, #tpu.memory_space<vmem>>
        %dma_start3A_865 = tpu.memref_squeeze %dma_start3A_864 : memref<1x128x32xf32, #tpu.memory_space<vmem>> -> memref<128x32xf32, #tpu.memory_space<vmem>>
        %dma_start3A_866 = arith.constant 0 : i32
        %dma_start3A_867 = tpu.memref_slice %arg5[%rem3A_73, %run_scoped3A_496, %run_scoped3A_497, %dma_start3A_866] : memref<2x28x2x128xi32, #tpu.memory_space<vmem>> -> memref<1x1x1x128xi32, #tpu.memory_space<vmem>>
        %dma_start3A_868 = tpu.memref_squeeze %dma_start3A_867 : memref<1x1x1x128xi32, #tpu.memory_space<vmem>> -> memref<128xi32, #tpu.memory_space<vmem>>
        %dma_start3A_869 = arith.constant 0 : i32
        %dma_start3A_870 = arith.constant 0 : i32
        %dma_start3A_871 = tpu.memref_slice %arg12[%dma_start3A_869, %dma_start3A_870] : memref<50056x32xf32, #tpu.memory_space<vmem_shared>> -> memref<50056x32xf32, #tpu.memory_space<vmem_shared>>
        tpu.enqueue_indirect_dma source(%dma_start3A_865 : memref<128x32xf32, #tpu.memory_space<vmem>>) target(%dma_start3A_871 : memref<50056x32xf32, #tpu.memory_space<vmem_shared>>) offsets(%dma_start3A_868 : memref<128xi32, #tpu.memory_space<vmem>>) semaphore(%run_scoped3A_861 : memref<!tpu.dma_semaphore, #tpu.memory_space<semaphore_mem>>) {add = true}
        %dma_wait3A_872 = arith.constant 0 : i32
        %dma_wait3A_873 = arith.constant 0 : i32
        %dma_wait3A_874 = tpu.memref_slice %arg6[%run_scoped3A_495, %dma_wait3A_872, %dma_wait3A_873] : memref<4x128x32xf32, #tpu.memory_space<vmem>> -> memref<1x128x32xf32, #tpu.memory_space<vmem>>
        %dma_wait3A_875 = tpu.memref_squeeze %dma_wait3A_874 : memref<1x128x32xf32, #tpu.memory_space<vmem>> -> memref<128x32xf32, #tpu.memory_space<vmem>>
        %dma_wait3A_876 = arith.constant 0 : i32
        %dma_wait3A_877 = tpu.memref_slice %arg5[%rem3A_73, %run_scoped3A_496, %run_scoped3A_497, %dma_wait3A_876] : memref<2x28x2x128xi32, #tpu.memory_space<vmem>> -> memref<1x1x1x128xi32, #tpu.memory_space<vmem>>
        %dma_wait3A_878 = tpu.memref_squeeze %dma_wait3A_877 : memref<1x1x1x128xi32, #tpu.memory_space<vmem>> -> memref<128xi32, #tpu.memory_space<vmem>>
        %dma_wait3A_879 = arith.constant 0 : i32
        %dma_wait3A_880 = arith.constant 0 : i32
        %dma_wait3A_881 = tpu.memref_slice %arg12[%dma_wait3A_879, %dma_wait3A_880] : memref<50056x32xf32, #tpu.memory_space<vmem_shared>> -> memref<50056x32xf32, #tpu.memory_space<vmem_shared>>
        tpu.wait_indirect_dma semaphore(%run_scoped3A_861 : memref<!tpu.dma_semaphore, #tpu.memory_space<semaphore_mem>>) src(%dma_wait3A_875 : memref<128x32xf32, #tpu.memory_space<vmem>>) dst(%dma_wait3A_881 : memref<50056x32xf32, #tpu.memory_space<vmem_shared>>)
        tpu.yield
      }) : () -> ()
      %dma_start3A_498 = arith.constant 18 : i32
      %dma_start3A_499 = arith.constant 0 : i32
      %dma_start3A_500 = arith.constant 2 : i32
      %dma_start3A_501 = arith.constant 0 : i32
      %dma_start3A_502 = arith.constant 0 : i32
      %dma_start3A_503 = tpu.memref_slice %arg6[%dma_start3A_500, %dma_start3A_501, %dma_start3A_502] : memref<4x128x32xf32, #tpu.memory_space<vmem>> -> memref<1x128x32xf32, #tpu.memory_space<vmem>>
      %dma_start3A_504 = tpu.memref_squeeze %dma_start3A_503 : memref<1x128x32xf32, #tpu.memory_space<vmem>> -> memref<128x32xf32, #tpu.memory_space<vmem>>
      %dma_start3A_505 = arith.constant 0 : i32
      %dma_start3A_506 = tpu.memref_slice %arg5[%rem3A_73, %dma_start3A_498, %dma_start3A_499, %dma_start3A_505] : memref<2x28x2x128xi32, #tpu.memory_space<vmem>> -> memref<1x1x1x128xi32, #tpu.memory_space<vmem>>
      %dma_start3A_507 = tpu.memref_squeeze %dma_start3A_506 : memref<1x1x1x128xi32, #tpu.memory_space<vmem>> -> memref<128xi32, #tpu.memory_space<vmem>>
      %dma_start3A_508 = arith.constant 0 : i32
      %dma_start3A_509 = arith.constant 0 : i32
      %dma_start3A_510 = tpu.memref_slice %arg2[%dma_start3A_508, %dma_start3A_509] : memref<100096x32xf32, #tpu.memory_space<hbm>> -> memref<100096x32xf32, #tpu.memory_space<hbm>>
      tpu.enqueue_indirect_dma source(%dma_start3A_510 : memref<100096x32xf32, #tpu.memory_space<hbm>>) target(%dma_start3A_504 : memref<128x32xf32, #tpu.memory_space<vmem>>) offsets(%dma_start3A_507 : memref<128xi32, #tpu.memory_space<vmem>>) semaphore(%arg10 : memref<!tpu.dma_semaphore, #tpu.memory_space<semaphore_mem>>)
      %dma_wait3A_511 = arith.constant 15 : i32
      %dma_wait3A_512 = arith.constant 0 : i32
      %dma_wait3A_513 = arith.constant 3 : i32
      %dma_wait3A_514 = arith.constant 0 : i32
      %dma_wait3A_515 = arith.constant 0 : i32
      %dma_wait3A_516 = tpu.memref_slice %arg6[%dma_wait3A_513, %dma_wait3A_514, %dma_wait3A_515] : memref<4x128x32xf32, #tpu.memory_space<vmem>> -> memref<1x128x32xf32, #tpu.memory_space<vmem>>
      %dma_wait3A_517 = tpu.memref_squeeze %dma_wait3A_516 : memref<1x128x32xf32, #tpu.memory_space<vmem>> -> memref<128x32xf32, #tpu.memory_space<vmem>>
      %dma_wait3A_518 = arith.constant 0 : i32
      %dma_wait3A_519 = tpu.memref_slice %arg5[%rem3A_73, %dma_wait3A_511, %dma_wait3A_512, %dma_wait3A_518] : memref<2x28x2x128xi32, #tpu.memory_space<vmem>> -> memref<1x1x1x128xi32, #tpu.memory_space<vmem>>
      %dma_wait3A_520 = tpu.memref_squeeze %dma_wait3A_519 : memref<1x1x1x128xi32, #tpu.memory_space<vmem>> -> memref<128xi32, #tpu.memory_space<vmem>>
      %dma_wait3A_521 = arith.constant 0 : i32
      %dma_wait3A_522 = arith.constant 0 : i32
      %dma_wait3A_523 = tpu.memref_slice %arg2[%dma_wait3A_521, %dma_wait3A_522] : memref<100096x32xf32, #tpu.memory_space<hbm>> -> memref<100096x32xf32, #tpu.memory_space<hbm>>
      tpu.wait_indirect_dma semaphore(%arg11 : memref<!tpu.dma_semaphore, #tpu.memory_space<semaphore_mem>>) src(%dma_wait3A_523 : memref<100096x32xf32, #tpu.memory_space<hbm>>) dst(%dma_wait3A_517 : memref<128x32xf32, #tpu.memory_space<vmem>>)
      %run_scoped3A_524 = arith.constant 3 : i32
      %run_scoped3A_525 = arith.constant 15 : i32
      %run_scoped3A_526 = arith.constant 1 : i32
      "tpu.region"() ({
        %run_scoped3A_861 = tpu.sem_alloc : memref<!tpu.dma_semaphore, #tpu.memory_space<semaphore_mem>>
        %dma_start3A_862 = arith.constant 0 : i32
        %dma_start3A_863 = arith.constant 0 : i32
        %dma_start3A_864 = tpu.memref_slice %arg6[%run_scoped3A_524, %dma_start3A_862, %dma_start3A_863] : memref<4x128x32xf32, #tpu.memory_space<vmem>> -> memref<1x128x32xf32, #tpu.memory_space<vmem>>
        %dma_start3A_865 = tpu.memref_squeeze %dma_start3A_864 : memref<1x128x32xf32, #tpu.memory_space<vmem>> -> memref<128x32xf32, #tpu.memory_space<vmem>>
        %dma_start3A_866 = arith.constant 0 : i32
        %dma_start3A_867 = tpu.memref_slice %arg5[%rem3A_73, %run_scoped3A_525, %run_scoped3A_526, %dma_start3A_866] : memref<2x28x2x128xi32, #tpu.memory_space<vmem>> -> memref<1x1x1x128xi32, #tpu.memory_space<vmem>>
        %dma_start3A_868 = tpu.memref_squeeze %dma_start3A_867 : memref<1x1x1x128xi32, #tpu.memory_space<vmem>> -> memref<128xi32, #tpu.memory_space<vmem>>
        %dma_start3A_869 = arith.constant 0 : i32
        %dma_start3A_870 = arith.constant 0 : i32
        %dma_start3A_871 = tpu.memref_slice %arg12[%dma_start3A_869, %dma_start3A_870] : memref<50056x32xf32, #tpu.memory_space<vmem_shared>> -> memref<50056x32xf32, #tpu.memory_space<vmem_shared>>
        tpu.enqueue_indirect_dma source(%dma_start3A_865 : memref<128x32xf32, #tpu.memory_space<vmem>>) target(%dma_start3A_871 : memref<50056x32xf32, #tpu.memory_space<vmem_shared>>) offsets(%dma_start3A_868 : memref<128xi32, #tpu.memory_space<vmem>>) semaphore(%run_scoped3A_861 : memref<!tpu.dma_semaphore, #tpu.memory_space<semaphore_mem>>) {add = true}
        %dma_wait3A_872 = arith.constant 0 : i32
        %dma_wait3A_873 = arith.constant 0 : i32
        %dma_wait3A_874 = tpu.memref_slice %arg6[%run_scoped3A_524, %dma_wait3A_872, %dma_wait3A_873] : memref<4x128x32xf32, #tpu.memory_space<vmem>> -> memref<1x128x32xf32, #tpu.memory_space<vmem>>
        %dma_wait3A_875 = tpu.memref_squeeze %dma_wait3A_874 : memref<1x128x32xf32, #tpu.memory_space<vmem>> -> memref<128x32xf32, #tpu.memory_space<vmem>>
        %dma_wait3A_876 = arith.constant 0 : i32
        %dma_wait3A_877 = tpu.memref_slice %arg5[%rem3A_73, %run_scoped3A_525, %run_scoped3A_526, %dma_wait3A_876] : memref<2x28x2x128xi32, #tpu.memory_space<vmem>> -> memref<1x1x1x128xi32, #tpu.memory_space<vmem>>
        %dma_wait3A_878 = tpu.memref_squeeze %dma_wait3A_877 : memref<1x1x1x128xi32, #tpu.memory_space<vmem>> -> memref<128xi32, #tpu.memory_space<vmem>>
        %dma_wait3A_879 = arith.constant 0 : i32
        %dma_wait3A_880 = arith.constant 0 : i32
        %dma_wait3A_881 = tpu.memref_slice %arg12[%dma_wait3A_879, %dma_wait3A_880] : memref<50056x32xf32, #tpu.memory_space<vmem_shared>> -> memref<50056x32xf32, #tpu.memory_space<vmem_shared>>
        tpu.wait_indirect_dma semaphore(%run_scoped3A_861 : memref<!tpu.dma_semaphore, #tpu.memory_space<semaphore_mem>>) src(%dma_wait3A_875 : memref<128x32xf32, #tpu.memory_space<vmem>>) dst(%dma_wait3A_881 : memref<50056x32xf32, #tpu.memory_space<vmem_shared>>)
        tpu.yield
      }) : () -> ()
      %dma_start3A_527 = arith.constant 19 : i32
      %dma_start3A_528 = arith.constant 0 : i32
      %dma_start3A_529 = arith.constant 3 : i32
      %dma_start3A_530 = arith.constant 0 : i32
      %dma_start3A_531 = arith.constant 0 : i32
      %dma_start3A_532 = tpu.memref_slice %arg6[%dma_start3A_529, %dma_start3A_530, %dma_start3A_531] : memref<4x128x32xf32, #tpu.memory_space<vmem>> -> memref<1x128x32xf32, #tpu.memory_space<vmem>>
      %dma_start3A_533 = tpu.memref_squeeze %dma_start3A_532 : memref<1x128x32xf32, #tpu.memory_space<vmem>> -> memref<128x32xf32, #tpu.memory_space<vmem>>
      %dma_start3A_534 = arith.constant 0 : i32
      %dma_start3A_535 = tpu.memref_slice %arg5[%rem3A_73, %dma_start3A_527, %dma_start3A_528, %dma_start3A_534] : memref<2x28x2x128xi32, #tpu.memory_space<vmem>> -> memref<1x1x1x128xi32, #tpu.memory_space<vmem>>
      %dma_start3A_536 = tpu.memref_squeeze %dma_start3A_535 : memref<1x1x1x128xi32, #tpu.memory_space<vmem>> -> memref<128xi32, #tpu.memory_space<vmem>>
      %dma_start3A_537 = arith.constant 0 : i32
      %dma_start3A_538 = arith.constant 0 : i32
      %dma_start3A_539 = tpu.memref_slice %arg2[%dma_start3A_537, %dma_start3A_538] : memref<100096x32xf32, #tpu.memory_space<hbm>> -> memref<100096x32xf32, #tpu.memory_space<hbm>>
      tpu.enqueue_indirect_dma source(%dma_start3A_539 : memref<100096x32xf32, #tpu.memory_space<hbm>>) target(%dma_start3A_533 : memref<128x32xf32, #tpu.memory_space<vmem>>) offsets(%dma_start3A_536 : memref<128xi32, #tpu.memory_space<vmem>>) semaphore(%arg11 : memref<!tpu.dma_semaphore, #tpu.memory_space<semaphore_mem>>)
      %dma_wait3A_540 = arith.constant 16 : i32
      %dma_wait3A_541 = arith.constant 0 : i32
      %dma_wait3A_542 = arith.constant 0 : i32
      %dma_wait3A_543 = arith.constant 0 : i32
      %dma_wait3A_544 = arith.constant 0 : i32
      %dma_wait3A_545 = tpu.memref_slice %arg6[%dma_wait3A_542, %dma_wait3A_543, %dma_wait3A_544] : memref<4x128x32xf32, #tpu.memory_space<vmem>> -> memref<1x128x32xf32, #tpu.memory_space<vmem>>
      %dma_wait3A_546 = tpu.memref_squeeze %dma_wait3A_545 : memref<1x128x32xf32, #tpu.memory_space<vmem>> -> memref<128x32xf32, #tpu.memory_space<vmem>>
      %dma_wait3A_547 = arith.constant 0 : i32
      %dma_wait3A_548 = tpu.memref_slice %arg5[%rem3A_73, %dma_wait3A_540, %dma_wait3A_541, %dma_wait3A_547] : memref<2x28x2x128xi32, #tpu.memory_space<vmem>> -> memref<1x1x1x128xi32, #tpu.memory_space<vmem>>
      %dma_wait3A_549 = tpu.memref_squeeze %dma_wait3A_548 : memref<1x1x1x128xi32, #tpu.memory_space<vmem>> -> memref<128xi32, #tpu.memory_space<vmem>>
      %dma_wait3A_550 = arith.constant 0 : i32
      %dma_wait3A_551 = arith.constant 0 : i32
      %dma_wait3A_552 = tpu.memref_slice %arg2[%dma_wait3A_550, %dma_wait3A_551] : memref<100096x32xf32, #tpu.memory_space<hbm>> -> memref<100096x32xf32, #tpu.memory_space<hbm>>
      tpu.wait_indirect_dma semaphore(%arg8 : memref<!tpu.dma_semaphore, #tpu.memory_space<semaphore_mem>>) src(%dma_wait3A_552 : memref<100096x32xf32, #tpu.memory_space<hbm>>) dst(%dma_wait3A_546 : memref<128x32xf32, #tpu.memory_space<vmem>>)
      %run_scoped3A_553 = arith.constant 0 : i32
      %run_scoped3A_554 = arith.constant 16 : i32
      %run_scoped3A_555 = arith.constant 1 : i32
      "tpu.region"() ({
        %run_scoped3A_861 = tpu.sem_alloc : memref<!tpu.dma_semaphore, #tpu.memory_space<semaphore_mem>>
        %dma_start3A_862 = arith.constant 0 : i32
        %dma_start3A_863 = arith.constant 0 : i32
        %dma_start3A_864 = tpu.memref_slice %arg6[%run_scoped3A_553, %dma_start3A_862, %dma_start3A_863] : memref<4x128x32xf32, #tpu.memory_space<vmem>> -> memref<1x128x32xf32, #tpu.memory_space<vmem>>
        %dma_start3A_865 = tpu.memref_squeeze %dma_start3A_864 : memref<1x128x32xf32, #tpu.memory_space<vmem>> -> memref<128x32xf32, #tpu.memory_space<vmem>>
        %dma_start3A_866 = arith.constant 0 : i32
        %dma_start3A_867 = tpu.memref_slice %arg5[%rem3A_73, %run_scoped3A_554, %run_scoped3A_555, %dma_start3A_866] : memref<2x28x2x128xi32, #tpu.memory_space<vmem>> -> memref<1x1x1x128xi32, #tpu.memory_space<vmem>>
        %dma_start3A_868 = tpu.memref_squeeze %dma_start3A_867 : memref<1x1x1x128xi32, #tpu.memory_space<vmem>> -> memref<128xi32, #tpu.memory_space<vmem>>
        %dma_start3A_869 = arith.constant 0 : i32
        %dma_start3A_870 = arith.constant 0 : i32
        %dma_start3A_871 = tpu.memref_slice %arg12[%dma_start3A_869, %dma_start3A_870] : memref<50056x32xf32, #tpu.memory_space<vmem_shared>> -> memref<50056x32xf32, #tpu.memory_space<vmem_shared>>
        tpu.enqueue_indirect_dma source(%dma_start3A_865 : memref<128x32xf32, #tpu.memory_space<vmem>>) target(%dma_start3A_871 : memref<50056x32xf32, #tpu.memory_space<vmem_shared>>) offsets(%dma_start3A_868 : memref<128xi32, #tpu.memory_space<vmem>>) semaphore(%run_scoped3A_861 : memref<!tpu.dma_semaphore, #tpu.memory_space<semaphore_mem>>) {add = true}
        %dma_wait3A_872 = arith.constant 0 : i32
        %dma_wait3A_873 = arith.constant 0 : i32
        %dma_wait3A_874 = tpu.memref_slice %arg6[%run_scoped3A_553, %dma_wait3A_872, %dma_wait3A_873] : memref<4x128x32xf32, #tpu.memory_space<vmem>> -> memref<1x128x32xf32, #tpu.memory_space<vmem>>
        %dma_wait3A_875 = tpu.memref_squeeze %dma_wait3A_874 : memref<1x128x32xf32, #tpu.memory_space<vmem>> -> memref<128x32xf32, #tpu.memory_space<vmem>>
        %dma_wait3A_876 = arith.constant 0 : i32
        %dma_wait3A_877 = tpu.memref_slice %arg5[%rem3A_73, %run_scoped3A_554, %run_scoped3A_555, %dma_wait3A_876] : memref<2x28x2x128xi32, #tpu.memory_space<vmem>> -> memref<1x1x1x128xi32, #tpu.memory_space<vmem>>
        %dma_wait3A_878 = tpu.memref_squeeze %dma_wait3A_877 : memref<1x1x1x128xi32, #tpu.memory_space<vmem>> -> memref<128xi32, #tpu.memory_space<vmem>>
        %dma_wait3A_879 = arith.constant 0 : i32
        %dma_wait3A_880 = arith.constant 0 : i32
        %dma_wait3A_881 = tpu.memref_slice %arg12[%dma_wait3A_879, %dma_wait3A_880] : memref<50056x32xf32, #tpu.memory_space<vmem_shared>> -> memref<50056x32xf32, #tpu.memory_space<vmem_shared>>
        tpu.wait_indirect_dma semaphore(%run_scoped3A_861 : memref<!tpu.dma_semaphore, #tpu.memory_space<semaphore_mem>>) src(%dma_wait3A_875 : memref<128x32xf32, #tpu.memory_space<vmem>>) dst(%dma_wait3A_881 : memref<50056x32xf32, #tpu.memory_space<vmem_shared>>)
        tpu.yield
      }) : () -> ()
      %dma_start3A_556 = arith.constant 20 : i32
      %dma_start3A_557 = arith.constant 0 : i32
      %dma_start3A_558 = arith.constant 0 : i32
      %dma_start3A_559 = arith.constant 0 : i32
      %dma_start3A_560 = arith.constant 0 : i32
      %dma_start3A_561 = tpu.memref_slice %arg6[%dma_start3A_558, %dma_start3A_559, %dma_start3A_560] : memref<4x128x32xf32, #tpu.memory_space<vmem>> -> memref<1x128x32xf32, #tpu.memory_space<vmem>>
      %dma_start3A_562 = tpu.memref_squeeze %dma_start3A_561 : memref<1x128x32xf32, #tpu.memory_space<vmem>> -> memref<128x32xf32, #tpu.memory_space<vmem>>
      %dma_start3A_563 = arith.constant 0 : i32
      %dma_start3A_564 = tpu.memref_slice %arg5[%rem3A_73, %dma_start3A_556, %dma_start3A_557, %dma_start3A_563] : memref<2x28x2x128xi32, #tpu.memory_space<vmem>> -> memref<1x1x1x128xi32, #tpu.memory_space<vmem>>
      %dma_start3A_565 = tpu.memref_squeeze %dma_start3A_564 : memref<1x1x1x128xi32, #tpu.memory_space<vmem>> -> memref<128xi32, #tpu.memory_space<vmem>>
      %dma_start3A_566 = arith.constant 0 : i32
      %dma_start3A_567 = arith.constant 0 : i32
      %dma_start3A_568 = tpu.memref_slice %arg2[%dma_start3A_566, %dma_start3A_567] : memref<100096x32xf32, #tpu.memory_space<hbm>> -> memref<100096x32xf32, #tpu.memory_space<hbm>>
      tpu.enqueue_indirect_dma source(%dma_start3A_568 : memref<100096x32xf32, #tpu.memory_space<hbm>>) target(%dma_start3A_562 : memref<128x32xf32, #tpu.memory_space<vmem>>) offsets(%dma_start3A_565 : memref<128xi32, #tpu.memory_space<vmem>>) semaphore(%arg8 : memref<!tpu.dma_semaphore, #tpu.memory_space<semaphore_mem>>)
      %dma_wait3A_569 = arith.constant 17 : i32
      %dma_wait3A_570 = arith.constant 0 : i32
      %dma_wait3A_571 = arith.constant 1 : i32
      %dma_wait3A_572 = arith.constant 0 : i32
      %dma_wait3A_573 = arith.constant 0 : i32
      %dma_wait3A_574 = tpu.memref_slice %arg6[%dma_wait3A_571, %dma_wait3A_572, %dma_wait3A_573] : memref<4x128x32xf32, #tpu.memory_space<vmem>> -> memref<1x128x32xf32, #tpu.memory_space<vmem>>
      %dma_wait3A_575 = tpu.memref_squeeze %dma_wait3A_574 : memref<1x128x32xf32, #tpu.memory_space<vmem>> -> memref<128x32xf32, #tpu.memory_space<vmem>>
      %dma_wait3A_576 = arith.constant 0 : i32
      %dma_wait3A_577 = tpu.memref_slice %arg5[%rem3A_73, %dma_wait3A_569, %dma_wait3A_570, %dma_wait3A_576] : memref<2x28x2x128xi32, #tpu.memory_space<vmem>> -> memref<1x1x1x128xi32, #tpu.memory_space<vmem>>
      %dma_wait3A_578 = tpu.memref_squeeze %dma_wait3A_577 : memref<1x1x1x128xi32, #tpu.memory_space<vmem>> -> memref<128xi32, #tpu.memory_space<vmem>>
      %dma_wait3A_579 = arith.constant 0 : i32
      %dma_wait3A_580 = arith.constant 0 : i32
      %dma_wait3A_581 = tpu.memref_slice %arg2[%dma_wait3A_579, %dma_wait3A_580] : memref<100096x32xf32, #tpu.memory_space<hbm>> -> memref<100096x32xf32, #tpu.memory_space<hbm>>
      tpu.wait_indirect_dma semaphore(%arg9 : memref<!tpu.dma_semaphore, #tpu.memory_space<semaphore_mem>>) src(%dma_wait3A_581 : memref<100096x32xf32, #tpu.memory_space<hbm>>) dst(%dma_wait3A_575 : memref<128x32xf32, #tpu.memory_space<vmem>>)
      %run_scoped3A_582 = arith.constant 1 : i32
      %run_scoped3A_583 = arith.constant 17 : i32
      %run_scoped3A_584 = arith.constant 1 : i32
      "tpu.region"() ({
        %run_scoped3A_861 = tpu.sem_alloc : memref<!tpu.dma_semaphore, #tpu.memory_space<semaphore_mem>>
        %dma_start3A_862 = arith.constant 0 : i32
        %dma_start3A_863 = arith.constant 0 : i32
        %dma_start3A_864 = tpu.memref_slice %arg6[%run_scoped3A_582, %dma_start3A_862, %dma_start3A_863] : memref<4x128x32xf32, #tpu.memory_space<vmem>> -> memref<1x128x32xf32, #tpu.memory_space<vmem>>
        %dma_start3A_865 = tpu.memref_squeeze %dma_start3A_864 : memref<1x128x32xf32, #tpu.memory_space<vmem>> -> memref<128x32xf32, #tpu.memory_space<vmem>>
        %dma_start3A_866 = arith.constant 0 : i32
        %dma_start3A_867 = tpu.memref_slice %arg5[%rem3A_73, %run_scoped3A_583, %run_scoped3A_584, %dma_start3A_866] : memref<2x28x2x128xi32, #tpu.memory_space<vmem>> -> memref<1x1x1x128xi32, #tpu.memory_space<vmem>>
        %dma_start3A_868 = tpu.memref_squeeze %dma_start3A_867 : memref<1x1x1x128xi32, #tpu.memory_space<vmem>> -> memref<128xi32, #tpu.memory_space<vmem>>
        %dma_start3A_869 = arith.constant 0 : i32
        %dma_start3A_870 = arith.constant 0 : i32
        %dma_start3A_871 = tpu.memref_slice %arg12[%dma_start3A_869, %dma_start3A_870] : memref<50056x32xf32, #tpu.memory_space<vmem_shared>> -> memref<50056x32xf32, #tpu.memory_space<vmem_shared>>
        tpu.enqueue_indirect_dma source(%dma_start3A_865 : memref<128x32xf32, #tpu.memory_space<vmem>>) target(%dma_start3A_871 : memref<50056x32xf32, #tpu.memory_space<vmem_shared>>) offsets(%dma_start3A_868 : memref<128xi32, #tpu.memory_space<vmem>>) semaphore(%run_scoped3A_861 : memref<!tpu.dma_semaphore, #tpu.memory_space<semaphore_mem>>) {add = true}
        %dma_wait3A_872 = arith.constant 0 : i32
        %dma_wait3A_873 = arith.constant 0 : i32
        %dma_wait3A_874 = tpu.memref_slice %arg6[%run_scoped3A_582, %dma_wait3A_872, %dma_wait3A_873] : memref<4x128x32xf32, #tpu.memory_space<vmem>> -> memref<1x128x32xf32, #tpu.memory_space<vmem>>
        %dma_wait3A_875 = tpu.memref_squeeze %dma_wait3A_874 : memref<1x128x32xf32, #tpu.memory_space<vmem>> -> memref<128x32xf32, #tpu.memory_space<vmem>>
        %dma_wait3A_876 = arith.constant 0 : i32
        %dma_wait3A_877 = tpu.memref_slice %arg5[%rem3A_73, %run_scoped3A_583, %run_scoped3A_584, %dma_wait3A_876] : memref<2x28x2x128xi32, #tpu.memory_space<vmem>> -> memref<1x1x1x128xi32, #tpu.memory_space<vmem>>
        %dma_wait3A_878 = tpu.memref_squeeze %dma_wait3A_877 : memref<1x1x1x128xi32, #tpu.memory_space<vmem>> -> memref<128xi32, #tpu.memory_space<vmem>>
        %dma_wait3A_879 = arith.constant 0 : i32
        %dma_wait3A_880 = arith.constant 0 : i32
        %dma_wait3A_881 = tpu.memref_slice %arg12[%dma_wait3A_879, %dma_wait3A_880] : memref<50056x32xf32, #tpu.memory_space<vmem_shared>> -> memref<50056x32xf32, #tpu.memory_space<vmem_shared>>
        tpu.wait_indirect_dma semaphore(%run_scoped3A_861 : memref<!tpu.dma_semaphore, #tpu.memory_space<semaphore_mem>>) src(%dma_wait3A_875 : memref<128x32xf32, #tpu.memory_space<vmem>>) dst(%dma_wait3A_881 : memref<50056x32xf32, #tpu.memory_space<vmem_shared>>)
        tpu.yield
      }) : () -> ()
      %dma_start3A_585 = arith.constant 21 : i32
      %dma_start3A_586 = arith.constant 0 : i32
      %dma_start3A_587 = arith.constant 1 : i32
      %dma_start3A_588 = arith.constant 0 : i32
      %dma_start3A_589 = arith.constant 0 : i32
      %dma_start3A_590 = tpu.memref_slice %arg6[%dma_start3A_587, %dma_start3A_588, %dma_start3A_589] : memref<4x128x32xf32, #tpu.memory_space<vmem>> -> memref<1x128x32xf32, #tpu.memory_space<vmem>>
      %dma_start3A_591 = tpu.memref_squeeze %dma_start3A_590 : memref<1x128x32xf32, #tpu.memory_space<vmem>> -> memref<128x32xf32, #tpu.memory_space<vmem>>
      %dma_start3A_592 = arith.constant 0 : i32
      %dma_start3A_593 = tpu.memref_slice %arg5[%rem3A_73, %dma_start3A_585, %dma_start3A_586, %dma_start3A_592] : memref<2x28x2x128xi32, #tpu.memory_space<vmem>> -> memref<1x1x1x128xi32, #tpu.memory_space<vmem>>
      %dma_start3A_594 = tpu.memref_squeeze %dma_start3A_593 : memref<1x1x1x128xi32, #tpu.memory_space<vmem>> -> memref<128xi32, #tpu.memory_space<vmem>>
      %dma_start3A_595 = arith.constant 0 : i32
      %dma_start3A_596 = arith.constant 0 : i32
      %dma_start3A_597 = tpu.memref_slice %arg2[%dma_start3A_595, %dma_start3A_596] : memref<100096x32xf32, #tpu.memory_space<hbm>> -> memref<100096x32xf32, #tpu.memory_space<hbm>>
      tpu.enqueue_indirect_dma source(%dma_start3A_597 : memref<100096x32xf32, #tpu.memory_space<hbm>>) target(%dma_start3A_591 : memref<128x32xf32, #tpu.memory_space<vmem>>) offsets(%dma_start3A_594 : memref<128xi32, #tpu.memory_space<vmem>>) semaphore(%arg9 : memref<!tpu.dma_semaphore, #tpu.memory_space<semaphore_mem>>)
      %dma_wait3A_598 = arith.constant 18 : i32
      %dma_wait3A_599 = arith.constant 0 : i32
      %dma_wait3A_600 = arith.constant 2 : i32
      %dma_wait3A_601 = arith.constant 0 : i32
      %dma_wait3A_602 = arith.constant 0 : i32
      %dma_wait3A_603 = tpu.memref_slice %arg6[%dma_wait3A_600, %dma_wait3A_601, %dma_wait3A_602] : memref<4x128x32xf32, #tpu.memory_space<vmem>> -> memref<1x128x32xf32, #tpu.memory_space<vmem>>
      %dma_wait3A_604 = tpu.memref_squeeze %dma_wait3A_603 : memref<1x128x32xf32, #tpu.memory_space<vmem>> -> memref<128x32xf32, #tpu.memory_space<vmem>>
      %dma_wait3A_605 = arith.constant 0 : i32
      %dma_wait3A_606 = tpu.memref_slice %arg5[%rem3A_73, %dma_wait3A_598, %dma_wait3A_599, %dma_wait3A_605] : memref<2x28x2x128xi32, #tpu.memory_space<vmem>> -> memref<1x1x1x128xi32, #tpu.memory_space<vmem>>
      %dma_wait3A_607 = tpu.memref_squeeze %dma_wait3A_606 : memref<1x1x1x128xi32, #tpu.memory_space<vmem>> -> memref<128xi32, #tpu.memory_space<vmem>>
      %dma_wait3A_608 = arith.constant 0 : i32
      %dma_wait3A_609 = arith.constant 0 : i32
      %dma_wait3A_610 = tpu.memref_slice %arg2[%dma_wait3A_608, %dma_wait3A_609] : memref<100096x32xf32, #tpu.memory_space<hbm>> -> memref<100096x32xf32, #tpu.memory_space<hbm>>
      tpu.wait_indirect_dma semaphore(%arg10 : memref<!tpu.dma_semaphore, #tpu.memory_space<semaphore_mem>>) src(%dma_wait3A_610 : memref<100096x32xf32, #tpu.memory_space<hbm>>) dst(%dma_wait3A_604 : memref<128x32xf32, #tpu.memory_space<vmem>>)
      %run_scoped3A_611 = arith.constant 2 : i32
      %run_scoped3A_612 = arith.constant 18 : i32
      %run_scoped3A_613 = arith.constant 1 : i32
      "tpu.region"() ({
        %run_scoped3A_861 = tpu.sem_alloc : memref<!tpu.dma_semaphore, #tpu.memory_space<semaphore_mem>>
        %dma_start3A_862 = arith.constant 0 : i32
        %dma_start3A_863 = arith.constant 0 : i32
        %dma_start3A_864 = tpu.memref_slice %arg6[%run_scoped3A_611, %dma_start3A_862, %dma_start3A_863] : memref<4x128x32xf32, #tpu.memory_space<vmem>> -> memref<1x128x32xf32, #tpu.memory_space<vmem>>
        %dma_start3A_865 = tpu.memref_squeeze %dma_start3A_864 : memref<1x128x32xf32, #tpu.memory_space<vmem>> -> memref<128x32xf32, #tpu.memory_space<vmem>>
        %dma_start3A_866 = arith.constant 0 : i32
        %dma_start3A_867 = tpu.memref_slice %arg5[%rem3A_73, %run_scoped3A_612, %run_scoped3A_613, %dma_start3A_866] : memref<2x28x2x128xi32, #tpu.memory_space<vmem>> -> memref<1x1x1x128xi32, #tpu.memory_space<vmem>>
        %dma_start3A_868 = tpu.memref_squeeze %dma_start3A_867 : memref<1x1x1x128xi32, #tpu.memory_space<vmem>> -> memref<128xi32, #tpu.memory_space<vmem>>
        %dma_start3A_869 = arith.constant 0 : i32
        %dma_start3A_870 = arith.constant 0 : i32
        %dma_start3A_871 = tpu.memref_slice %arg12[%dma_start3A_869, %dma_start3A_870] : memref<50056x32xf32, #tpu.memory_space<vmem_shared>> -> memref<50056x32xf32, #tpu.memory_space<vmem_shared>>
        tpu.enqueue_indirect_dma source(%dma_start3A_865 : memref<128x32xf32, #tpu.memory_space<vmem>>) target(%dma_start3A_871 : memref<50056x32xf32, #tpu.memory_space<vmem_shared>>) offsets(%dma_start3A_868 : memref<128xi32, #tpu.memory_space<vmem>>) semaphore(%run_scoped3A_861 : memref<!tpu.dma_semaphore, #tpu.memory_space<semaphore_mem>>) {add = true}
        %dma_wait3A_872 = arith.constant 0 : i32
        %dma_wait3A_873 = arith.constant 0 : i32
        %dma_wait3A_874 = tpu.memref_slice %arg6[%run_scoped3A_611, %dma_wait3A_872, %dma_wait3A_873] : memref<4x128x32xf32, #tpu.memory_space<vmem>> -> memref<1x128x32xf32, #tpu.memory_space<vmem>>
        %dma_wait3A_875 = tpu.memref_squeeze %dma_wait3A_874 : memref<1x128x32xf32, #tpu.memory_space<vmem>> -> memref<128x32xf32, #tpu.memory_space<vmem>>
        %dma_wait3A_876 = arith.constant 0 : i32
        %dma_wait3A_877 = tpu.memref_slice %arg5[%rem3A_73, %run_scoped3A_612, %run_scoped3A_613, %dma_wait3A_876] : memref<2x28x2x128xi32, #tpu.memory_space<vmem>> -> memref<1x1x1x128xi32, #tpu.memory_space<vmem>>
        %dma_wait3A_878 = tpu.memref_squeeze %dma_wait3A_877 : memref<1x1x1x128xi32, #tpu.memory_space<vmem>> -> memref<128xi32, #tpu.memory_space<vmem>>
        %dma_wait3A_879 = arith.constant 0 : i32
        %dma_wait3A_880 = arith.constant 0 : i32
        %dma_wait3A_881 = tpu.memref_slice %arg12[%dma_wait3A_879, %dma_wait3A_880] : memref<50056x32xf32, #tpu.memory_space<vmem_shared>> -> memref<50056x32xf32, #tpu.memory_space<vmem_shared>>
        tpu.wait_indirect_dma semaphore(%run_scoped3A_861 : memref<!tpu.dma_semaphore, #tpu.memory_space<semaphore_mem>>) src(%dma_wait3A_875 : memref<128x32xf32, #tpu.memory_space<vmem>>) dst(%dma_wait3A_881 : memref<50056x32xf32, #tpu.memory_space<vmem_shared>>)
        tpu.yield
      }) : () -> ()
      %dma_start3A_614 = arith.constant 22 : i32
      %dma_start3A_615 = arith.constant 0 : i32
      %dma_start3A_616 = arith.constant 2 : i32
      %dma_start3A_617 = arith.constant 0 : i32
      %dma_start3A_618 = arith.constant 0 : i32
      %dma_start3A_619 = tpu.memref_slice %arg6[%dma_start3A_616, %dma_start3A_617, %dma_start3A_618] : memref<4x128x32xf32, #tpu.memory_space<vmem>> -> memref<1x128x32xf32, #tpu.memory_space<vmem>>
      %dma_start3A_620 = tpu.memref_squeeze %dma_start3A_619 : memref<1x128x32xf32, #tpu.memory_space<vmem>> -> memref<128x32xf32, #tpu.memory_space<vmem>>
      %dma_start3A_621 = arith.constant 0 : i32
      %dma_start3A_622 = tpu.memref_slice %arg5[%rem3A_73, %dma_start3A_614, %dma_start3A_615, %dma_start3A_621] : memref<2x28x2x128xi32, #tpu.memory_space<vmem>> -> memref<1x1x1x128xi32, #tpu.memory_space<vmem>>
      %dma_start3A_623 = tpu.memref_squeeze %dma_start3A_622 : memref<1x1x1x128xi32, #tpu.memory_space<vmem>> -> memref<128xi32, #tpu.memory_space<vmem>>
      %dma_start3A_624 = arith.constant 0 : i32
      %dma_start3A_625 = arith.constant 0 : i32
      %dma_start3A_626 = tpu.memref_slice %arg2[%dma_start3A_624, %dma_start3A_625] : memref<100096x32xf32, #tpu.memory_space<hbm>> -> memref<100096x32xf32, #tpu.memory_space<hbm>>
      tpu.enqueue_indirect_dma source(%dma_start3A_626 : memref<100096x32xf32, #tpu.memory_space<hbm>>) target(%dma_start3A_620 : memref<128x32xf32, #tpu.memory_space<vmem>>) offsets(%dma_start3A_623 : memref<128xi32, #tpu.memory_space<vmem>>) semaphore(%arg10 : memref<!tpu.dma_semaphore, #tpu.memory_space<semaphore_mem>>)
      %dma_wait3A_627 = arith.constant 19 : i32
      %dma_wait3A_628 = arith.constant 0 : i32
      %dma_wait3A_629 = arith.constant 3 : i32
      %dma_wait3A_630 = arith.constant 0 : i32
      %dma_wait3A_631 = arith.constant 0 : i32
      %dma_wait3A_632 = tpu.memref_slice %arg6[%dma_wait3A_629, %dma_wait3A_630, %dma_wait3A_631] : memref<4x128x32xf32, #tpu.memory_space<vmem>> -> memref<1x128x32xf32, #tpu.memory_space<vmem>>
      %dma_wait3A_633 = tpu.memref_squeeze %dma_wait3A_632 : memref<1x128x32xf32, #tpu.memory_space<vmem>> -> memref<128x32xf32, #tpu.memory_space<vmem>>
      %dma_wait3A_634 = arith.constant 0 : i32
      %dma_wait3A_635 = tpu.memref_slice %arg5[%rem3A_73, %dma_wait3A_627, %dma_wait3A_628, %dma_wait3A_634] : memref<2x28x2x128xi32, #tpu.memory_space<vmem>> -> memref<1x1x1x128xi32, #tpu.memory_space<vmem>>
      %dma_wait3A_636 = tpu.memref_squeeze %dma_wait3A_635 : memref<1x1x1x128xi32, #tpu.memory_space<vmem>> -> memref<128xi32, #tpu.memory_space<vmem>>
      %dma_wait3A_637 = arith.constant 0 : i32
      %dma_wait3A_638 = arith.constant 0 : i32
      %dma_wait3A_639 = tpu.memref_slice %arg2[%dma_wait3A_637, %dma_wait3A_638] : memref<100096x32xf32, #tpu.memory_space<hbm>> -> memref<100096x32xf32, #tpu.memory_space<hbm>>
      tpu.wait_indirect_dma semaphore(%arg11 : memref<!tpu.dma_semaphore, #tpu.memory_space<semaphore_mem>>) src(%dma_wait3A_639 : memref<100096x32xf32, #tpu.memory_space<hbm>>) dst(%dma_wait3A_633 : memref<128x32xf32, #tpu.memory_space<vmem>>)
      %run_scoped3A_640 = arith.constant 3 : i32
      %run_scoped3A_641 = arith.constant 19 : i32
      %run_scoped3A_642 = arith.constant 1 : i32
      "tpu.region"() ({
        %run_scoped3A_861 = tpu.sem_alloc : memref<!tpu.dma_semaphore, #tpu.memory_space<semaphore_mem>>
        %dma_start3A_862 = arith.constant 0 : i32
        %dma_start3A_863 = arith.constant 0 : i32
        %dma_start3A_864 = tpu.memref_slice %arg6[%run_scoped3A_640, %dma_start3A_862, %dma_start3A_863] : memref<4x128x32xf32, #tpu.memory_space<vmem>> -> memref<1x128x32xf32, #tpu.memory_space<vmem>>
        %dma_start3A_865 = tpu.memref_squeeze %dma_start3A_864 : memref<1x128x32xf32, #tpu.memory_space<vmem>> -> memref<128x32xf32, #tpu.memory_space<vmem>>
        %dma_start3A_866 = arith.constant 0 : i32
        %dma_start3A_867 = tpu.memref_slice %arg5[%rem3A_73, %run_scoped3A_641, %run_scoped3A_642, %dma_start3A_866] : memref<2x28x2x128xi32, #tpu.memory_space<vmem>> -> memref<1x1x1x128xi32, #tpu.memory_space<vmem>>
        %dma_start3A_868 = tpu.memref_squeeze %dma_start3A_867 : memref<1x1x1x128xi32, #tpu.memory_space<vmem>> -> memref<128xi32, #tpu.memory_space<vmem>>
        %dma_start3A_869 = arith.constant 0 : i32
        %dma_start3A_870 = arith.constant 0 : i32
        %dma_start3A_871 = tpu.memref_slice %arg12[%dma_start3A_869, %dma_start3A_870] : memref<50056x32xf32, #tpu.memory_space<vmem_shared>> -> memref<50056x32xf32, #tpu.memory_space<vmem_shared>>
        tpu.enqueue_indirect_dma source(%dma_start3A_865 : memref<128x32xf32, #tpu.memory_space<vmem>>) target(%dma_start3A_871 : memref<50056x32xf32, #tpu.memory_space<vmem_shared>>) offsets(%dma_start3A_868 : memref<128xi32, #tpu.memory_space<vmem>>) semaphore(%run_scoped3A_861 : memref<!tpu.dma_semaphore, #tpu.memory_space<semaphore_mem>>) {add = true}
        %dma_wait3A_872 = arith.constant 0 : i32
        %dma_wait3A_873 = arith.constant 0 : i32
        %dma_wait3A_874 = tpu.memref_slice %arg6[%run_scoped3A_640, %dma_wait3A_872, %dma_wait3A_873] : memref<4x128x32xf32, #tpu.memory_space<vmem>> -> memref<1x128x32xf32, #tpu.memory_space<vmem>>
        %dma_wait3A_875 = tpu.memref_squeeze %dma_wait3A_874 : memref<1x128x32xf32, #tpu.memory_space<vmem>> -> memref<128x32xf32, #tpu.memory_space<vmem>>
        %dma_wait3A_876 = arith.constant 0 : i32
        %dma_wait3A_877 = tpu.memref_slice %arg5[%rem3A_73, %run_scoped3A_641, %run_scoped3A_642, %dma_wait3A_876] : memref<2x28x2x128xi32, #tpu.memory_space<vmem>> -> memref<1x1x1x128xi32, #tpu.memory_space<vmem>>
        %dma_wait3A_878 = tpu.memref_squeeze %dma_wait3A_877 : memref<1x1x1x128xi32, #tpu.memory_space<vmem>> -> memref<128xi32, #tpu.memory_space<vmem>>
        %dma_wait3A_879 = arith.constant 0 : i32
        %dma_wait3A_880 = arith.constant 0 : i32
        %dma_wait3A_881 = tpu.memref_slice %arg12[%dma_wait3A_879, %dma_wait3A_880] : memref<50056x32xf32, #tpu.memory_space<vmem_shared>> -> memref<50056x32xf32, #tpu.memory_space<vmem_shared>>
        tpu.wait_indirect_dma semaphore(%run_scoped3A_861 : memref<!tpu.dma_semaphore, #tpu.memory_space<semaphore_mem>>) src(%dma_wait3A_875 : memref<128x32xf32, #tpu.memory_space<vmem>>) dst(%dma_wait3A_881 : memref<50056x32xf32, #tpu.memory_space<vmem_shared>>)
        tpu.yield
      }) : () -> ()
      %dma_start3A_643 = arith.constant 23 : i32
      %dma_start3A_644 = arith.constant 0 : i32
      %dma_start3A_645 = arith.constant 3 : i32
      %dma_start3A_646 = arith.constant 0 : i32
      %dma_start3A_647 = arith.constant 0 : i32
      %dma_start3A_648 = tpu.memref_slice %arg6[%dma_start3A_645, %dma_start3A_646, %dma_start3A_647] : memref<4x128x32xf32, #tpu.memory_space<vmem>> -> memref<1x128x32xf32, #tpu.memory_space<vmem>>
      %dma_start3A_649 = tpu.memref_squeeze %dma_start3A_648 : memref<1x128x32xf32, #tpu.memory_space<vmem>> -> memref<128x32xf32, #tpu.memory_space<vmem>>
      %dma_start3A_650 = arith.constant 0 : i32
      %dma_start3A_651 = tpu.memref_slice %arg5[%rem3A_73, %dma_start3A_643, %dma_start3A_644, %dma_start3A_650] : memref<2x28x2x128xi32, #tpu.memory_space<vmem>> -> memref<1x1x1x128xi32, #tpu.memory_space<vmem>>
      %dma_start3A_652 = tpu.memref_squeeze %dma_start3A_651 : memref<1x1x1x128xi32, #tpu.memory_space<vmem>> -> memref<128xi32, #tpu.memory_space<vmem>>
      %dma_start3A_653 = arith.constant 0 : i32
      %dma_start3A_654 = arith.constant 0 : i32
      %dma_start3A_655 = tpu.memref_slice %arg2[%dma_start3A_653, %dma_start3A_654] : memref<100096x32xf32, #tpu.memory_space<hbm>> -> memref<100096x32xf32, #tpu.memory_space<hbm>>
      tpu.enqueue_indirect_dma source(%dma_start3A_655 : memref<100096x32xf32, #tpu.memory_space<hbm>>) target(%dma_start3A_649 : memref<128x32xf32, #tpu.memory_space<vmem>>) offsets(%dma_start3A_652 : memref<128xi32, #tpu.memory_space<vmem>>) semaphore(%arg11 : memref<!tpu.dma_semaphore, #tpu.memory_space<semaphore_mem>>)
      %dma_wait3A_656 = arith.constant 20 : i32
      %dma_wait3A_657 = arith.constant 0 : i32
      %dma_wait3A_658 = arith.constant 0 : i32
      %dma_wait3A_659 = arith.constant 0 : i32
      %dma_wait3A_660 = arith.constant 0 : i32
      %dma_wait3A_661 = tpu.memref_slice %arg6[%dma_wait3A_658, %dma_wait3A_659, %dma_wait3A_660] : memref<4x128x32xf32, #tpu.memory_space<vmem>> -> memref<1x128x32xf32, #tpu.memory_space<vmem>>
      %dma_wait3A_662 = tpu.memref_squeeze %dma_wait3A_661 : memref<1x128x32xf32, #tpu.memory_space<vmem>> -> memref<128x32xf32, #tpu.memory_space<vmem>>
      %dma_wait3A_663 = arith.constant 0 : i32
      %dma_wait3A_664 = tpu.memref_slice %arg5[%rem3A_73, %dma_wait3A_656, %dma_wait3A_657, %dma_wait3A_663] : memref<2x28x2x128xi32, #tpu.memory_space<vmem>> -> memref<1x1x1x128xi32, #tpu.memory_space<vmem>>
      %dma_wait3A_665 = tpu.memref_squeeze %dma_wait3A_664 : memref<1x1x1x128xi32, #tpu.memory_space<vmem>> -> memref<128xi32, #tpu.memory_space<vmem>>
      %dma_wait3A_666 = arith.constant 0 : i32
      %dma_wait3A_667 = arith.constant 0 : i32
      %dma_wait3A_668 = tpu.memref_slice %arg2[%dma_wait3A_666, %dma_wait3A_667] : memref<100096x32xf32, #tpu.memory_space<hbm>> -> memref<100096x32xf32, #tpu.memory_space<hbm>>
      tpu.wait_indirect_dma semaphore(%arg8 : memref<!tpu.dma_semaphore, #tpu.memory_space<semaphore_mem>>) src(%dma_wait3A_668 : memref<100096x32xf32, #tpu.memory_space<hbm>>) dst(%dma_wait3A_662 : memref<128x32xf32, #tpu.memory_space<vmem>>)
      %run_scoped3A_669 = arith.constant 0 : i32
      %run_scoped3A_670 = arith.constant 20 : i32
      %run_scoped3A_671 = arith.constant 1 : i32
      "tpu.region"() ({
        %run_scoped3A_861 = tpu.sem_alloc : memref<!tpu.dma_semaphore, #tpu.memory_space<semaphore_mem>>
        %dma_start3A_862 = arith.constant 0 : i32
        %dma_start3A_863 = arith.constant 0 : i32
        %dma_start3A_864 = tpu.memref_slice %arg6[%run_scoped3A_669, %dma_start3A_862, %dma_start3A_863] : memref<4x128x32xf32, #tpu.memory_space<vmem>> -> memref<1x128x32xf32, #tpu.memory_space<vmem>>
        %dma_start3A_865 = tpu.memref_squeeze %dma_start3A_864 : memref<1x128x32xf32, #tpu.memory_space<vmem>> -> memref<128x32xf32, #tpu.memory_space<vmem>>
        %dma_start3A_866 = arith.constant 0 : i32
        %dma_start3A_867 = tpu.memref_slice %arg5[%rem3A_73, %run_scoped3A_670, %run_scoped3A_671, %dma_start3A_866] : memref<2x28x2x128xi32, #tpu.memory_space<vmem>> -> memref<1x1x1x128xi32, #tpu.memory_space<vmem>>
        %dma_start3A_868 = tpu.memref_squeeze %dma_start3A_867 : memref<1x1x1x128xi32, #tpu.memory_space<vmem>> -> memref<128xi32, #tpu.memory_space<vmem>>
        %dma_start3A_869 = arith.constant 0 : i32
        %dma_start3A_870 = arith.constant 0 : i32
        %dma_start3A_871 = tpu.memref_slice %arg12[%dma_start3A_869, %dma_start3A_870] : memref<50056x32xf32, #tpu.memory_space<vmem_shared>> -> memref<50056x32xf32, #tpu.memory_space<vmem_shared>>
        tpu.enqueue_indirect_dma source(%dma_start3A_865 : memref<128x32xf32, #tpu.memory_space<vmem>>) target(%dma_start3A_871 : memref<50056x32xf32, #tpu.memory_space<vmem_shared>>) offsets(%dma_start3A_868 : memref<128xi32, #tpu.memory_space<vmem>>) semaphore(%run_scoped3A_861 : memref<!tpu.dma_semaphore, #tpu.memory_space<semaphore_mem>>) {add = true}
        %dma_wait3A_872 = arith.constant 0 : i32
        %dma_wait3A_873 = arith.constant 0 : i32
        %dma_wait3A_874 = tpu.memref_slice %arg6[%run_scoped3A_669, %dma_wait3A_872, %dma_wait3A_873] : memref<4x128x32xf32, #tpu.memory_space<vmem>> -> memref<1x128x32xf32, #tpu.memory_space<vmem>>
        %dma_wait3A_875 = tpu.memref_squeeze %dma_wait3A_874 : memref<1x128x32xf32, #tpu.memory_space<vmem>> -> memref<128x32xf32, #tpu.memory_space<vmem>>
        %dma_wait3A_876 = arith.constant 0 : i32
        %dma_wait3A_877 = tpu.memref_slice %arg5[%rem3A_73, %run_scoped3A_670, %run_scoped3A_671, %dma_wait3A_876] : memref<2x28x2x128xi32, #tpu.memory_space<vmem>> -> memref<1x1x1x128xi32, #tpu.memory_space<vmem>>
        %dma_wait3A_878 = tpu.memref_squeeze %dma_wait3A_877 : memref<1x1x1x128xi32, #tpu.memory_space<vmem>> -> memref<128xi32, #tpu.memory_space<vmem>>
        %dma_wait3A_879 = arith.constant 0 : i32
        %dma_wait3A_880 = arith.constant 0 : i32
        %dma_wait3A_881 = tpu.memref_slice %arg12[%dma_wait3A_879, %dma_wait3A_880] : memref<50056x32xf32, #tpu.memory_space<vmem_shared>> -> memref<50056x32xf32, #tpu.memory_space<vmem_shared>>
        tpu.wait_indirect_dma semaphore(%run_scoped3A_861 : memref<!tpu.dma_semaphore, #tpu.memory_space<semaphore_mem>>) src(%dma_wait3A_875 : memref<128x32xf32, #tpu.memory_space<vmem>>) dst(%dma_wait3A_881 : memref<50056x32xf32, #tpu.memory_space<vmem_shared>>)
        tpu.yield
      }) : () -> ()
      %dma_start3A_672 = arith.constant 24 : i32
      %dma_start3A_673 = arith.constant 0 : i32
      %dma_start3A_674 = arith.constant 0 : i32
      %dma_start3A_675 = arith.constant 0 : i32
      %dma_start3A_676 = arith.constant 0 : i32
      %dma_start3A_677 = tpu.memref_slice %arg6[%dma_start3A_674, %dma_start3A_675, %dma_start3A_676] : memref<4x128x32xf32, #tpu.memory_space<vmem>> -> memref<1x128x32xf32, #tpu.memory_space<vmem>>
      %dma_start3A_678 = tpu.memref_squeeze %dma_start3A_677 : memref<1x128x32xf32, #tpu.memory_space<vmem>> -> memref<128x32xf32, #tpu.memory_space<vmem>>
      %dma_start3A_679 = arith.constant 0 : i32
      %dma_start3A_680 = tpu.memref_slice %arg5[%rem3A_73, %dma_start3A_672, %dma_start3A_673, %dma_start3A_679] : memref<2x28x2x128xi32, #tpu.memory_space<vmem>> -> memref<1x1x1x128xi32, #tpu.memory_space<vmem>>
      %dma_start3A_681 = tpu.memref_squeeze %dma_start3A_680 : memref<1x1x1x128xi32, #tpu.memory_space<vmem>> -> memref<128xi32, #tpu.memory_space<vmem>>
      %dma_start3A_682 = arith.constant 0 : i32
      %dma_start3A_683 = arith.constant 0 : i32
      %dma_start3A_684 = tpu.memref_slice %arg2[%dma_start3A_682, %dma_start3A_683] : memref<100096x32xf32, #tpu.memory_space<hbm>> -> memref<100096x32xf32, #tpu.memory_space<hbm>>
      tpu.enqueue_indirect_dma source(%dma_start3A_684 : memref<100096x32xf32, #tpu.memory_space<hbm>>) target(%dma_start3A_678 : memref<128x32xf32, #tpu.memory_space<vmem>>) offsets(%dma_start3A_681 : memref<128xi32, #tpu.memory_space<vmem>>) semaphore(%arg8 : memref<!tpu.dma_semaphore, #tpu.memory_space<semaphore_mem>>)
      %dma_wait3A_685 = arith.constant 21 : i32
      %dma_wait3A_686 = arith.constant 0 : i32
      %dma_wait3A_687 = arith.constant 1 : i32
      %dma_wait3A_688 = arith.constant 0 : i32
      %dma_wait3A_689 = arith.constant 0 : i32
      %dma_wait3A_690 = tpu.memref_slice %arg6[%dma_wait3A_687, %dma_wait3A_688, %dma_wait3A_689] : memref<4x128x32xf32, #tpu.memory_space<vmem>> -> memref<1x128x32xf32, #tpu.memory_space<vmem>>
      %dma_wait3A_691 = tpu.memref_squeeze %dma_wait3A_690 : memref<1x128x32xf32, #tpu.memory_space<vmem>> -> memref<128x32xf32, #tpu.memory_space<vmem>>
      %dma_wait3A_692 = arith.constant 0 : i32
      %dma_wait3A_693 = tpu.memref_slice %arg5[%rem3A_73, %dma_wait3A_685, %dma_wait3A_686, %dma_wait3A_692] : memref<2x28x2x128xi32, #tpu.memory_space<vmem>> -> memref<1x1x1x128xi32, #tpu.memory_space<vmem>>
      %dma_wait3A_694 = tpu.memref_squeeze %dma_wait3A_693 : memref<1x1x1x128xi32, #tpu.memory_space<vmem>> -> memref<128xi32, #tpu.memory_space<vmem>>
      %dma_wait3A_695 = arith.constant 0 : i32
      %dma_wait3A_696 = arith.constant 0 : i32
      %dma_wait3A_697 = tpu.memref_slice %arg2[%dma_wait3A_695, %dma_wait3A_696] : memref<100096x32xf32, #tpu.memory_space<hbm>> -> memref<100096x32xf32, #tpu.memory_space<hbm>>
      tpu.wait_indirect_dma semaphore(%arg9 : memref<!tpu.dma_semaphore, #tpu.memory_space<semaphore_mem>>) src(%dma_wait3A_697 : memref<100096x32xf32, #tpu.memory_space<hbm>>) dst(%dma_wait3A_691 : memref<128x32xf32, #tpu.memory_space<vmem>>)
      %run_scoped3A_698 = arith.constant 1 : i32
      %run_scoped3A_699 = arith.constant 21 : i32
      %run_scoped3A_700 = arith.constant 1 : i32
      "tpu.region"() ({
        %run_scoped3A_861 = tpu.sem_alloc : memref<!tpu.dma_semaphore, #tpu.memory_space<semaphore_mem>>
        %dma_start3A_862 = arith.constant 0 : i32
        %dma_start3A_863 = arith.constant 0 : i32
        %dma_start3A_864 = tpu.memref_slice %arg6[%run_scoped3A_698, %dma_start3A_862, %dma_start3A_863] : memref<4x128x32xf32, #tpu.memory_space<vmem>> -> memref<1x128x32xf32, #tpu.memory_space<vmem>>
        %dma_start3A_865 = tpu.memref_squeeze %dma_start3A_864 : memref<1x128x32xf32, #tpu.memory_space<vmem>> -> memref<128x32xf32, #tpu.memory_space<vmem>>
        %dma_start3A_866 = arith.constant 0 : i32
        %dma_start3A_867 = tpu.memref_slice %arg5[%rem3A_73, %run_scoped3A_699, %run_scoped3A_700, %dma_start3A_866] : memref<2x28x2x128xi32, #tpu.memory_space<vmem>> -> memref<1x1x1x128xi32, #tpu.memory_space<vmem>>
        %dma_start3A_868 = tpu.memref_squeeze %dma_start3A_867 : memref<1x1x1x128xi32, #tpu.memory_space<vmem>> -> memref<128xi32, #tpu.memory_space<vmem>>
        %dma_start3A_869 = arith.constant 0 : i32
        %dma_start3A_870 = arith.constant 0 : i32
        %dma_start3A_871 = tpu.memref_slice %arg12[%dma_start3A_869, %dma_start3A_870] : memref<50056x32xf32, #tpu.memory_space<vmem_shared>> -> memref<50056x32xf32, #tpu.memory_space<vmem_shared>>
        tpu.enqueue_indirect_dma source(%dma_start3A_865 : memref<128x32xf32, #tpu.memory_space<vmem>>) target(%dma_start3A_871 : memref<50056x32xf32, #tpu.memory_space<vmem_shared>>) offsets(%dma_start3A_868 : memref<128xi32, #tpu.memory_space<vmem>>) semaphore(%run_scoped3A_861 : memref<!tpu.dma_semaphore, #tpu.memory_space<semaphore_mem>>) {add = true}
        %dma_wait3A_872 = arith.constant 0 : i32
        %dma_wait3A_873 = arith.constant 0 : i32
        %dma_wait3A_874 = tpu.memref_slice %arg6[%run_scoped3A_698, %dma_wait3A_872, %dma_wait3A_873] : memref<4x128x32xf32, #tpu.memory_space<vmem>> -> memref<1x128x32xf32, #tpu.memory_space<vmem>>
        %dma_wait3A_875 = tpu.memref_squeeze %dma_wait3A_874 : memref<1x128x32xf32, #tpu.memory_space<vmem>> -> memref<128x32xf32, #tpu.memory_space<vmem>>
        %dma_wait3A_876 = arith.constant 0 : i32
        %dma_wait3A_877 = tpu.memref_slice %arg5[%rem3A_73, %run_scoped3A_699, %run_scoped3A_700, %dma_wait3A_876] : memref<2x28x2x128xi32, #tpu.memory_space<vmem>> -> memref<1x1x1x128xi32, #tpu.memory_space<vmem>>
        %dma_wait3A_878 = tpu.memref_squeeze %dma_wait3A_877 : memref<1x1x1x128xi32, #tpu.memory_space<vmem>> -> memref<128xi32, #tpu.memory_space<vmem>>
        %dma_wait3A_879 = arith.constant 0 : i32
        %dma_wait3A_880 = arith.constant 0 : i32
        %dma_wait3A_881 = tpu.memref_slice %arg12[%dma_wait3A_879, %dma_wait3A_880] : memref<50056x32xf32, #tpu.memory_space<vmem_shared>> -> memref<50056x32xf32, #tpu.memory_space<vmem_shared>>
        tpu.wait_indirect_dma semaphore(%run_scoped3A_861 : memref<!tpu.dma_semaphore, #tpu.memory_space<semaphore_mem>>) src(%dma_wait3A_875 : memref<128x32xf32, #tpu.memory_space<vmem>>) dst(%dma_wait3A_881 : memref<50056x32xf32, #tpu.memory_space<vmem_shared>>)
        tpu.yield
      }) : () -> ()
      %dma_start3A_701 = arith.constant 25 : i32
      %dma_start3A_702 = arith.constant 0 : i32
      %dma_start3A_703 = arith.constant 1 : i32
      %dma_start3A_704 = arith.constant 0 : i32
      %dma_start3A_705 = arith.constant 0 : i32
      %dma_start3A_706 = tpu.memref_slice %arg6[%dma_start3A_703, %dma_start3A_704, %dma_start3A_705] : memref<4x128x32xf32, #tpu.memory_space<vmem>> -> memref<1x128x32xf32, #tpu.memory_space<vmem>>
      %dma_start3A_707 = tpu.memref_squeeze %dma_start3A_706 : memref<1x128x32xf32, #tpu.memory_space<vmem>> -> memref<128x32xf32, #tpu.memory_space<vmem>>
      %dma_start3A_708 = arith.constant 0 : i32
      %dma_start3A_709 = tpu.memref_slice %arg5[%rem3A_73, %dma_start3A_701, %dma_start3A_702, %dma_start3A_708] : memref<2x28x2x128xi32, #tpu.memory_space<vmem>> -> memref<1x1x1x128xi32, #tpu.memory_space<vmem>>
      %dma_start3A_710 = tpu.memref_squeeze %dma_start3A_709 : memref<1x1x1x128xi32, #tpu.memory_space<vmem>> -> memref<128xi32, #tpu.memory_space<vmem>>
      %dma_start3A_711 = arith.constant 0 : i32
      %dma_start3A_712 = arith.constant 0 : i32
      %dma_start3A_713 = tpu.memref_slice %arg2[%dma_start3A_711, %dma_start3A_712] : memref<100096x32xf32, #tpu.memory_space<hbm>> -> memref<100096x32xf32, #tpu.memory_space<hbm>>
      tpu.enqueue_indirect_dma source(%dma_start3A_713 : memref<100096x32xf32, #tpu.memory_space<hbm>>) target(%dma_start3A_707 : memref<128x32xf32, #tpu.memory_space<vmem>>) offsets(%dma_start3A_710 : memref<128xi32, #tpu.memory_space<vmem>>) semaphore(%arg9 : memref<!tpu.dma_semaphore, #tpu.memory_space<semaphore_mem>>)
      %dma_wait3A_714 = arith.constant 22 : i32
      %dma_wait3A_715 = arith.constant 0 : i32
      %dma_wait3A_716 = arith.constant 2 : i32
      %dma_wait3A_717 = arith.constant 0 : i32
      %dma_wait3A_718 = arith.constant 0 : i32
      %dma_wait3A_719 = tpu.memref_slice %arg6[%dma_wait3A_716, %dma_wait3A_717, %dma_wait3A_718] : memref<4x128x32xf32, #tpu.memory_space<vmem>> -> memref<1x128x32xf32, #tpu.memory_space<vmem>>
      %dma_wait3A_720 = tpu.memref_squeeze %dma_wait3A_719 : memref<1x128x32xf32, #tpu.memory_space<vmem>> -> memref<128x32xf32, #tpu.memory_space<vmem>>
      %dma_wait3A_721 = arith.constant 0 : i32
      %dma_wait3A_722 = tpu.memref_slice %arg5[%rem3A_73, %dma_wait3A_714, %dma_wait3A_715, %dma_wait3A_721] : memref<2x28x2x128xi32, #tpu.memory_space<vmem>> -> memref<1x1x1x128xi32, #tpu.memory_space<vmem>>
      %dma_wait3A_723 = tpu.memref_squeeze %dma_wait3A_722 : memref<1x1x1x128xi32, #tpu.memory_space<vmem>> -> memref<128xi32, #tpu.memory_space<vmem>>
      %dma_wait3A_724 = arith.constant 0 : i32
      %dma_wait3A_725 = arith.constant 0 : i32
      %dma_wait3A_726 = tpu.memref_slice %arg2[%dma_wait3A_724, %dma_wait3A_725] : memref<100096x32xf32, #tpu.memory_space<hbm>> -> memref<100096x32xf32, #tpu.memory_space<hbm>>
      tpu.wait_indirect_dma semaphore(%arg10 : memref<!tpu.dma_semaphore, #tpu.memory_space<semaphore_mem>>) src(%dma_wait3A_726 : memref<100096x32xf32, #tpu.memory_space<hbm>>) dst(%dma_wait3A_720 : memref<128x32xf32, #tpu.memory_space<vmem>>)
      %run_scoped3A_727 = arith.constant 2 : i32
      %run_scoped3A_728 = arith.constant 22 : i32
      %run_scoped3A_729 = arith.constant 1 : i32
      "tpu.region"() ({
        %run_scoped3A_861 = tpu.sem_alloc : memref<!tpu.dma_semaphore, #tpu.memory_space<semaphore_mem>>
        %dma_start3A_862 = arith.constant 0 : i32
        %dma_start3A_863 = arith.constant 0 : i32
        %dma_start3A_864 = tpu.memref_slice %arg6[%run_scoped3A_727, %dma_start3A_862, %dma_start3A_863] : memref<4x128x32xf32, #tpu.memory_space<vmem>> -> memref<1x128x32xf32, #tpu.memory_space<vmem>>
        %dma_start3A_865 = tpu.memref_squeeze %dma_start3A_864 : memref<1x128x32xf32, #tpu.memory_space<vmem>> -> memref<128x32xf32, #tpu.memory_space<vmem>>
        %dma_start3A_866 = arith.constant 0 : i32
        %dma_start3A_867 = tpu.memref_slice %arg5[%rem3A_73, %run_scoped3A_728, %run_scoped3A_729, %dma_start3A_866] : memref<2x28x2x128xi32, #tpu.memory_space<vmem>> -> memref<1x1x1x128xi32, #tpu.memory_space<vmem>>
        %dma_start3A_868 = tpu.memref_squeeze %dma_start3A_867 : memref<1x1x1x128xi32, #tpu.memory_space<vmem>> -> memref<128xi32, #tpu.memory_space<vmem>>
        %dma_start3A_869 = arith.constant 0 : i32
        %dma_start3A_870 = arith.constant 0 : i32
        %dma_start3A_871 = tpu.memref_slice %arg12[%dma_start3A_869, %dma_start3A_870] : memref<50056x32xf32, #tpu.memory_space<vmem_shared>> -> memref<50056x32xf32, #tpu.memory_space<vmem_shared>>
        tpu.enqueue_indirect_dma source(%dma_start3A_865 : memref<128x32xf32, #tpu.memory_space<vmem>>) target(%dma_start3A_871 : memref<50056x32xf32, #tpu.memory_space<vmem_shared>>) offsets(%dma_start3A_868 : memref<128xi32, #tpu.memory_space<vmem>>) semaphore(%run_scoped3A_861 : memref<!tpu.dma_semaphore, #tpu.memory_space<semaphore_mem>>) {add = true}
        %dma_wait3A_872 = arith.constant 0 : i32
        %dma_wait3A_873 = arith.constant 0 : i32
        %dma_wait3A_874 = tpu.memref_slice %arg6[%run_scoped3A_727, %dma_wait3A_872, %dma_wait3A_873] : memref<4x128x32xf32, #tpu.memory_space<vmem>> -> memref<1x128x32xf32, #tpu.memory_space<vmem>>
        %dma_wait3A_875 = tpu.memref_squeeze %dma_wait3A_874 : memref<1x128x32xf32, #tpu.memory_space<vmem>> -> memref<128x32xf32, #tpu.memory_space<vmem>>
        %dma_wait3A_876 = arith.constant 0 : i32
        %dma_wait3A_877 = tpu.memref_slice %arg5[%rem3A_73, %run_scoped3A_728, %run_scoped3A_729, %dma_wait3A_876] : memref<2x28x2x128xi32, #tpu.memory_space<vmem>> -> memref<1x1x1x128xi32, #tpu.memory_space<vmem>>
        %dma_wait3A_878 = tpu.memref_squeeze %dma_wait3A_877 : memref<1x1x1x128xi32, #tpu.memory_space<vmem>> -> memref<128xi32, #tpu.memory_space<vmem>>
        %dma_wait3A_879 = arith.constant 0 : i32
        %dma_wait3A_880 = arith.constant 0 : i32
        %dma_wait3A_881 = tpu.memref_slice %arg12[%dma_wait3A_879, %dma_wait3A_880] : memref<50056x32xf32, #tpu.memory_space<vmem_shared>> -> memref<50056x32xf32, #tpu.memory_space<vmem_shared>>
        tpu.wait_indirect_dma semaphore(%run_scoped3A_861 : memref<!tpu.dma_semaphore, #tpu.memory_space<semaphore_mem>>) src(%dma_wait3A_875 : memref<128x32xf32, #tpu.memory_space<vmem>>) dst(%dma_wait3A_881 : memref<50056x32xf32, #tpu.memory_space<vmem_shared>>)
        tpu.yield
      }) : () -> ()
      %dma_start3A_730 = arith.constant 26 : i32
      %dma_start3A_731 = arith.constant 0 : i32
      %dma_start3A_732 = arith.constant 2 : i32
      %dma_start3A_733 = arith.constant 0 : i32
      %dma_start3A_734 = arith.constant 0 : i32
      %dma_start3A_735 = tpu.memref_slice %arg6[%dma_start3A_732, %dma_start3A_733, %dma_start3A_734] : memref<4x128x32xf32, #tpu.memory_space<vmem>> -> memref<1x128x32xf32, #tpu.memory_space<vmem>>
      %dma_start3A_736 = tpu.memref_squeeze %dma_start3A_735 : memref<1x128x32xf32, #tpu.memory_space<vmem>> -> memref<128x32xf32, #tpu.memory_space<vmem>>
      %dma_start3A_737 = arith.constant 0 : i32
      %dma_start3A_738 = tpu.memref_slice %arg5[%rem3A_73, %dma_start3A_730, %dma_start3A_731, %dma_start3A_737] : memref<2x28x2x128xi32, #tpu.memory_space<vmem>> -> memref<1x1x1x128xi32, #tpu.memory_space<vmem>>
      %dma_start3A_739 = tpu.memref_squeeze %dma_start3A_738 : memref<1x1x1x128xi32, #tpu.memory_space<vmem>> -> memref<128xi32, #tpu.memory_space<vmem>>
      %dma_start3A_740 = arith.constant 0 : i32
      %dma_start3A_741 = arith.constant 0 : i32
      %dma_start3A_742 = tpu.memref_slice %arg2[%dma_start3A_740, %dma_start3A_741] : memref<100096x32xf32, #tpu.memory_space<hbm>> -> memref<100096x32xf32, #tpu.memory_space<hbm>>
      tpu.enqueue_indirect_dma source(%dma_start3A_742 : memref<100096x32xf32, #tpu.memory_space<hbm>>) target(%dma_start3A_736 : memref<128x32xf32, #tpu.memory_space<vmem>>) offsets(%dma_start3A_739 : memref<128xi32, #tpu.memory_space<vmem>>) semaphore(%arg10 : memref<!tpu.dma_semaphore, #tpu.memory_space<semaphore_mem>>)
      %dma_wait3A_743 = arith.constant 23 : i32
      %dma_wait3A_744 = arith.constant 0 : i32
      %dma_wait3A_745 = arith.constant 3 : i32
      %dma_wait3A_746 = arith.constant 0 : i32
      %dma_wait3A_747 = arith.constant 0 : i32
      %dma_wait3A_748 = tpu.memref_slice %arg6[%dma_wait3A_745, %dma_wait3A_746, %dma_wait3A_747] : memref<4x128x32xf32, #tpu.memory_space<vmem>> -> memref<1x128x32xf32, #tpu.memory_space<vmem>>
      %dma_wait3A_749 = tpu.memref_squeeze %dma_wait3A_748 : memref<1x128x32xf32, #tpu.memory_space<vmem>> -> memref<128x32xf32, #tpu.memory_space<vmem>>
      %dma_wait3A_750 = arith.constant 0 : i32
      %dma_wait3A_751 = tpu.memref_slice %arg5[%rem3A_73, %dma_wait3A_743, %dma_wait3A_744, %dma_wait3A_750] : memref<2x28x2x128xi32, #tpu.memory_space<vmem>> -> memref<1x1x1x128xi32, #tpu.memory_space<vmem>>
      %dma_wait3A_752 = tpu.memref_squeeze %dma_wait3A_751 : memref<1x1x1x128xi32, #tpu.memory_space<vmem>> -> memref<128xi32, #tpu.memory_space<vmem>>
      %dma_wait3A_753 = arith.constant 0 : i32
      %dma_wait3A_754 = arith.constant 0 : i32
      %dma_wait3A_755 = tpu.memref_slice %arg2[%dma_wait3A_753, %dma_wait3A_754] : memref<100096x32xf32, #tpu.memory_space<hbm>> -> memref<100096x32xf32, #tpu.memory_space<hbm>>
      tpu.wait_indirect_dma semaphore(%arg11 : memref<!tpu.dma_semaphore, #tpu.memory_space<semaphore_mem>>) src(%dma_wait3A_755 : memref<100096x32xf32, #tpu.memory_space<hbm>>) dst(%dma_wait3A_749 : memref<128x32xf32, #tpu.memory_space<vmem>>)
      %run_scoped3A_756 = arith.constant 3 : i32
      %run_scoped3A_757 = arith.constant 23 : i32
      %run_scoped3A_758 = arith.constant 1 : i32
      "tpu.region"() ({
        %run_scoped3A_861 = tpu.sem_alloc : memref<!tpu.dma_semaphore, #tpu.memory_space<semaphore_mem>>
        %dma_start3A_862 = arith.constant 0 : i32
        %dma_start3A_863 = arith.constant 0 : i32
        %dma_start3A_864 = tpu.memref_slice %arg6[%run_scoped3A_756, %dma_start3A_862, %dma_start3A_863] : memref<4x128x32xf32, #tpu.memory_space<vmem>> -> memref<1x128x32xf32, #tpu.memory_space<vmem>>
        %dma_start3A_865 = tpu.memref_squeeze %dma_start3A_864 : memref<1x128x32xf32, #tpu.memory_space<vmem>> -> memref<128x32xf32, #tpu.memory_space<vmem>>
        %dma_start3A_866 = arith.constant 0 : i32
        %dma_start3A_867 = tpu.memref_slice %arg5[%rem3A_73, %run_scoped3A_757, %run_scoped3A_758, %dma_start3A_866] : memref<2x28x2x128xi32, #tpu.memory_space<vmem>> -> memref<1x1x1x128xi32, #tpu.memory_space<vmem>>
        %dma_start3A_868 = tpu.memref_squeeze %dma_start3A_867 : memref<1x1x1x128xi32, #tpu.memory_space<vmem>> -> memref<128xi32, #tpu.memory_space<vmem>>
        %dma_start3A_869 = arith.constant 0 : i32
        %dma_start3A_870 = arith.constant 0 : i32
        %dma_start3A_871 = tpu.memref_slice %arg12[%dma_start3A_869, %dma_start3A_870] : memref<50056x32xf32, #tpu.memory_space<vmem_shared>> -> memref<50056x32xf32, #tpu.memory_space<vmem_shared>>
        tpu.enqueue_indirect_dma source(%dma_start3A_865 : memref<128x32xf32, #tpu.memory_space<vmem>>) target(%dma_start3A_871 : memref<50056x32xf32, #tpu.memory_space<vmem_shared>>) offsets(%dma_start3A_868 : memref<128xi32, #tpu.memory_space<vmem>>) semaphore(%run_scoped3A_861 : memref<!tpu.dma_semaphore, #tpu.memory_space<semaphore_mem>>) {add = true}
        %dma_wait3A_872 = arith.constant 0 : i32
        %dma_wait3A_873 = arith.constant 0 : i32
        %dma_wait3A_874 = tpu.memref_slice %arg6[%run_scoped3A_756, %dma_wait3A_872, %dma_wait3A_873] : memref<4x128x32xf32, #tpu.memory_space<vmem>> -> memref<1x128x32xf32, #tpu.memory_space<vmem>>
        %dma_wait3A_875 = tpu.memref_squeeze %dma_wait3A_874 : memref<1x128x32xf32, #tpu.memory_space<vmem>> -> memref<128x32xf32, #tpu.memory_space<vmem>>
        %dma_wait3A_876 = arith.constant 0 : i32
        %dma_wait3A_877 = tpu.memref_slice %arg5[%rem3A_73, %run_scoped3A_757, %run_scoped3A_758, %dma_wait3A_876] : memref<2x28x2x128xi32, #tpu.memory_space<vmem>> -> memref<1x1x1x128xi32, #tpu.memory_space<vmem>>
        %dma_wait3A_878 = tpu.memref_squeeze %dma_wait3A_877 : memref<1x1x1x128xi32, #tpu.memory_space<vmem>> -> memref<128xi32, #tpu.memory_space<vmem>>
        %dma_wait3A_879 = arith.constant 0 : i32
        %dma_wait3A_880 = arith.constant 0 : i32
        %dma_wait3A_881 = tpu.memref_slice %arg12[%dma_wait3A_879, %dma_wait3A_880] : memref<50056x32xf32, #tpu.memory_space<vmem_shared>> -> memref<50056x32xf32, #tpu.memory_space<vmem_shared>>
        tpu.wait_indirect_dma semaphore(%run_scoped3A_861 : memref<!tpu.dma_semaphore, #tpu.memory_space<semaphore_mem>>) src(%dma_wait3A_875 : memref<128x32xf32, #tpu.memory_space<vmem>>) dst(%dma_wait3A_881 : memref<50056x32xf32, #tpu.memory_space<vmem_shared>>)
        tpu.yield
      }) : () -> ()
      %dma_start3A_759 = arith.constant 27 : i32
      %dma_start3A_760 = arith.constant 0 : i32
      %dma_start3A_761 = arith.constant 3 : i32
      %dma_start3A_762 = arith.constant 0 : i32
      %dma_start3A_763 = arith.constant 0 : i32
      %dma_start3A_764 = tpu.memref_slice %arg6[%dma_start3A_761, %dma_start3A_762, %dma_start3A_763] : memref<4x128x32xf32, #tpu.memory_space<vmem>> -> memref<1x128x32xf32, #tpu.memory_space<vmem>>
      %dma_start3A_765 = tpu.memref_squeeze %dma_start3A_764 : memref<1x128x32xf32, #tpu.memory_space<vmem>> -> memref<128x32xf32, #tpu.memory_space<vmem>>
      %dma_start3A_766 = arith.constant 0 : i32
      %dma_start3A_767 = tpu.memref_slice %arg5[%rem3A_73, %dma_start3A_759, %dma_start3A_760, %dma_start3A_766] : memref<2x28x2x128xi32, #tpu.memory_space<vmem>> -> memref<1x1x1x128xi32, #tpu.memory_space<vmem>>
      %dma_start3A_768 = tpu.memref_squeeze %dma_start3A_767 : memref<1x1x1x128xi32, #tpu.memory_space<vmem>> -> memref<128xi32, #tpu.memory_space<vmem>>
      %dma_start3A_769 = arith.constant 0 : i32
      %dma_start3A_770 = arith.constant 0 : i32
      %dma_start3A_771 = tpu.memref_slice %arg2[%dma_start3A_769, %dma_start3A_770] : memref<100096x32xf32, #tpu.memory_space<hbm>> -> memref<100096x32xf32, #tpu.memory_space<hbm>>
      tpu.enqueue_indirect_dma source(%dma_start3A_771 : memref<100096x32xf32, #tpu.memory_space<hbm>>) target(%dma_start3A_765 : memref<128x32xf32, #tpu.memory_space<vmem>>) offsets(%dma_start3A_768 : memref<128xi32, #tpu.memory_space<vmem>>) semaphore(%arg11 : memref<!tpu.dma_semaphore, #tpu.memory_space<semaphore_mem>>)
      %lt3A_772 = arith.constant 13 : i32
      %lt3A_773 = arith.cmpi slt, %scan3A_72, %lt3A_772 : i32
      %convert_element_type3A_774 = arith.extui %lt3A_773 : i1 to i32
      %cond3A_775 = arith.constant 0 : i32
      %cond3A_776 = arith.cmpi ne, %convert_element_type3A_774, %cond3A_775 : i32
      scf.if %cond3A_776 {
        %dma_wait3A_861 = arith.constant 0 : i32
        %dma_wait3A_862 = arith.constant 0 : i32
        %dma_wait3A_863 = arith.constant 0 : i32
        %dma_wait3A_864 = tpu.memref_slice %arg5[%sub3A_74, %dma_wait3A_861, %dma_wait3A_862, %dma_wait3A_863] : memref<2x28x2x128xi32, #tpu.memory_space<vmem>> -> memref<1x28x2x128xi32, #tpu.memory_space<vmem>>
        %dma_wait3A_865 = tpu.memref_squeeze %dma_wait3A_864 : memref<1x28x2x128xi32, #tpu.memory_space<vmem>> -> memref<28x2x128xi32, #tpu.memory_space<vmem>>
        %dma_wait3A_866 = arith.constant 0 : i32
        %dma_wait3A_867 = arith.constant 0 : i32
        %dma_wait3A_868 = tpu.memref_slice %arg3[%arg0, %mul3A_0, %dma_wait3A_866, %dma_wait3A_867] : memref<2x6272x2x128xi32, #tpu.memory_space<hbm>> -> memref<1x28x2x128xi32, #tpu.memory_space<hbm>>
        %dma_wait3A_869 = tpu.memref_squeeze %dma_wait3A_868 : memref<1x28x2x128xi32, #tpu.memory_space<hbm>> -> memref<28x2x128xi32, #tpu.memory_space<hbm>>
        %dma_wait3A_870 = arith.constant 0 : i32
        %dma_wait3A_871 = arith.constant 0 : i32
        %dma_wait3A_872 = arith.constant 0 : i32
        %dma_wait3A_873 = tpu.memref_slice %arg5[%sub3A_74, %dma_wait3A_870, %dma_wait3A_871, %dma_wait3A_872] : memref<2x28x2x128xi32, #tpu.memory_space<vmem>> -> memref<1x28x2x128xi32, #tpu.memory_space<vmem>>
        %dma_wait3A_874 = tpu.memref_squeeze %dma_wait3A_873 : memref<1x28x2x128xi32, #tpu.memory_space<vmem>> -> memref<28x2x128xi32, #tpu.memory_space<vmem>>
        %dma_wait3A_875 = arith.constant 0 : i32
        %dma_wait3A_876 = arith.constant 0 : i32
        %dma_wait3A_877 = tpu.memref_slice %arg3[%arg0, %mul3A_0, %dma_wait3A_875, %dma_wait3A_876] : memref<2x6272x2x128xi32, #tpu.memory_space<hbm>> -> memref<1x28x2x128xi32, #tpu.memory_space<hbm>>
        %dma_wait3A_878 = tpu.memref_squeeze %dma_wait3A_877 : memref<1x28x2x128xi32, #tpu.memory_space<hbm>> -> memref<28x2x128xi32, #tpu.memory_space<hbm>>
        tpu.wait_dma2 semaphore(%arg7 : memref<!tpu.dma_semaphore, #tpu.memory_space<semaphore_mem>>) src(%dma_wait3A_878 : memref<28x2x128xi32, #tpu.memory_space<hbm>>) dst(%dma_wait3A_874 : memref<28x2x128xi32, #tpu.memory_space<vmem>>)
      } else {
      }
      %dma_wait3A_777 = arith.constant 24 : i32
      %dma_wait3A_778 = arith.constant 0 : i32
      %dma_wait3A_779 = arith.constant 0 : i32
      %dma_wait3A_780 = arith.constant 0 : i32
      %dma_wait3A_781 = arith.constant 0 : i32
      %dma_wait3A_782 = tpu.memref_slice %arg6[%dma_wait3A_779, %dma_wait3A_780, %dma_wait3A_781] : memref<4x128x32xf32, #tpu.memory_space<vmem>> -> memref<1x128x32xf32, #tpu.memory_space<vmem>>
      %dma_wait3A_783 = tpu.memref_squeeze %dma_wait3A_782 : memref<1x128x32xf32, #tpu.memory_space<vmem>> -> memref<128x32xf32, #tpu.memory_space<vmem>>
      %dma_wait3A_784 = arith.constant 0 : i32
      %dma_wait3A_785 = tpu.memref_slice %arg5[%rem3A_73, %dma_wait3A_777, %dma_wait3A_778, %dma_wait3A_784] : memref<2x28x2x128xi32, #tpu.memory_space<vmem>> -> memref<1x1x1x128xi32, #tpu.memory_space<vmem>>
      %dma_wait3A_786 = tpu.memref_squeeze %dma_wait3A_785 : memref<1x1x1x128xi32, #tpu.memory_space<vmem>> -> memref<128xi32, #tpu.memory_space<vmem>>
      %dma_wait3A_787 = arith.constant 0 : i32
      %dma_wait3A_788 = arith.constant 0 : i32
      %dma_wait3A_789 = tpu.memref_slice %arg2[%dma_wait3A_787, %dma_wait3A_788] : memref<100096x32xf32, #tpu.memory_space<hbm>> -> memref<100096x32xf32, #tpu.memory_space<hbm>>
      tpu.wait_indirect_dma semaphore(%arg8 : memref<!tpu.dma_semaphore, #tpu.memory_space<semaphore_mem>>) src(%dma_wait3A_789 : memref<100096x32xf32, #tpu.memory_space<hbm>>) dst(%dma_wait3A_783 : memref<128x32xf32, #tpu.memory_space<vmem>>)
      %run_scoped3A_790 = arith.constant 0 : i32
      %run_scoped3A_791 = arith.constant 24 : i32
      %run_scoped3A_792 = arith.constant 1 : i32
      "tpu.region"() ({
        %run_scoped3A_861 = tpu.sem_alloc : memref<!tpu.dma_semaphore, #tpu.memory_space<semaphore_mem>>
        %dma_start3A_862 = arith.constant 0 : i32
        %dma_start3A_863 = arith.constant 0 : i32
        %dma_start3A_864 = tpu.memref_slice %arg6[%run_scoped3A_790, %dma_start3A_862, %dma_start3A_863] : memref<4x128x32xf32, #tpu.memory_space<vmem>> -> memref<1x128x32xf32, #tpu.memory_space<vmem>>
        %dma_start3A_865 = tpu.memref_squeeze %dma_start3A_864 : memref<1x128x32xf32, #tpu.memory_space<vmem>> -> memref<128x32xf32, #tpu.memory_space<vmem>>
        %dma_start3A_866 = arith.constant 0 : i32
        %dma_start3A_867 = tpu.memref_slice %arg5[%rem3A_73, %run_scoped3A_791, %run_scoped3A_792, %dma_start3A_866] : memref<2x28x2x128xi32, #tpu.memory_space<vmem>> -> memref<1x1x1x128xi32, #tpu.memory_space<vmem>>
        %dma_start3A_868 = tpu.memref_squeeze %dma_start3A_867 : memref<1x1x1x128xi32, #tpu.memory_space<vmem>> -> memref<128xi32, #tpu.memory_space<vmem>>
        %dma_start3A_869 = arith.constant 0 : i32
        %dma_start3A_870 = arith.constant 0 : i32
        %dma_start3A_871 = tpu.memref_slice %arg12[%dma_start3A_869, %dma_start3A_870] : memref<50056x32xf32, #tpu.memory_space<vmem_shared>> -> memref<50056x32xf32, #tpu.memory_space<vmem_shared>>
        tpu.enqueue_indirect_dma source(%dma_start3A_865 : memref<128x32xf32, #tpu.memory_space<vmem>>) target(%dma_start3A_871 : memref<50056x32xf32, #tpu.memory_space<vmem_shared>>) offsets(%dma_start3A_868 : memref<128xi32, #tpu.memory_space<vmem>>) semaphore(%run_scoped3A_861 : memref<!tpu.dma_semaphore, #tpu.memory_space<semaphore_mem>>) {add = true}
        %dma_wait3A_872 = arith.constant 0 : i32
        %dma_wait3A_873 = arith.constant 0 : i32
        %dma_wait3A_874 = tpu.memref_slice %arg6[%run_scoped3A_790, %dma_wait3A_872, %dma_wait3A_873] : memref<4x128x32xf32, #tpu.memory_space<vmem>> -> memref<1x128x32xf32, #tpu.memory_space<vmem>>
        %dma_wait3A_875 = tpu.memref_squeeze %dma_wait3A_874 : memref<1x128x32xf32, #tpu.memory_space<vmem>> -> memref<128x32xf32, #tpu.memory_space<vmem>>
        %dma_wait3A_876 = arith.constant 0 : i32
        %dma_wait3A_877 = tpu.memref_slice %arg5[%rem3A_73, %run_scoped3A_791, %run_scoped3A_792, %dma_wait3A_876] : memref<2x28x2x128xi32, #tpu.memory_space<vmem>> -> memref<1x1x1x128xi32, #tpu.memory_space<vmem>>
        %dma_wait3A_878 = tpu.memref_squeeze %dma_wait3A_877 : memref<1x1x1x128xi32, #tpu.memory_space<vmem>> -> memref<128xi32, #tpu.memory_space<vmem>>
        %dma_wait3A_879 = arith.constant 0 : i32
        %dma_wait3A_880 = arith.constant 0 : i32
        %dma_wait3A_881 = tpu.memref_slice %arg12[%dma_wait3A_879, %dma_wait3A_880] : memref<50056x32xf32, #tpu.memory_space<vmem_shared>> -> memref<50056x32xf32, #tpu.memory_space<vmem_shared>>
        tpu.wait_indirect_dma semaphore(%run_scoped3A_861 : memref<!tpu.dma_semaphore, #tpu.memory_space<semaphore_mem>>) src(%dma_wait3A_875 : memref<128x32xf32, #tpu.memory_space<vmem>>) dst(%dma_wait3A_881 : memref<50056x32xf32, #tpu.memory_space<vmem_shared>>)
        tpu.yield
      }) : () -> ()
      %lt3A_793 = arith.constant 13 : i32
      %lt3A_794 = arith.cmpi slt, %scan3A_72, %lt3A_793 : i32
      %convert_element_type3A_795 = arith.extui %lt3A_794 : i1 to i32
      %cond3A_796 = arith.constant 0 : i32
      %cond3A_797 = arith.cmpi ne, %convert_element_type3A_795, %cond3A_796 : i32
      scf.if %cond3A_797 {
        %dma_start3A_861 = arith.constant 0 : i32
        %dma_start3A_862 = arith.constant 0 : i32
        %dma_start3A_863 = arith.constant 0 : i32
        %dma_start3A_864 = arith.constant 0 : i32
        %dma_start3A_865 = arith.constant 0 : i32
        %dma_start3A_866 = tpu.memref_slice %arg6[%dma_start3A_863, %dma_start3A_864, %dma_start3A_865] : memref<4x128x32xf32, #tpu.memory_space<vmem>> -> memref<1x128x32xf32, #tpu.memory_space<vmem>>
        %dma_start3A_867 = tpu.memref_squeeze %dma_start3A_866 : memref<1x128x32xf32, #tpu.memory_space<vmem>> -> memref<128x32xf32, #tpu.memory_space<vmem>>
        %dma_start3A_868 = arith.constant 0 : i32
        %dma_start3A_869 = tpu.memref_slice %arg5[%sub3A_74, %dma_start3A_861, %dma_start3A_862, %dma_start3A_868] : memref<2x28x2x128xi32, #tpu.memory_space<vmem>> -> memref<1x1x1x128xi32, #tpu.memory_space<vmem>>
        %dma_start3A_870 = tpu.memref_squeeze %dma_start3A_869 : memref<1x1x1x128xi32, #tpu.memory_space<vmem>> -> memref<128xi32, #tpu.memory_space<vmem>>
        %dma_start3A_871 = arith.constant 0 : i32
        %dma_start3A_872 = arith.constant 0 : i32
        %dma_start3A_873 = tpu.memref_slice %arg2[%dma_start3A_871, %dma_start3A_872] : memref<100096x32xf32, #tpu.memory_space<hbm>> -> memref<100096x32xf32, #tpu.memory_space<hbm>>
        tpu.enqueue_indirect_dma source(%dma_start3A_873 : memref<100096x32xf32, #tpu.memory_space<hbm>>) target(%dma_start3A_867 : memref<128x32xf32, #tpu.memory_space<vmem>>) offsets(%dma_start3A_870 : memref<128xi32, #tpu.memory_space<vmem>>) semaphore(%arg8 : memref<!tpu.dma_semaphore, #tpu.memory_space<semaphore_mem>>)
      } else {
      }
      %dma_wait3A_798 = arith.constant 25 : i32
      %dma_wait3A_799 = arith.constant 0 : i32
      %dma_wait3A_800 = arith.constant 1 : i32
      %dma_wait3A_801 = arith.constant 0 : i32
      %dma_wait3A_802 = arith.constant 0 : i32
      %dma_wait3A_803 = tpu.memref_slice %arg6[%dma_wait3A_800, %dma_wait3A_801, %dma_wait3A_802] : memref<4x128x32xf32, #tpu.memory_space<vmem>> -> memref<1x128x32xf32, #tpu.memory_space<vmem>>
      %dma_wait3A_804 = tpu.memref_squeeze %dma_wait3A_803 : memref<1x128x32xf32, #tpu.memory_space<vmem>> -> memref<128x32xf32, #tpu.memory_space<vmem>>
      %dma_wait3A_805 = arith.constant 0 : i32
      %dma_wait3A_806 = tpu.memref_slice %arg5[%rem3A_73, %dma_wait3A_798, %dma_wait3A_799, %dma_wait3A_805] : memref<2x28x2x128xi32, #tpu.memory_space<vmem>> -> memref<1x1x1x128xi32, #tpu.memory_space<vmem>>
      %dma_wait3A_807 = tpu.memref_squeeze %dma_wait3A_806 : memref<1x1x1x128xi32, #tpu.memory_space<vmem>> -> memref<128xi32, #tpu.memory_space<vmem>>
      %dma_wait3A_808 = arith.constant 0 : i32
      %dma_wait3A_809 = arith.constant 0 : i32
      %dma_wait3A_810 = tpu.memref_slice %arg2[%dma_wait3A_808, %dma_wait3A_809] : memref<100096x32xf32, #tpu.memory_space<hbm>> -> memref<100096x32xf32, #tpu.memory_space<hbm>>
      tpu.wait_indirect_dma semaphore(%arg9 : memref<!tpu.dma_semaphore, #tpu.memory_space<semaphore_mem>>) src(%dma_wait3A_810 : memref<100096x32xf32, #tpu.memory_space<hbm>>) dst(%dma_wait3A_804 : memref<128x32xf32, #tpu.memory_space<vmem>>)
      %run_scoped3A_811 = arith.constant 1 : i32
      %run_scoped3A_812 = arith.constant 25 : i32
      %run_scoped3A_813 = arith.constant 1 : i32
      "tpu.region"() ({
        %run_scoped3A_861 = tpu.sem_alloc : memref<!tpu.dma_semaphore, #tpu.memory_space<semaphore_mem>>
        %dma_start3A_862 = arith.constant 0 : i32
        %dma_start3A_863 = arith.constant 0 : i32
        %dma_start3A_864 = tpu.memref_slice %arg6[%run_scoped3A_811, %dma_start3A_862, %dma_start3A_863] : memref<4x128x32xf32, #tpu.memory_space<vmem>> -> memref<1x128x32xf32, #tpu.memory_space<vmem>>
        %dma_start3A_865 = tpu.memref_squeeze %dma_start3A_864 : memref<1x128x32xf32, #tpu.memory_space<vmem>> -> memref<128x32xf32, #tpu.memory_space<vmem>>
        %dma_start3A_866 = arith.constant 0 : i32
        %dma_start3A_867 = tpu.memref_slice %arg5[%rem3A_73, %run_scoped3A_812, %run_scoped3A_813, %dma_start3A_866] : memref<2x28x2x128xi32, #tpu.memory_space<vmem>> -> memref<1x1x1x128xi32, #tpu.memory_space<vmem>>
        %dma_start3A_868 = tpu.memref_squeeze %dma_start3A_867 : memref<1x1x1x128xi32, #tpu.memory_space<vmem>> -> memref<128xi32, #tpu.memory_space<vmem>>
        %dma_start3A_869 = arith.constant 0 : i32
        %dma_start3A_870 = arith.constant 0 : i32
        %dma_start3A_871 = tpu.memref_slice %arg12[%dma_start3A_869, %dma_start3A_870] : memref<50056x32xf32, #tpu.memory_space<vmem_shared>> -> memref<50056x32xf32, #tpu.memory_space<vmem_shared>>
        tpu.enqueue_indirect_dma source(%dma_start3A_865 : memref<128x32xf32, #tpu.memory_space<vmem>>) target(%dma_start3A_871 : memref<50056x32xf32, #tpu.memory_space<vmem_shared>>) offsets(%dma_start3A_868 : memref<128xi32, #tpu.memory_space<vmem>>) semaphore(%run_scoped3A_861 : memref<!tpu.dma_semaphore, #tpu.memory_space<semaphore_mem>>) {add = true}
        %dma_wait3A_872 = arith.constant 0 : i32
        %dma_wait3A_873 = arith.constant 0 : i32
        %dma_wait3A_874 = tpu.memref_slice %arg6[%run_scoped3A_811, %dma_wait3A_872, %dma_wait3A_873] : memref<4x128x32xf32, #tpu.memory_space<vmem>> -> memref<1x128x32xf32, #tpu.memory_space<vmem>>
        %dma_wait3A_875 = tpu.memref_squeeze %dma_wait3A_874 : memref<1x128x32xf32, #tpu.memory_space<vmem>> -> memref<128x32xf32, #tpu.memory_space<vmem>>
        %dma_wait3A_876 = arith.constant 0 : i32
        %dma_wait3A_877 = tpu.memref_slice %arg5[%rem3A_73, %run_scoped3A_812, %run_scoped3A_813, %dma_wait3A_876] : memref<2x28x2x128xi32, #tpu.memory_space<vmem>> -> memref<1x1x1x128xi32, #tpu.memory_space<vmem>>
        %dma_wait3A_878 = tpu.memref_squeeze %dma_wait3A_877 : memref<1x1x1x128xi32, #tpu.memory_space<vmem>> -> memref<128xi32, #tpu.memory_space<vmem>>
        %dma_wait3A_879 = arith.constant 0 : i32
        %dma_wait3A_880 = arith.constant 0 : i32
        %dma_wait3A_881 = tpu.memref_slice %arg12[%dma_wait3A_879, %dma_wait3A_880] : memref<50056x32xf32, #tpu.memory_space<vmem_shared>> -> memref<50056x32xf32, #tpu.memory_space<vmem_shared>>
        tpu.wait_indirect_dma semaphore(%run_scoped3A_861 : memref<!tpu.dma_semaphore, #tpu.memory_space<semaphore_mem>>) src(%dma_wait3A_875 : memref<128x32xf32, #tpu.memory_space<vmem>>) dst(%dma_wait3A_881 : memref<50056x32xf32, #tpu.memory_space<vmem_shared>>)
        tpu.yield
      }) : () -> ()
      %lt3A_814 = arith.constant 13 : i32
      %lt3A_815 = arith.cmpi slt, %scan3A_72, %lt3A_814 : i32
      %convert_element_type3A_816 = arith.extui %lt3A_815 : i1 to i32
      %cond3A_817 = arith.constant 0 : i32
      %cond3A_818 = arith.cmpi ne, %convert_element_type3A_816, %cond3A_817 : i32
      scf.if %cond3A_818 {
        %dma_start3A_861 = arith.constant 1 : i32
        %dma_start3A_862 = arith.constant 0 : i32
        %dma_start3A_863 = arith.constant 1 : i32
        %dma_start3A_864 = arith.constant 0 : i32
        %dma_start3A_865 = arith.constant 0 : i32
        %dma_start3A_866 = tpu.memref_slice %arg6[%dma_start3A_863, %dma_start3A_864, %dma_start3A_865] : memref<4x128x32xf32, #tpu.memory_space<vmem>> -> memref<1x128x32xf32, #tpu.memory_space<vmem>>
        %dma_start3A_867 = tpu.memref_squeeze %dma_start3A_866 : memref<1x128x32xf32, #tpu.memory_space<vmem>> -> memref<128x32xf32, #tpu.memory_space<vmem>>
        %dma_start3A_868 = arith.constant 0 : i32
        %dma_start3A_869 = tpu.memref_slice %arg5[%sub3A_74, %dma_start3A_861, %dma_start3A_862, %dma_start3A_868] : memref<2x28x2x128xi32, #tpu.memory_space<vmem>> -> memref<1x1x1x128xi32, #tpu.memory_space<vmem>>
        %dma_start3A_870 = tpu.memref_squeeze %dma_start3A_869 : memref<1x1x1x128xi32, #tpu.memory_space<vmem>> -> memref<128xi32, #tpu.memory_space<vmem>>
        %dma_start3A_871 = arith.constant 0 : i32
        %dma_start3A_872 = arith.constant 0 : i32
        %dma_start3A_873 = tpu.memref_slice %arg2[%dma_start3A_871, %dma_start3A_872] : memref<100096x32xf32, #tpu.memory_space<hbm>> -> memref<100096x32xf32, #tpu.memory_space<hbm>>
        tpu.enqueue_indirect_dma source(%dma_start3A_873 : memref<100096x32xf32, #tpu.memory_space<hbm>>) target(%dma_start3A_867 : memref<128x32xf32, #tpu.memory_space<vmem>>) offsets(%dma_start3A_870 : memref<128xi32, #tpu.memory_space<vmem>>) semaphore(%arg9 : memref<!tpu.dma_semaphore, #tpu.memory_space<semaphore_mem>>)
      } else {
      }
      %dma_wait3A_819 = arith.constant 26 : i32
      %dma_wait3A_820 = arith.constant 0 : i32
      %dma_wait3A_821 = arith.constant 2 : i32
      %dma_wait3A_822 = arith.constant 0 : i32
      %dma_wait3A_823 = arith.constant 0 : i32
      %dma_wait3A_824 = tpu.memref_slice %arg6[%dma_wait3A_821, %dma_wait3A_822, %dma_wait3A_823] : memref<4x128x32xf32, #tpu.memory_space<vmem>> -> memref<1x128x32xf32, #tpu.memory_space<vmem>>
      %dma_wait3A_825 = tpu.memref_squeeze %dma_wait3A_824 : memref<1x128x32xf32, #tpu.memory_space<vmem>> -> memref<128x32xf32, #tpu.memory_space<vmem>>
      %dma_wait3A_826 = arith.constant 0 : i32
      %dma_wait3A_827 = tpu.memref_slice %arg5[%rem3A_73, %dma_wait3A_819, %dma_wait3A_820, %dma_wait3A_826] : memref<2x28x2x128xi32, #tpu.memory_space<vmem>> -> memref<1x1x1x128xi32, #tpu.memory_space<vmem>>
      %dma_wait3A_828 = tpu.memref_squeeze %dma_wait3A_827 : memref<1x1x1x128xi32, #tpu.memory_space<vmem>> -> memref<128xi32, #tpu.memory_space<vmem>>
      %dma_wait3A_829 = arith.constant 0 : i32
      %dma_wait3A_830 = arith.constant 0 : i32
      %dma_wait3A_831 = tpu.memref_slice %arg2[%dma_wait3A_829, %dma_wait3A_830] : memref<100096x32xf32, #tpu.memory_space<hbm>> -> memref<100096x32xf32, #tpu.memory_space<hbm>>
      tpu.wait_indirect_dma semaphore(%arg10 : memref<!tpu.dma_semaphore, #tpu.memory_space<semaphore_mem>>) src(%dma_wait3A_831 : memref<100096x32xf32, #tpu.memory_space<hbm>>) dst(%dma_wait3A_825 : memref<128x32xf32, #tpu.memory_space<vmem>>)
      %run_scoped3A_832 = arith.constant 2 : i32
      %run_scoped3A_833 = arith.constant 26 : i32
      %run_scoped3A_834 = arith.constant 1 : i32
      "tpu.region"() ({
        %run_scoped3A_861 = tpu.sem_alloc : memref<!tpu.dma_semaphore, #tpu.memory_space<semaphore_mem>>
        %dma_start3A_862 = arith.constant 0 : i32
        %dma_start3A_863 = arith.constant 0 : i32
        %dma_start3A_864 = tpu.memref_slice %arg6[%run_scoped3A_832, %dma_start3A_862, %dma_start3A_863] : memref<4x128x32xf32, #tpu.memory_space<vmem>> -> memref<1x128x32xf32, #tpu.memory_space<vmem>>
        %dma_start3A_865 = tpu.memref_squeeze %dma_start3A_864 : memref<1x128x32xf32, #tpu.memory_space<vmem>> -> memref<128x32xf32, #tpu.memory_space<vmem>>
        %dma_start3A_866 = arith.constant 0 : i32
        %dma_start3A_867 = tpu.memref_slice %arg5[%rem3A_73, %run_scoped3A_833, %run_scoped3A_834, %dma_start3A_866] : memref<2x28x2x128xi32, #tpu.memory_space<vmem>> -> memref<1x1x1x128xi32, #tpu.memory_space<vmem>>
        %dma_start3A_868 = tpu.memref_squeeze %dma_start3A_867 : memref<1x1x1x128xi32, #tpu.memory_space<vmem>> -> memref<128xi32, #tpu.memory_space<vmem>>
        %dma_start3A_869 = arith.constant 0 : i32
        %dma_start3A_870 = arith.constant 0 : i32
        %dma_start3A_871 = tpu.memref_slice %arg12[%dma_start3A_869, %dma_start3A_870] : memref<50056x32xf32, #tpu.memory_space<vmem_shared>> -> memref<50056x32xf32, #tpu.memory_space<vmem_shared>>
        tpu.enqueue_indirect_dma source(%dma_start3A_865 : memref<128x32xf32, #tpu.memory_space<vmem>>) target(%dma_start3A_871 : memref<50056x32xf32, #tpu.memory_space<vmem_shared>>) offsets(%dma_start3A_868 : memref<128xi32, #tpu.memory_space<vmem>>) semaphore(%run_scoped3A_861 : memref<!tpu.dma_semaphore, #tpu.memory_space<semaphore_mem>>) {add = true}
        %dma_wait3A_872 = arith.constant 0 : i32
        %dma_wait3A_873 = arith.constant 0 : i32
        %dma_wait3A_874 = tpu.memref_slice %arg6[%run_scoped3A_832, %dma_wait3A_872, %dma_wait3A_873] : memref<4x128x32xf32, #tpu.memory_space<vmem>> -> memref<1x128x32xf32, #tpu.memory_space<vmem>>
        %dma_wait3A_875 = tpu.memref_squeeze %dma_wait3A_874 : memref<1x128x32xf32, #tpu.memory_space<vmem>> -> memref<128x32xf32, #tpu.memory_space<vmem>>
        %dma_wait3A_876 = arith.constant 0 : i32
        %dma_wait3A_877 = tpu.memref_slice %arg5[%rem3A_73, %run_scoped3A_833, %run_scoped3A_834, %dma_wait3A_876] : memref<2x28x2x128xi32, #tpu.memory_space<vmem>> -> memref<1x1x1x128xi32, #tpu.memory_space<vmem>>
        %dma_wait3A_878 = tpu.memref_squeeze %dma_wait3A_877 : memref<1x1x1x128xi32, #tpu.memory_space<vmem>> -> memref<128xi32, #tpu.memory_space<vmem>>
        %dma_wait3A_879 = arith.constant 0 : i32
        %dma_wait3A_880 = arith.constant 0 : i32
        %dma_wait3A_881 = tpu.memref_slice %arg12[%dma_wait3A_879, %dma_wait3A_880] : memref<50056x32xf32, #tpu.memory_space<vmem_shared>> -> memref<50056x32xf32, #tpu.memory_space<vmem_shared>>
        tpu.wait_indirect_dma semaphore(%run_scoped3A_861 : memref<!tpu.dma_semaphore, #tpu.memory_space<semaphore_mem>>) src(%dma_wait3A_875 : memref<128x32xf32, #tpu.memory_space<vmem>>) dst(%dma_wait3A_881 : memref<50056x32xf32, #tpu.memory_space<vmem_shared>>)
        tpu.yield
      }) : () -> ()
      %lt3A_835 = arith.constant 13 : i32
      %lt3A_836 = arith.cmpi slt, %scan3A_72, %lt3A_835 : i32
      %convert_element_type3A_837 = arith.extui %lt3A_836 : i1 to i32
      %cond3A_838 = arith.constant 0 : i32
      %cond3A_839 = arith.cmpi ne, %convert_element_type3A_837, %cond3A_838 : i32
      scf.if %cond3A_839 {
        %dma_start3A_861 = arith.constant 2 : i32
        %dma_start3A_862 = arith.constant 0 : i32
        %dma_start3A_863 = arith.constant 2 : i32
        %dma_start3A_864 = arith.constant 0 : i32
        %dma_start3A_865 = arith.constant 0 : i32
        %dma_start3A_866 = tpu.memref_slice %arg6[%dma_start3A_863, %dma_start3A_864, %dma_start3A_865] : memref<4x128x32xf32, #tpu.memory_space<vmem>> -> memref<1x128x32xf32, #tpu.memory_space<vmem>>
        %dma_start3A_867 = tpu.memref_squeeze %dma_start3A_866 : memref<1x128x32xf32, #tpu.memory_space<vmem>> -> memref<128x32xf32, #tpu.memory_space<vmem>>
        %dma_start3A_868 = arith.constant 0 : i32
        %dma_start3A_869 = tpu.memref_slice %arg5[%sub3A_74, %dma_start3A_861, %dma_start3A_862, %dma_start3A_868] : memref<2x28x2x128xi32, #tpu.memory_space<vmem>> -> memref<1x1x1x128xi32, #tpu.memory_space<vmem>>
        %dma_start3A_870 = tpu.memref_squeeze %dma_start3A_869 : memref<1x1x1x128xi32, #tpu.memory_space<vmem>> -> memref<128xi32, #tpu.memory_space<vmem>>
        %dma_start3A_871 = arith.constant 0 : i32
        %dma_start3A_872 = arith.constant 0 : i32
        %dma_start3A_873 = tpu.memref_slice %arg2[%dma_start3A_871, %dma_start3A_872] : memref<100096x32xf32, #tpu.memory_space<hbm>> -> memref<100096x32xf32, #tpu.memory_space<hbm>>
        tpu.enqueue_indirect_dma source(%dma_start3A_873 : memref<100096x32xf32, #tpu.memory_space<hbm>>) target(%dma_start3A_867 : memref<128x32xf32, #tpu.memory_space<vmem>>) offsets(%dma_start3A_870 : memref<128xi32, #tpu.memory_space<vmem>>) semaphore(%arg10 : memref<!tpu.dma_semaphore, #tpu.memory_space<semaphore_mem>>)
      } else {
      }
      %dma_wait3A_840 = arith.constant 27 : i32
      %dma_wait3A_841 = arith.constant 0 : i32
      %dma_wait3A_842 = arith.constant 3 : i32
      %dma_wait3A_843 = arith.constant 0 : i32
      %dma_wait3A_844 = arith.constant 0 : i32
      %dma_wait3A_845 = tpu.memref_slice %arg6[%dma_wait3A_842, %dma_wait3A_843, %dma_wait3A_844] : memref<4x128x32xf32, #tpu.memory_space<vmem>> -> memref<1x128x32xf32, #tpu.memory_space<vmem>>
      %dma_wait3A_846 = tpu.memref_squeeze %dma_wait3A_845 : memref<1x128x32xf32, #tpu.memory_space<vmem>> -> memref<128x32xf32, #tpu.memory_space<vmem>>
      %dma_wait3A_847 = arith.constant 0 : i32
      %dma_wait3A_848 = tpu.memref_slice %arg5[%rem3A_73, %dma_wait3A_840, %dma_wait3A_841, %dma_wait3A_847] : memref<2x28x2x128xi32, #tpu.memory_space<vmem>> -> memref<1x1x1x128xi32, #tpu.memory_space<vmem>>
      %dma_wait3A_849 = tpu.memref_squeeze %dma_wait3A_848 : memref<1x1x1x128xi32, #tpu.memory_space<vmem>> -> memref<128xi32, #tpu.memory_space<vmem>>
      %dma_wait3A_850 = arith.constant 0 : i32
      %dma_wait3A_851 = arith.constant 0 : i32
      %dma_wait3A_852 = tpu.memref_slice %arg2[%dma_wait3A_850, %dma_wait3A_851] : memref<100096x32xf32, #tpu.memory_space<hbm>> -> memref<100096x32xf32, #tpu.memory_space<hbm>>
      tpu.wait_indirect_dma semaphore(%arg11 : memref<!tpu.dma_semaphore, #tpu.memory_space<semaphore_mem>>) src(%dma_wait3A_852 : memref<100096x32xf32, #tpu.memory_space<hbm>>) dst(%dma_wait3A_846 : memref<128x32xf32, #tpu.memory_space<vmem>>)
      %run_scoped3A_853 = arith.constant 3 : i32
      %run_scoped3A_854 = arith.constant 27 : i32
      %run_scoped3A_855 = arith.constant 1 : i32
      "tpu.region"() ({
        %run_scoped3A_861 = tpu.sem_alloc : memref<!tpu.dma_semaphore, #tpu.memory_space<semaphore_mem>>
        %dma_start3A_862 = arith.constant 0 : i32
        %dma_start3A_863 = arith.constant 0 : i32
        %dma_start3A_864 = tpu.memref_slice %arg6[%run_scoped3A_853, %dma_start3A_862, %dma_start3A_863] : memref<4x128x32xf32, #tpu.memory_space<vmem>> -> memref<1x128x32xf32, #tpu.memory_space<vmem>>
        %dma_start3A_865 = tpu.memref_squeeze %dma_start3A_864 : memref<1x128x32xf32, #tpu.memory_space<vmem>> -> memref<128x32xf32, #tpu.memory_space<vmem>>
        %dma_start3A_866 = arith.constant 0 : i32
        %dma_start3A_867 = tpu.memref_slice %arg5[%rem3A_73, %run_scoped3A_854, %run_scoped3A_855, %dma_start3A_866] : memref<2x28x2x128xi32, #tpu.memory_space<vmem>> -> memref<1x1x1x128xi32, #tpu.memory_space<vmem>>
        %dma_start3A_868 = tpu.memref_squeeze %dma_start3A_867 : memref<1x1x1x128xi32, #tpu.memory_space<vmem>> -> memref<128xi32, #tpu.memory_space<vmem>>
        %dma_start3A_869 = arith.constant 0 : i32
        %dma_start3A_870 = arith.constant 0 : i32
        %dma_start3A_871 = tpu.memref_slice %arg12[%dma_start3A_869, %dma_start3A_870] : memref<50056x32xf32, #tpu.memory_space<vmem_shared>> -> memref<50056x32xf32, #tpu.memory_space<vmem_shared>>
        tpu.enqueue_indirect_dma source(%dma_start3A_865 : memref<128x32xf32, #tpu.memory_space<vmem>>) target(%dma_start3A_871 : memref<50056x32xf32, #tpu.memory_space<vmem_shared>>) offsets(%dma_start3A_868 : memref<128xi32, #tpu.memory_space<vmem>>) semaphore(%run_scoped3A_861 : memref<!tpu.dma_semaphore, #tpu.memory_space<semaphore_mem>>) {add = true}
        %dma_wait3A_872 = arith.constant 0 : i32
        %dma_wait3A_873 = arith.constant 0 : i32
        %dma_wait3A_874 = tpu.memref_slice %arg6[%run_scoped3A_853, %dma_wait3A_872, %dma_wait3A_873] : memref<4x128x32xf32, #tpu.memory_space<vmem>> -> memref<1x128x32xf32, #tpu.memory_space<vmem>>
        %dma_wait3A_875 = tpu.memref_squeeze %dma_wait3A_874 : memref<1x128x32xf32, #tpu.memory_space<vmem>> -> memref<128x32xf32, #tpu.memory_space<vmem>>
        %dma_wait3A_876 = arith.constant 0 : i32
        %dma_wait3A_877 = tpu.memref_slice %arg5[%rem3A_73, %run_scoped3A_854, %run_scoped3A_855, %dma_wait3A_876] : memref<2x28x2x128xi32, #tpu.memory_space<vmem>> -> memref<1x1x1x128xi32, #tpu.memory_space<vmem>>
        %dma_wait3A_878 = tpu.memref_squeeze %dma_wait3A_877 : memref<1x1x1x128xi32, #tpu.memory_space<vmem>> -> memref<128xi32, #tpu.memory_space<vmem>>
        %dma_wait3A_879 = arith.constant 0 : i32
        %dma_wait3A_880 = arith.constant 0 : i32
        %dma_wait3A_881 = tpu.memref_slice %arg12[%dma_wait3A_879, %dma_wait3A_880] : memref<50056x32xf32, #tpu.memory_space<vmem_shared>> -> memref<50056x32xf32, #tpu.memory_space<vmem_shared>>
        tpu.wait_indirect_dma semaphore(%run_scoped3A_861 : memref<!tpu.dma_semaphore, #tpu.memory_space<semaphore_mem>>) src(%dma_wait3A_875 : memref<128x32xf32, #tpu.memory_space<vmem>>) dst(%dma_wait3A_881 : memref<50056x32xf32, #tpu.memory_space<vmem_shared>>)
        tpu.yield
      }) : () -> ()
      %lt3A_856 = arith.constant 13 : i32
      %lt3A_857 = arith.cmpi slt, %scan3A_72, %lt3A_856 : i32
      %convert_element_type3A_858 = arith.extui %lt3A_857 : i1 to i32
      %cond3A_859 = arith.constant 0 : i32
      %cond3A_860 = arith.cmpi ne, %convert_element_type3A_858, %cond3A_859 : i32
      scf.if %cond3A_860 {
        %dma_start3A_861 = arith.constant 3 : i32
        %dma_start3A_862 = arith.constant 0 : i32
        %dma_start3A_863 = arith.constant 3 : i32
        %dma_start3A_864 = arith.constant 0 : i32
        %dma_start3A_865 = arith.constant 0 : i32
        %dma_start3A_866 = tpu.memref_slice %arg6[%dma_start3A_863, %dma_start3A_864, %dma_start3A_865] : memref<4x128x32xf32, #tpu.memory_space<vmem>> -> memref<1x128x32xf32, #tpu.memory_space<vmem>>
        %dma_start3A_867 = tpu.memref_squeeze %dma_start3A_866 : memref<1x128x32xf32, #tpu.memory_space<vmem>> -> memref<128x32xf32, #tpu.memory_space<vmem>>
        %dma_start3A_868 = arith.constant 0 : i32
        %dma_start3A_869 = tpu.memref_slice %arg5[%sub3A_74, %dma_start3A_861, %dma_start3A_862, %dma_start3A_868] : memref<2x28x2x128xi32, #tpu.memory_space<vmem>> -> memref<1x1x1x128xi32, #tpu.memory_space<vmem>>
        %dma_start3A_870 = tpu.memref_squeeze %dma_start3A_869 : memref<1x1x1x128xi32, #tpu.memory_space<vmem>> -> memref<128xi32, #tpu.memory_space<vmem>>
        %dma_start3A_871 = arith.constant 0 : i32
        %dma_start3A_872 = arith.constant 0 : i32
        %dma_start3A_873 = tpu.memref_slice %arg2[%dma_start3A_871, %dma_start3A_872] : memref<100096x32xf32, #tpu.memory_space<hbm>> -> memref<100096x32xf32, #tpu.memory_space<hbm>>
        tpu.enqueue_indirect_dma source(%dma_start3A_873 : memref<100096x32xf32, #tpu.memory_space<hbm>>) target(%dma_start3A_867 : memref<128x32xf32, #tpu.memory_space<vmem>>) offsets(%dma_start3A_870 : memref<128xi32, #tpu.memory_space<vmem>>) semaphore(%arg11 : memref<!tpu.dma_semaphore, #tpu.memory_space<semaphore_mem>>)
      } else {
      }
    }
    %scan3A_66 = arith.constant 14 : i32
    %barrier3A_67 = arith.constant 0 : index
    tpu.barrier barrier_id(%barrier3A_67)
    %mul3A_68 = arith.constant 3128 : i32
    %mul3A_69 = arith.muli %arg1, %mul3A_68 : i32
    %mul3A_70 = arith.constant 3128 : i32
    %mul3A_71 = arith.muli %arg1, %mul3A_70 : i32
    "tpu.region"() ({
      %run_scoped3A_72 = tpu.sem_alloc : memref<!tpu.dma_semaphore, #tpu.memory_space<semaphore_mem>>
      %dma_start3A_73 = arith.constant 0 : i32
      %dma_start3A_74 = tpu.memref_slice %arg4[%arg0, %mul3A_71, %dma_start3A_73] : memref<2x50048x32xf32, #tpu.memory_space<hbm>> -> memref<1x3128x32xf32, #tpu.memory_space<hbm>>
      %dma_start3A_75 = tpu.memref_squeeze %dma_start3A_74 : memref<1x3128x32xf32, #tpu.memory_space<hbm>> -> memref<3128x32xf32, #tpu.memory_space<hbm>>
      %dma_start3A_76 = arith.constant 0 : i32
      %dma_start3A_77 = tpu.memref_slice %arg12[%mul3A_69, %dma_start3A_76] : memref<50056x32xf32, #tpu.memory_space<vmem_shared>> -> memref<3128x32xf32, #tpu.memory_space<vmem_shared>>
      tpu.enqueue_dma source(%dma_start3A_77 : memref<3128x32xf32, #tpu.memory_space<vmem_shared>>) target(%dma_start3A_75 : memref<3128x32xf32, #tpu.memory_space<hbm>>) target_semaphore(%run_scoped3A_72 : memref<!tpu.dma_semaphore, #tpu.memory_space<semaphore_mem>>)
      %dma_wait3A = arith.constant 0 : i32
      %dma_wait3A_78 = tpu.memref_slice %arg4[%arg0, %mul3A_71, %dma_wait3A] : memref<2x50048x32xf32, #tpu.memory_space<hbm>> -> memref<1x3128x32xf32, #tpu.memory_space<hbm>>
      %dma_wait3A_79 = tpu.memref_squeeze %dma_wait3A_78 : memref<1x3128x32xf32, #tpu.memory_space<hbm>> -> memref<3128x32xf32, #tpu.memory_space<hbm>>
      %dma_wait3A_80 = arith.constant 0 : i32
      %dma_wait3A_81 = tpu.memref_slice %arg12[%mul3A_69, %dma_wait3A_80] : memref<50056x32xf32, #tpu.memory_space<vmem_shared>> -> memref<3128x32xf32, #tpu.memory_space<vmem_shared>>
      tpu.wait_dma2 semaphore(%run_scoped3A_72 : memref<!tpu.dma_semaphore, #tpu.memory_space<semaphore_mem>>) src(%dma_wait3A_81 : memref<3128x32xf32, #tpu.memory_space<vmem_shared>>) dst(%dma_wait3A_79 : memref<3128x32xf32, #tpu.memory_space<hbm>>)
      tpu.yield
    }) : () -> ()
    return
  }
}

module attributes {stable_mosaic.version = 14 : i64} {
  func.func @_pre_body(%arg0: i32, %arg1: memref<2000x128xf32, #tpu.memory_space<vmem>>, %arg2: memref<128x16xf32, #tpu.memory_space<vmem>>, %arg3: memref<1x16xf32, #tpu.memory_space<vmem>>, %arg4: memref<16x32xf32, #tpu.memory_space<vmem>>, %arg5: memref<1x32xf32, #tpu.memory_space<vmem>>, %arg6: memref<128x16xf32, #tpu.memory_space<vmem>>, %arg7: memref<1x16xf32, #tpu.memory_space<vmem>>, %arg8: memref<16x32xf32, #tpu.memory_space<vmem>>, %arg9: memref<1x32xf32, #tpu.memory_space<vmem>>, %arg10: memref<2000x64xf32, #tpu.memory_space<vmem>>, %arg11: memref<2x2000x32xf32, #tpu.memory_space<vmem>>) attributes {dimension_semantics = [#tpu.dimension_semantics<arbitrary>], iteration_bounds = array<i64: 25>, scalar_prefetch = 0 : i64, scratch_operands = 0 : i64, tpu.core_type = #tpu.core_type<tc>, window_params = [{transform_indices = @transform_0, window_bounds = array<i64: 2000, 128>}, {pipeline_mode = #tpu.pipeline_mode<synchronous>, transform_indices = @transform_1, window_bounds = array<i64: 128, 16>}, {pipeline_mode = #tpu.pipeline_mode<synchronous>, transform_indices = @transform_2, window_bounds = array<i64: 1, 16>}, {pipeline_mode = #tpu.pipeline_mode<synchronous>, transform_indices = @transform_3, window_bounds = array<i64: 16, 32>}, {pipeline_mode = #tpu.pipeline_mode<synchronous>, transform_indices = @transform_4, window_bounds = array<i64: 1, 32>}, {pipeline_mode = #tpu.pipeline_mode<synchronous>, transform_indices = @transform_5, window_bounds = array<i64: 128, 16>}, {pipeline_mode = #tpu.pipeline_mode<synchronous>, transform_indices = @transform_6, window_bounds = array<i64: 1, 16>}, {pipeline_mode = #tpu.pipeline_mode<synchronous>, transform_indices = @transform_7, window_bounds = array<i64: 16, 32>}, {pipeline_mode = #tpu.pipeline_mode<synchronous>, transform_indices = @transform_8, window_bounds = array<i64: 1, 32>}, {transform_indices = @transform_9, window_bounds = array<i64: 2000, 64>}, {transform_indices = @transform_10, window_bounds = array<i64: 2, 2000, 32>}]} {
    %get3A = arith.constant 0 : index
    %get3A_0 = arith.constant 0 : index
    %get3A_1 = vector.load %arg1[%get3A, %get3A_0] : memref<2000x128xf32, #tpu.memory_space<vmem>>, vector<2000x128xf32>
    %get3A_2 = arith.constant 0 : index
    %get3A_3 = arith.constant 0 : index
    %get3A_4 = vector.load %arg2[%get3A_2, %get3A_3] : memref<128x16xf32, #tpu.memory_space<vmem>>, vector<128x16xf32>
    %dot_general3A = arith.constant dense<0.000000e+00> : vector<2000x16xf32>
    %dot_general3A_5 = tpu.matmul %get3A_1, %get3A_4, %dot_general3A {dimension_numbers = #tpu.dot_dimension_numbers<[1], [0], [0], [1], [0, 0, 1, 1], [], []>, transpose_lhs_hint = false} : vector<2000x128xf32>, vector<128x16xf32>, vector<2000x16xf32> -> vector<2000x16xf32>
    %get3A_6 = arith.constant 0 : index
    %get3A_7 = arith.constant 0 : index
    %get3A_8 = vector.load %arg3[%get3A_6, %get3A_7] : memref<1x16xf32, #tpu.memory_space<vmem>>, vector<1x16xf32>
    %add3A = vector.broadcast %get3A_8 : vector<1x16xf32> to vector<2000x16xf32>
    %add3A_9 = arith.addf %dot_general3A_5, %add3A : vector<2000x16xf32>
    %max3A = arith.constant 0.000000e+00 : f32
    %max3A_10 = vector.broadcast %max3A : f32 to vector<2000x16xf32>
    %max3A_11 = arith.maximumf %add3A_9, %max3A_10 : vector<2000x16xf32>
    %get3A_12 = arith.constant 0 : index
    %get3A_13 = arith.constant 0 : index
    %get3A_14 = vector.load %arg4[%get3A_12, %get3A_13] : memref<16x32xf32, #tpu.memory_space<vmem>>, vector<16x32xf32>
    %dot_general3A_15 = arith.constant dense<0.000000e+00> : vector<2000x32xf32>
    %dot_general3A_16 = tpu.matmul %max3A_11, %get3A_14, %dot_general3A_15 {dimension_numbers = #tpu.dot_dimension_numbers<[1], [0], [0], [1], [0, 0, 1, 1], [], []>, transpose_lhs_hint = false} : vector<2000x16xf32>, vector<16x32xf32>, vector<2000x32xf32> -> vector<2000x32xf32>
    %get3A_17 = arith.constant 0 : index
    %get3A_18 = arith.constant 0 : index
    %get3A_19 = vector.load %arg5[%get3A_17, %get3A_18] : memref<1x32xf32, #tpu.memory_space<vmem>>, vector<1x32xf32>
    %add3A_20 = vector.broadcast %get3A_19 : vector<1x32xf32> to vector<2000x32xf32>
    %add3A_21 = arith.addf %dot_general3A_16, %add3A_20 : vector<2000x32xf32>
    %max3A_22 = arith.constant 0.000000e+00 : f32
    %max3A_23 = vector.broadcast %max3A_22 : f32 to vector<2000x32xf32>
    %max3A_24 = arith.maximumf %add3A_21, %max3A_23 : vector<2000x32xf32>
    %get3A_25 = arith.constant 0 : index
    %get3A_26 = arith.constant 0 : index
    %get3A_27 = vector.load %arg6[%get3A_25, %get3A_26] : memref<128x16xf32, #tpu.memory_space<vmem>>, vector<128x16xf32>
    %dot_general3A_28 = arith.constant dense<0.000000e+00> : vector<2000x16xf32>
    %dot_general3A_29 = tpu.matmul %get3A_1, %get3A_27, %dot_general3A_28 {dimension_numbers = #tpu.dot_dimension_numbers<[1], [0], [0], [1], [0, 0, 1, 1], [], []>, transpose_lhs_hint = false} : vector<2000x128xf32>, vector<128x16xf32>, vector<2000x16xf32> -> vector<2000x16xf32>
    %get3A_30 = arith.constant 0 : index
    %get3A_31 = arith.constant 0 : index
    %get3A_32 = vector.load %arg7[%get3A_30, %get3A_31] : memref<1x16xf32, #tpu.memory_space<vmem>>, vector<1x16xf32>
    %add3A_33 = vector.broadcast %get3A_32 : vector<1x16xf32> to vector<2000x16xf32>
    %add3A_34 = arith.addf %dot_general3A_29, %add3A_33 : vector<2000x16xf32>
    %max3A_35 = arith.constant 0.000000e+00 : f32
    %max3A_36 = vector.broadcast %max3A_35 : f32 to vector<2000x16xf32>
    %max3A_37 = arith.maximumf %add3A_34, %max3A_36 : vector<2000x16xf32>
    %get3A_38 = arith.constant 0 : index
    %get3A_39 = arith.constant 0 : index
    %get3A_40 = vector.load %arg8[%get3A_38, %get3A_39] : memref<16x32xf32, #tpu.memory_space<vmem>>, vector<16x32xf32>
    %dot_general3A_41 = arith.constant dense<0.000000e+00> : vector<2000x32xf32>
    %dot_general3A_42 = tpu.matmul %max3A_37, %get3A_40, %dot_general3A_41 {dimension_numbers = #tpu.dot_dimension_numbers<[1], [0], [0], [1], [0, 0, 1, 1], [], []>, transpose_lhs_hint = false} : vector<2000x16xf32>, vector<16x32xf32>, vector<2000x32xf32> -> vector<2000x32xf32>
    %get3A_43 = arith.constant 0 : index
    %get3A_44 = arith.constant 0 : index
    %get3A_45 = vector.load %arg9[%get3A_43, %get3A_44] : memref<1x32xf32, #tpu.memory_space<vmem>>, vector<1x32xf32>
    %add3A_46 = vector.broadcast %get3A_45 : vector<1x32xf32> to vector<2000x32xf32>
    %add3A_47 = arith.addf %dot_general3A_42, %add3A_46 : vector<2000x32xf32>
    %max3A_48 = arith.constant 0.000000e+00 : f32
    %max3A_49 = vector.broadcast %max3A_48 : f32 to vector<2000x32xf32>
    %max3A_50 = arith.maximumf %add3A_47, %max3A_49 : vector<2000x32xf32>
    %concatenate3A = tpu.concatenate %max3A_50, %max3A_24 in 1 : vector<2000x32xf32>, vector<2000x32xf32> -> vector<2000x64xf32>
    %swap3A = arith.constant 0 : index
    %swap3A_51 = arith.constant 0 : index
    %swap3A_52 = vector.load %arg10[%swap3A, %swap3A_51] : memref<2000x64xf32, #tpu.memory_space<vmem>>, vector<2000x64xf32>
    tpu.vector_store %arg10[%swap3A, %swap3A_51], %concatenate3A {strides = array<i32>} : memref<2000x64xf32, #tpu.memory_space<vmem>>, vector<2000x64xf32>,
    %swap3A_53 = arith.constant 0 : index
    %swap3A_54 = arith.constant 0 : index
    %swap3A_55 = arith.constant 0 : index
    %swap3A_56 = vector.load %arg11[%swap3A_53, %swap3A_54, %swap3A_55] : memref<2x2000x32xf32, #tpu.memory_space<vmem>>, vector<1x2000x32xf32>
    %swap3A_57 = vector.shape_cast %swap3A_56 : vector<1x2000x32xf32> to vector<2000x32xf32>
    %swap3A_58 = vector.shape_cast %max3A_50 : vector<2000x32xf32> to vector<1x2000x32xf32>
    tpu.vector_store %arg11[%swap3A_53, %swap3A_54, %swap3A_55], %swap3A_58 {strides = array<i32>} : memref<2x2000x32xf32, #tpu.memory_space<vmem>>, vector<1x2000x32xf32>,
    %swap3A_59 = arith.constant 1 : index
    %swap3A_60 = arith.constant 0 : index
    %swap3A_61 = arith.constant 0 : index
    %swap3A_62 = vector.load %arg11[%swap3A_59, %swap3A_60, %swap3A_61] : memref<2x2000x32xf32, #tpu.memory_space<vmem>>, vector<1x2000x32xf32>
    %swap3A_63 = vector.shape_cast %swap3A_62 : vector<1x2000x32xf32> to vector<2000x32xf32>
    %swap3A_64 = vector.shape_cast %max3A_24 : vector<2000x32xf32> to vector<1x2000x32xf32>
    tpu.vector_store %arg11[%swap3A_59, %swap3A_60, %swap3A_61], %swap3A_64 {strides = array<i32>} : memref<2x2000x32xf32, #tpu.memory_space<vmem>>, vector<1x2000x32xf32>,
    return
  }
  func.func @transform_0(%arg0: i32) -> (i32, i32) {
    %c0_i32 = arith.constant 0 : i32
    %c0_i32_0 = arith.constant 0 : i32
    return %arg0, %c0_i32 : i32, i32
  }
  func.func @transform_1(%arg0: i32) -> (i32, i32) {
    %c0_i32 = arith.constant 0 : i32
    %c0_i32_0 = arith.constant 0 : i32
    %c0_i32_1 = arith.constant 0 : i32
    return %c0_i32, %c0_i32_0 : i32, i32
  }
  func.func @transform_2(%arg0: i32) -> (i32, i32) {
    %c0_i32 = arith.constant 0 : i32
    %c0_i32_0 = arith.constant 0 : i32
    %c0_i32_1 = arith.constant 0 : i32
    return %c0_i32, %c0_i32_0 : i32, i32
  }
  func.func @transform_3(%arg0: i32) -> (i32, i32) {
    %c0_i32 = arith.constant 0 : i32
    %c0_i32_0 = arith.constant 0 : i32
    %c0_i32_1 = arith.constant 0 : i32
    return %c0_i32, %c0_i32_0 : i32, i32
  }
  func.func @transform_4(%arg0: i32) -> (i32, i32) {
    %c0_i32 = arith.constant 0 : i32
    %c0_i32_0 = arith.constant 0 : i32
    %c0_i32_1 = arith.constant 0 : i32
    return %c0_i32, %c0_i32_0 : i32, i32
  }
  func.func @transform_5(%arg0: i32) -> (i32, i32) {
    %c0_i32 = arith.constant 0 : i32
    %c0_i32_0 = arith.constant 0 : i32
    %c0_i32_1 = arith.constant 0 : i32
    return %c0_i32, %c0_i32_0 : i32, i32
  }
  func.func @transform_6(%arg0: i32) -> (i32, i32) {
    %c0_i32 = arith.constant 0 : i32
    %c0_i32_0 = arith.constant 0 : i32
    %c0_i32_1 = arith.constant 0 : i32
    return %c0_i32, %c0_i32_0 : i32, i32
  }
  func.func @transform_7(%arg0: i32) -> (i32, i32) {
    %c0_i32 = arith.constant 0 : i32
    %c0_i32_0 = arith.constant 0 : i32
    %c0_i32_1 = arith.constant 0 : i32
    return %c0_i32, %c0_i32_0 : i32, i32
  }
  func.func @transform_8(%arg0: i32) -> (i32, i32) {
    %c0_i32 = arith.constant 0 : i32
    %c0_i32_0 = arith.constant 0 : i32
    %c0_i32_1 = arith.constant 0 : i32
    return %c0_i32, %c0_i32_0 : i32, i32
  }
  func.func @transform_9(%arg0: i32) -> (i32, i32) {
    %c0_i32 = arith.constant 0 : i32
    %c0_i32_0 = arith.constant 0 : i32
    return %arg0, %c0_i32 : i32, i32
  }
  func.func @transform_10(%arg0: i32) -> (i32, i32, i32) {
    %c0_i32 = arith.constant 0 : i32
    %c0_i32_0 = arith.constant 0 : i32
    %c0_i32_1 = arith.constant 0 : i32
    return %c0_i32, %arg0, %c0_i32_0 : i32, i32, i32
  }
}

module attributes {stable_mosaic.version = 14 : i64} {
  func.func @_gin_mlp0_body(%arg0: i32, %arg1: memref<2x2000x32xf32, #tpu.memory_space<vmem>>, %arg2: memref<2000x64xf32, #tpu.memory_space<vmem>>, %arg3: memref<64x64xf32, #tpu.memory_space<vmem>>, %arg4: memref<1x64xf32, #tpu.memory_space<vmem>>, %arg5: memref<64x64xf32, #tpu.memory_space<vmem>>, %arg6: memref<1x64xf32, #tpu.memory_space<vmem>>, %arg7: memref<1x64xf32, #tpu.memory_space<vmem>>, %arg8: memref<1x64xf32, #tpu.memory_space<vmem>>, %arg9: memref<1x64xf32, #tpu.memory_space<vmem>>, %arg10: memref<1x64xf32, #tpu.memory_space<vmem>>, %arg11: memref<2000x64xf32, #tpu.memory_space<vmem>>, %arg12: memref<2x2000x32xf32, #tpu.memory_space<vmem>>) attributes {dimension_semantics = [#tpu.dimension_semantics<arbitrary>], iteration_bounds = array<i64: 25>, scalar_prefetch = 0 : i64, scratch_operands = 0 : i64, tpu.core_type = #tpu.core_type<tc>, window_params = [{transform_indices = @transform_0, window_bounds = array<i64: 2, 2000, 32>}, {transform_indices = @transform_1, window_bounds = array<i64: 2000, 64>}, {pipeline_mode = #tpu.pipeline_mode<synchronous>, transform_indices = @transform_2, window_bounds = array<i64: 64, 64>}, {pipeline_mode = #tpu.pipeline_mode<synchronous>, transform_indices = @transform_3, window_bounds = array<i64: 1, 64>}, {pipeline_mode = #tpu.pipeline_mode<synchronous>, transform_indices = @transform_4, window_bounds = array<i64: 64, 64>}, {pipeline_mode = #tpu.pipeline_mode<synchronous>, transform_indices = @transform_5, window_bounds = array<i64: 1, 64>}, {pipeline_mode = #tpu.pipeline_mode<synchronous>, transform_indices = @transform_6, window_bounds = array<i64: 1, 64>}, {pipeline_mode = #tpu.pipeline_mode<synchronous>, transform_indices = @transform_7, window_bounds = array<i64: 1, 64>}, {pipeline_mode = #tpu.pipeline_mode<synchronous>, transform_indices = @transform_8, window_bounds = array<i64: 1, 64>}, {pipeline_mode = #tpu.pipeline_mode<synchronous>, transform_indices = @transform_9, window_bounds = array<i64: 1, 64>}, {transform_indices = @transform_10, window_bounds = array<i64: 2000, 64>}, {transform_indices = @transform_11, window_bounds = array<i64: 2, 2000, 32>}]} {
    %get3A = arith.constant 0 : index
    %get3A_0 = arith.constant 0 : index
    %get3A_1 = arith.constant 0 : index
    %get3A_2 = vector.load %arg1[%get3A, %get3A_0, %get3A_1] : memref<2x2000x32xf32, #tpu.memory_space<vmem>>, vector<1x2000x32xf32>
    %get3A_3 = vector.shape_cast %get3A_2 : vector<1x2000x32xf32> to vector<2000x32xf32>
    %get3A_4 = arith.constant 1 : index
    %get3A_5 = arith.constant 0 : index
    %get3A_6 = arith.constant 0 : index
    %get3A_7 = vector.load %arg1[%get3A_4, %get3A_5, %get3A_6] : memref<2x2000x32xf32, #tpu.memory_space<vmem>>, vector<1x2000x32xf32>
    %get3A_8 = vector.shape_cast %get3A_7 : vector<1x2000x32xf32> to vector<2000x32xf32>
    %concatenate3A = tpu.concatenate %get3A_3, %get3A_8 in 1 : vector<2000x32xf32>, vector<2000x32xf32> -> vector<2000x64xf32>
    %get3A_9 = arith.constant 0 : index
    %get3A_10 = arith.constant 0 : index
    %get3A_11 = vector.load %arg3[%get3A_9, %get3A_10] : memref<64x64xf32, #tpu.memory_space<vmem>>, vector<64x64xf32>
    %dot_general3A = arith.constant dense<0.000000e+00> : vector<2000x64xf32>
    %dot_general3A_12 = tpu.matmul %concatenate3A, %get3A_11, %dot_general3A {dimension_numbers = #tpu.dot_dimension_numbers<[1], [0], [0], [1], [0, 0, 1, 1], [], []>, transpose_lhs_hint = false} : vector<2000x64xf32>, vector<64x64xf32>, vector<2000x64xf32> -> vector<2000x64xf32>
    %get3A_13 = arith.constant 0 : index
    %get3A_14 = arith.constant 0 : index
    %get3A_15 = vector.load %arg4[%get3A_13, %get3A_14] : memref<1x64xf32, #tpu.memory_space<vmem>>, vector<1x64xf32>
    %add3A = vector.broadcast %get3A_15 : vector<1x64xf32> to vector<2000x64xf32>
    %add3A_16 = arith.addf %dot_general3A_12, %add3A : vector<2000x64xf32>
    %get3A_17 = arith.constant 0 : index
    %get3A_18 = arith.constant 0 : index
    %get3A_19 = vector.load %arg7[%get3A_17, %get3A_18] : memref<1x64xf32, #tpu.memory_space<vmem>>, vector<1x64xf32>
    %mul3A = vector.broadcast %get3A_19 : vector<1x64xf32> to vector<2000x64xf32>
    %mul3A_20 = arith.mulf %add3A_16, %mul3A : vector<2000x64xf32>
    %get3A_21 = arith.constant 0 : index
    %get3A_22 = arith.constant 0 : index
    %get3A_23 = vector.load %arg8[%get3A_21, %get3A_22] : memref<1x64xf32, #tpu.memory_space<vmem>>, vector<1x64xf32>
    %add3A_24 = vector.broadcast %get3A_23 : vector<1x64xf32> to vector<2000x64xf32>
    %add3A_25 = arith.addf %mul3A_20, %add3A_24 : vector<2000x64xf32>
    %max3A = arith.constant 0.000000e+00 : f32
    %max3A_26 = vector.broadcast %max3A : f32 to vector<2000x64xf32>
    %max3A_27 = arith.maximumf %add3A_25, %max3A_26 : vector<2000x64xf32>
    %get3A_28 = arith.constant 0 : index
    %get3A_29 = arith.constant 0 : index
    %get3A_30 = vector.load %arg5[%get3A_28, %get3A_29] : memref<64x64xf32, #tpu.memory_space<vmem>>, vector<64x64xf32>
    %dot_general3A_31 = arith.constant dense<0.000000e+00> : vector<2000x64xf32>
    %dot_general3A_32 = tpu.matmul %max3A_27, %get3A_30, %dot_general3A_31 {dimension_numbers = #tpu.dot_dimension_numbers<[1], [0], [0], [1], [0, 0, 1, 1], [], []>, transpose_lhs_hint = false} : vector<2000x64xf32>, vector<64x64xf32>, vector<2000x64xf32> -> vector<2000x64xf32>
    %get3A_33 = arith.constant 0 : index
    %get3A_34 = arith.constant 0 : index
    %get3A_35 = vector.load %arg6[%get3A_33, %get3A_34] : memref<1x64xf32, #tpu.memory_space<vmem>>, vector<1x64xf32>
    %add3A_36 = vector.broadcast %get3A_35 : vector<1x64xf32> to vector<2000x64xf32>
    %add3A_37 = arith.addf %dot_general3A_32, %add3A_36 : vector<2000x64xf32>
    %get3A_38 = arith.constant 0 : index
    %get3A_39 = arith.constant 0 : index
    %get3A_40 = vector.load %arg9[%get3A_38, %get3A_39] : memref<1x64xf32, #tpu.memory_space<vmem>>, vector<1x64xf32>
    %mul3A_41 = vector.broadcast %get3A_40 : vector<1x64xf32> to vector<2000x64xf32>
    %mul3A_42 = arith.mulf %add3A_37, %mul3A_41 : vector<2000x64xf32>
    %get3A_43 = arith.constant 0 : index
    %get3A_44 = arith.constant 0 : index
    %get3A_45 = vector.load %arg10[%get3A_43, %get3A_44] : memref<1x64xf32, #tpu.memory_space<vmem>>, vector<1x64xf32>
    %add3A_46 = vector.broadcast %get3A_45 : vector<1x64xf32> to vector<2000x64xf32>
    %add3A_47 = arith.addf %mul3A_42, %add3A_46 : vector<2000x64xf32>
    %get3A_48 = arith.constant 0 : index
    %get3A_49 = arith.constant 0 : index
    %get3A_50 = vector.load %arg2[%get3A_48, %get3A_49] : memref<2000x64xf32, #tpu.memory_space<vmem>>, vector<2000x64xf32>
    %add3A_51 = arith.addf %add3A_47, %get3A_50 : vector<2000x64xf32>
    %swap3A = arith.constant 0 : index
    %swap3A_52 = arith.constant 0 : index
    %swap3A_53 = vector.load %arg11[%swap3A, %swap3A_52] : memref<2000x64xf32, #tpu.memory_space<vmem>>, vector<2000x64xf32>
    tpu.vector_store %arg11[%swap3A, %swap3A_52], %add3A_51 {strides = array<i32>} : memref<2000x64xf32, #tpu.memory_space<vmem>>, vector<2000x64xf32>,
    %slice3A = vector.extract_strided_slice %add3A_51 {offsets = [0, 0], sizes = [2000, 32], strides = [1, 1]} : vector<2000x64xf32> to vector<2000x32xf32>
    %swap3A_54 = arith.constant 0 : index
    %swap3A_55 = arith.constant 0 : index
    %swap3A_56 = arith.constant 0 : index
    %swap3A_57 = vector.load %arg12[%swap3A_54, %swap3A_55, %swap3A_56] : memref<2x2000x32xf32, #tpu.memory_space<vmem>>, vector<1x2000x32xf32>
    %swap3A_58 = vector.shape_cast %swap3A_57 : vector<1x2000x32xf32> to vector<2000x32xf32>
    %swap3A_59 = vector.shape_cast %slice3A : vector<2000x32xf32> to vector<1x2000x32xf32>
    tpu.vector_store %arg12[%swap3A_54, %swap3A_55, %swap3A_56], %swap3A_59 {strides = array<i32>} : memref<2x2000x32xf32, #tpu.memory_space<vmem>>, vector<1x2000x32xf32>,
    %slice3A_60 = vector.extract_strided_slice %add3A_51 {offsets = [0, 32], sizes = [2000, 32], strides = [1, 1]} : vector<2000x64xf32> to vector<2000x32xf32>
    %swap3A_61 = arith.constant 1 : index
    %swap3A_62 = arith.constant 0 : index
    %swap3A_63 = arith.constant 0 : index
    %swap3A_64 = vector.load %arg12[%swap3A_61, %swap3A_62, %swap3A_63] : memref<2x2000x32xf32, #tpu.memory_space<vmem>>, vector<1x2000x32xf32>
    %swap3A_65 = vector.shape_cast %swap3A_64 : vector<1x2000x32xf32> to vector<2000x32xf32>
    %swap3A_66 = vector.shape_cast %slice3A_60 : vector<2000x32xf32> to vector<1x2000x32xf32>
    tpu.vector_store %arg12[%swap3A_61, %swap3A_62, %swap3A_63], %swap3A_66 {strides = array<i32>} : memref<2x2000x32xf32, #tpu.memory_space<vmem>>, vector<1x2000x32xf32>,
    return
  }
  func.func @transform_0(%arg0: i32) -> (i32, i32, i32) {
    %c0_i32 = arith.constant 0 : i32
    %c0_i32_0 = arith.constant 0 : i32
    %c0_i32_1 = arith.constant 0 : i32
    return %c0_i32, %arg0, %c0_i32_0 : i32, i32, i32
  }
  func.func @transform_1(%arg0: i32) -> (i32, i32) {
    %c0_i32 = arith.constant 0 : i32
    %c0_i32_0 = arith.constant 0 : i32
    return %arg0, %c0_i32 : i32, i32
  }
  func.func @transform_2(%arg0: i32) -> (i32, i32) {
    %c0_i32 = arith.constant 0 : i32
    %c0_i32_0 = arith.constant 0 : i32
    %c0_i32_1 = arith.constant 0 : i32
    return %c0_i32, %c0_i32_0 : i32, i32
  }
  func.func @transform_3(%arg0: i32) -> (i32, i32) {
    %c0_i32 = arith.constant 0 : i32
    %c0_i32_0 = arith.constant 0 : i32
    %c0_i32_1 = arith.constant 0 : i32
    return %c0_i32, %c0_i32_0 : i32, i32
  }
  func.func @transform_4(%arg0: i32) -> (i32, i32) {
    %c0_i32 = arith.constant 0 : i32
    %c0_i32_0 = arith.constant 0 : i32
    %c0_i32_1 = arith.constant 0 : i32
    return %c0_i32, %c0_i32_0 : i32, i32
  }
  func.func @transform_5(%arg0: i32) -> (i32, i32) {
    %c0_i32 = arith.constant 0 : i32
    %c0_i32_0 = arith.constant 0 : i32
    %c0_i32_1 = arith.constant 0 : i32
    return %c0_i32, %c0_i32_0 : i32, i32
  }
  func.func @transform_6(%arg0: i32) -> (i32, i32) {
    %c0_i32 = arith.constant 0 : i32
    %c0_i32_0 = arith.constant 0 : i32
    %c0_i32_1 = arith.constant 0 : i32
    return %c0_i32, %c0_i32_0 : i32, i32
  }
  func.func @transform_7(%arg0: i32) -> (i32, i32) {
    %c0_i32 = arith.constant 0 : i32
    %c0_i32_0 = arith.constant 0 : i32
    %c0_i32_1 = arith.constant 0 : i32
    return %c0_i32, %c0_i32_0 : i32, i32
  }
  func.func @transform_8(%arg0: i32) -> (i32, i32) {
    %c0_i32 = arith.constant 0 : i32
    %c0_i32_0 = arith.constant 0 : i32
    %c0_i32_1 = arith.constant 0 : i32
    return %c0_i32, %c0_i32_0 : i32, i32
  }
  func.func @transform_9(%arg0: i32) -> (i32, i32) {
    %c0_i32 = arith.constant 0 : i32
    %c0_i32_0 = arith.constant 0 : i32
    %c0_i32_1 = arith.constant 0 : i32
    return %c0_i32, %c0_i32_0 : i32, i32
  }
  func.func @transform_10(%arg0: i32) -> (i32, i32) {
    %c0_i32 = arith.constant 0 : i32
    %c0_i32_0 = arith.constant 0 : i32
    return %arg0, %c0_i32 : i32, i32
  }
  func.func @transform_11(%arg0: i32) -> (i32, i32, i32) {
    %c0_i32 = arith.constant 0 : i32
    %c0_i32_0 = arith.constant 0 : i32
    %c0_i32_1 = arith.constant 0 : i32
    return %c0_i32, %arg0, %c0_i32_0 : i32, i32, i32
  }
}

module attributes {stable_mosaic.version = 14 : i64} {
  func.func @_gin_mlp1_body(%arg0: i32, %arg1: memref<2x2000x32xf32, #tpu.memory_space<vmem>>, %arg2: memref<2000x64xf32, #tpu.memory_space<vmem>>, %arg3: memref<2000x64xf32, #tpu.memory_space<vmem>>, %arg4: memref<1x1x2000xi32, #tpu.memory_space<vmem>>, %arg5: memref<64x64xf32, #tpu.memory_space<vmem>>, %arg6: memref<1x64xf32, #tpu.memory_space<vmem>>, %arg7: memref<64x64xf32, #tpu.memory_space<vmem>>, %arg8: memref<1x64xf32, #tpu.memory_space<vmem>>, %arg9: memref<1x64xf32, #tpu.memory_space<vmem>>, %arg10: memref<1x64xf32, #tpu.memory_space<vmem>>, %arg11: memref<1x64xf32, #tpu.memory_space<vmem>>, %arg12: memref<1x64xf32, #tpu.memory_space<vmem>>, %arg13: memref<64x64xf32, #tpu.memory_space<vmem>>, %arg14: memref<64x64xf32, #tpu.memory_space<vmem>>) attributes {dimension_semantics = [#tpu.dimension_semantics<arbitrary>], iteration_bounds = array<i64: 25>, scalar_prefetch = 0 : i64, scratch_operands = 0 : i64, tpu.core_type = #tpu.core_type<tc>, window_params = [{transform_indices = @transform_0, window_bounds = array<i64: 2, 2000, 32>}, {transform_indices = @transform_1, window_bounds = array<i64: 2000, 64>}, {transform_indices = @transform_2, window_bounds = array<i64: 2000, 64>}, {transform_indices = @transform_3, window_bounds = array<i64: 1, 1, 2000>}, {pipeline_mode = #tpu.pipeline_mode<synchronous>, transform_indices = @transform_4, window_bounds = array<i64: 64, 64>}, {pipeline_mode = #tpu.pipeline_mode<synchronous>, transform_indices = @transform_5, window_bounds = array<i64: 1, 64>}, {pipeline_mode = #tpu.pipeline_mode<synchronous>, transform_indices = @transform_6, window_bounds = array<i64: 64, 64>}, {pipeline_mode = #tpu.pipeline_mode<synchronous>, transform_indices = @transform_7, window_bounds = array<i64: 1, 64>}, {pipeline_mode = #tpu.pipeline_mode<synchronous>, transform_indices = @transform_8, window_bounds = array<i64: 1, 64>}, {pipeline_mode = #tpu.pipeline_mode<synchronous>, transform_indices = @transform_9, window_bounds = array<i64: 1, 64>}, {pipeline_mode = #tpu.pipeline_mode<synchronous>, transform_indices = @transform_10, window_bounds = array<i64: 1, 64>}, {pipeline_mode = #tpu.pipeline_mode<synchronous>, transform_indices = @transform_11, window_bounds = array<i64: 1, 64>}, {pipeline_mode = #tpu.pipeline_mode<synchronous>, transform_indices = @transform_12, window_bounds = array<i64: 64, 64>}, {pipeline_mode = #tpu.pipeline_mode<synchronous>, transform_indices = @transform_13, window_bounds = array<i64: 64, 64>}]} {
    %get3A = arith.constant 0 : index
    %get3A_0 = arith.constant 0 : index
    %get3A_1 = arith.constant 0 : index
    %get3A_2 = vector.load %arg1[%get3A, %get3A_0, %get3A_1] : memref<2x2000x32xf32, #tpu.memory_space<vmem>>, vector<1x2000x32xf32>
    %get3A_3 = vector.shape_cast %get3A_2 : vector<1x2000x32xf32> to vector<2000x32xf32>
    %get3A_4 = arith.constant 1 : index
    %get3A_5 = arith.constant 0 : index
    %get3A_6 = arith.constant 0 : index
    %get3A_7 = vector.load %arg1[%get3A_4, %get3A_5, %get3A_6] : memref<2x2000x32xf32, #tpu.memory_space<vmem>>, vector<1x2000x32xf32>
    %get3A_8 = vector.shape_cast %get3A_7 : vector<1x2000x32xf32> to vector<2000x32xf32>
    %concatenate3A = tpu.concatenate %get3A_3, %get3A_8 in 1 : vector<2000x32xf32>, vector<2000x32xf32> -> vector<2000x64xf32>
    %get3A_9 = arith.constant 0 : index
    %get3A_10 = arith.constant 0 : index
    %get3A_11 = vector.load %arg5[%get3A_9, %get3A_10] : memref<64x64xf32, #tpu.memory_space<vmem>>, vector<64x64xf32>
    %dot_general3A = arith.constant dense<0.000000e+00> : vector<2000x64xf32>
    %dot_general3A_12 = tpu.matmul %concatenate3A, %get3A_11, %dot_general3A {dimension_numbers = #tpu.dot_dimension_numbers<[1], [0], [0], [1], [0, 0, 1, 1], [], []>, transpose_lhs_hint = false} : vector<2000x64xf32>, vector<64x64xf32>, vector<2000x64xf32> -> vector<2000x64xf32>
    %get3A_13 = arith.constant 0 : index
    %get3A_14 = arith.constant 0 : index
    %get3A_15 = vector.load %arg6[%get3A_13, %get3A_14] : memref<1x64xf32, #tpu.memory_space<vmem>>, vector<1x64xf32>
    %add3A = vector.broadcast %get3A_15 : vector<1x64xf32> to vector<2000x64xf32>
    %add3A_16 = arith.addf %dot_general3A_12, %add3A : vector<2000x64xf32>
    %get3A_17 = arith.constant 0 : index
    %get3A_18 = arith.constant 0 : index
    %get3A_19 = vector.load %arg9[%get3A_17, %get3A_18] : memref<1x64xf32, #tpu.memory_space<vmem>>, vector<1x64xf32>
    %mul3A = vector.broadcast %get3A_19 : vector<1x64xf32> to vector<2000x64xf32>
    %mul3A_20 = arith.mulf %add3A_16, %mul3A : vector<2000x64xf32>
    %get3A_21 = arith.constant 0 : index
    %get3A_22 = arith.constant 0 : index
    %get3A_23 = vector.load %arg10[%get3A_21, %get3A_22] : memref<1x64xf32, #tpu.memory_space<vmem>>, vector<1x64xf32>
    %add3A_24 = vector.broadcast %get3A_23 : vector<1x64xf32> to vector<2000x64xf32>
    %add3A_25 = arith.addf %mul3A_20, %add3A_24 : vector<2000x64xf32>
    %max3A = arith.constant 0.000000e+00 : f32
    %max3A_26 = vector.broadcast %max3A : f32 to vector<2000x64xf32>
    %max3A_27 = arith.maximumf %add3A_25, %max3A_26 : vector<2000x64xf32>
    %get3A_28 = arith.constant 0 : index
    %get3A_29 = arith.constant 0 : index
    %get3A_30 = vector.load %arg7[%get3A_28, %get3A_29] : memref<64x64xf32, #tpu.memory_space<vmem>>, vector<64x64xf32>
    %dot_general3A_31 = arith.constant dense<0.000000e+00> : vector<2000x64xf32>
    %dot_general3A_32 = tpu.matmul %max3A_27, %get3A_30, %dot_general3A_31 {dimension_numbers = #tpu.dot_dimension_numbers<[1], [0], [0], [1], [0, 0, 1, 1], [], []>, transpose_lhs_hint = false} : vector<2000x64xf32>, vector<64x64xf32>, vector<2000x64xf32> -> vector<2000x64xf32>
    %get3A_33 = arith.constant 0 : index
    %get3A_34 = arith.constant 0 : index
    %get3A_35 = vector.load %arg8[%get3A_33, %get3A_34] : memref<1x64xf32, #tpu.memory_space<vmem>>, vector<1x64xf32>
    %add3A_36 = vector.broadcast %get3A_35 : vector<1x64xf32> to vector<2000x64xf32>
    %add3A_37 = arith.addf %dot_general3A_32, %add3A_36 : vector<2000x64xf32>
    %get3A_38 = arith.constant 0 : index
    %get3A_39 = arith.constant 0 : index
    %get3A_40 = vector.load %arg11[%get3A_38, %get3A_39] : memref<1x64xf32, #tpu.memory_space<vmem>>, vector<1x64xf32>
    %mul3A_41 = vector.broadcast %get3A_40 : vector<1x64xf32> to vector<2000x64xf32>
    %mul3A_42 = arith.mulf %add3A_37, %mul3A_41 : vector<2000x64xf32>
    %get3A_43 = arith.constant 0 : index
    %get3A_44 = arith.constant 0 : index
    %get3A_45 = vector.load %arg12[%get3A_43, %get3A_44] : memref<1x64xf32, #tpu.memory_space<vmem>>, vector<1x64xf32>
    %add3A_46 = vector.broadcast %get3A_45 : vector<1x64xf32> to vector<2000x64xf32>
    %add3A_47 = arith.addf %mul3A_42, %add3A_46 : vector<2000x64xf32>
    %get3A_48 = arith.constant 0 : index
    %get3A_49 = arith.constant 0 : index
    %get3A_50 = vector.load %arg2[%get3A_48, %get3A_49] : memref<2000x64xf32, #tpu.memory_space<vmem>>, vector<2000x64xf32>
    %add3A_51 = arith.addf %add3A_47, %get3A_50 : vector<2000x64xf32>
    %get3A_52 = arith.constant 0 : index
    %get3A_53 = arith.constant 0 : index
    %get3A_54 = vector.load %arg3[%get3A_52, %get3A_53] : memref<2000x64xf32, #tpu.memory_space<vmem>>, vector<2000x64xf32>
    %add3A_55 = arith.addf %add3A_51, %get3A_54 : vector<2000x64xf32>
    %get3A_56 = arith.constant 0 : index
    %get3A_57 = arith.constant 0 : index
    %get3A_58 = arith.constant 0 : index
    %get3A_59 = vector.load %arg4[%get3A_56, %get3A_57, %get3A_58] : memref<1x1x2000xi32, #tpu.memory_space<vmem>>, vector<1x1x2000xi32>
    %get3A_60 = vector.shape_cast %get3A_59 : vector<1x1x2000xi32> to vector<2000xi32>
    %broadcast_in_dim3A = vector.shape_cast %get3A_60 : vector<2000xi32> to vector<1x2000xi32>
    %iota3A = tpu.iota {dimensions = array<i32: 0>} : vector<64x2000xi32>
    %eq3A = vector.broadcast %broadcast_in_dim3A : vector<1x2000xi32> to vector<64x2000xi32>
    %eq3A_61 = arith.cmpi eq, %eq3A, %iota3A : vector<64x2000xi32>
    %convert_element_type3A = arith.extui %eq3A_61 : vector<64x2000xi1> to vector<64x2000xi32>
    %convert_element_type3A_62 = arith.sitofp %convert_element_type3A : vector<64x2000xi32> to vector<64x2000xf32>
    %dot_general3A_63 = arith.constant dense<0.000000e+00> : vector<64x64xf32>
    %dot_general3A_64 = tpu.matmul %convert_element_type3A_62, %add3A_55, %dot_general3A_63 {dimension_numbers = #tpu.dot_dimension_numbers<[1], [0], [0], [1], [0, 0, 1, 1], [], []>, transpose_lhs_hint = false} : vector<64x2000xf32>, vector<2000x64xf32>, vector<64x64xf32> -> vector<64x64xf32>
    %reduce_sum3A = arith.constant dense<0.000000e+00> : vector<64xf32>
    %reduce_sum3A_65 = vector.multi_reduction <add>, %convert_element_type3A_62, %reduce_sum3A [1] : vector<64x2000xf32> to vector<64xf32>
    %broadcast_in_dim3A_66 = vector.shape_cast %reduce_sum3A_65 : vector<64xf32> to vector<64x1xf32>
    %broadcast_in_dim3A_67 = vector.shape_cast %broadcast_in_dim3A_66 : vector<64x1xf32> to vector<64x1xf32>
    %broadcast_in_dim3A_68 = vector.broadcast %broadcast_in_dim3A_67 : vector<64x1xf32> to vector<64x64xf32>
    %eq3A_69 = arith.constant 0 : i32
    %eq3A_70 = arith.cmpi eq, %arg0, %eq3A_69 : i32
    %convert_element_type3A_71 = arith.extui %eq3A_70 : i1 to i32
    %cond3A = arith.constant 0 : i32
    %cond3A_72 = arith.cmpi ne, %convert_element_type3A_71, %cond3A : i32
    scf.if %cond3A_72 {
      %broadcast_in_dim3A_86 = arith.constant 0.000000e+00 : f32
      %broadcast_in_dim3A_87 = vector.broadcast %broadcast_in_dim3A_86 : f32 to vector<64x64xf32>
      %swap3A_88 = arith.constant 0 : index
      %swap3A_89 = arith.constant 0 : index
      %swap3A_90 = vector.load %arg13[%swap3A_88, %swap3A_89] : memref<64x64xf32, #tpu.memory_space<vmem>>, vector<64x64xf32>
      tpu.vector_store %arg13[%swap3A_88, %swap3A_89], %broadcast_in_dim3A_87 {strides = array<i32>} : memref<64x64xf32, #tpu.memory_space<vmem>>, vector<64x64xf32>,
      %broadcast_in_dim3A_91 = arith.constant 0.000000e+00 : f32
      %broadcast_in_dim3A_92 = vector.broadcast %broadcast_in_dim3A_91 : f32 to vector<64x64xf32>
      %swap3A_93 = arith.constant 0 : index
      %swap3A_94 = arith.constant 0 : index
      %swap3A_95 = vector.load %arg14[%swap3A_93, %swap3A_94] : memref<64x64xf32, #tpu.memory_space<vmem>>, vector<64x64xf32>
      tpu.vector_store %arg14[%swap3A_93, %swap3A_94], %broadcast_in_dim3A_92 {strides = array<i32>} : memref<64x64xf32, #tpu.memory_space<vmem>>, vector<64x64xf32>,
    } else {
    }
    %get3A_73 = arith.constant 0 : index
    %get3A_74 = arith.constant 0 : index
    %get3A_75 = vector.load %arg13[%get3A_73, %get3A_74] : memref<64x64xf32, #tpu.memory_space<vmem>>, vector<64x64xf32>
    %add3A_76 = arith.addf %get3A_75, %dot_general3A_64 : vector<64x64xf32>
    %swap3A = arith.constant 0 : index
    %swap3A_77 = arith.constant 0 : index
    %swap3A_78 = vector.load %arg13[%swap3A, %swap3A_77] : memref<64x64xf32, #tpu.memory_space<vmem>>, vector<64x64xf32>
    tpu.vector_store %arg13[%swap3A, %swap3A_77], %add3A_76 {strides = array<i32>} : memref<64x64xf32, #tpu.memory_space<vmem>>, vector<64x64xf32>,
    %get3A_79 = arith.constant 0 : index
    %get3A_80 = arith.constant 0 : index
    %get3A_81 = vector.load %arg14[%get3A_79, %get3A_80] : memref<64x64xf32, #tpu.memory_space<vmem>>, vector<64x64xf32>
    %add3A_82 = arith.addf %get3A_81, %broadcast_in_dim3A_68 : vector<64x64xf32>
    %swap3A_83 = arith.constant 0 : index
    %swap3A_84 = arith.constant 0 : index
    %swap3A_85 = vector.load %arg14[%swap3A_83, %swap3A_84] : memref<64x64xf32, #tpu.memory_space<vmem>>, vector<64x64xf32>
    tpu.vector_store %arg14[%swap3A_83, %swap3A_84], %add3A_82 {strides = array<i32>} : memref<64x64xf32, #tpu.memory_space<vmem>>, vector<64x64xf32>,
    return
  }
  func.func @transform_0(%arg0: i32) -> (i32, i32, i32) {
    %c0_i32 = arith.constant 0 : i32
    %c0_i32_0 = arith.constant 0 : i32
    %c0_i32_1 = arith.constant 0 : i32
    return %c0_i32, %arg0, %c0_i32_0 : i32, i32, i32
  }
  func.func @transform_1(%arg0: i32) -> (i32, i32) {
    %c0_i32 = arith.constant 0 : i32
    %c0_i32_0 = arith.constant 0 : i32
    return %arg0, %c0_i32 : i32, i32
  }
  func.func @transform_2(%arg0: i32) -> (i32, i32) {
    %c0_i32 = arith.constant 0 : i32
    %c0_i32_0 = arith.constant 0 : i32
    return %arg0, %c0_i32 : i32, i32
  }
  func.func @transform_3(%arg0: i32) -> (i32, i32, i32) {
    %c0_i32 = arith.constant 0 : i32
    %c0_i32_0 = arith.constant 0 : i32
    %c0_i32_1 = arith.constant 0 : i32
    return %arg0, %c0_i32, %c0_i32_0 : i32, i32, i32
  }
  func.func @transform_4(%arg0: i32) -> (i32, i32) {
    %c0_i32 = arith.constant 0 : i32
    %c0_i32_0 = arith.constant 0 : i32
    %c0_i32_1 = arith.constant 0 : i32
    return %c0_i32, %c0_i32_0 : i32, i32
  }
  func.func @transform_5(%arg0: i32) -> (i32, i32) {
    %c0_i32 = arith.constant 0 : i32
    %c0_i32_0 = arith.constant 0 : i32
    %c0_i32_1 = arith.constant 0 : i32
    return %c0_i32, %c0_i32_0 : i32, i32
  }
  func.func @transform_6(%arg0: i32) -> (i32, i32) {
    %c0_i32 = arith.constant 0 : i32
    %c0_i32_0 = arith.constant 0 : i32
    %c0_i32_1 = arith.constant 0 : i32
    return %c0_i32, %c0_i32_0 : i32, i32
  }
  func.func @transform_7(%arg0: i32) -> (i32, i32) {
    %c0_i32 = arith.constant 0 : i32
    %c0_i32_0 = arith.constant 0 : i32
    %c0_i32_1 = arith.constant 0 : i32
    return %c0_i32, %c0_i32_0 : i32, i32
  }
  func.func @transform_8(%arg0: i32) -> (i32, i32) {
    %c0_i32 = arith.constant 0 : i32
    %c0_i32_0 = arith.constant 0 : i32
    %c0_i32_1 = arith.constant 0 : i32
    return %c0_i32, %c0_i32_0 : i32, i32
  }
  func.func @transform_9(%arg0: i32) -> (i32, i32) {
    %c0_i32 = arith.constant 0 : i32
    %c0_i32_0 = arith.constant 0 : i32
    %c0_i32_1 = arith.constant 0 : i32
    return %c0_i32, %c0_i32_0 : i32, i32
  }
  func.func @transform_10(%arg0: i32) -> (i32, i32) {
    %c0_i32 = arith.constant 0 : i32
    %c0_i32_0 = arith.constant 0 : i32
    %c0_i32_1 = arith.constant 0 : i32
    return %c0_i32, %c0_i32_0 : i32, i32
  }
  func.func @transform_11(%arg0: i32) -> (i32, i32) {
    %c0_i32 = arith.constant 0 : i32
    %c0_i32_0 = arith.constant 0 : i32
    %c0_i32_1 = arith.constant 0 : i32
    return %c0_i32, %c0_i32_0 : i32, i32
  }
  func.func @transform_12(%arg0: i32) -> (i32, i32) {
    %c0_i32 = arith.constant 0 : i32
    %c0_i32_0 = arith.constant 0 : i32
    %c0_i32_1 = arith.constant 0 : i32
    return %c0_i32, %c0_i32_0 : i32, i32
  }
  func.func @transform_13(%arg0: i32) -> (i32, i32) {
    %c0_i32 = arith.constant 0 : i32
    %c0_i32_0 = arith.constant 0 : i32
    %c0_i32_1 = arith.constant 0 : i32
    return %c0_i32, %c0_i32_0 : i32, i32
  }
}

module attributes {stable_mosaic.version = 14 : i64} {
  func.func @_post_body(%arg0: memref<64x64xf32, #tpu.memory_space<vmem>>, %arg1: memref<64x64xf32, #tpu.memory_space<vmem>>, %arg2: memref<64x16xf32, #tpu.memory_space<vmem>>, %arg3: memref<1x16xf32, #tpu.memory_space<vmem>>, %arg4: memref<16x7xf32, #tpu.memory_space<vmem>>, %arg5: memref<1x7xf32, #tpu.memory_space<vmem>>, %arg6: memref<64x7xf32, #tpu.memory_space<vmem>>) attributes {dimension_semantics = [], scalar_prefetch = 0 : i64, scratch_operands = 0 : i64, tpu.core_type = #tpu.core_type<tc>} {
    %get3A = arith.constant 0 : index
    %get3A_0 = arith.constant 0 : index
    %get3A_1 = vector.load %arg0[%get3A, %get3A_0] : memref<64x64xf32, #tpu.memory_space<vmem>>, vector<64x64xf32>
    %get3A_2 = arith.constant 0 : index
    %get3A_3 = arith.constant 0 : index
    %get3A_4 = vector.load %arg1[%get3A_2, %get3A_3] : memref<64x64xf32, #tpu.memory_space<vmem>>, vector<64x64xf32>
    %max3A = arith.constant 1.000000e+00 : f32
    %max3A_5 = vector.broadcast %max3A : f32 to vector<64x64xf32>
    %max3A_6 = arith.maximumf %get3A_4, %max3A_5 : vector<64x64xf32>
    %div3A = arith.divf %get3A_1, %max3A_6 : vector<64x64xf32>
    %get3A_7 = arith.constant 0 : index
    %get3A_8 = arith.constant 0 : index
    %get3A_9 = vector.load %arg2[%get3A_7, %get3A_8] : memref<64x16xf32, #tpu.memory_space<vmem>>, vector<64x16xf32>
    %dot_general3A = arith.constant dense<0.000000e+00> : vector<64x16xf32>
    %dot_general3A_10 = tpu.matmul %div3A, %get3A_9, %dot_general3A {dimension_numbers = #tpu.dot_dimension_numbers<[1], [0], [0], [1], [0, 0, 1, 1], [], []>, transpose_lhs_hint = false} : vector<64x64xf32>, vector<64x16xf32>, vector<64x16xf32> -> vector<64x16xf32>
    %get3A_11 = arith.constant 0 : index
    %get3A_12 = arith.constant 0 : index
    %get3A_13 = vector.load %arg3[%get3A_11, %get3A_12] : memref<1x16xf32, #tpu.memory_space<vmem>>, vector<1x16xf32>
    %add3A = vector.broadcast %get3A_13 : vector<1x16xf32> to vector<64x16xf32>
    %add3A_14 = arith.addf %dot_general3A_10, %add3A : vector<64x16xf32>
    %max3A_15 = arith.constant 0.000000e+00 : f32
    %max3A_16 = vector.broadcast %max3A_15 : f32 to vector<64x16xf32>
    %max3A_17 = arith.maximumf %add3A_14, %max3A_16 : vector<64x16xf32>
    %get3A_18 = arith.constant 0 : index
    %get3A_19 = arith.constant 0 : index
    %get3A_20 = vector.load %arg4[%get3A_18, %get3A_19] : memref<16x7xf32, #tpu.memory_space<vmem>>, vector<16x7xf32>
    %dot_general3A_21 = arith.constant dense<0.000000e+00> : vector<64x7xf32>
    %dot_general3A_22 = tpu.matmul %max3A_17, %get3A_20, %dot_general3A_21 {dimension_numbers = #tpu.dot_dimension_numbers<[1], [0], [0], [1], [0, 0, 1, 1], [], []>, transpose_lhs_hint = false} : vector<64x16xf32>, vector<16x7xf32>, vector<64x7xf32> -> vector<64x7xf32>
    %get3A_23 = arith.constant 0 : index
    %get3A_24 = arith.constant 0 : index
    %get3A_25 = vector.load %arg5[%get3A_23, %get3A_24] : memref<1x7xf32, #tpu.memory_space<vmem>>, vector<1x7xf32>
    %add3A_26 = vector.broadcast %get3A_25 : vector<1x7xf32> to vector<64x7xf32>
    %add3A_27 = arith.addf %dot_general3A_22, %add3A_26 : vector<64x7xf32>
    %reduce_max3A = arith.constant dense<0xFF800000> : vector<64xf32>
    %reduce_max3A_28 = vector.multi_reduction <maximumf>, %add3A_27, %reduce_max3A [1] : vector<64x7xf32> to vector<64xf32>
    %broadcast_in_dim3A = vector.shape_cast %reduce_max3A_28 : vector<64xf32> to vector<64x1xf32>
    %sub3A = vector.broadcast %broadcast_in_dim3A : vector<64x1xf32> to vector<64x7xf32>
    %sub3A_29 = arith.subf %add3A_27, %sub3A : vector<64x7xf32>
    %exp3A = math.exp %sub3A_29 : vector<64x7xf32>
    %reduce_sum3A = arith.constant dense<0.000000e+00> : vector<64xf32>
    %reduce_sum3A_30 = vector.multi_reduction <add>, %exp3A, %reduce_sum3A [1] : vector<64x7xf32> to vector<64xf32>
    %broadcast_in_dim3A_31 = vector.shape_cast %reduce_sum3A_30 : vector<64xf32> to vector<64x1xf32>
    %log3A = math.log %broadcast_in_dim3A_31 : vector<64x1xf32>
    %sub3A_32 = vector.broadcast %log3A : vector<64x1xf32> to vector<64x7xf32>
    %sub3A_33 = arith.subf %sub3A_29, %sub3A_32 : vector<64x7xf32>
    %swap3A = arith.constant 0 : index
    %swap3A_34 = arith.constant 0 : index
    %swap3A_35 = vector.load %arg6[%swap3A, %swap3A_34] : memref<64x7xf32, #tpu.memory_space<vmem>>, vector<64x7xf32>
    tpu.vector_store %arg6[%swap3A, %swap3A_34], %sub3A_33 {strides = array<i32>} : memref<64x7xf32, #tpu.memory_space<vmem>>, vector<64x7xf32>,
    return
  }
}

</mosaic_0001>

<sc_bundles>
// kernel: kernel.11.cloned.1.call-start
scs
__scs_entry_jumppad:
0x0: {  	(pc) =	sbr.rel $0x88, $3  }
0x1: {  	(tag) =	ssettag $0x0;
	lr =	simm.s32 $0x1  }
0x2: {  	[smem:$0x3F82] =	sst lr;
	_ =	strace $0xD0000000  }
0x3: {  	_ = 	snop  }
0x4: {  	_ = 	snop  }
0x5: {  	_ = 	snop  }
0x6: {  	_ = 	snop  }
0x7: {  	_ = 	snop  }
__scs_overlays_trampoline_lowered:
0x8: {  	[smem:$0x3F91] =	sst s0  }
0x9: {  	[smem:$0x3F92] =	sst s1  }
0xa: {  	[smem:$0x3F93] =	sst s2  }
0xb: {  	[smem:$0x3F94] =	sst s3  }
0xc: {  	[smem:$0x3F95] =	sst s4  }
0xd: {  	[smem:$0x3F96] =	sst s5  }
0xe: {  	[smem:$0x3F97] =	sst s6  }
0xf: {  	[smem:$0x3F98] =	sst s7  }
0x10: {  	[smem:$0x3F99] =	sst s8  }
0x11: {  	[smem:$0x3F9A] =	sst s9;
	s0 =	simm.s32 @!p0 $0x0  }
0x12: {  	s1 =	sld [smem:$0x3F80];
	s0 =	simm.s32 @p0 $0x1  }
0x13: {  	[smem:$0x3F9B] =	sst s0;
	s0 =	simm.s32 @!p1 $0x0  }
0x14: {  	s2 =	sld [smem:$0x3F7F];
	s0 =	simm.s32 @p1 $0x1  }
0x15: {  	[smem:$0x3F9C] =	sst s0;
	s0 =	simm.s32 @!p2 $0x0  }
0x16: {  	s3 =	sld [smem:$0x3FDB];
	s0 =	simm.s32 @p2 $0x1  }
0x17: {  	s4 =	simm.s32 $0x1BF5;
	[smem:$0x3F9E] =	sst s0  }
0x18: {  	s0 =	sld [smem:$0x3F81];
	_ =	swait.ge [sflag:s4], $0x0  }
0x19: {  	s7 =	sld [smem:$0x3F82]  }
0x1a: {  	s8 =	sadd.s32 $0xFFFFE003, lr  }
0x1b: {  	s9 =	sadd.s32 $0xFFFFFEF7, lr;
	s5 =	simm.s32 $0xFFFFFFFF;
	p2 =	slt.u32 s8, $0xFFFFF086  }
0x1c: {  	p1 =	slt.u32 s9, $0xF7A;
	s5 =	simm.s32 @!p2 $0x0  }
0x1d: {  	s5 =	simm.s32 @p1 $0x1;
	p0 =	seq.s32 s7, s2  }
0x1e: {  	s7 =	smul.u32 @!p0 $0xF7A, s2;
	p2 =	seq.s32 @!p0 s5, $0x0  }
0x1f: {  	s9 =	smul.u32 $0xF7A, s1;
	s8 =	simm.s32 @!p0 $0x1BF5;
	p2 =	por !p2, p0  }
0x20: {  	[sflag:s8] =	ssyncset.s32 @!p0 $0xFFFFF086;
	s6 =	sadd.s32 @!p0 s3, s7;
	s7 =	simm.s32 @!p0 $0x108  }
0x21: {  	s3 =	sadd.s32 s3, s9;
	s6 =	sadd.s32 @!p0 $0x88, s6;
	s7 =	simm.s32 @p2 $0x1082  }
0x22: {  	[simem:s7], [sflag:s8] =	dma.local @!p0 [hbm:s6], $0xF7A  }
0x23: {  	s9 =	sor.u32 $0xD0000000, s2;
	s6 =	simm.s32 $0x108;
	_ =	swait.ge @!p0 [sflag:s8], $0x0  }
0x24: {  	s3 =	sadd.s32 $0x88, s3;
	s6 =	simm.s32 @!p1 $0x1082;
	[sflag:s4] =	ssyncset.s32 $0xFFFFF086  }
0x25: {  	[simem:s6], [sflag:s4] =	dma.local [hbm:s3], $0xF7A  }
0x26: {  	[smem:$0x3F82] =	sst s1;
	(tag) =	ssettag s2;
	_ =	strace s9  }
0x27: {  	s1 =	sld [smem:$0x3F92]  }
0x28: {  	s2 =	sld [smem:$0x3F93]  }
0x29: {  	s4 =	sld [smem:$0x3F95]  }
0x2a: {  	p0 =	seq.s32 s5, $0x0;
	s5 =	sld [smem:$0x3F96]  }
0x2b: {  	s6 =	sld [smem:$0x3F97]  }
0x2c: {  	s7 =	sld [smem:$0x3F98]  }
0x2d: {  	s3 =	simm.s32 $0x108;
	s8 =	sld [smem:$0x3F99]  }
0x2e: {  	s3 =	simm.s32 @!p0 $0x1082;
	s9 =	sld [smem:$0x3F9A]  }
0x2f: {  	lr =	sadd.s32 s0, s3;
	s0 =	sld [smem:$0x3F91]  }
0x30: {  	s3 =	sld [smem:$0x3F94]  }
0x31: {  	[smem:$0x3F9D] =	sst s10  }
0x32: {  	s10 =	sld [smem:$0x3F9B];
	_ =	sdelay $0x3  }
0x33: {  	p0 =	seq.s32 s10, $0x1;
	s10 =	sld [smem:$0x3F9D];
	_ =	sdelay $0x3  }
0x34: {  	[smem:$0x3F9D] =	sst s10  }
0x35: {  	s10 =	sld [smem:$0x3F9C];
	_ =	sdelay $0x3  }
0x36: {  	p1 =	seq.s32 s10, $0x1;
	s10 =	sld [smem:$0x3F9D];
	_ =	sdelay $0x3  }
0x37: {  	[smem:$0x3F9D] =	sst s10  }
0x38: {  	s10 =	sld [smem:$0x3F9E]  }
0x39: {  	_ = 	snop;
	(pc) =	sbr.ind lr, $3  }
0x3a: {  	_ = 	snop  }
0x3b: {  	_ = 	snop  }
0x3c: {  	p2 =	seq.s32 s10, $0x1;
	s10 =	sld [smem:$0x3F9D]  }
0x3d: {  	_ =	shalt  }
0x3e: {  	_ =	shalt  }
0x3f: {  	_ =	shalt  }
0x40: {  	_ =	shalt  }
0x41: {  	_ =	shalt  }
0x42: {  	_ =	shalt  }
0x43: {  	_ =	shalt  }
0x44: {  	_ =	shalt  }
0x45: {  	_ =	shalt  }
0x46: {  	_ =	shalt  }
0x47: {  	_ =	shalt  }
0x48: {  	_ =	shalt  }
0x49: {  	_ =	shalt  }
0x4a: {  	_ =	shalt  }
0x4b: {  	_ =	shalt  }
0x4c: {  	_ =	shalt  }
0x4d: {  	_ =	shalt  }
0x4e: {  	_ =	shalt  }
0x4f: {  	_ =	shalt  }
0x50: {  	_ =	shalt  }
0x51: {  	_ =	shalt  }
0x52: {  	_ =	shalt  }
0x53: {  	_ =	shalt  }
0x54: {  	_ =	shalt  }
0x55: {  	_ =	shalt  }
0x56: {  	_ =	shalt  }
0x57: {  	_ =	shalt  }
0x58: {  	_ =	shalt  }
0x59: {  	_ =	shalt  }
0x5a: {  	_ =	shalt  }
0x5b: {  	_ =	shalt  }
0x5c: {  	_ =	shalt  }
0x5d: {  	_ =	shalt  }
0x5e: {  	_ =	shalt  }
0x5f: {  	_ =	shalt  }
0x60: {  	_ =	shalt  }
0x61: {  	_ =	shalt  }
0x62: {  	_ =	shalt  }
0x63: {  	_ =	shalt  }
0x64: {  	_ =	shalt  }
0x65: {  	_ =	shalt  }
0x66: {  	_ =	shalt  }
0x67: {  	_ =	shalt  }
0x68: {  	_ =	shalt  }
0x69: {  	_ =	shalt  }
0x6a: {  	_ =	shalt  }
0x6b: {  	_ =	shalt  }
0x6c: {  	_ =	shalt  }
0x6d: {  	_ =	shalt  }
0x6e: {  	_ =	shalt  }
0x6f: {  	_ =	shalt  }
0x70: {  	_ =	shalt  }
0x71: {  	_ =	shalt  }
0x72: {  	_ =	shalt  }
0x73: {  	_ =	shalt  }
0x74: {  	_ =	shalt  }
0x75: {  	_ =	shalt  }
0x76: {  	_ =	shalt  }
0x77: {  	_ =	shalt  }
0x78: {  	_ =	shalt  }
0x79: {  	_ =	shalt  }
0x7a: {  	_ =	shalt  }
0x7b: {  	_ =	shalt  }
0x7c: {  	_ =	shalt  }
0x7d: {  	_ =	shalt  }
0x7e: {  	_ =	shalt  }
0x7f: {  	_ =	shalt  }
0x80: {  	_ =	shalt  }
0x81: {  	_ =	shalt  }
0x82: {  	_ =	shalt  }
0x83: {  	_ =	shalt  }
0x84: {  	_ =	shalt  }
0x85: {  	_ =	shalt  }
0x86: {  	_ =	shalt  }
0x87: {  	_ =	shalt  }
.Lfunc_end0:
.L_simem_size_0:
called_computation.1_lowered:
.L_overlay_start_0:
0x88: {  	s2 =	sld [smem:$0x3FD9]  }
0x89: {  	s3 =	sld [smem:$0x3FFE];
	_ =	sdelay $0x1  }
0x8a: {  	s1 =	srdreg.scid  }
0x8b: {  	s0 =	sand.u32 $0x1, s1  }
0x8c: {  	s16 =	sshll.u32 s0, $0xA;
	s2 =	sadd.s32 s3, s2  }
0x8d: {  	s2 =	sadd.s32 s2, s16  }
0x8e: {  	[smem:$0x3FA9] =	sst s2  }
0x8f: {  	_ = 	snop  }
0x90: {  	(tm) =	ssettm $0x1  }
0x91: {  	s17 =	sld [smem:$0x3FFB];
	_ =	sdelay $0x3  }
0x92: {  	_ =	strace s17  }
0x93: {  	s2 =	sld [smem:$0x3FFC];
	_ =	sdelay $0x3  }
0x94: {  	_ =	strace s2  }
0x95: {  	s2 =	sld [smem:$0x3FFD];
	_ =	sdelay $0x3  }
0x96: {  	_ =	strace s2  }
0x97: {  	_ =	strace $0x8FFFFFFF  }
0x98: {  	s18 =	sld [smem:$0x3FDB];
	_ =	sdelay $0x1  }
0x99: {  	s19 =	simm.s32 $_scs_section_size  }
0x9a: {  	s4 =	simm.s32 $_size__tile_overlayer_lowered;
	s5 =	simm.s32 $_tile_overlayer_lowered  }
0x9b: {  	s22 =	simm.s32 $0x1BFF;
	s21 =	sshll.u32 s5, $0x1;
	s2 =	sadd.s32 s19, s18  }
0x9c: {  	s6 =	simm.s32 $0x0;
	s20 =	sshll.u32 s4, $0x1;
	s4 =	sadd.s32 s21, s2  }
0x9d: {  	[timem:s6], [sflag:s22] =	dma.local [hbm:s4], s20  }
0x9e: {  	_ =	swait.ge [sflag:s22], s20  }
0x9f: {  	s3 =	ssub.s32 $0x0, s20;
	[sflag:s22] =	ssyncset.done $0x0  }
0xa0: {  	[sflag:s22] =	ssyncadd.s32 s3;
	_ =	sdelay $0x1  }
0xa1: {  	s23 =	simm.s32 $0x1B8B  }
0xa2: {  	_ =	swait.ge [sflag:s23], $0x1  }
0xa3: {  	[sflag:s23] =	ssyncset.done $0x0  }
0xa4: {  	s25 =	simm.s32 $0x1B8E;
	s24 =	sld [smem:$0x3FFE];
	[sflag:s23] =	ssyncadd.s32 $0xFFFFFFFF  }
0xa5: {  	s26 =	simm.s32 $execute0_lowered;
	[smem:$0x3FD2] =	sst s25  }
0xa6: {  	s4 =	sshll.u32 s26, $0x1;
	_ =	strace $0x80000049;
	[dreg:$0x1] =	wrdreg $0xFFFFFFFF  }
0xa7: {  	s28 =	simm.s32 $_size_execute0_lowered;
	s2 =	sadd.s32 s2, s4;
	[dreg:$0x0] =	wrdreg $0x0  }
0xa8: {  	s4 =	sshll.u32 s28, $0x1;
	[dreg:$0x2] =	wrdreg s2  }
0xa9: {  	[dreg:$0x3] =	wrdreg s4  }
0xaa: {  	[dreg:$0x4] =	wrdreg $0xC0  }
0xab: {  	_ =	task [dreg:s6], $0x5FFFF  }
0xac: {  	[dreg:$0x1] =	wrdreg $0xFFFFFFFF  }
0xad: {  	[dreg:$0x0] =	wrdreg $0x60  }
0xae: {  	[dreg:$0x2] =	wrdreg s24  }
0xaf: {  	[dreg:$0x3] =	wrdreg $0x78000  }
0xb0: {  	[dreg:$0x4] =	wrdreg $0x9  }
0xb1: {  	_ =	task.clear_ibuf [dreg:s6], $0x5FFFF;
	_ =	strace $0x90000049  }
0xb2: {  	s29 =	simm.s32 $0x9;
	_ =	strace $0x8000004B  }
0xb3: {  	_ =	swait.ge [sflag:s29], $0x1  }
0xb4: {  	[sflag:s29] =	ssyncadd.s32 $0xFFFFFFFF  }
0xb5: {  	_ =	strace $0x9000004B  }
0xb6: {  	_ =	sfence  }
0xb7: {  	s30 =	sld [smem:$0x0];
	_ =	sdelay $0x2  }
0xb8: {  	s31 =	sshll.u32 s1, $0xD;
	s1 =	sshrl.u32 s1, $0x2  }
0xb9: {  	s3 =	sand.u32 $0x4000, s31;
	s1 =	sadd.s32 s1, s30  }
0xba: {  	s0 =	sor.u32 s3, s0;
	s1 =	sshll.u32 s1, $0x11  }
0xbb: {  	s0 =	sor.u32 s1, s0  }
0xbc: {  	s0 =	sadd.s32 $0x8F2B, s0  }
0xbd: {  	[sflag:s0] =	ssyncadd.remote.s32 $0x1  }
0xbe: {  	_ =	sfence.sel $0xFFFF  }
0xbf: {  	[dreg:$0x0] =	wrdreg $0xFFFFFFFF;
	(pc) =	sbr.abs _section_cstart, $3  }
0xc0: {  	[dreg:$0x1] =	wrdreg $0xFFFFFFFF  }
0xc1: {  	_ =	task.clear_ibuf [dreg:s6], $0x2FFFF;
	_ =	strace $0x9FFFFFFF  }
0xc2: {  	(tm) =	ssettm $0x7FFFFFFF  }
0xc3: {  	_ =	shalt  }
tec
execute0_lowered:
.L_overlay_start_1:
0x0: {  	(tag) =	ssettag $0x1  }
0x1: {  	s0 =	rddreg [dreg:$0x0]  }
0x2: {  	s2 =	rddreg [dreg:$0x1]  }
0x3: {  	s3 =	simm.s32 $0x0;
	s4 =	srdreg.scid;
	s1 =	stileid.u32  }
0x4: {  	s15 =	simm.s32 $0x3800;
	s17 =	simm.s32 $0x4800;
	s19 =	simm.s32 $0x5800  }
0x5: {  	s21 =	simm.s32 $0x6800;
	s22 =	simm.s32 $0x2;
	s7 =	smul.u32 $0x18700, s1  }
0x6: {  	s23 =	simm.s32 $0x3;
	s24 =	simm.s32 $0x4;
	s11 =	smul.u32 $0x18800, s1  }
0x7: {  	s25 =	simm.s32 $0x5;
	s6 =	sand.u32 $0x1, s4;
	s12 =	smul.u32 $0x30E0, s1  }
0x8: {  	[smem:$0x7FF] =	sst s3;
	s4 =	sadd.s32 $0x24EC00, s0;
	s8 =	smul.u32 $0x187000, s6  }
0x9: {  	s5 =	sadd.s32 $0x4600, s0;
	s29 =	sshll.u32 s1, $0x6;
	s9 =	smul.u32 $0x30E00, s6  }
0xa: {  	_ =	strace $0x8000004A;
	s10 =	smul.u32 $0x188000, s6;
	s6 =	ssub.s32 $0x2, s6  }
0xb: {  	s26 =	sshrl.u32 s6, $0x1;
	s14 =	sadd.s32 s7, s2;
	s8 =	sadd.s32 s7, s8  }
0xc: {  	s13 =	ssub.s32 s6, s26;
	s11 =	sadd.s32 s11, s10;
	s28 =	sadd.s32 s12, s9  }
.Ltmp0:
0xd: {  	s7 =	sor.u32 $0x1C06, s29;
	s12 =	sshrl.u32 s14, $0x3;
	(pc) =	sbr.rel .LBB2_1-.Ltmp0, $4  }
0xe: {  	s14 =	simm.s32 $0x80;
	s26 =	simm.s32 $0x0;
	s8 =	sshrl.u32 s8, $0x3  }
0xf: {  	s30 =	sshrl.u32 s11, $0x3;
	s31 =	sadd.s32 s4, s28;
	s10 =	smax.u32 s13, $0x1  }
0x10: {  	s11 =	sadd.s32 $0x1C00, s11;
	s13 =	simm.s32 $0x6;
	s0 =	sadd.s32 s8, s0  }
0x11: {  	[dreg:$0x3] =	wrdreg s31;
	s8 =	sadd.s32 s5, s30;
	s9 =	sadd.s32 $0x2B0800, s0  }
.LBB2_4:
0x12: {  	s26 =	sadd.s32 $0x1, s26  }
0x13: {  	p0 =	sne.s32 s26, s10  }
.Ltmp1:
0x14: {  	[bflag:$0x0] =	sbarrier.arrive $0xFFFF;
	(pc) =	sbr.rel @!p0 .LBB2_5-.Ltmp1, $4  }
0x15: {  	[hbm:s9], [sflag:s7] =	dma.local [spmem:s12], $0x30E0  }
0x16: {  	_ =	swait.ge [sflag:s13], $0x30E0  }
0x17: {  	[sflag:s13] =	ssyncset.done $0x0  }
0x18: {  	[sflag:s13] =	ssyncadd.s32 $0xFFFFCF20  }
.LBB2_1:
0x19: {  	s0 =	rddreg [dreg:$0x3]  }
0x1a: {  	[spmem:s12], [sflag:s7] =	dma.local [hbm:s0], $0x30E0  }
0x1b: {  	_ =	swait.ge [sflag:s13], $0x30E0  }
0x1c: {  	[sflag:s13] =	ssyncset.done $0x0  }
0x1d: {  	[sflag:s13] =	ssyncadd.s32 $0xFFFFCF20  }
0x1e: {  	s18 =	simm.s32 $0x0;
	[bflag:$0x0] =	sbarrier.arrive $0xFFFF  }
0x1f: {  	[tilespmem:s18], [sflag:$0x6] =	stream.linear.gather [hbm4b:s8+s18], $0x1C00, $0x38;
	[tilespmem:$0x1FF10] =	vst v63  }
0x20: {  	_ =	swait.ge [sflag:s13], $0x1C00  }
0x21: {  	[sflag:s13] =	ssyncset.done $0x0  }
0x22: {  	[sflag:s13] =	ssyncadd.s32 $0xFFFFE400  }
0x23: {  	[tilespmem:s15], [sflag:$0x2] =	stream.indirect.gather [hbm4b:s4+s14], $0x20, s18, s14, $0xb8;
	[tilespmem:$0x1FF10] =	vst v63  }
0x24: {  	s20 =	simm.s32 $0x100  }
0x25: {  	[tilespmem:s17], [sflag:$0x3] =	stream.indirect.gather [hbm4b:s4+s14], $0x20, s20, s14, $0xb8;
	[tilespmem:$0x1FF10] =	vst v63  }
0x26: {  	s30 =	simm.s32 $0x200  }
0x27: {  	[tilespmem:s19], [sflag:$0x4] =	stream.indirect.gather [hbm4b:s4+s14], $0x20, s30, s14, $0xb8;
	[tilespmem:$0x1FF10] =	vst v63  }
0x28: {  	s31 =	simm.s32 $0x300;
	s28 =	smov.u32 s11;
	s29 =	simm.s32 $0x0  }
0x29: {  	[tilespmem:s21], [sflag:$0x5] =	stream.indirect.gather [hbm4b:s4+s14], $0x20, s31, s14, $0xb8;
	[tilespmem:$0x1FF10] =	vst v63  }
.LBB2_2:
0x2a: {  	s0 =	sand.u32 $0x1, s29  }
0x2b: {  	p0 =	seq.s32 s29, $0xD;
	s30 =	sxor.u32 $0x1, s0  }
0x2c: {  	s31 =	smul.u32 @!p0 $0x7000, s30  }
0x2d: {  	s1 =	sshrl.u32 @!p0 s28, $0x3;
	s16 =	simm.s32 @!p0 $0x0  }
0x2e: {  	s0 =	smul.u32 $0x7000, s0;
	s1 =	sadd.s32 @!p0 s5, s1;
	s31 =	sshrl.u32 @!p0 s31, $0x2  }
0x2f: {  	[tilespmem:s31], [sflag:$0x1] =	stream.linear.gather @!p0 [hbm4b:s1+s16], $0x1C00, $0x38;
	[tilespmem:$0x1FF10] =	vst v63  }
0x30: {  	_ =	swait.ge [sflag:s22], $0x1000  }
0x31: {  	s0 =	sshrl.u32 s0, $0x2;
	[sflag:s22] =	ssyncset.done $0x0  }
0x32: {  	s18 =	sor.u32 $0x80, s0;
	[sflag:s22] =	ssyncadd.s32 $0xFFFFF000  }
0x33: {  	[spmem:s2] =	stream.indirect.scatter.add.f32 [tilespmem:s15], [sflag:$0x6], $0x20, s18, s14, $0xb8;
	[tilespmem:$0x1FF10] =	vst v63  }
0x34: {  	_ =	swait.ge [sflag:s13], $0x1000  }
0x35: {  	[sflag:s13] =	ssyncset.done $0x0  }
0x36: {  	s20 =	sadd.s32 $0x400, s0;
	[sflag:s13] =	ssyncadd.s32 $0xFFFFF000  }
0x37: {  	[tilespmem:s15], [sflag:$0x2] =	stream.indirect.gather [hbm4b:s4+s14], $0x20, s20, s14, $0xb8;
	[tilespmem:$0x1FF10] =	vst v63  }
0x38: {  	_ =	swait.ge [sflag:s23], $0x1000  }
0x39: {  	[sflag:s23] =	ssyncset.done $0x0  }
0x3a: {  	s3 =	sor.u32 $0x180, s0;
	[sflag:s23] =	ssyncadd.s32 $0xFFFFF000  }
0x3b: {  	[spmem:s2] =	stream.indirect.scatter.add.f32 [tilespmem:s17], [sflag:$0x6], $0x20, s3, s14, $0xb8;
	[tilespmem:$0x1FF10] =	vst v63  }
0x3c: {  	_ =	swait.ge [sflag:s13], $0x1000  }
0x3d: {  	[sflag:s13] =	ssyncset.done $0x0  }
0x3e: {  	s6 =	sadd.s32 $0x500, s0;
	[sflag:s13] =	ssyncadd.s32 $0xFFFFF000  }
0x3f: {  	[tilespmem:s17], [sflag:$0x3] =	stream.indirect.gather [hbm4b:s4+s14], $0x20, s6, s14, $0xb8;
	[tilespmem:$0x1FF10] =	vst v63  }
0x40: {  	_ =	swait.ge [sflag:s24], $0x1000  }
0x41: {  	[sflag:s24] =	ssyncset.done $0x0  }
0x42: {  	s16 =	sor.u32 $0x280, s0;
	[sflag:s24] =	ssyncadd.s32 $0xFFFFF000  }
0x43: {  	[spmem:s2] =	stream.indirect.scatter.add.f32 [tilespmem:s19], [sflag:$0x6], $0x20, s16, s14, $0xb8;
	[tilespmem:$0x1FF10] =	vst v63  }
0x44: {  	_ =	swait.ge [sflag:s13], $0x1000  }
0x45: {  	[sflag:s13] =	ssyncset.done $0x0  }
0x46: {  	s18 =	sadd.s32 $0x600, s0;
	[sflag:s13] =	ssyncadd.s32 $0xFFFFF000  }
0x47: {  	[tilespmem:s19], [sflag:$0x4] =	stream.indirect.gather [hbm4b:s4+s14], $0x20, s18, s14, $0xb8;
	[tilespmem:$0x1FF10] =	vst v63  }
0x48: {  	_ =	swait.ge [sflag:s25], $0x1000  }
0x49: {  	[sflag:s25] =	ssyncset.done $0x0  }
0x4a: {  	s20 =	sor.u32 $0x380, s0;
	[sflag:s25] =	ssyncadd.s32 $0xFFFFF000  }
0x4b: {  	[spmem:s2] =	stream.indirect.scatter.add.f32 [tilespmem:s21], [sflag:$0x6], $0x20, s20, s14, $0xb8;
	[tilespmem:$0x1FF10] =	vst v63  }
0x4c: {  	_ =	swait.ge [sflag:s13], $0x1000  }
0x4d: {  	[sflag:s13] =	ssyncset.done $0x0  }
0x4e: {  	s3 =	sadd.s32 $0x700, s0;
	[sflag:s13] =	ssyncadd.s32 $0xFFFFF000  }
0x4f: {  	[tilespmem:s21], [sflag:$0x5] =	stream.indirect.gather [hbm4b:s4+s14], $0x20, s3, s14, $0xb8;
	[tilespmem:$0x1FF10] =	vst v63  }
0x50: {  	_ =	swait.ge [sflag:s22], $0x1000  }
0x51: {  	[sflag:s22] =	ssyncset.done $0x0  }
0x52: {  	s6 =	sadd.s32 $0x480, s0;
	[sflag:s22] =	ssyncadd.s32 $0xFFFFF000  }
0x53: {  	[spmem:s2] =	stream.indirect.scatter.add.f32 [tilespmem:s15], [sflag:$0x6], $0x20, s6, s14, $0xb8;
	[tilespmem:$0x1FF10] =	vst v63  }
0x54: {  	_ =	swait.ge [sflag:s13], $0x1000  }
0x55: {  	[sflag:s13] =	ssyncset.done $0x0  }
0x56: {  	s16 =	sadd.s32 $0x800, s0;
	[sflag:s13] =	ssyncadd.s32 $0xFFFFF000  }
0x57: {  	[tilespmem:s15], [sflag:$0x2] =	stream.indirect.gather [hbm4b:s4+s14], $0x20, s16, s14, $0xb8;
	[tilespmem:$0x1FF10] =	vst v63  }
0x58: {  	_ =	swait.ge [sflag:s23], $0x1000  }
0x59: {  	[sflag:s23] =	ssyncset.done $0x0  }
0x5a: {  	s18 =	sadd.s32 $0x580, s0;
	[sflag:s23] =	ssyncadd.s32 $0xFFFFF000  }
0x5b: {  	[spmem:s2] =	stream.indirect.scatter.add.f32 [tilespmem:s17], [sflag:$0x6], $0x20, s18, s14, $0xb8;
	[tilespmem:$0x1FF10] =	vst v63  }
0x5c: {  	_ =	swait.ge [sflag:s13], $0x1000  }
0x5d: {  	[sflag:s13] =	ssyncset.done $0x0  }
0x5e: {  	s20 =	sadd.s32 $0x900, s0;
	[sflag:s13] =	ssyncadd.s32 $0xFFFFF000  }
0x5f: {  	[tilespmem:s17], [sflag:$0x3] =	stream.indirect.gather [hbm4b:s4+s14], $0x20, s20, s14, $0xb8;
	[tilespmem:$0x1FF10] =	vst v63  }
0x60: {  	_ =	swait.ge [sflag:s24], $0x1000  }
0x61: {  	[sflag:s24] =	ssyncset.done $0x0  }
0x62: {  	s3 =	sadd.s32 $0x680, s0;
	[sflag:s24] =	ssyncadd.s32 $0xFFFFF000  }
0x63: {  	[spmem:s2] =	stream.indirect.scatter.add.f32 [tilespmem:s19], [sflag:$0x6], $0x20, s3, s14, $0xb8;
	[tilespmem:$0x1FF10] =	vst v63  }
0x64: {  	_ =	swait.ge [sflag:s13], $0x1000  }
0x65: {  	[sflag:s13] =	ssyncset.done $0x0  }
0x66: {  	s6 =	sadd.s32 $0xA00, s0;
	[sflag:s13] =	ssyncadd.s32 $0xFFFFF000  }
0x67: {  	[tilespmem:s19], [sflag:$0x4] =	stream.indirect.gather [hbm4b:s4+s14], $0x20, s6, s14, $0xb8;
	[tilespmem:$0x1FF10] =	vst v63  }
0x68: {  	_ =	swait.ge [sflag:s25], $0x1000  }
0x69: {  	[sflag:s25] =	ssyncset.done $0x0  }
0x6a: {  	s16 =	sadd.s32 $0x780, s0;
	[sflag:s25] =	ssyncadd.s32 $0xFFFFF000  }
0x6b: {  	[spmem:s2] =	stream.indirect.scatter.add.f32 [tilespmem:s21], [sflag:$0x6], $0x20, s16, s14, $0xb8;
	[tilespmem:$0x1FF10] =	vst v63  }
0x6c: {  	_ =	swait.ge [sflag:s13], $0x1000  }
0x6d: {  	[sflag:s13] =	ssyncset.done $0x0  }
0x6e: {  	s18 =	sadd.s32 $0xB00, s0;
	[sflag:s13] =	ssyncadd.s32 $0xFFFFF000  }
0x6f: {  	[tilespmem:s21], [sflag:$0x5] =	stream.indirect.gather [hbm4b:s4+s14], $0x20, s18, s14, $0xb8;
	[tilespmem:$0x1FF10] =	vst v63  }
0x70: {  	_ =	swait.ge [sflag:s22], $0x1000  }
0x71: {  	[sflag:s22] =	ssyncset.done $0x0  }
0x72: {  	s20 =	sadd.s32 $0x880, s0;
	[sflag:s22] =	ssyncadd.s32 $0xFFFFF000  }
0x73: {  	[spmem:s2] =	stream.indirect.scatter.add.f32 [tilespmem:s15], [sflag:$0x6], $0x20, s20, s14, $0xb8;
	[tilespmem:$0x1FF10] =	vst v63  }
0x74: {  	_ =	swait.ge [sflag:s13], $0x1000  }
0x75: {  	[sflag:s13] =	ssyncset.done $0x0  }
0x76: {  	s3 =	sadd.s32 $0xC00, s0;
	[sflag:s13] =	ssyncadd.s32 $0xFFFFF000  }
0x77: {  	[tilespmem:s15], [sflag:$0x2] =	stream.indirect.gather [hbm4b:s4+s14], $0x20, s3, s14, $0xb8;
	[tilespmem:$0x1FF10] =	vst v63  }
0x78: {  	_ =	swait.ge [sflag:s23], $0x1000  }
0x79: {  	[sflag:s23] =	ssyncset.done $0x0  }
0x7a: {  	s6 =	sadd.s32 $0x980, s0;
	[sflag:s23] =	ssyncadd.s32 $0xFFFFF000  }
0x7b: {  	[spmem:s2] =	stream.indirect.scatter.add.f32 [tilespmem:s17], [sflag:$0x6], $0x20, s6, s14, $0xb8;
	[tilespmem:$0x1FF10] =	vst v63  }
0x7c: {  	_ =	swait.ge [sflag:s13], $0x1000  }
0x7d: {  	[sflag:s13] =	ssyncset.done $0x0  }
0x7e: {  	s16 =	sadd.s32 $0xD00, s0;
	[sflag:s13] =	ssyncadd.s32 $0xFFFFF000  }
0x7f: {  	[tilespmem:s17], [sflag:$0x3] =	stream.indirect.gather [hbm4b:s4+s14], $0x20, s16, s14, $0xb8;
	[tilespmem:$0x1FF10] =	vst v63  }
0x80: {  	_ =	swait.ge [sflag:s24], $0x1000  }
0x81: {  	[sflag:s24] =	ssyncset.done $0x0  }
0x82: {  	s18 =	sadd.s32 $0xA80, s0;
	[sflag:s24] =	ssyncadd.s32 $0xFFFFF000  }
0x83: {  	[spmem:s2] =	stream.indirect.scatter.add.f32 [tilespmem:s19], [sflag:$0x6], $0x20, s18, s14, $0xb8;
	[tilespmem:$0x1FF10] =	vst v63  }
0x84: {  	_ =	swait.ge [sflag:s13], $0x1000  }
0x85: {  	[sflag:s13] =	ssyncset.done $0x0  }
0x86: {  	s20 =	sadd.s32 $0xE00, s0;
	[sflag:s13] =	ssyncadd.s32 $0xFFFFF000  }
0x87: {  	[tilespmem:s19], [sflag:$0x4] =	stream.indirect.gather [hbm4b:s4+s14], $0x20, s20, s14, $0xb8;
	[tilespmem:$0x1FF10] =	vst v63  }
0x88: {  	_ =	swait.ge [sflag:s25], $0x1000  }
0x89: {  	[sflag:s25] =	ssyncset.done $0x0  }
0x8a: {  	s3 =	sadd.s32 $0xB80, s0;
	[sflag:s25] =	ssyncadd.s32 $0xFFFFF000  }
0x8b: {  	[spmem:s2] =	stream.indirect.scatter.add.f32 [tilespmem:s21], [sflag:$0x6], $0x20, s3, s14, $0xb8;
	[tilespmem:$0x1FF10] =	vst v63  }
0x8c: {  	_ =	swait.ge [sflag:s13], $0x1000  }
0x8d: {  	[sflag:s13] =	ssyncset.done $0x0  }
0x8e: {  	s6 =	sadd.s32 $0xF00, s0;
	[sflag:s13] =	ssyncadd.s32 $0xFFFFF000  }
0x8f: {  	[tilespmem:s21], [sflag:$0x5] =	stream.indirect.gather [hbm4b:s4+s14], $0x20, s6, s14, $0xb8;
	[tilespmem:$0x1FF10] =	vst v63  }
0x90: {  	_ =	swait.ge [sflag:s22], $0x1000  }
0x91: {  	[sflag:s22] =	ssyncset.done $0x0  }
0x92: {  	s16 =	sadd.s32 $0xC80, s0;
	[sflag:s22] =	ssyncadd.s32 $0xFFFFF000  }
0x93: {  	[spmem:s2] =	stream.indirect.scatter.add.f32 [tilespmem:s15], [sflag:$0x6], $0x20, s16, s14, $0xb8;
	[tilespmem:$0x1FF10] =	vst v63  }
0x94: {  	_ =	swait.ge [sflag:s13], $0x1000  }
0x95: {  	[sflag:s13] =	ssyncset.done $0x0  }
0x96: {  	s18 =	sadd.s32 $0x1000, s0;
	[sflag:s13] =	ssyncadd.s32 $0xFFFFF000  }
0x97: {  	[tilespmem:s15], [sflag:$0x2] =	stream.indirect.gather [hbm4b:s4+s14], $0x20, s18, s14, $0xb8;
	[tilespmem:$0x1FF10] =	vst v63  }
0x98: {  	_ =	swait.ge [sflag:s23], $0x1000  }
0x99: {  	[sflag:s23] =	ssyncset.done $0x0  }
0x9a: {  	s20 =	sadd.s32 $0xD80, s0;
	[sflag:s23] =	ssyncadd.s32 $0xFFFFF000  }
0x9b: {  	[spmem:s2] =	stream.indirect.scatter.add.f32 [tilespmem:s17], [sflag:$0x6], $0x20, s20, s14, $0xb8;
	[tilespmem:$0x1FF10] =	vst v63  }
0x9c: {  	_ =	swait.ge [sflag:s13], $0x1000  }
0x9d: {  	[sflag:s13] =	ssyncset.done $0x0  }
0x9e: {  	s3 =	sadd.s32 $0x1100, s0;
	[sflag:s13] =	ssyncadd.s32 $0xFFFFF000  }
0x9f: {  	[tilespmem:s17], [sflag:$0x3] =	stream.indirect.gather [hbm4b:s4+s14], $0x20, s3, s14, $0xb8;
	[tilespmem:$0x1FF10] =	vst v63  }
0xa0: {  	_ =	swait.ge [sflag:s24], $0x1000  }
0xa1: {  	[sflag:s24] =	ssyncset.done $0x0  }
0xa2: {  	s6 =	sadd.s32 $0xE80, s0;
	[sflag:s24] =	ssyncadd.s32 $0xFFFFF000  }
0xa3: {  	[spmem:s2] =	stream.indirect.scatter.add.f32 [tilespmem:s19], [sflag:$0x6], $0x20, s6, s14, $0xb8;
	[tilespmem:$0x1FF10] =	vst v63  }
0xa4: {  	_ =	swait.ge [sflag:s13], $0x1000  }
0xa5: {  	[sflag:s13] =	ssyncset.done $0x0  }
0xa6: {  	s16 =	sadd.s32 $0x1200, s0;
	[sflag:s13] =	ssyncadd.s32 $0xFFFFF000  }
0xa7: {  	[tilespmem:s19], [sflag:$0x4] =	stream.indirect.gather [hbm4b:s4+s14], $0x20, s16, s14, $0xb8;
	[tilespmem:$0x1FF10] =	vst v63  }
0xa8: {  	_ =	swait.ge [sflag:s25], $0x1000  }
0xa9: {  	[sflag:s25] =	ssyncset.done $0x0  }
0xaa: {  	s18 =	sadd.s32 $0xF80, s0;
	[sflag:s25] =	ssyncadd.s32 $0xFFFFF000  }
0xab: {  	[spmem:s2] =	stream.indirect.scatter.add.f32 [tilespmem:s21], [sflag:$0x6], $0x20, s18, s14, $0xb8;
	[tilespmem:$0x1FF10] =	vst v63  }
0xac: {  	_ =	swait.ge [sflag:s13], $0x1000  }
0xad: {  	[sflag:s13] =	ssyncset.done $0x0  }
0xae: {  	s20 =	sadd.s32 $0x1300, s0;
	[sflag:s13] =	ssyncadd.s32 $0xFFFFF000  }
0xaf: {  	[tilespmem:s21], [sflag:$0x5] =	stream.indirect.gather [hbm4b:s4+s14], $0x20, s20, s14, $0xb8;
	[tilespmem:$0x1FF10] =	vst v63  }
0xb0: {  	_ =	swait.ge [sflag:s22], $0x1000  }
0xb1: {  	[sflag:s22] =	ssyncset.done $0x0  }
0xb2: {  	s3 =	sadd.s32 $0x1080, s0;
	[sflag:s22] =	ssyncadd.s32 $0xFFFFF000  }
0xb3: {  	[spmem:s2] =	stream.indirect.scatter.add.f32 [tilespmem:s15], [sflag:$0x6], $0x20, s3, s14, $0xb8;
	[tilespmem:$0x1FF10] =	vst v63  }
0xb4: {  	_ =	swait.ge [sflag:s13], $0x1000  }
0xb5: {  	[sflag:s13] =	ssyncset.done $0x0  }
0xb6: {  	s6 =	sadd.s32 $0x1400, s0;
	[sflag:s13] =	ssyncadd.s32 $0xFFFFF000  }
0xb7: {  	[tilespmem:s15], [sflag:$0x2] =	stream.indirect.gather [hbm4b:s4+s14], $0x20, s6, s14, $0xb8;
	[tilespmem:$0x1FF10] =	vst v63  }
0xb8: {  	_ =	swait.ge [sflag:s23], $0x1000  }
0xb9: {  	[sflag:s23] =	ssyncset.done $0x0  }
0xba: {  	s16 =	sadd.s32 $0x1180, s0;
	[sflag:s23] =	ssyncadd.s32 $0xFFFFF000  }
0xbb: {  	[spmem:s2] =	stream.indirect.scatter.add.f32 [tilespmem:s17], [sflag:$0x6], $0x20, s16, s14, $0xb8;
	[tilespmem:$0x1FF10] =	vst v63  }
0xbc: {  	_ =	swait.ge [sflag:s13], $0x1000  }
0xbd: {  	[sflag:s13] =	ssyncset.done $0x0  }
0xbe: {  	s18 =	sadd.s32 $0x1500, s0;
	[sflag:s13] =	ssyncadd.s32 $0xFFFFF000  }
0xbf: {  	[tilespmem:s17], [sflag:$0x3] =	stream.indirect.gather [hbm4b:s4+s14], $0x20, s18, s14, $0xb8;
	[tilespmem:$0x1FF10] =	vst v63  }
0xc0: {  	_ =	swait.ge [sflag:s24], $0x1000  }
0xc1: {  	[sflag:s24] =	ssyncset.done $0x0  }
0xc2: {  	s20 =	sadd.s32 $0x1280, s0;
	[sflag:s24] =	ssyncadd.s32 $0xFFFFF000  }
0xc3: {  	[spmem:s2] =	stream.indirect.scatter.add.f32 [tilespmem:s19], [sflag:$0x6], $0x20, s20, s14, $0xb8;
	[tilespmem:$0x1FF10] =	vst v63  }
0xc4: {  	_ =	swait.ge [sflag:s13], $0x1000  }
0xc5: {  	[sflag:s13] =	ssyncset.done $0x0  }
0xc6: {  	s3 =	sadd.s32 $0x1600, s0;
	[sflag:s13] =	ssyncadd.s32 $0xFFFFF000  }
0xc7: {  	[tilespmem:s19], [sflag:$0x4] =	stream.indirect.gather [hbm4b:s4+s14], $0x20, s3, s14, $0xb8;
	[tilespmem:$0x1FF10] =	vst v63  }
0xc8: {  	_ =	swait.ge [sflag:s25], $0x1000  }
0xc9: {  	[sflag:s25] =	ssyncset.done $0x0  }
0xca: {  	s6 =	sadd.s32 $0x1380, s0;
	[sflag:s25] =	ssyncadd.s32 $0xFFFFF000  }
0xcb: {  	[spmem:s2] =	stream.indirect.scatter.add.f32 [tilespmem:s21], [sflag:$0x6], $0x20, s6, s14, $0xb8;
	[tilespmem:$0x1FF10] =	vst v63  }
0xcc: {  	_ =	swait.ge [sflag:s13], $0x1000  }
0xcd: {  	[sflag:s13] =	ssyncset.done $0x0  }
0xce: {  	s16 =	sadd.s32 $0x1700, s0;
	[sflag:s13] =	ssyncadd.s32 $0xFFFFF000  }
0xcf: {  	[tilespmem:s21], [sflag:$0x5] =	stream.indirect.gather [hbm4b:s4+s14], $0x20, s16, s14, $0xb8;
	[tilespmem:$0x1FF10] =	vst v63  }
0xd0: {  	_ =	swait.ge [sflag:s22], $0x1000  }
0xd1: {  	[sflag:s22] =	ssyncset.done $0x0  }
0xd2: {  	s18 =	sadd.s32 $0x1480, s0;
	[sflag:s22] =	ssyncadd.s32 $0xFFFFF000  }
0xd3: {  	[spmem:s2] =	stream.indirect.scatter.add.f32 [tilespmem:s15], [sflag:$0x6], $0x20, s18, s14, $0xb8;
	[tilespmem:$0x1FF10] =	vst v63  }
0xd4: {  	_ =	swait.ge [sflag:s13], $0x1000  }
0xd5: {  	[sflag:s13] =	ssyncset.done $0x0  }
0xd6: {  	s20 =	sadd.s32 $0x1800, s0;
	[sflag:s13] =	ssyncadd.s32 $0xFFFFF000  }
0xd7: {  	[tilespmem:s15], [sflag:$0x2] =	stream.indirect.gather [hbm4b:s4+s14], $0x20, s20, s14, $0xb8;
	[tilespmem:$0x1FF10] =	vst v63  }
0xd8: {  	_ =	swait.ge [sflag:s23], $0x1000  }
0xd9: {  	[sflag:s23] =	ssyncset.done $0x0  }
0xda: {  	s3 =	sadd.s32 $0x1580, s0;
	[sflag:s23] =	ssyncadd.s32 $0xFFFFF000  }
0xdb: {  	[spmem:s2] =	stream.indirect.scatter.add.f32 [tilespmem:s17], [sflag:$0x6], $0x20, s3, s14, $0xb8;
	[tilespmem:$0x1FF10] =	vst v63  }
0xdc: {  	_ =	swait.ge [sflag:s13], $0x1000  }
0xdd: {  	[sflag:s13] =	ssyncset.done $0x0  }
0xde: {  	s6 =	sadd.s32 $0x1900, s0;
	[sflag:s13] =	ssyncadd.s32 $0xFFFFF000  }
0xdf: {  	[tilespmem:s17], [sflag:$0x3] =	stream.indirect.gather [hbm4b:s4+s14], $0x20, s6, s14, $0xb8;
	[tilespmem:$0x1FF10] =	vst v63  }
0xe0: {  	_ =	swait.ge [sflag:s24], $0x1000  }
0xe1: {  	[sflag:s24] =	ssyncset.done $0x0  }
0xe2: {  	s16 =	sadd.s32 $0x1680, s0;
	[sflag:s24] =	ssyncadd.s32 $0xFFFFF000  }
0xe3: {  	[spmem:s2] =	stream.indirect.scatter.add.f32 [tilespmem:s19], [sflag:$0x6], $0x20, s16, s14, $0xb8;
	[tilespmem:$0x1FF10] =	vst v63  }
0xe4: {  	_ =	swait.ge [sflag:s13], $0x1000  }
0xe5: {  	[sflag:s13] =	ssyncset.done $0x0  }
0xe6: {  	s18 =	sadd.s32 $0x1A00, s0;
	[sflag:s13] =	ssyncadd.s32 $0xFFFFF000  }
0xe7: {  	[tilespmem:s19], [sflag:$0x4] =	stream.indirect.gather [hbm4b:s4+s14], $0x20, s18, s14, $0xb8;
	[tilespmem:$0x1FF10] =	vst v63  }
0xe8: {  	_ =	swait.ge [sflag:s25], $0x1000  }
0xe9: {  	[sflag:s25] =	ssyncset.done $0x0  }
0xea: {  	s20 =	sadd.s32 $0x1780, s0;
	[sflag:s25] =	ssyncadd.s32 $0xFFFFF000  }
0xeb: {  	[spmem:s2] =	stream.indirect.scatter.add.f32 [tilespmem:s21], [sflag:$0x6], $0x20, s20, s14, $0xb8;
	[tilespmem:$0x1FF10] =	vst v63  }
0xec: {  	_ =	swait.ge [sflag:s13], $0x1000  }
0xed: {  	[sflag:s13] =	ssyncset.done $0x0  }
0xee: {  	s1 =	simm.s32 @p0 $0x2;
	s3 =	sadd.s32 $0x1B00, s0;
	[sflag:s13] =	ssyncadd.s32 $0xFFFFF000  }
0xef: {  	[tilespmem:s21], [sflag:$0x5] =	stream.indirect.gather [hbm4b:s4+s14], $0x20, s3, s14, $0xb8;
	[tilespmem:$0x1FF10] =	vst v63  }
0xf0: {  	_ =	swait.ge @p0 [sflag:s1], $0x1000  }
0xf1: {  	s16 =	simm.s32 @p0 $0x80;
	[sflag:s1] =	ssyncset.done @p0 $0x0  }
0xf2: {  	s18 =	simm.s32 @p0 $0x3800;
	[sflag:s1] =	ssyncadd.s32 @p0 $0xFFFFF000;
	s1 =	sadd.s32 @p0 $0x1880, s0  }
0xf3: {  	[spmem:s2] =	stream.indirect.scatter.add.f32 @p0 [tilespmem:s18], [sflag:$0x6], $0x20, s1, s16, $0xb8;
	[tilespmem:$0x1FF10] =	vst v63  }
0xf4: {  	s1 =	simm.s32 @p0 $0x6  }
0xf5: {  	_ =	swait.ge @p0 [sflag:s1], $0x1000  }
0xf6: {  	[sflag:s1] =	ssyncset.done @p0 $0x0  }
0xf7: {  	s18 =	simm.s32 @!p0 $0x1;
	[sflag:s1] =	ssyncadd.s32 @p0 $0xFFFFF000  }
0xf8: {  	_ =	swait.ge @!p0 [sflag:s18], $0x1C00  }
0xf9: {  	[sflag:s18] =	ssyncset.done @!p0 $0x0  }
0xfa: {  	[sflag:s18] =	ssyncadd.s32 @!p0 $0xFFFFE400;
	s18 =	simm.s32 @!p0 $0x2  }
0xfb: {  	_ =	swait.ge @!p0 [sflag:s18], $0x1000  }
0xfc: {  	s20 =	simm.s32 @!p0 $0x80;
	[sflag:s18] =	ssyncset.done @!p0 $0x0  }
0xfd: {  	s3 =	simm.s32 @!p0 $0x3800;
	[sflag:s18] =	ssyncadd.s32 @!p0 $0xFFFFF000;
	s18 =	sadd.s32 @!p0 $0x1880, s0  }
0xfe: {  	[spmem:s2] =	stream.indirect.scatter.add.f32 @!p0 [tilespmem:s3], [sflag:$0x6], $0x20, s18, s20, $0xb8;
	[tilespmem:$0x1FF10] =	vst v63  }
0xff: {  	s18 =	simm.s32 @!p0 $0x6  }
0x100: {  	_ =	swait.ge @!p0 [sflag:s18], $0x1000  }
0x101: {  	[sflag:s18] =	ssyncset.done @!p0 $0x0  }
0x102: {  	[sflag:s18] =	ssyncadd.s32 @!p0 $0xFFFFF000  }
0x103: {  	[tilespmem:s3], [sflag:$0x2] =	stream.indirect.gather @!p0 [hbm4b:s4+s20], $0x20, s31, s20, $0xb8;
	[tilespmem:$0x1FF10] =	vst v63  }
0x104: {  	_ =	swait.ge [sflag:s23], $0x1000  }
0x105: {  	[sflag:s23] =	ssyncset.done $0x0  }
0x106: {  	s6 =	sadd.s32 $0x1980, s0;
	[sflag:s23] =	ssyncadd.s32 $0xFFFFF000  }
0x107: {  	[spmem:s2] =	stream.indirect.scatter.add.f32 [tilespmem:s17], [sflag:$0x6], $0x20, s6, s14, $0xb8;
	[tilespmem:$0x1FF10] =	vst v63  }
0x108: {  	_ =	swait.ge [sflag:s13], $0x1000  }
0x109: {  	[sflag:s13] =	ssyncset.done $0x0  }
0x10a: {  	s3 =	simm.s32 @p0 $0x4;
	[sflag:s13] =	ssyncadd.s32 $0xFFFFF000  }
0x10b: {  	_ =	swait.ge @p0 [sflag:s3], $0x1000  }
0x10c: {  	[sflag:s3] =	ssyncset.done @p0 $0x0  }
0x10d: {  	s6 =	simm.s32 @p0 $0x5800;
	[sflag:s3] =	ssyncadd.s32 @p0 $0xFFFFF000;
	s3 =	sadd.s32 @p0 $0x1A80, s0  }
0x10e: {  	[spmem:s2] =	stream.indirect.scatter.add.f32 @p0 [tilespmem:s6], [sflag:$0x6], $0x20, s3, s16, $0xb8;
	[tilespmem:$0x1FF10] =	vst v63  }
0x10f: {  	_ =	swait.ge @p0 [sflag:s1], $0x1000  }
0x110: {  	[sflag:s1] =	ssyncset.done @p0 $0x0  }
0x111: {  	s3 =	simm.s32 @!p0 $0x4800;
	[sflag:s1] =	ssyncadd.s32 @p0 $0xFFFFF000;
	s1 =	sor.u32 @!p0 $0x100, s31  }
0x112: {  	[tilespmem:s3], [sflag:$0x3] =	stream.indirect.gather @!p0 [hbm4b:s4+s20], $0x20, s1, s20, $0xb8;
	[tilespmem:$0x1FF10] =	vst v63  }
0x113: {  	s1 =	simm.s32 @!p0 $0x4  }
0x114: {  	_ =	swait.ge @!p0 [sflag:s1], $0x1000  }
0x115: {  	[sflag:s1] =	ssyncset.done @!p0 $0x0  }
0x116: {  	s3 =	simm.s32 @!p0 $0x5800;
	[sflag:s1] =	ssyncadd.s32 @!p0 $0xFFFFF000;
	s1 =	sadd.s32 @!p0 $0x1A80, s0  }
0x117: {  	[spmem:s2] =	stream.indirect.scatter.add.f32 @!p0 [tilespmem:s3], [sflag:$0x6], $0x20, s1, s20, $0xb8;
	[tilespmem:$0x1FF10] =	vst v63  }
0x118: {  	_ =	swait.ge @!p0 [sflag:s18], $0x1000  }
0x119: {  	[sflag:s18] =	ssyncset.done @!p0 $0x0  }
0x11a: {  	s1 =	sor.u32 @!p0 $0x200, s31;
	[sflag:s18] =	ssyncadd.s32 @!p0 $0xFFFFF000  }
0x11b: {  	[tilespmem:s3], [sflag:$0x4] =	stream.indirect.gather @!p0 [hbm4b:s4+s20], $0x20, s1, s20, $0xb8;
	[tilespmem:$0x1FF10] =	vst v63  }
0x11c: {  	_ =	swait.ge [sflag:s25], $0x1000  }
0x11d: {  	[sflag:s25] =	ssyncset.done $0x0  }
.Ltmp2:
0x11e: {  	s0 =	sadd.s32 $0x1B80, s0;
	[sflag:s25] =	ssyncadd.s32 $0xFFFFF000;
	(pc) =	sbr.rel @p0 .LBB2_4-.Ltmp2, $4  }
0x11f: {  	[spmem:s2] =	stream.indirect.scatter.add.f32 [tilespmem:s21], [sflag:$0x6], $0x20, s0, s14, $0xb8;
	[tilespmem:$0x1FF10] =	vst v63  }
0x120: {  	_ =	swait.ge [sflag:s13], $0x1000  }
0x121: {  	[sflag:s13] =	ssyncset.done $0x0  }
0x122: {  	[sflag:s13] =	ssyncadd.s32 $0xFFFFF000  }
0x123: {  	s0 =	smul.u32 $0x7000, s30  }
.Ltmp3:
0x124: {  	_ = 	snop;
	(pc) =	sbr.rel .LBB2_2-.Ltmp3, $4  }
0x125: {  	_ = 	snop  }
0x126: {  	s0 =	sshrl.u32 s0, $0x2  }
0x127: {  	s29 =	sadd.s32 $0x1, s29;
	s28 =	sadd.s32 $0x1C00, s28;
	s0 =	sor.u32 $0x300, s0  }
0x128: {  	[tilespmem:s21], [sflag:$0x5] =	stream.indirect.gather [hbm4b:s4+s14], $0x20, s0, s14, $0xb8;
	[tilespmem:$0x1FF10] =	vst v63  }
.LBB2_5:
0x129: {  	_ =	sfence.sel $0x180000  }
0x12a: {  	[bflag:$0x0] =	sbarrier.arrive $0xFFFF  }
0x12b: {  	_ =	strace $0x9000004A  }
0x12c: {  	s0 =	stileid.u32;
	[bflag:$0x2] =	sbarrier.arrive $0xFFFF  }
0x12d: {  	p0 =	sne.s32 s0, $0x0;
	s0 =	rddreg [dreg:$0x2]  }
0x12e: {  	s0 =	sadd.s32 @!p0 $0x100000, s0  }
0x12f: {  	[sflag:s0] =	ssyncadd.tile.s32 @!p0 $0x1;
	_ =	shalt  }
.Lfunc_end2:
_tile_overlayer_lowered:
.L_overlay_start_2:
0x130: {  	(tag) =	ssettag $0x2  }
0x131: {  	s0 =	rddreg [dreg:$0x0];
	s2 =	stileid.u32  }
0x132: {  	s1 =	rddreg [dreg:$0x1];
	p0 =	sne.s32 s2, $0x0  }
0x133: {  	s3 =	rddreg [dreg:$0x2];
	[bflag:$0x3] =	sbarrier.arrive $0xFFFF;
	s2 =	simm.s32 @!p0 $0x1C06  }
0x134: {  	[timem:s3], [sflag:s2] =	dma.local @!p0 [hbm:s0], s1  }
0x135: {  	s0 =	simm.s32 @!p0 $0x6  }
0x136: {  	_ =	swait.ge @!p0 [sflag:s0], s1  }
0x137: {  	s1 =	ssub.s32 @!p0 $0x0, s1;
	[sflag:s0] =	ssyncset.done @!p0 $0x0  }
0x138: {  	[sflag:s0] =	ssyncadd.s32 @!p0 s1  }
0x139: {  	[bflag:$0x3] =	sbarrier.arrive $0xFFFF  }
0x13a: {  	_ =	shalt  }

// kernel: kernel.8.cloned.1.call-start
scs
__scs_entry_jumppad:
0x0: {  	(pc) =	sbr.rel $0x88, $3  }
0x1: {  	(tag) =	ssettag $0x0;
	lr =	simm.s32 $0x1  }
0x2: {  	[smem:$0x3F82] =	sst lr;
	_ =	strace $0xD0000000  }
0x3: {  	_ = 	snop  }
0x4: {  	_ = 	snop  }
0x5: {  	_ = 	snop  }
0x6: {  	_ = 	snop  }
0x7: {  	_ = 	snop  }
__scs_overlays_trampoline_lowered:
0x8: {  	[smem:$0x3F91] =	sst s0  }
0x9: {  	[smem:$0x3F92] =	sst s1  }
0xa: {  	[smem:$0x3F93] =	sst s2  }
0xb: {  	[smem:$0x3F94] =	sst s3  }
0xc: {  	[smem:$0x3F95] =	sst s4  }
0xd: {  	[smem:$0x3F96] =	sst s5  }
0xe: {  	[smem:$0x3F97] =	sst s6  }
0xf: {  	[smem:$0x3F98] =	sst s7  }
0x10: {  	[smem:$0x3F99] =	sst s8  }
0x11: {  	[smem:$0x3F9A] =	sst s9;
	s0 =	simm.s32 @!p0 $0x0  }
0x12: {  	s1 =	sld [smem:$0x3F80];
	s0 =	simm.s32 @p0 $0x1  }
0x13: {  	[smem:$0x3F9B] =	sst s0;
	s0 =	simm.s32 @!p1 $0x0  }
0x14: {  	s2 =	sld [smem:$0x3F7F];
	s0 =	simm.s32 @p1 $0x1  }
0x15: {  	[smem:$0x3F9C] =	sst s0;
	s0 =	simm.s32 @!p2 $0x0  }
0x16: {  	s3 =	sld [smem:$0x3FDB];
	s0 =	simm.s32 @p2 $0x1  }
0x17: {  	s4 =	simm.s32 $0x1BF5;
	[smem:$0x3F9E] =	sst s0  }
0x18: {  	s0 =	sld [smem:$0x3F81];
	_ =	swait.ge [sflag:s4], $0x0  }
0x19: {  	s7 =	sld [smem:$0x3F82]  }
0x1a: {  	s8 =	sadd.s32 $0xFFFFE003, lr  }
0x1b: {  	s9 =	sadd.s32 $0xFFFFFEF7, lr;
	s5 =	simm.s32 $0xFFFFFFFF;
	p2 =	slt.u32 s8, $0xFFFFF086  }
0x1c: {  	p1 =	slt.u32 s9, $0xF7A;
	s5 =	simm.s32 @!p2 $0x0  }
0x1d: {  	s5 =	simm.s32 @p1 $0x1;
	p0 =	seq.s32 s7, s2  }
0x1e: {  	s7 =	smul.u32 @!p0 $0xF7A, s2;
	p2 =	seq.s32 @!p0 s5, $0x0  }
0x1f: {  	s9 =	smul.u32 $0xF7A, s1;
	s8 =	simm.s32 @!p0 $0x1BF5;
	p2 =	por !p2, p0  }
0x20: {  	[sflag:s8] =	ssyncset.s32 @!p0 $0xFFFFF086;
	s6 =	sadd.s32 @!p0 s3, s7;
	s7 =	simm.s32 @!p0 $0x108  }
0x21: {  	s3 =	sadd.s32 s3, s9;
	s6 =	sadd.s32 @!p0 $0x88, s6;
	s7 =	simm.s32 @p2 $0x1082  }
0x22: {  	[simem:s7], [sflag:s8] =	dma.local @!p0 [hbm:s6], $0xF7A  }
0x23: {  	s9 =	sor.u32 $0xD0000000, s2;
	s6 =	simm.s32 $0x108;
	_ =	swait.ge @!p0 [sflag:s8], $0x0  }
0x24: {  	s3 =	sadd.s32 $0x88, s3;
	s6 =	simm.s32 @!p1 $0x1082;
	[sflag:s4] =	ssyncset.s32 $0xFFFFF086  }
0x25: {  	[simem:s6], [sflag:s4] =	dma.local [hbm:s3], $0xF7A  }
0x26: {  	[smem:$0x3F82] =	sst s1;
	(tag) =	ssettag s2;
	_ =	strace s9  }
0x27: {  	s1 =	sld [smem:$0x3F92]  }
0x28: {  	s2 =	sld [smem:$0x3F93]  }
0x29: {  	s4 =	sld [smem:$0x3F95]  }
0x2a: {  	p0 =	seq.s32 s5, $0x0;
	s5 =	sld [smem:$0x3F96]  }
0x2b: {  	s6 =	sld [smem:$0x3F97]  }
0x2c: {  	s7 =	sld [smem:$0x3F98]  }
0x2d: {  	s3 =	simm.s32 $0x108;
	s8 =	sld [smem:$0x3F99]  }
0x2e: {  	s3 =	simm.s32 @!p0 $0x1082;
	s9 =	sld [smem:$0x3F9A]  }
0x2f: {  	lr =	sadd.s32 s0, s3;
	s0 =	sld [smem:$0x3F91]  }
0x30: {  	s3 =	sld [smem:$0x3F94]  }
0x31: {  	[smem:$0x3F9D] =	sst s10  }
0x32: {  	s10 =	sld [smem:$0x3F9B];
	_ =	sdelay $0x3  }
0x33: {  	p0 =	seq.s32 s10, $0x1;
	s10 =	sld [smem:$0x3F9D];
	_ =	sdelay $0x3  }
0x34: {  	[smem:$0x3F9D] =	sst s10  }
0x35: {  	s10 =	sld [smem:$0x3F9C];
	_ =	sdelay $0x3  }
0x36: {  	p1 =	seq.s32 s10, $0x1;
	s10 =	sld [smem:$0x3F9D];
	_ =	sdelay $0x3  }
0x37: {  	[smem:$0x3F9D] =	sst s10  }
0x38: {  	s10 =	sld [smem:$0x3F9E]  }
0x39: {  	_ = 	snop;
	(pc) =	sbr.ind lr, $3  }
0x3a: {  	_ = 	snop  }
0x3b: {  	_ = 	snop  }
0x3c: {  	p2 =	seq.s32 s10, $0x1;
	s10 =	sld [smem:$0x3F9D]  }
0x3d: {  	_ =	shalt  }
0x3e: {  	_ =	shalt  }
0x3f: {  	_ =	shalt  }
0x40: {  	_ =	shalt  }
0x41: {  	_ =	shalt  }
0x42: {  	_ =	shalt  }
0x43: {  	_ =	shalt  }
0x44: {  	_ =	shalt  }
0x45: {  	_ =	shalt  }
0x46: {  	_ =	shalt  }
0x47: {  	_ =	shalt  }
0x48: {  	_ =	shalt  }
0x49: {  	_ =	shalt  }
0x4a: {  	_ =	shalt  }
0x4b: {  	_ =	shalt  }
0x4c: {  	_ =	shalt  }
0x4d: {  	_ =	shalt  }
0x4e: {  	_ =	shalt  }
0x4f: {  	_ =	shalt  }
0x50: {  	_ =	shalt  }
0x51: {  	_ =	shalt  }
0x52: {  	_ =	shalt  }
0x53: {  	_ =	shalt  }
0x54: {  	_ =	shalt  }
0x55: {  	_ =	shalt  }
0x56: {  	_ =	shalt  }
0x57: {  	_ =	shalt  }
0x58: {  	_ =	shalt  }
0x59: {  	_ =	shalt  }
0x5a: {  	_ =	shalt  }
0x5b: {  	_ =	shalt  }
0x5c: {  	_ =	shalt  }
0x5d: {  	_ =	shalt  }
0x5e: {  	_ =	shalt  }
0x5f: {  	_ =	shalt  }
0x60: {  	_ =	shalt  }
0x61: {  	_ =	shalt  }
0x62: {  	_ =	shalt  }
0x63: {  	_ =	shalt  }
0x64: {  	_ =	shalt  }
0x65: {  	_ =	shalt  }
0x66: {  	_ =	shalt  }
0x67: {  	_ =	shalt  }
0x68: {  	_ =	shalt  }
0x69: {  	_ =	shalt  }
0x6a: {  	_ =	shalt  }
0x6b: {  	_ =	shalt  }
0x6c: {  	_ =	shalt  }
0x6d: {  	_ =	shalt  }
0x6e: {  	_ =	shalt  }
0x6f: {  	_ =	shalt  }
0x70: {  	_ =	shalt  }
0x71: {  	_ =	shalt  }
0x72: {  	_ =	shalt  }
0x73: {  	_ =	shalt  }
0x74: {  	_ =	shalt  }
0x75: {  	_ =	shalt  }
0x76: {  	_ =	shalt  }
0x77: {  	_ =	shalt  }
0x78: {  	_ =	shalt  }
0x79: {  	_ =	shalt  }
0x7a: {  	_ =	shalt  }
0x7b: {  	_ =	shalt  }
0x7c: {  	_ =	shalt  }
0x7d: {  	_ =	shalt  }
0x7e: {  	_ =	shalt  }
0x7f: {  	_ =	shalt  }
0x80: {  	_ =	shalt  }
0x81: {  	_ =	shalt  }
0x82: {  	_ =	shalt  }
0x83: {  	_ =	shalt  }
0x84: {  	_ =	shalt  }
0x85: {  	_ =	shalt  }
0x86: {  	_ =	shalt  }
0x87: {  	_ =	shalt  }
.Lfunc_end0:
.L_simem_size_0:
called_computation_lowered:
.L_overlay_start_0:
0x88: {  	s2 =	sld [smem:$0x3FD9]  }
0x89: {  	s3 =	sld [smem:$0x3FFE];
	_ =	sdelay $0x1  }
0x8a: {  	s1 =	srdreg.scid  }
0x8b: {  	s0 =	sand.u32 $0x1, s1  }
0x8c: {  	s16 =	sshll.u32 s0, $0xA;
	s2 =	sadd.s32 s3, s2  }
0x8d: {  	s2 =	sadd.s32 s2, s16  }
0x8e: {  	[smem:$0x3FA9] =	sst s2  }
0x8f: {  	_ = 	snop  }
0x90: {  	(tm) =	ssettm $0x1  }
0x91: {  	s17 =	sld [smem:$0x3FFB];
	_ =	sdelay $0x3  }
0x92: {  	_ =	strace s17  }
0x93: {  	s2 =	sld [smem:$0x3FFC];
	_ =	sdelay $0x3  }
0x94: {  	_ =	strace s2  }
0x95: {  	s2 =	sld [smem:$0x3FFD];
	_ =	sdelay $0x3  }
0x96: {  	_ =	strace s2  }
0x97: {  	_ =	strace $0x8FFFFFFF  }
0x98: {  	s18 =	sld [smem:$0x3FDB];
	_ =	sdelay $0x1  }
0x99: {  	s19 =	simm.s32 $_scs_section_size  }
0x9a: {  	s4 =	simm.s32 $_size__tile_overlayer_lowered;
	s5 =	simm.s32 $_tile_overlayer_lowered  }
0x9b: {  	s22 =	simm.s32 $0x1BFF;
	s21 =	sshll.u32 s5, $0x1;
	s2 =	sadd.s32 s19, s18  }
0x9c: {  	s6 =	simm.s32 $0x0;
	s20 =	sshll.u32 s4, $0x1;
	s4 =	sadd.s32 s21, s2  }
0x9d: {  	[timem:s6], [sflag:s22] =	dma.local [hbm:s4], s20  }
0x9e: {  	_ =	swait.ge [sflag:s22], s20  }
0x9f: {  	s3 =	ssub.s32 $0x0, s20;
	[sflag:s22] =	ssyncset.done $0x0  }
0xa0: {  	[sflag:s22] =	ssyncadd.s32 s3;
	_ =	sdelay $0x1  }
0xa1: {  	s23 =	simm.s32 $0x1B8B  }
0xa2: {  	_ =	swait.ge [sflag:s23], $0x1  }
0xa3: {  	[sflag:s23] =	ssyncset.done $0x0  }
0xa4: {  	s25 =	simm.s32 $0x1B8E;
	s24 =	sld [smem:$0x3FFE];
	[sflag:s23] =	ssyncadd.s32 $0xFFFFFFFF  }
0xa5: {  	s26 =	simm.s32 $execute0_lowered;
	[smem:$0x3FD2] =	sst s25  }
0xa6: {  	s4 =	sshll.u32 s26, $0x1;
	_ =	strace $0x80000046;
	[dreg:$0x1] =	wrdreg $0xFFFFFFFF  }
0xa7: {  	s28 =	simm.s32 $_size_execute0_lowered;
	s2 =	sadd.s32 s2, s4;
	[dreg:$0x0] =	wrdreg $0x0  }
0xa8: {  	s4 =	sshll.u32 s28, $0x1;
	[dreg:$0x2] =	wrdreg s2  }
0xa9: {  	[dreg:$0x3] =	wrdreg s4  }
0xaa: {  	[dreg:$0x4] =	wrdreg $0xC0  }
0xab: {  	_ =	task [dreg:s6], $0x5FFFF  }
0xac: {  	[dreg:$0x1] =	wrdreg $0xFFFFFFFF  }
0xad: {  	[dreg:$0x0] =	wrdreg $0x60  }
0xae: {  	[dreg:$0x2] =	wrdreg s24  }
0xaf: {  	[dreg:$0x3] =	wrdreg $0x78000  }
0xb0: {  	[dreg:$0x4] =	wrdreg $0x9  }
0xb1: {  	_ =	task.clear_ibuf [dreg:s6], $0x5FFFF;
	_ =	strace $0x90000046  }
0xb2: {  	s29 =	simm.s32 $0x9;
	_ =	strace $0x80000048  }
0xb3: {  	_ =	swait.ge [sflag:s29], $0x1  }
0xb4: {  	[sflag:s29] =	ssyncadd.s32 $0xFFFFFFFF  }
0xb5: {  	_ =	strace $0x90000048  }
0xb6: {  	_ =	sfence  }
0xb7: {  	s30 =	sld [smem:$0x0];
	_ =	sdelay $0x2  }
0xb8: {  	s31 =	sshll.u32 s1, $0xD;
	s1 =	sshrl.u32 s1, $0x2  }
0xb9: {  	s3 =	sand.u32 $0x4000, s31;
	s1 =	sadd.s32 s1, s30  }
0xba: {  	s0 =	sor.u32 s3, s0;
	s1 =	sshll.u32 s1, $0x11  }
0xbb: {  	s0 =	sor.u32 s1, s0  }
0xbc: {  	s0 =	sadd.s32 $0x8F2B, s0  }
0xbd: {  	[sflag:s0] =	ssyncadd.remote.s32 $0x1  }
0xbe: {  	_ =	sfence.sel $0xFFFF  }
0xbf: {  	[dreg:$0x0] =	wrdreg $0xFFFFFFFF;
	(pc) =	sbr.abs _section_cstart, $3  }
0xc0: {  	[dreg:$0x1] =	wrdreg $0xFFFFFFFF  }
0xc1: {  	_ =	task.clear_ibuf [dreg:s6], $0x2FFFF;
	_ =	strace $0x9FFFFFFF  }
0xc2: {  	(tm) =	ssettm $0x7FFFFFFF  }
0xc3: {  	_ =	shalt  }
tec
execute0_lowered:
.L_overlay_start_1:
0x0: {  	(tag) =	ssettag $0x1  }
0x1: {  	s0 =	rddreg [dreg:$0x0]  }
0x2: {  	s2 =	rddreg [dreg:$0x1]  }
0x3: {  	s3 =	simm.s32 $0x0;
	s4 =	srdreg.scid;
	s1 =	stileid.u32  }
0x4: {  	s15 =	simm.s32 $0x3800;
	s17 =	simm.s32 $0x4800;
	s19 =	simm.s32 $0x5800  }
0x5: {  	s21 =	simm.s32 $0x6800;
	s22 =	simm.s32 $0x2;
	s7 =	smul.u32 $0x18700, s1  }
0x6: {  	s23 =	simm.s32 $0x3;
	s24 =	simm.s32 $0x4;
	s11 =	smul.u32 $0x18800, s1  }
0x7: {  	s25 =	simm.s32 $0x5;
	s6 =	sand.u32 $0x1, s4;
	s12 =	smul.u32 $0x30E0, s1  }
0x8: {  	[smem:$0x7FF] =	sst s3;
	s4 =	sadd.s32 $0x24EC00, s0;
	s8 =	smul.u32 $0x187000, s6  }
0x9: {  	s5 =	sadd.s32 $0x4600, s0;
	s29 =	sshll.u32 s1, $0x6;
	s9 =	smul.u32 $0x30E00, s6  }
0xa: {  	_ =	strace $0x80000047;
	s10 =	smul.u32 $0x188000, s6;
	s6 =	ssub.s32 $0x2, s6  }
0xb: {  	s26 =	sshrl.u32 s6, $0x1;
	s14 =	sadd.s32 s7, s2;
	s8 =	sadd.s32 s7, s8  }
0xc: {  	s13 =	ssub.s32 s6, s26;
	s11 =	sadd.s32 s11, s10;
	s28 =	sadd.s32 s12, s9  }
.Ltmp0:
0xd: {  	s7 =	sor.u32 $0x1C06, s29;
	s12 =	sshrl.u32 s14, $0x3;
	(pc) =	sbr.rel .LBB2_1-.Ltmp0, $4  }
0xe: {  	s14 =	simm.s32 $0x80;
	s26 =	simm.s32 $0x0;
	s8 =	sshrl.u32 s8, $0x3  }
0xf: {  	s30 =	sshrl.u32 s11, $0x3;
	s31 =	sadd.s32 s4, s28;
	s10 =	smax.u32 s13, $0x1  }
0x10: {  	s11 =	sadd.s32 $0x1C00, s11;
	s13 =	simm.s32 $0x6;
	s0 =	sadd.s32 s8, s0  }
0x11: {  	[dreg:$0x3] =	wrdreg s31;
	s8 =	sadd.s32 s5, s30;
	s9 =	sadd.s32 $0x66600, s0  }
.LBB2_4:
0x12: {  	s26 =	sadd.s32 $0x1, s26  }
0x13: {  	p0 =	sne.s32 s26, s10  }
.Ltmp1:
0x14: {  	[bflag:$0x0] =	sbarrier.arrive $0xFFFF;
	(pc) =	sbr.rel @!p0 .LBB2_5-.Ltmp1, $4  }
0x15: {  	[hbm:s9], [sflag:s7] =	dma.local [spmem:s12], $0x30E0  }
0x16: {  	_ =	swait.ge [sflag:s13], $0x30E0  }
0x17: {  	[sflag:s13] =	ssyncset.done $0x0  }
0x18: {  	[sflag:s13] =	ssyncadd.s32 $0xFFFFCF20  }
.LBB2_1:
0x19: {  	s0 =	rddreg [dreg:$0x3]  }
0x1a: {  	[spmem:s12], [sflag:s7] =	dma.local [hbm:s0], $0x30E0  }
0x1b: {  	_ =	swait.ge [sflag:s13], $0x30E0  }
0x1c: {  	[sflag:s13] =	ssyncset.done $0x0  }
0x1d: {  	[sflag:s13] =	ssyncadd.s32 $0xFFFFCF20  }
0x1e: {  	s18 =	simm.s32 $0x0;
	[bflag:$0x0] =	sbarrier.arrive $0xFFFF  }
0x1f: {  	[tilespmem:s18], [sflag:$0x6] =	stream.linear.gather [hbm4b:s8+s18], $0x1C00, $0x38;
	[tilespmem:$0x1FF10] =	vst v63  }
0x20: {  	_ =	swait.ge [sflag:s13], $0x1C00  }
0x21: {  	[sflag:s13] =	ssyncset.done $0x0  }
0x22: {  	[sflag:s13] =	ssyncadd.s32 $0xFFFFE400  }
0x23: {  	[tilespmem:s15], [sflag:$0x2] =	stream.indirect.gather [hbm4b:s4+s14], $0x20, s18, s14, $0xb8;
	[tilespmem:$0x1FF10] =	vst v63  }
0x24: {  	s20 =	simm.s32 $0x100  }
0x25: {  	[tilespmem:s17], [sflag:$0x3] =	stream.indirect.gather [hbm4b:s4+s14], $0x20, s20, s14, $0xb8;
	[tilespmem:$0x1FF10] =	vst v63  }
0x26: {  	s30 =	simm.s32 $0x200  }
0x27: {  	[tilespmem:s19], [sflag:$0x4] =	stream.indirect.gather [hbm4b:s4+s14], $0x20, s30, s14, $0xb8;
	[tilespmem:$0x1FF10] =	vst v63  }
0x28: {  	s31 =	simm.s32 $0x300;
	s28 =	smov.u32 s11;
	s29 =	simm.s32 $0x0  }
0x29: {  	[tilespmem:s21], [sflag:$0x5] =	stream.indirect.gather [hbm4b:s4+s14], $0x20, s31, s14, $0xb8;
	[tilespmem:$0x1FF10] =	vst v63  }
.LBB2_2:
0x2a: {  	s0 =	sand.u32 $0x1, s29  }
0x2b: {  	p0 =	seq.s32 s29, $0xD;
	s30 =	sxor.u32 $0x1, s0  }
0x2c: {  	s31 =	smul.u32 @!p0 $0x7000, s30  }
0x2d: {  	s1 =	sshrl.u32 @!p0 s28, $0x3;
	s16 =	simm.s32 @!p0 $0x0  }
0x2e: {  	s0 =	smul.u32 $0x7000, s0;
	s1 =	sadd.s32 @!p0 s5, s1;
	s31 =	sshrl.u32 @!p0 s31, $0x2  }
0x2f: {  	[tilespmem:s31], [sflag:$0x1] =	stream.linear.gather @!p0 [hbm4b:s1+s16], $0x1C00, $0x38;
	[tilespmem:$0x1FF10] =	vst v63  }
0x30: {  	_ =	swait.ge [sflag:s22], $0x1000  }
0x31: {  	s0 =	sshrl.u32 s0, $0x2;
	[sflag:s22] =	ssyncset.done $0x0  }
0x32: {  	s18 =	sor.u32 $0x80, s0;
	[sflag:s22] =	ssyncadd.s32 $0xFFFFF000  }
0x33: {  	[spmem:s2] =	stream.indirect.scatter.add.f32 [tilespmem:s15], [sflag:$0x6], $0x20, s18, s14, $0xb8;
	[tilespmem:$0x1FF10] =	vst v63  }
0x34: {  	_ =	swait.ge [sflag:s13], $0x1000  }
0x35: {  	[sflag:s13] =	ssyncset.done $0x0  }
0x36: {  	s20 =	sadd.s32 $0x400, s0;
	[sflag:s13] =	ssyncadd.s32 $0xFFFFF000  }
0x37: {  	[tilespmem:s15], [sflag:$0x2] =	stream.indirect.gather [hbm4b:s4+s14], $0x20, s20, s14, $0xb8;
	[tilespmem:$0x1FF10] =	vst v63  }
0x38: {  	_ =	swait.ge [sflag:s23], $0x1000  }
0x39: {  	[sflag:s23] =	ssyncset.done $0x0  }
0x3a: {  	s3 =	sor.u32 $0x180, s0;
	[sflag:s23] =	ssyncadd.s32 $0xFFFFF000  }
0x3b: {  	[spmem:s2] =	stream.indirect.scatter.add.f32 [tilespmem:s17], [sflag:$0x6], $0x20, s3, s14, $0xb8;
	[tilespmem:$0x1FF10] =	vst v63  }
0x3c: {  	_ =	swait.ge [sflag:s13], $0x1000  }
0x3d: {  	[sflag:s13] =	ssyncset.done $0x0  }
0x3e: {  	s6 =	sadd.s32 $0x500, s0;
	[sflag:s13] =	ssyncadd.s32 $0xFFFFF000  }
0x3f: {  	[tilespmem:s17], [sflag:$0x3] =	stream.indirect.gather [hbm4b:s4+s14], $0x20, s6, s14, $0xb8;
	[tilespmem:$0x1FF10] =	vst v63  }
0x40: {  	_ =	swait.ge [sflag:s24], $0x1000  }
0x41: {  	[sflag:s24] =	ssyncset.done $0x0  }
0x42: {  	s16 =	sor.u32 $0x280, s0;
	[sflag:s24] =	ssyncadd.s32 $0xFFFFF000  }
0x43: {  	[spmem:s2] =	stream.indirect.scatter.add.f32 [tilespmem:s19], [sflag:$0x6], $0x20, s16, s14, $0xb8;
	[tilespmem:$0x1FF10] =	vst v63  }
0x44: {  	_ =	swait.ge [sflag:s13], $0x1000  }
0x45: {  	[sflag:s13] =	ssyncset.done $0x0  }
0x46: {  	s18 =	sadd.s32 $0x600, s0;
	[sflag:s13] =	ssyncadd.s32 $0xFFFFF000  }
0x47: {  	[tilespmem:s19], [sflag:$0x4] =	stream.indirect.gather [hbm4b:s4+s14], $0x20, s18, s14, $0xb8;
	[tilespmem:$0x1FF10] =	vst v63  }
0x48: {  	_ =	swait.ge [sflag:s25], $0x1000  }
0x49: {  	[sflag:s25] =	ssyncset.done $0x0  }
0x4a: {  	s20 =	sor.u32 $0x380, s0;
	[sflag:s25] =	ssyncadd.s32 $0xFFFFF000  }
0x4b: {  	[spmem:s2] =	stream.indirect.scatter.add.f32 [tilespmem:s21], [sflag:$0x6], $0x20, s20, s14, $0xb8;
	[tilespmem:$0x1FF10] =	vst v63  }
0x4c: {  	_ =	swait.ge [sflag:s13], $0x1000  }
0x4d: {  	[sflag:s13] =	ssyncset.done $0x0  }
0x4e: {  	s3 =	sadd.s32 $0x700, s0;
	[sflag:s13] =	ssyncadd.s32 $0xFFFFF000  }
0x4f: {  	[tilespmem:s21], [sflag:$0x5] =	stream.indirect.gather [hbm4b:s4+s14], $0x20, s3, s14, $0xb8;
	[tilespmem:$0x1FF10] =	vst v63  }
0x50: {  	_ =	swait.ge [sflag:s22], $0x1000  }
0x51: {  	[sflag:s22] =	ssyncset.done $0x0  }
0x52: {  	s6 =	sadd.s32 $0x480, s0;
	[sflag:s22] =	ssyncadd.s32 $0xFFFFF000  }
0x53: {  	[spmem:s2] =	stream.indirect.scatter.add.f32 [tilespmem:s15], [sflag:$0x6], $0x20, s6, s14, $0xb8;
	[tilespmem:$0x1FF10] =	vst v63  }
0x54: {  	_ =	swait.ge [sflag:s13], $0x1000  }
0x55: {  	[sflag:s13] =	ssyncset.done $0x0  }
0x56: {  	s16 =	sadd.s32 $0x800, s0;
	[sflag:s13] =	ssyncadd.s32 $0xFFFFF000  }
0x57: {  	[tilespmem:s15], [sflag:$0x2] =	stream.indirect.gather [hbm4b:s4+s14], $0x20, s16, s14, $0xb8;
	[tilespmem:$0x1FF10] =	vst v63  }
0x58: {  	_ =	swait.ge [sflag:s23], $0x1000  }
0x59: {  	[sflag:s23] =	ssyncset.done $0x0  }
0x5a: {  	s18 =	sadd.s32 $0x580, s0;
	[sflag:s23] =	ssyncadd.s32 $0xFFFFF000  }
0x5b: {  	[spmem:s2] =	stream.indirect.scatter.add.f32 [tilespmem:s17], [sflag:$0x6], $0x20, s18, s14, $0xb8;
	[tilespmem:$0x1FF10] =	vst v63  }
0x5c: {  	_ =	swait.ge [sflag:s13], $0x1000  }
0x5d: {  	[sflag:s13] =	ssyncset.done $0x0  }
0x5e: {  	s20 =	sadd.s32 $0x900, s0;
	[sflag:s13] =	ssyncadd.s32 $0xFFFFF000  }
0x5f: {  	[tilespmem:s17], [sflag:$0x3] =	stream.indirect.gather [hbm4b:s4+s14], $0x20, s20, s14, $0xb8;
	[tilespmem:$0x1FF10] =	vst v63  }
0x60: {  	_ =	swait.ge [sflag:s24], $0x1000  }
0x61: {  	[sflag:s24] =	ssyncset.done $0x0  }
0x62: {  	s3 =	sadd.s32 $0x680, s0;
	[sflag:s24] =	ssyncadd.s32 $0xFFFFF000  }
0x63: {  	[spmem:s2] =	stream.indirect.scatter.add.f32 [tilespmem:s19], [sflag:$0x6], $0x20, s3, s14, $0xb8;
	[tilespmem:$0x1FF10] =	vst v63  }
0x64: {  	_ =	swait.ge [sflag:s13], $0x1000  }
0x65: {  	[sflag:s13] =	ssyncset.done $0x0  }
0x66: {  	s6 =	sadd.s32 $0xA00, s0;
	[sflag:s13] =	ssyncadd.s32 $0xFFFFF000  }
0x67: {  	[tilespmem:s19], [sflag:$0x4] =	stream.indirect.gather [hbm4b:s4+s14], $0x20, s6, s14, $0xb8;
	[tilespmem:$0x1FF10] =	vst v63  }
0x68: {  	_ =	swait.ge [sflag:s25], $0x1000  }
0x69: {  	[sflag:s25] =	ssyncset.done $0x0  }
0x6a: {  	s16 =	sadd.s32 $0x780, s0;
	[sflag:s25] =	ssyncadd.s32 $0xFFFFF000  }
0x6b: {  	[spmem:s2] =	stream.indirect.scatter.add.f32 [tilespmem:s21], [sflag:$0x6], $0x20, s16, s14, $0xb8;
	[tilespmem:$0x1FF10] =	vst v63  }
0x6c: {  	_ =	swait.ge [sflag:s13], $0x1000  }
0x6d: {  	[sflag:s13] =	ssyncset.done $0x0  }
0x6e: {  	s18 =	sadd.s32 $0xB00, s0;
	[sflag:s13] =	ssyncadd.s32 $0xFFFFF000  }
0x6f: {  	[tilespmem:s21], [sflag:$0x5] =	stream.indirect.gather [hbm4b:s4+s14], $0x20, s18, s14, $0xb8;
	[tilespmem:$0x1FF10] =	vst v63  }
0x70: {  	_ =	swait.ge [sflag:s22], $0x1000  }
0x71: {  	[sflag:s22] =	ssyncset.done $0x0  }
0x72: {  	s20 =	sadd.s32 $0x880, s0;
	[sflag:s22] =	ssyncadd.s32 $0xFFFFF000  }
0x73: {  	[spmem:s2] =	stream.indirect.scatter.add.f32 [tilespmem:s15], [sflag:$0x6], $0x20, s20, s14, $0xb8;
	[tilespmem:$0x1FF10] =	vst v63  }
0x74: {  	_ =	swait.ge [sflag:s13], $0x1000  }
0x75: {  	[sflag:s13] =	ssyncset.done $0x0  }
0x76: {  	s3 =	sadd.s32 $0xC00, s0;
	[sflag:s13] =	ssyncadd.s32 $0xFFFFF000  }
0x77: {  	[tilespmem:s15], [sflag:$0x2] =	stream.indirect.gather [hbm4b:s4+s14], $0x20, s3, s14, $0xb8;
	[tilespmem:$0x1FF10] =	vst v63  }
0x78: {  	_ =	swait.ge [sflag:s23], $0x1000  }
0x79: {  	[sflag:s23] =	ssyncset.done $0x0  }
0x7a: {  	s6 =	sadd.s32 $0x980, s0;
	[sflag:s23] =	ssyncadd.s32 $0xFFFFF000  }
0x7b: {  	[spmem:s2] =	stream.indirect.scatter.add.f32 [tilespmem:s17], [sflag:$0x6], $0x20, s6, s14, $0xb8;
	[tilespmem:$0x1FF10] =	vst v63  }
0x7c: {  	_ =	swait.ge [sflag:s13], $0x1000  }
0x7d: {  	[sflag:s13] =	ssyncset.done $0x0  }
0x7e: {  	s16 =	sadd.s32 $0xD00, s0;
	[sflag:s13] =	ssyncadd.s32 $0xFFFFF000  }
0x7f: {  	[tilespmem:s17], [sflag:$0x3] =	stream.indirect.gather [hbm4b:s4+s14], $0x20, s16, s14, $0xb8;
	[tilespmem:$0x1FF10] =	vst v63  }
0x80: {  	_ =	swait.ge [sflag:s24], $0x1000  }
0x81: {  	[sflag:s24] =	ssyncset.done $0x0  }
0x82: {  	s18 =	sadd.s32 $0xA80, s0;
	[sflag:s24] =	ssyncadd.s32 $0xFFFFF000  }
0x83: {  	[spmem:s2] =	stream.indirect.scatter.add.f32 [tilespmem:s19], [sflag:$0x6], $0x20, s18, s14, $0xb8;
	[tilespmem:$0x1FF10] =	vst v63  }
0x84: {  	_ =	swait.ge [sflag:s13], $0x1000  }
0x85: {  	[sflag:s13] =	ssyncset.done $0x0  }
0x86: {  	s20 =	sadd.s32 $0xE00, s0;
	[sflag:s13] =	ssyncadd.s32 $0xFFFFF000  }
0x87: {  	[tilespmem:s19], [sflag:$0x4] =	stream.indirect.gather [hbm4b:s4+s14], $0x20, s20, s14, $0xb8;
	[tilespmem:$0x1FF10] =	vst v63  }
0x88: {  	_ =	swait.ge [sflag:s25], $0x1000  }
0x89: {  	[sflag:s25] =	ssyncset.done $0x0  }
0x8a: {  	s3 =	sadd.s32 $0xB80, s0;
	[sflag:s25] =	ssyncadd.s32 $0xFFFFF000  }
0x8b: {  	[spmem:s2] =	stream.indirect.scatter.add.f32 [tilespmem:s21], [sflag:$0x6], $0x20, s3, s14, $0xb8;
	[tilespmem:$0x1FF10] =	vst v63  }
0x8c: {  	_ =	swait.ge [sflag:s13], $0x1000  }
0x8d: {  	[sflag:s13] =	ssyncset.done $0x0  }
0x8e: {  	s6 =	sadd.s32 $0xF00, s0;
	[sflag:s13] =	ssyncadd.s32 $0xFFFFF000  }
0x8f: {  	[tilespmem:s21], [sflag:$0x5] =	stream.indirect.gather [hbm4b:s4+s14], $0x20, s6, s14, $0xb8;
	[tilespmem:$0x1FF10] =	vst v63  }
0x90: {  	_ =	swait.ge [sflag:s22], $0x1000  }
0x91: {  	[sflag:s22] =	ssyncset.done $0x0  }
0x92: {  	s16 =	sadd.s32 $0xC80, s0;
	[sflag:s22] =	ssyncadd.s32 $0xFFFFF000  }
0x93: {  	[spmem:s2] =	stream.indirect.scatter.add.f32 [tilespmem:s15], [sflag:$0x6], $0x20, s16, s14, $0xb8;
	[tilespmem:$0x1FF10] =	vst v63  }
0x94: {  	_ =	swait.ge [sflag:s13], $0x1000  }
0x95: {  	[sflag:s13] =	ssyncset.done $0x0  }
0x96: {  	s18 =	sadd.s32 $0x1000, s0;
	[sflag:s13] =	ssyncadd.s32 $0xFFFFF000  }
0x97: {  	[tilespmem:s15], [sflag:$0x2] =	stream.indirect.gather [hbm4b:s4+s14], $0x20, s18, s14, $0xb8;
	[tilespmem:$0x1FF10] =	vst v63  }
0x98: {  	_ =	swait.ge [sflag:s23], $0x1000  }
0x99: {  	[sflag:s23] =	ssyncset.done $0x0  }
0x9a: {  	s20 =	sadd.s32 $0xD80, s0;
	[sflag:s23] =	ssyncadd.s32 $0xFFFFF000  }
0x9b: {  	[spmem:s2] =	stream.indirect.scatter.add.f32 [tilespmem:s17], [sflag:$0x6], $0x20, s20, s14, $0xb8;
	[tilespmem:$0x1FF10] =	vst v63  }
0x9c: {  	_ =	swait.ge [sflag:s13], $0x1000  }
0x9d: {  	[sflag:s13] =	ssyncset.done $0x0  }
0x9e: {  	s3 =	sadd.s32 $0x1100, s0;
	[sflag:s13] =	ssyncadd.s32 $0xFFFFF000  }
0x9f: {  	[tilespmem:s17], [sflag:$0x3] =	stream.indirect.gather [hbm4b:s4+s14], $0x20, s3, s14, $0xb8;
	[tilespmem:$0x1FF10] =	vst v63  }
0xa0: {  	_ =	swait.ge [sflag:s24], $0x1000  }
0xa1: {  	[sflag:s24] =	ssyncset.done $0x0  }
0xa2: {  	s6 =	sadd.s32 $0xE80, s0;
	[sflag:s24] =	ssyncadd.s32 $0xFFFFF000  }
0xa3: {  	[spmem:s2] =	stream.indirect.scatter.add.f32 [tilespmem:s19], [sflag:$0x6], $0x20, s6, s14, $0xb8;
	[tilespmem:$0x1FF10] =	vst v63  }
0xa4: {  	_ =	swait.ge [sflag:s13], $0x1000  }
0xa5: {  	[sflag:s13] =	ssyncset.done $0x0  }
0xa6: {  	s16 =	sadd.s32 $0x1200, s0;
	[sflag:s13] =	ssyncadd.s32 $0xFFFFF000  }
0xa7: {  	[tilespmem:s19], [sflag:$0x4] =	stream.indirect.gather [hbm4b:s4+s14], $0x20, s16, s14, $0xb8;
	[tilespmem:$0x1FF10] =	vst v63  }
0xa8: {  	_ =	swait.ge [sflag:s25], $0x1000  }
0xa9: {  	[sflag:s25] =	ssyncset.done $0x0  }
0xaa: {  	s18 =	sadd.s32 $0xF80, s0;
	[sflag:s25] =	ssyncadd.s32 $0xFFFFF000  }
0xab: {  	[spmem:s2] =	stream.indirect.scatter.add.f32 [tilespmem:s21], [sflag:$0x6], $0x20, s18, s14, $0xb8;
	[tilespmem:$0x1FF10] =	vst v63  }
0xac: {  	_ =	swait.ge [sflag:s13], $0x1000  }
0xad: {  	[sflag:s13] =	ssyncset.done $0x0  }
0xae: {  	s20 =	sadd.s32 $0x1300, s0;
	[sflag:s13] =	ssyncadd.s32 $0xFFFFF000  }
0xaf: {  	[tilespmem:s21], [sflag:$0x5] =	stream.indirect.gather [hbm4b:s4+s14], $0x20, s20, s14, $0xb8;
	[tilespmem:$0x1FF10] =	vst v63  }
0xb0: {  	_ =	swait.ge [sflag:s22], $0x1000  }
0xb1: {  	[sflag:s22] =	ssyncset.done $0x0  }
0xb2: {  	s3 =	sadd.s32 $0x1080, s0;
	[sflag:s22] =	ssyncadd.s32 $0xFFFFF000  }
0xb3: {  	[spmem:s2] =	stream.indirect.scatter.add.f32 [tilespmem:s15], [sflag:$0x6], $0x20, s3, s14, $0xb8;
	[tilespmem:$0x1FF10] =	vst v63  }
0xb4: {  	_ =	swait.ge [sflag:s13], $0x1000  }
0xb5: {  	[sflag:s13] =	ssyncset.done $0x0  }
0xb6: {  	s6 =	sadd.s32 $0x1400, s0;
	[sflag:s13] =	ssyncadd.s32 $0xFFFFF000  }
0xb7: {  	[tilespmem:s15], [sflag:$0x2] =	stream.indirect.gather [hbm4b:s4+s14], $0x20, s6, s14, $0xb8;
	[tilespmem:$0x1FF10] =	vst v63  }
0xb8: {  	_ =	swait.ge [sflag:s23], $0x1000  }
0xb9: {  	[sflag:s23] =	ssyncset.done $0x0  }
0xba: {  	s16 =	sadd.s32 $0x1180, s0;
	[sflag:s23] =	ssyncadd.s32 $0xFFFFF000  }
0xbb: {  	[spmem:s2] =	stream.indirect.scatter.add.f32 [tilespmem:s17], [sflag:$0x6], $0x20, s16, s14, $0xb8;
	[tilespmem:$0x1FF10] =	vst v63  }
0xbc: {  	_ =	swait.ge [sflag:s13], $0x1000  }
0xbd: {  	[sflag:s13] =	ssyncset.done $0x0  }
0xbe: {  	s18 =	sadd.s32 $0x1500, s0;
	[sflag:s13] =	ssyncadd.s32 $0xFFFFF000  }
0xbf: {  	[tilespmem:s17], [sflag:$0x3] =	stream.indirect.gather [hbm4b:s4+s14], $0x20, s18, s14, $0xb8;
	[tilespmem:$0x1FF10] =	vst v63  }
0xc0: {  	_ =	swait.ge [sflag:s24], $0x1000  }
0xc1: {  	[sflag:s24] =	ssyncset.done $0x0  }
0xc2: {  	s20 =	sadd.s32 $0x1280, s0;
	[sflag:s24] =	ssyncadd.s32 $0xFFFFF000  }
0xc3: {  	[spmem:s2] =	stream.indirect.scatter.add.f32 [tilespmem:s19], [sflag:$0x6], $0x20, s20, s14, $0xb8;
	[tilespmem:$0x1FF10] =	vst v63  }
0xc4: {  	_ =	swait.ge [sflag:s13], $0x1000  }
0xc5: {  	[sflag:s13] =	ssyncset.done $0x0  }
0xc6: {  	s3 =	sadd.s32 $0x1600, s0;
	[sflag:s13] =	ssyncadd.s32 $0xFFFFF000  }
0xc7: {  	[tilespmem:s19], [sflag:$0x4] =	stream.indirect.gather [hbm4b:s4+s14], $0x20, s3, s14, $0xb8;
	[tilespmem:$0x1FF10] =	vst v63  }
0xc8: {  	_ =	swait.ge [sflag:s25], $0x1000  }
0xc9: {  	[sflag:s25] =	ssyncset.done $0x0  }
0xca: {  	s6 =	sadd.s32 $0x1380, s0;
	[sflag:s25] =	ssyncadd.s32 $0xFFFFF000  }
0xcb: {  	[spmem:s2] =	stream.indirect.scatter.add.f32 [tilespmem:s21], [sflag:$0x6], $0x20, s6, s14, $0xb8;
	[tilespmem:$0x1FF10] =	vst v63  }
0xcc: {  	_ =	swait.ge [sflag:s13], $0x1000  }
0xcd: {  	[sflag:s13] =	ssyncset.done $0x0  }
0xce: {  	s16 =	sadd.s32 $0x1700, s0;
	[sflag:s13] =	ssyncadd.s32 $0xFFFFF000  }
0xcf: {  	[tilespmem:s21], [sflag:$0x5] =	stream.indirect.gather [hbm4b:s4+s14], $0x20, s16, s14, $0xb8;
	[tilespmem:$0x1FF10] =	vst v63  }
0xd0: {  	_ =	swait.ge [sflag:s22], $0x1000  }
0xd1: {  	[sflag:s22] =	ssyncset.done $0x0  }
0xd2: {  	s18 =	sadd.s32 $0x1480, s0;
	[sflag:s22] =	ssyncadd.s32 $0xFFFFF000  }
0xd3: {  	[spmem:s2] =	stream.indirect.scatter.add.f32 [tilespmem:s15], [sflag:$0x6], $0x20, s18, s14, $0xb8;
	[tilespmem:$0x1FF10] =	vst v63  }
0xd4: {  	_ =	swait.ge [sflag:s13], $0x1000  }
0xd5: {  	[sflag:s13] =	ssyncset.done $0x0  }
0xd6: {  	s20 =	sadd.s32 $0x1800, s0;
	[sflag:s13] =	ssyncadd.s32 $0xFFFFF000  }
0xd7: {  	[tilespmem:s15], [sflag:$0x2] =	stream.indirect.gather [hbm4b:s4+s14], $0x20, s20, s14, $0xb8;
	[tilespmem:$0x1FF10] =	vst v63  }
0xd8: {  	_ =	swait.ge [sflag:s23], $0x1000  }
0xd9: {  	[sflag:s23] =	ssyncset.done $0x0  }
0xda: {  	s3 =	sadd.s32 $0x1580, s0;
	[sflag:s23] =	ssyncadd.s32 $0xFFFFF000  }
0xdb: {  	[spmem:s2] =	stream.indirect.scatter.add.f32 [tilespmem:s17], [sflag:$0x6], $0x20, s3, s14, $0xb8;
	[tilespmem:$0x1FF10] =	vst v63  }
0xdc: {  	_ =	swait.ge [sflag:s13], $0x1000  }
0xdd: {  	[sflag:s13] =	ssyncset.done $0x0  }
0xde: {  	s6 =	sadd.s32 $0x1900, s0;
	[sflag:s13] =	ssyncadd.s32 $0xFFFFF000  }
0xdf: {  	[tilespmem:s17], [sflag:$0x3] =	stream.indirect.gather [hbm4b:s4+s14], $0x20, s6, s14, $0xb8;
	[tilespmem:$0x1FF10] =	vst v63  }
0xe0: {  	_ =	swait.ge [sflag:s24], $0x1000  }
0xe1: {  	[sflag:s24] =	ssyncset.done $0x0  }
0xe2: {  	s16 =	sadd.s32 $0x1680, s0;
	[sflag:s24] =	ssyncadd.s32 $0xFFFFF000  }
0xe3: {  	[spmem:s2] =	stream.indirect.scatter.add.f32 [tilespmem:s19], [sflag:$0x6], $0x20, s16, s14, $0xb8;
	[tilespmem:$0x1FF10] =	vst v63  }
0xe4: {  	_ =	swait.ge [sflag:s13], $0x1000  }
0xe5: {  	[sflag:s13] =	ssyncset.done $0x0  }
0xe6: {  	s18 =	sadd.s32 $0x1A00, s0;
	[sflag:s13] =	ssyncadd.s32 $0xFFFFF000  }
0xe7: {  	[tilespmem:s19], [sflag:$0x4] =	stream.indirect.gather [hbm4b:s4+s14], $0x20, s18, s14, $0xb8;
	[tilespmem:$0x1FF10] =	vst v63  }
0xe8: {  	_ =	swait.ge [sflag:s25], $0x1000  }
0xe9: {  	[sflag:s25] =	ssyncset.done $0x0  }
0xea: {  	s20 =	sadd.s32 $0x1780, s0;
	[sflag:s25] =	ssyncadd.s32 $0xFFFFF000  }
0xeb: {  	[spmem:s2] =	stream.indirect.scatter.add.f32 [tilespmem:s21], [sflag:$0x6], $0x20, s20, s14, $0xb8;
	[tilespmem:$0x1FF10] =	vst v63  }
0xec: {  	_ =	swait.ge [sflag:s13], $0x1000  }
0xed: {  	[sflag:s13] =	ssyncset.done $0x0  }
0xee: {  	s1 =	simm.s32 @p0 $0x2;
	s3 =	sadd.s32 $0x1B00, s0;
	[sflag:s13] =	ssyncadd.s32 $0xFFFFF000  }
0xef: {  	[tilespmem:s21], [sflag:$0x5] =	stream.indirect.gather [hbm4b:s4+s14], $0x20, s3, s14, $0xb8;
	[tilespmem:$0x1FF10] =	vst v63  }
0xf0: {  	_ =	swait.ge @p0 [sflag:s1], $0x1000  }
0xf1: {  	s16 =	simm.s32 @p0 $0x80;
	[sflag:s1] =	ssyncset.done @p0 $0x0  }
0xf2: {  	s18 =	simm.s32 @p0 $0x3800;
	[sflag:s1] =	ssyncadd.s32 @p0 $0xFFFFF000;
	s1 =	sadd.s32 @p0 $0x1880, s0  }
0xf3: {  	[spmem:s2] =	stream.indirect.scatter.add.f32 @p0 [tilespmem:s18], [sflag:$0x6], $0x20, s1, s16, $0xb8;
	[tilespmem:$0x1FF10] =	vst v63  }
0xf4: {  	s1 =	simm.s32 @p0 $0x6  }
0xf5: {  	_ =	swait.ge @p0 [sflag:s1], $0x1000  }
0xf6: {  	[sflag:s1] =	ssyncset.done @p0 $0x0  }
0xf7: {  	s18 =	simm.s32 @!p0 $0x1;
	[sflag:s1] =	ssyncadd.s32 @p0 $0xFFFFF000  }
0xf8: {  	_ =	swait.ge @!p0 [sflag:s18], $0x1C00  }
0xf9: {  	[sflag:s18] =	ssyncset.done @!p0 $0x0  }
0xfa: {  	[sflag:s18] =	ssyncadd.s32 @!p0 $0xFFFFE400;
	s18 =	simm.s32 @!p0 $0x2  }
0xfb: {  	_ =	swait.ge @!p0 [sflag:s18], $0x1000  }
0xfc: {  	s20 =	simm.s32 @!p0 $0x80;
	[sflag:s18] =	ssyncset.done @!p0 $0x0  }
0xfd: {  	s3 =	simm.s32 @!p0 $0x3800;
	[sflag:s18] =	ssyncadd.s32 @!p0 $0xFFFFF000;
	s18 =	sadd.s32 @!p0 $0x1880, s0  }
0xfe: {  	[spmem:s2] =	stream.indirect.scatter.add.f32 @!p0 [tilespmem:s3], [sflag:$0x6], $0x20, s18, s20, $0xb8;
	[tilespmem:$0x1FF10] =	vst v63  }
0xff: {  	s18 =	simm.s32 @!p0 $0x6  }
0x100: {  	_ =	swait.ge @!p0 [sflag:s18], $0x1000  }
0x101: {  	[sflag:s18] =	ssyncset.done @!p0 $0x0  }
0x102: {  	[sflag:s18] =	ssyncadd.s32 @!p0 $0xFFFFF000  }
0x103: {  	[tilespmem:s3], [sflag:$0x2] =	stream.indirect.gather @!p0 [hbm4b:s4+s20], $0x20, s31, s20, $0xb8;
	[tilespmem:$0x1FF10] =	vst v63  }
0x104: {  	_ =	swait.ge [sflag:s23], $0x1000  }
0x105: {  	[sflag:s23] =	ssyncset.done $0x0  }
0x106: {  	s6 =	sadd.s32 $0x1980, s0;
	[sflag:s23] =	ssyncadd.s32 $0xFFFFF000  }
0x107: {  	[spmem:s2] =	stream.indirect.scatter.add.f32 [tilespmem:s17], [sflag:$0x6], $0x20, s6, s14, $0xb8;
	[tilespmem:$0x1FF10] =	vst v63  }
0x108: {  	_ =	swait.ge [sflag:s13], $0x1000  }
0x109: {  	[sflag:s13] =	ssyncset.done $0x0  }
0x10a: {  	s3 =	simm.s32 @p0 $0x4;
	[sflag:s13] =	ssyncadd.s32 $0xFFFFF000  }
0x10b: {  	_ =	swait.ge @p0 [sflag:s3], $0x1000  }
0x10c: {  	[sflag:s3] =	ssyncset.done @p0 $0x0  }
0x10d: {  	s6 =	simm.s32 @p0 $0x5800;
	[sflag:s3] =	ssyncadd.s32 @p0 $0xFFFFF000;
	s3 =	sadd.s32 @p0 $0x1A80, s0  }
0x10e: {  	[spmem:s2] =	stream.indirect.scatter.add.f32 @p0 [tilespmem:s6], [sflag:$0x6], $0x20, s3, s16, $0xb8;
	[tilespmem:$0x1FF10] =	vst v63  }
0x10f: {  	_ =	swait.ge @p0 [sflag:s1], $0x1000  }
0x110: {  	[sflag:s1] =	ssyncset.done @p0 $0x0  }
0x111: {  	s3 =	simm.s32 @!p0 $0x4800;
	[sflag:s1] =	ssyncadd.s32 @p0 $0xFFFFF000;
	s1 =	sor.u32 @!p0 $0x100, s31  }
0x112: {  	[tilespmem:s3], [sflag:$0x3] =	stream.indirect.gather @!p0 [hbm4b:s4+s20], $0x20, s1, s20, $0xb8;
	[tilespmem:$0x1FF10] =	vst v63  }
0x113: {  	s1 =	simm.s32 @!p0 $0x4  }
0x114: {  	_ =	swait.ge @!p0 [sflag:s1], $0x1000  }
0x115: {  	[sflag:s1] =	ssyncset.done @!p0 $0x0  }
0x116: {  	s3 =	simm.s32 @!p0 $0x5800;
	[sflag:s1] =	ssyncadd.s32 @!p0 $0xFFFFF000;
	s1 =	sadd.s32 @!p0 $0x1A80, s0  }
0x117: {  	[spmem:s2] =	stream.indirect.scatter.add.f32 @!p0 [tilespmem:s3], [sflag:$0x6], $0x20, s1, s20, $0xb8;
	[tilespmem:$0x1FF10] =	vst v63  }
0x118: {  	_ =	swait.ge @!p0 [sflag:s18], $0x1000  }
0x119: {  	[sflag:s18] =	ssyncset.done @!p0 $0x0  }
0x11a: {  	s1 =	sor.u32 @!p0 $0x200, s31;
	[sflag:s18] =	ssyncadd.s32 @!p0 $0xFFFFF000  }
0x11b: {  	[tilespmem:s3], [sflag:$0x4] =	stream.indirect.gather @!p0 [hbm4b:s4+s20], $0x20, s1, s20, $0xb8;
	[tilespmem:$0x1FF10] =	vst v63  }
0x11c: {  	_ =	swait.ge [sflag:s25], $0x1000  }
0x11d: {  	[sflag:s25] =	ssyncset.done $0x0  }
.Ltmp2:
0x11e: {  	s0 =	sadd.s32 $0x1B80, s0;
	[sflag:s25] =	ssyncadd.s32 $0xFFFFF000;
	(pc) =	sbr.rel @p0 .LBB2_4-.Ltmp2, $4  }
0x11f: {  	[spmem:s2] =	stream.indirect.scatter.add.f32 [tilespmem:s21], [sflag:$0x6], $0x20, s0, s14, $0xb8;
	[tilespmem:$0x1FF10] =	vst v63  }
0x120: {  	_ =	swait.ge [sflag:s13], $0x1000  }
0x121: {  	[sflag:s13] =	ssyncset.done $0x0  }
0x122: {  	[sflag:s13] =	ssyncadd.s32 $0xFFFFF000  }
0x123: {  	s0 =	smul.u32 $0x7000, s30  }
.Ltmp3:
0x124: {  	_ = 	snop;
	(pc) =	sbr.rel .LBB2_2-.Ltmp3, $4  }
0x125: {  	_ = 	snop  }
0x126: {  	s0 =	sshrl.u32 s0, $0x2  }
0x127: {  	s29 =	sadd.s32 $0x1, s29;
	s28 =	sadd.s32 $0x1C00, s28;
	s0 =	sor.u32 $0x300, s0  }
0x128: {  	[tilespmem:s21], [sflag:$0x5] =	stream.indirect.gather [hbm4b:s4+s14], $0x20, s0, s14, $0xb8;
	[tilespmem:$0x1FF10] =	vst v63  }
.LBB2_5:
0x129: {  	_ =	sfence.sel $0x180000  }
0x12a: {  	[bflag:$0x0] =	sbarrier.arrive $0xFFFF  }
0x12b: {  	_ =	strace $0x90000047  }
0x12c: {  	s0 =	stileid.u32;
	[bflag:$0x2] =	sbarrier.arrive $0xFFFF  }
0x12d: {  	p0 =	sne.s32 s0, $0x0;
	s0 =	rddreg [dreg:$0x2]  }
0x12e: {  	s0 =	sadd.s32 @!p0 $0x100000, s0  }
0x12f: {  	[sflag:s0] =	ssyncadd.tile.s32 @!p0 $0x1;
	_ =	shalt  }
.Lfunc_end2:
_tile_overlayer_lowered:
.L_overlay_start_2:
0x130: {  	(tag) =	ssettag $0x2  }
0x131: {  	s0 =	rddreg [dreg:$0x0];
	s2 =	stileid.u32  }
0x132: {  	s1 =	rddreg [dreg:$0x1];
	p0 =	sne.s32 s2, $0x0  }
0x133: {  	s3 =	rddreg [dreg:$0x2];
	[bflag:$0x3] =	sbarrier.arrive $0xFFFF;
	s2 =	simm.s32 @!p0 $0x1C06  }
0x134: {  	[timem:s3], [sflag:s2] =	dma.local @!p0 [hbm:s0], s1  }
0x135: {  	s0 =	simm.s32 @!p0 $0x6  }
0x136: {  	_ =	swait.ge @!p0 [sflag:s0], s1  }
0x137: {  	s1 =	ssub.s32 @!p0 $0x0, s1;
	[sflag:s0] =	ssyncset.done @!p0 $0x0  }
0x138: {  	[sflag:s0] =	ssyncadd.s32 @!p0 s1  }
0x139: {  	[bflag:$0x3] =	sbarrier.arrive $0xFFFF  }
0x13a: {  	_ =	shalt  }

</sc_bundles>
